<compile_context>
chip_gen: v7x
topology: tpu7x:2x2x1
jax: 0.10.2.dev20260603
libtpu: 0.0.44.dev20260713+nightly
codegen_flags: <defaults>
</compile_context>

<pallas_src>
import functools

import jax
import jax.numpy as jnp
from jax import lax
from jax.experimental import pallas as pl
from jax.experimental.pallas import tpu as pltpu
from jax.experimental.pallas import tpu_sc as plsc

N = 10000
E = 320000
IN_DIM = 128
HID = 256
NCLS = 64

NC, NS = 2, 16
NW = NC * NS
K = 80
PAD_E = 327680
NSLOT = 4
N_SINK = 16
NP = N + N_SINK
TPT = 624
TAIL_I = NP - TPT * NS
TAIL_W = N - TPT * NS


@functools.lru_cache(maxsize=None)
def _make_agg(dc, feat_split):
    epw = PAD_E // NS if feat_split else PAD_E // NW
    nch = epw // K
    SCH = NSLOT
    nsc = nch // SCH
    mesh = plsc.VectorSubcoreMesh(core_axis_name="c", subcore_axis_name="s",
                                  num_cores=NC, num_subcores=NS)

    def body(x_hbm, src_hbm, dst_hbm, zero_hbm, out_hbm,
             sidx, didx, rows, acc, gsem0, gsem1, gsem2, gsem3,
             ssem0, ssem1, ssem2, ssem3, isem, zsem):
        gsem = {0: gsem0, 1: gsem1, 2: gsem2, 3: gsem3}
        ssem = {0: ssem0, 1: ssem1, 2: ssem2, 3: ssem3}
        c = lax.axis_index("c")
        s = lax.axis_index("s")
        crow = (s if feat_split else c * NS + s) * nch
        xref = x_hbm.at[c] if feat_split else x_hbm

        def idx_load(scn, p):
            r = crow + scn * SCH
            pltpu.async_copy(src_hbm.at[pl.ds(r, SCH)], sidx.at[p], isem)
            pltpu.async_copy(dst_hbm.at[pl.ds(r, SCH)], didx.at[p], isem)

        def idx_wait(scn, p):
            r = crow + scn * SCH
            pltpu.make_async_copy(src_hbm.at[pl.ds(r, SCH)], sidx.at[p],
                                  isem).wait()
            pltpu.make_async_copy(dst_hbm.at[pl.ds(r, SCH)], didx.at[p],
                                  isem).wait()

        def start_g(p, k, b):
            pltpu.async_copy(xref.at[sidx.at[p, k]], rows.at[b], gsem[b])

        def wait_g(p, k, b):
            pltpu.make_async_copy(xref.at[sidx.at[p, k]], rows.at[b],
                                  gsem[b]).wait()

        def start_s(p, k, b):
            pltpu.async_copy(rows.at[b], acc.at[didx.at[p, k]],
                             ssem[b], add=True)

        def wait_s(p, k, b):
            pltpu.make_async_copy(rows.at[b], acc.at[didx.at[p, k]],
                                  ssem[b]).wait()

        ini = pltpu.async_copy(zero_hbm.at[pl.ds(s * TPT, TPT)],
                               acc.at[pl.ds(s * TPT, TPT)], zsem)

        @pl.when(s == 0)
        def _init_tail():
            pltpu.async_copy(zero_hbm.at[pl.ds(TPT * NS, TAIL_I)],
                             acc.at[pl.ds(TPT * NS, TAIL_I)], zsem)

        pltpu.sync_copy(src_hbm.at[pl.ds(crow, SCH)], sidx.at[0])
        pltpu.sync_copy(dst_hbm.at[pl.ds(crow, SCH)], didx.at[0])
        idx_load(1, 1)
        ini.wait()

        @pl.when(s == 0)
        def _init_tail_wait():
            pltpu.make_async_copy(zero_hbm.at[pl.ds(TPT * NS, TAIL_I)],
                                  acc.at[pl.ds(TPT * NS, TAIL_I)],
                                  zsem).wait()

        plsc.subcore_barrier()

        start_g(0, 0, 0)
        start_g(0, 1, 1)
        start_g(0, 2, 2)

        def sc_body(scn, carry):
            p = scn % 2
            for k in range(SCH):
                wait_g(p, k, k)
                start_s(p, k, k)
                if k > 0:
                    wait_s(p, k - 1, k - 1)
                if k == 0:
                    start_g(p, 3, 3)
                elif k == 1:
                    @pl.when(scn + 1 < nsc)
                    def _pf0():
                        idx_wait(scn + 1, 1 - p)
                        start_g(1 - p, 0, 0)
                elif k == 2:
                    @pl.when(scn + 1 < nsc)
                    def _pf1():
                        start_g(1 - p, 1, 1)
                else:
                    @pl.when(scn + 1 < nsc)
                    def _pf2():
                        start_g(1 - p, 2, 2)
            wait_s(p, SCH - 1, SCH - 1)
            @pl.when(scn + 2 < nsc)
            def _pfi():
                idx_load(scn + 2, p)
            return carry

        lax.fori_loop(0, nsc, sc_body, 0)

        plsc.subcore_barrier()
        pltpu.sync_copy(acc.at[pl.ds(s * TPT, TPT)],
                        out_hbm.at[c, pl.ds(s * TPT, TPT)])

        @pl.when(s == 0)
        def _write_tail():
            pltpu.sync_copy(acc.at[pl.ds(TPT * NS, TAIL_W)],
                            out_hbm.at[c, pl.ds(TPT * NS, TAIL_W)])

    return pl.kernel(
        body,
        out_type=jax.ShapeDtypeStruct((NC, N, dc), jnp.float32),
        mesh=mesh,
        scratch_types=[
            pltpu.VMEM((2, SCH, K), jnp.int32),
            pltpu.VMEM((2, SCH, K), jnp.int32),
            pltpu.VMEM((NSLOT, K, dc), jnp.float32),
            pltpu.VMEM_SHARED((NP, dc), jnp.float32),
            pltpu.SemaphoreType.DMA,
            pltpu.SemaphoreType.DMA,
            pltpu.SemaphoreType.DMA,
            pltpu.SemaphoreType.DMA,
            pltpu.SemaphoreType.DMA,
            pltpu.SemaphoreType.DMA,
            pltpu.SemaphoreType.DMA,
            pltpu.SemaphoreType.DMA,
            pltpu.SemaphoreType.DMA,
            pltpu.SemaphoreType.DMA,
        ],
    )


@functools.lru_cache(maxsize=None)
def _make_deg():
    nch = PAD_E // NW // K
    SCH = 8
    nsc = nch // SCH
    mesh = plsc.VectorSubcoreMesh(core_axis_name="c", subcore_axis_name="s",
                                  num_cores=NC, num_subcores=NS)

    def body(ones_hbm, dst_hbm, zero_hbm, out_hbm,
             didx, rows, acc, ssem0, ssem1, ssem2, ssem3, isem, zsem):
        ssem = {0: ssem0, 1: ssem1, 2: ssem2, 3: ssem3}
        c = lax.axis_index("c")
        s = lax.axis_index("s")
        crow = (c * NS + s) * nch

        def idx_load(scn, p):
            pltpu.async_copy(dst_hbm.at[pl.ds(crow + scn * SCH, SCH)],
                             didx.at[p], isem)

        def idx_wait(scn, p):
            pltpu.make_async_copy(dst_hbm.at[pl.ds(crow + scn * SCH, SCH)],
                                  didx.at[p], isem).wait()

        def start_s(p, k, b):
            pltpu.async_copy(rows, acc.at[didx.at[p, k]], ssem[b % 4],
                             add=True)

        def wait_s(p, k, b):
            pltpu.make_async_copy(rows, acc.at[didx.at[p, k]],
                                  ssem[b % 4]).wait()

        ini = pltpu.async_copy(zero_hbm.at[pl.ds(s * TPT, TPT)],
                               acc.at[pl.ds(s * TPT, TPT)], zsem)

        @pl.when(s == 0)
        def _init_tail():
            pltpu.async_copy(zero_hbm.at[pl.ds(TPT * NS, TAIL_I)],
                             acc.at[pl.ds(TPT * NS, TAIL_I)], zsem)

        pltpu.sync_copy(dst_hbm.at[pl.ds(crow, SCH)], didx.at[0])
        idx_load(1, 1)
        pltpu.sync_copy(ones_hbm, rows)
        ini.wait()

        @pl.when(s == 0)
        def _init_tail_wait():
            pltpu.make_async_copy(zero_hbm.at[pl.ds(TPT * NS, TAIL_I)],
                                  acc.at[pl.ds(TPT * NS, TAIL_I)],
                                  zsem).wait()

        plsc.subcore_barrier()

        def sc_body(scn, carry):
            p = scn % 2
            for k in range(SCH):
                start_s(p, k, k)
                if k >= 3:
                    wait_s(p, k - 3, k - 3)
                if k == SCH - 2:
                    @pl.when(scn + 1 < nsc)
                    def _pf():
                        idx_wait(scn + 1, 1 - p)
            for k in (SCH - 3, SCH - 2, SCH - 1):
                wait_s(p, k, k)
            @pl.when(scn + 2 < nsc)
            def _pfi():
                idx_load(scn + 2, p)
            return carry

        lax.fori_loop(0, nsc, sc_body, 0)

        plsc.subcore_barrier()
        pltpu.sync_copy(acc.at[pl.ds(s * TPT, TPT)],
                        out_hbm.at[c, pl.ds(s * TPT, TPT)])

        @pl.when(s == 0)
        def _write_tail():
            pltpu.sync_copy(acc.at[pl.ds(TPT * NS, TAIL_W)],
                            out_hbm.at[c, pl.ds(TPT * NS, TAIL_W)])

    return pl.kernel(
        body,
        out_type=jax.ShapeDtypeStruct((NC, N, IN_DIM), jnp.float32),
        mesh=mesh,
        scratch_types=[
            pltpu.VMEM((2, SCH, K), jnp.int32),
            pltpu.VMEM((K, IN_DIM), jnp.float32),
            pltpu.VMEM_SHARED((NP, IN_DIM), jnp.float32),
            pltpu.SemaphoreType.DMA,
            pltpu.SemaphoreType.DMA,
            pltpu.SemaphoreType.DMA,
            pltpu.SemaphoreType.DMA,
            pltpu.SemaphoreType.DMA,
            pltpu.SemaphoreType.DMA,
        ],
    )


_RB = 1000


def _tc_prep(degp, x):
    def body(dp, xr, dis_o, x0_o):
        deg = dp[0, :, 0:1] + dp[1, :, 0:1] + 1.0
        d = lax.rsqrt(deg)
        dis_o[...] = d
        x0_o[...] = xr[...] * d

    return pl.pallas_call(
        body,
        grid=(N // _RB,),
        in_specs=[pl.BlockSpec((NC, _RB, IN_DIM), lambda i: (0, i, 0)),
                  pl.BlockSpec((_RB, IN_DIM), lambda i: (i, 0))],
        out_specs=[pl.BlockSpec((_RB, 1), lambda i: (i, 0)),
                   pl.BlockSpec((_RB, IN_DIM), lambda i: (i, 0))],
        out_shape=[jax.ShapeDtypeStruct((N, 1), jnp.float32),
                   jax.ShapeDtypeStruct((N, IN_DIM), jnp.float32)],
    )(degp, x)


def _tc_layer1(y1p, x0, dis, w1, b1, w2):
    def body(yp, x0r, dr, w1r, b1r, w2r, out):
        z = (yp[0] + yp[1] + x0r[...]) * dr[...]
        h = jnp.maximum(
            jnp.dot(z, w1r[...], preferred_element_type=jnp.float32) + b1r[...],
            0.0)
        t = jnp.dot(h, w2r[...], preferred_element_type=jnp.float32) * dr[...]
        out[0, :, :] = t[:, :IN_DIM]
        out[1, :, :] = t[:, IN_DIM:]

    return pl.pallas_call(
        body,
        grid=(N // _RB,),
        in_specs=[pl.BlockSpec((NC, _RB, IN_DIM), lambda i: (0, i, 0)),
                  pl.BlockSpec((_RB, IN_DIM), lambda i: (i, 0)),
                  pl.BlockSpec((_RB, 1), lambda i: (i, 0)),
                  pl.BlockSpec((IN_DIM, HID), lambda i: (0, 0)),
                  pl.BlockSpec((1, HID), lambda i: (0, 0)),
                  pl.BlockSpec((HID, HID), lambda i: (0, 0))],
        out_specs=pl.BlockSpec((NC, _RB, IN_DIM), lambda i: (0, i, 0)),
        out_shape=jax.ShapeDtypeStruct((NC, N, IN_DIM), jnp.float32),
    )(y1p, x0, dis, w1, b1, w2)


def _tc_layer2(y2s, t2s, dis, b2, w3):
    def body(yr, tr, dr, b2r, w3r, out):
        u0 = (yr[0] + tr[0]) * dr[...]
        u1 = (yr[1] + tr[1]) * dr[...]
        h = jnp.maximum(jnp.concatenate([u0, u1], axis=1) + b2r[...], 0.0)
        out[...] = jnp.dot(h, w3r[...],
                           preferred_element_type=jnp.float32) * dr[...]

    return pl.pallas_call(
        body,
        grid=(N // _RB,),
        in_specs=[pl.BlockSpec((NC, _RB, IN_DIM), lambda i: (0, i, 0)),
                  pl.BlockSpec((NC, _RB, IN_DIM), lambda i: (0, i, 0)),
                  pl.BlockSpec((_RB, 1), lambda i: (i, 0)),
                  pl.BlockSpec((1, HID), lambda i: (0, 0)),
                  pl.BlockSpec((HID, IN_DIM), lambda i: (0, 0))],
        out_specs=pl.BlockSpec((_RB, IN_DIM), lambda i: (i, 0)),
        out_shape=jax.ShapeDtypeStruct((N, IN_DIM), jnp.float32),
    )(y2s, t2s, dis, b2, w3)


def _tc_final(y3p, t3, dis, b3):
    def body(yp, tr, dr, b3r, out):
        out[...] = ((yp[0] + yp[1] + tr[...]) * dr[...])[:, :NCLS] + b3r[...]

    return pl.pallas_call(
        body,
        grid=(N // _RB,),
        in_specs=[pl.BlockSpec((NC, _RB, IN_DIM), lambda i: (0, i, 0)),
                  pl.BlockSpec((_RB, IN_DIM), lambda i: (i, 0)),
                  pl.BlockSpec((_RB, 1), lambda i: (i, 0)),
                  pl.BlockSpec((1, NCLS), lambda i: (0, 0))],
        out_specs=pl.BlockSpec((_RB, NCLS), lambda i: (i, 0)),
        out_shape=jax.ShapeDtypeStruct((N, NCLS), jnp.float32),
    )(y3p, t3, dis, b3)


def kernel(X, A, W1, b1, W2, b2, W3, b3):
    src = A[0].astype(jnp.int32)
    dst = A[1].astype(jnp.int32)
    padi = jnp.arange(PAD_E - E, dtype=jnp.int32)
    srcp = jnp.concatenate([src, padi % N]).reshape(PAD_E // K, K)
    dstp = jnp.concatenate([dst, N + (padi % N_SINK)]).reshape(PAD_E // K, K)
    ones_k = jnp.ones((K, IN_DIM), jnp.float32)
    z128 = jnp.zeros((NP, IN_DIM), jnp.float32)
    w3p = jnp.pad(W3, ((0, 0), (0, IN_DIM - NCLS)))

    degp = _make_deg()(ones_k, dstp, z128)
    dis, x0 = _tc_prep(degp, X)
    y1p = _make_agg(128, False)(x0, srcp, dstp, z128)
    t2s = _tc_layer1(y1p, x0, dis, W1, b1.reshape(1, HID), W2)
    y2s = _make_agg(128, True)(t2s, srcp, dstp, z128)
    t3 = _tc_layer2(y2s, t2s, dis, b2.reshape(1, HID), w3p)
    y3p = _make_agg(128, False)(t3, srcp, dstp, z128)
    return _tc_final(y3p, t3, dis, b3.reshape(1, NCLS))

# --- scband reference (transcript-rebuilt; emitter-appended) ---
"""Pipeline reference for scband-gcn-18829136625893 (READ-ONLY COPY).

The authoritative reference and input builder live on the scoring server;
editing this copy changes nothing except your own understanding.
"""

import jax, jax.numpy as jnp
import numpy as np

N_NODES = 10000
N_EDGES = 320000
IN_DIM = 128
HID_DIM = 256
N_CLASSES = 64


def setup_inputs(seed: int = 0) -> dict:
    key = jax.random.key(seed)
    ks = jax.random.split(key, 8)
    X = jax.random.normal(ks[0], (N_NODES, IN_DIM), dtype=jnp.float32)
    A = jax.random.randint(ks[1], (2, N_EDGES), 0, N_NODES, dtype=jnp.int64)
    # glorot-style init for GCN layer weights
    W1 = jax.random.normal(ks[2], (IN_DIM, HID_DIM), dtype=jnp.float32) * (1.0 / np.sqrt(IN_DIM))
    b1 = jnp.zeros((HID_DIM,), dtype=jnp.float32)
    W2 = jax.random.normal(ks[3], (HID_DIM, HID_DIM), dtype=jnp.float32) * (1.0 / np.sqrt(HID_DIM))
    b2 = jnp.zeros((HID_DIM,), dtype=jnp.float32)
    W3 = jax.random.normal(ks[4], (HID_DIM, N_CLASSES), dtype=jnp.float32) * (1.0 / np.sqrt(HID_DIM))
    b3 = jnp.zeros((N_CLASSES,), dtype=jnp.float32)
    return {"X": X, "A": A, "W1": W1, "b1": b1, "W2": W2, "b2": b2, "W3": W3, "b3": b3}


def _gcn_conv(x, src, dst, norm, W, b):
    # x = XW, then symmetric-normalized neighborhood aggregation, then bias
    x = x @ W
    msg = jnp.take(x, src, axis=0) * norm[:, None]
    out = jax.ops.segment_sum(msg, dst, num_segments=N_NODES)
    return out + b


def reference(X, A, W1, b1, W2, b2, W3, b3):
    # GCNConv semantics: add self-loops, symmetric normalization D^-1/2 A D^-1/2
    loop = jnp.arange(N_NODES, dtype=A.dtype)
    src = jnp.concatenate([A[0], loop])
    dst = jnp.concatenate([A[1], loop])
    deg = jax.ops.segment_sum(jnp.ones_like(dst, dtype=jnp.float32), dst, num_segments=N_NODES)
    dis = jnp.where(deg > 0, 1.0 / jnp.sqrt(deg), 0.0)
    norm = jnp.take(dis, src) * jnp.take(dis, dst)
    # layer 1 + relu (dropout is identity in eval)
    h = _gcn_conv(X, src, dst, norm, W1, b1)
    h = jax.nn.relu(h)
    # layer 2 + relu
    h = _gcn_conv(h, src, dst, norm, W2, b2)
    h = jax.nn.relu(h)
    # layer 3 (output, no activation)
    h = _gcn_conv(h, src, dst, norm, W3, b3)
    return h

if __name__ == "__main__":
    import jax
    _d = setup_inputs()
    print(jax.jit(kernel)(*tuple(_d.values())))

</pallas_src>

<mosaic_0001>
#map = affine_map<(d0, d1) -> (0, 0)>
#map1 = affine_map<(d0, d1) -> (0, 0, 0)>
module attributes {stable_mosaic.version = 14 : i64} {
  func.func @body(%arg0: i32, %arg1: i32, %arg2: memref<10000x128xf32, #tpu.memory_space<hbm>>, %arg3: memref<4096x80xi32, #tpu.memory_space<hbm>>, %arg4: memref<4096x80xi32, #tpu.memory_space<hbm>>, %arg5: memref<10016x128xf32, #tpu.memory_space<hbm>>, %arg6: memref<2x10000x128xf32, #tpu.memory_space<hbm>>, %arg7: memref<2x4x80xi32, #tpu.memory_space<vmem>>, %arg8: memref<2x4x80xi32, #tpu.memory_space<vmem>>, %arg9: memref<4x80x128xf32, #tpu.memory_space<vmem>>, %arg10: memref<10016x128xf32, #tpu.memory_space<vmem_shared>>, %arg11: memref<!tpu.dma_semaphore, #tpu.memory_space<semaphore_mem>>, %arg12: memref<!tpu.dma_semaphore, #tpu.memory_space<semaphore_mem>>, %arg13: memref<!tpu.dma_semaphore, #tpu.memory_space<semaphore_mem>>, %arg14: memref<!tpu.dma_semaphore, #tpu.memory_space<semaphore_mem>>, %arg15: memref<!tpu.dma_semaphore, #tpu.memory_space<semaphore_mem>>, %arg16: memref<!tpu.dma_semaphore, #tpu.memory_space<semaphore_mem>>, %arg17: memref<!tpu.dma_semaphore, #tpu.memory_space<semaphore_mem>>, %arg18: memref<!tpu.dma_semaphore, #tpu.memory_space<semaphore_mem>>, %arg19: memref<!tpu.dma_semaphore, #tpu.memory_space<semaphore_mem>>, %arg20: memref<!tpu.dma_semaphore, #tpu.memory_space<semaphore_mem>>) attributes {dimension_semantics = [#tpu.dimension_semantics<core_parallel>, #tpu.dimension_semantics<subcore_parallel>], iteration_bounds = array<i64: 2, 16>, scalar_prefetch = 0 : i64, scratch_operands = 14 : i64, tpu.core_type = #tpu.core_type<sc_vector_subcore>, window_params = [{transform_indices = #map}, {transform_indices = #map}, {transform_indices = #map}, {transform_indices = #map}, {transform_indices = #map1}]} {
    %mul3A = arith.constant 16 : i32
    %mul3A_0 = arith.muli %arg0, %mul3A : i32
    %add3A = arith.addi %mul3A_0, %arg1 : i32
    %mul3A_1 = arith.constant 128 : i32
    %mul3A_2 = arith.muli %add3A, %mul3A_1 : i32
    %mul3A_3 = arith.constant 624 : i32
    %mul3A_4 = arith.muli %arg1, %mul3A_3 : i32
    %mul3A_5 = arith.constant 624 : i32
    %mul3A_6 = arith.muli %arg1, %mul3A_5 : i32
    %dma_start3A = arith.constant 0 : i32
    %dma_start3A_7 = tpu.memref_slice %arg10[%mul3A_6, %dma_start3A] : memref<10016x128xf32, #tpu.memory_space<vmem_shared>> -> memref<624x128xf32, #tpu.memory_space<vmem_shared>>
    %dma_start3A_8 = arith.constant 0 : i32
    %dma_start3A_9 = tpu.memref_slice %arg5[%mul3A_4, %dma_start3A_8] : memref<10016x128xf32, #tpu.memory_space<hbm>> -> memref<624x128xf32, #tpu.memory_space<hbm>>
    tpu.enqueue_dma source(%dma_start3A_9 : memref<624x128xf32, #tpu.memory_space<hbm>>) target(%dma_start3A_7 : memref<624x128xf32, #tpu.memory_space<vmem_shared>>) target_semaphore(%arg20 : memref<!tpu.dma_semaphore, #tpu.memory_space<semaphore_mem>>)
    %eq3A = arith.constant 0 : i32
    %eq3A_10 = arith.cmpi eq, %arg1, %eq3A : i32
    %convert_element_type3A = arith.extui %eq3A_10 : i1 to i32
    %cond3A = arith.constant 0 : i32
    %cond3A_11 = arith.cmpi ne, %convert_element_type3A, %cond3A : i32
    scf.if %cond3A_11 {
      %dma_start3A_103 = arith.constant 9984 : i32
      %dma_start3A_104 = arith.constant 0 : i32
      %dma_start3A_105 = tpu.memref_slice %arg10[%dma_start3A_103, %dma_start3A_104] : memref<10016x128xf32, #tpu.memory_space<vmem_shared>> -> memref<32x128xf32, #tpu.memory_space<vmem_shared>>
      %dma_start3A_106 = arith.constant 9984 : i32
      %dma_start3A_107 = arith.constant 0 : i32
      %dma_start3A_108 = tpu.memref_slice %arg5[%dma_start3A_106, %dma_start3A_107] : memref<10016x128xf32, #tpu.memory_space<hbm>> -> memref<32x128xf32, #tpu.memory_space<hbm>>
      tpu.enqueue_dma source(%dma_start3A_108 : memref<32x128xf32, #tpu.memory_space<hbm>>) target(%dma_start3A_105 : memref<32x128xf32, #tpu.memory_space<vmem_shared>>) target_semaphore(%arg20 : memref<!tpu.dma_semaphore, #tpu.memory_space<semaphore_mem>>)
    } else {
    }
    %run_scoped3A = arith.constant 0 : i32
    "tpu.region"() ({
      %run_scoped3A_103 = tpu.sem_alloc : memref<!tpu.dma_semaphore, #tpu.memory_space<semaphore_mem>>
      %dma_start3A_104 = arith.constant 0 : i32
      %dma_start3A_105 = arith.constant 0 : i32
      %dma_start3A_106 = tpu.memref_slice %arg7[%run_scoped3A, %dma_start3A_104, %dma_start3A_105] : memref<2x4x80xi32, #tpu.memory_space<vmem>> -> memref<1x4x80xi32, #tpu.memory_space<vmem>>
      %dma_start3A_107 = tpu.memref_squeeze %dma_start3A_106 : memref<1x4x80xi32, #tpu.memory_space<vmem>> -> memref<4x80xi32, #tpu.memory_space<vmem>>
      %dma_start3A_108 = arith.constant 0 : i32
      %dma_start3A_109 = tpu.memref_slice %arg3[%mul3A_2, %dma_start3A_108] : memref<4096x80xi32, #tpu.memory_space<hbm>> -> memref<4x80xi32, #tpu.memory_space<hbm>>
      %dma_start3A_110 = arith.constant 0 : i32
      %dma_start3A_111 = arith.constant 0 : i32
      %dma_start3A_112 = tpu.memref_slice %arg7[%run_scoped3A, %dma_start3A_110, %dma_start3A_111] : memref<2x4x80xi32, #tpu.memory_space<vmem>> -> memref<1x4x80xi32, #tpu.memory_space<vmem>>
      %dma_start3A_113 = tpu.memref_squeeze %dma_start3A_112 : memref<1x4x80xi32, #tpu.memory_space<vmem>> -> memref<4x80xi32, #tpu.memory_space<vmem>>
      %dma_start3A_114 = arith.constant 0 : i32
      %dma_start3A_115 = tpu.memref_slice %arg3[%mul3A_2, %dma_start3A_114] : memref<4096x80xi32, #tpu.memory_space<hbm>> -> memref<4x80xi32, #tpu.memory_space<hbm>>
      tpu.enqueue_dma source(%dma_start3A_115 : memref<4x80xi32, #tpu.memory_space<hbm>>) target(%dma_start3A_113 : memref<4x80xi32, #tpu.memory_space<vmem>>) target_semaphore(%run_scoped3A_103 : memref<!tpu.dma_semaphore, #tpu.memory_space<semaphore_mem>>)
      %dma_wait3A_116 = arith.constant 0 : i32
      %dma_wait3A_117 = arith.constant 0 : i32
      %dma_wait3A_118 = tpu.memref_slice %arg7[%run_scoped3A, %dma_wait3A_116, %dma_wait3A_117] : memref<2x4x80xi32, #tpu.memory_space<vmem>> -> memref<1x4x80xi32, #tpu.memory_space<vmem>>
      %dma_wait3A_119 = tpu.memref_squeeze %dma_wait3A_118 : memref<1x4x80xi32, #tpu.memory_space<vmem>> -> memref<4x80xi32, #tpu.memory_space<vmem>>
      %dma_wait3A_120 = arith.constant 0 : i32
      %dma_wait3A_121 = tpu.memref_slice %arg3[%mul3A_2, %dma_wait3A_120] : memref<4096x80xi32, #tpu.memory_space<hbm>> -> memref<4x80xi32, #tpu.memory_space<hbm>>
      %dma_wait3A_122 = arith.constant 0 : i32
      %dma_wait3A_123 = arith.constant 0 : i32
      %dma_wait3A_124 = tpu.memref_slice %arg7[%run_scoped3A, %dma_wait3A_122, %dma_wait3A_123] : memref<2x4x80xi32, #tpu.memory_space<vmem>> -> memref<1x4x80xi32, #tpu.memory_space<vmem>>
      %dma_wait3A_125 = tpu.memref_squeeze %dma_wait3A_124 : memref<1x4x80xi32, #tpu.memory_space<vmem>> -> memref<4x80xi32, #tpu.memory_space<vmem>>
      %dma_wait3A_126 = arith.constant 0 : i32
      %dma_wait3A_127 = tpu.memref_slice %arg3[%mul3A_2, %dma_wait3A_126] : memref<4096x80xi32, #tpu.memory_space<hbm>> -> memref<4x80xi32, #tpu.memory_space<hbm>>
      tpu.wait_dma2 semaphore(%run_scoped3A_103 : memref<!tpu.dma_semaphore, #tpu.memory_space<semaphore_mem>>) src(%dma_wait3A_127 : memref<4x80xi32, #tpu.memory_space<hbm>>) dst(%dma_wait3A_125 : memref<4x80xi32, #tpu.memory_space<vmem>>)
      tpu.yield
    }) : () -> ()
    %run_scoped3A_12 = arith.constant 0 : i32
    "tpu.region"() ({
      %run_scoped3A_103 = tpu.sem_alloc : memref<!tpu.dma_semaphore, #tpu.memory_space<semaphore_mem>>
      %dma_start3A_104 = arith.constant 0 : i32
      %dma_start3A_105 = arith.constant 0 : i32
      %dma_start3A_106 = tpu.memref_slice %arg8[%run_scoped3A_12, %dma_start3A_104, %dma_start3A_105] : memref<2x4x80xi32, #tpu.memory_space<vmem>> -> memref<1x4x80xi32, #tpu.memory_space<vmem>>
      %dma_start3A_107 = tpu.memref_squeeze %dma_start3A_106 : memref<1x4x80xi32, #tpu.memory_space<vmem>> -> memref<4x80xi32, #tpu.memory_space<vmem>>
      %dma_start3A_108 = arith.constant 0 : i32
      %dma_start3A_109 = tpu.memref_slice %arg4[%mul3A_2, %dma_start3A_108] : memref<4096x80xi32, #tpu.memory_space<hbm>> -> memref<4x80xi32, #tpu.memory_space<hbm>>
      %dma_start3A_110 = arith.constant 0 : i32
      %dma_start3A_111 = arith.constant 0 : i32
      %dma_start3A_112 = tpu.memref_slice %arg8[%run_scoped3A_12, %dma_start3A_110, %dma_start3A_111] : memref<2x4x80xi32, #tpu.memory_space<vmem>> -> memref<1x4x80xi32, #tpu.memory_space<vmem>>
      %dma_start3A_113 = tpu.memref_squeeze %dma_start3A_112 : memref<1x4x80xi32, #tpu.memory_space<vmem>> -> memref<4x80xi32, #tpu.memory_space<vmem>>
      %dma_start3A_114 = arith.constant 0 : i32
      %dma_start3A_115 = tpu.memref_slice %arg4[%mul3A_2, %dma_start3A_114] : memref<4096x80xi32, #tpu.memory_space<hbm>> -> memref<4x80xi32, #tpu.memory_space<hbm>>
      tpu.enqueue_dma source(%dma_start3A_115 : memref<4x80xi32, #tpu.memory_space<hbm>>) target(%dma_start3A_113 : memref<4x80xi32, #tpu.memory_space<vmem>>) target_semaphore(%run_scoped3A_103 : memref<!tpu.dma_semaphore, #tpu.memory_space<semaphore_mem>>)
      %dma_wait3A_116 = arith.constant 0 : i32
      %dma_wait3A_117 = arith.constant 0 : i32
      %dma_wait3A_118 = tpu.memref_slice %arg8[%run_scoped3A_12, %dma_wait3A_116, %dma_wait3A_117] : memref<2x4x80xi32, #tpu.memory_space<vmem>> -> memref<1x4x80xi32, #tpu.memory_space<vmem>>
      %dma_wait3A_119 = tpu.memref_squeeze %dma_wait3A_118 : memref<1x4x80xi32, #tpu.memory_space<vmem>> -> memref<4x80xi32, #tpu.memory_space<vmem>>
      %dma_wait3A_120 = arith.constant 0 : i32
      %dma_wait3A_121 = tpu.memref_slice %arg4[%mul3A_2, %dma_wait3A_120] : memref<4096x80xi32, #tpu.memory_space<hbm>> -> memref<4x80xi32, #tpu.memory_space<hbm>>
      %dma_wait3A_122 = arith.constant 0 : i32
      %dma_wait3A_123 = arith.constant 0 : i32
      %dma_wait3A_124 = tpu.memref_slice %arg8[%run_scoped3A_12, %dma_wait3A_122, %dma_wait3A_123] : memref<2x4x80xi32, #tpu.memory_space<vmem>> -> memref<1x4x80xi32, #tpu.memory_space<vmem>>
      %dma_wait3A_125 = tpu.memref_squeeze %dma_wait3A_124 : memref<1x4x80xi32, #tpu.memory_space<vmem>> -> memref<4x80xi32, #tpu.memory_space<vmem>>
      %dma_wait3A_126 = arith.constant 0 : i32
      %dma_wait3A_127 = tpu.memref_slice %arg4[%mul3A_2, %dma_wait3A_126] : memref<4096x80xi32, #tpu.memory_space<hbm>> -> memref<4x80xi32, #tpu.memory_space<hbm>>
      tpu.wait_dma2 semaphore(%run_scoped3A_103 : memref<!tpu.dma_semaphore, #tpu.memory_space<semaphore_mem>>) src(%dma_wait3A_127 : memref<4x80xi32, #tpu.memory_space<hbm>>) dst(%dma_wait3A_125 : memref<4x80xi32, #tpu.memory_space<vmem>>)
      tpu.yield
    }) : () -> ()
    %add3A_13 = arith.constant 4 : i32
    %add3A_14 = arith.addi %mul3A_2, %add3A_13 : i32
    %dma_start3A_15 = arith.constant 1 : i32
    %dma_start3A_16 = arith.constant 0 : i32
    %dma_start3A_17 = arith.constant 0 : i32
    %dma_start3A_18 = tpu.memref_slice %arg7[%dma_start3A_15, %dma_start3A_16, %dma_start3A_17] : memref<2x4x80xi32, #tpu.memory_space<vmem>> -> memref<1x4x80xi32, #tpu.memory_space<vmem>>
    %dma_start3A_19 = tpu.memref_squeeze %dma_start3A_18 : memref<1x4x80xi32, #tpu.memory_space<vmem>> -> memref<4x80xi32, #tpu.memory_space<vmem>>
    %dma_start3A_20 = arith.constant 0 : i32
    %dma_start3A_21 = tpu.memref_slice %arg3[%add3A_14, %dma_start3A_20] : memref<4096x80xi32, #tpu.memory_space<hbm>> -> memref<4x80xi32, #tpu.memory_space<hbm>>
    %dma_start3A_22 = arith.constant 0 : i32
    %dma_start3A_23 = arith.constant 0 : i32
    %dma_start3A_24 = tpu.memref_slice %arg7[%dma_start3A_15, %dma_start3A_22, %dma_start3A_23] : memref<2x4x80xi32, #tpu.memory_space<vmem>> -> memref<1x4x80xi32, #tpu.memory_space<vmem>>
    %dma_start3A_25 = tpu.memref_squeeze %dma_start3A_24 : memref<1x4x80xi32, #tpu.memory_space<vmem>> -> memref<4x80xi32, #tpu.memory_space<vmem>>
    %dma_start3A_26 = arith.constant 0 : i32
    %dma_start3A_27 = tpu.memref_slice %arg3[%add3A_14, %dma_start3A_26] : memref<4096x80xi32, #tpu.memory_space<hbm>> -> memref<4x80xi32, #tpu.memory_space<hbm>>
    tpu.enqueue_dma source(%dma_start3A_27 : memref<4x80xi32, #tpu.memory_space<hbm>>) target(%dma_start3A_25 : memref<4x80xi32, #tpu.memory_space<vmem>>) target_semaphore(%arg19 : memref<!tpu.dma_semaphore, #tpu.memory_space<semaphore_mem>>)
    %dma_start3A_28 = arith.constant 1 : i32
    %dma_start3A_29 = arith.constant 0 : i32
    %dma_start3A_30 = arith.constant 0 : i32
    %dma_start3A_31 = tpu.memref_slice %arg8[%dma_start3A_28, %dma_start3A_29, %dma_start3A_30] : memref<2x4x80xi32, #tpu.memory_space<vmem>> -> memref<1x4x80xi32, #tpu.memory_space<vmem>>
    %dma_start3A_32 = tpu.memref_squeeze %dma_start3A_31 : memref<1x4x80xi32, #tpu.memory_space<vmem>> -> memref<4x80xi32, #tpu.memory_space<vmem>>
    %dma_start3A_33 = arith.constant 0 : i32
    %dma_start3A_34 = tpu.memref_slice %arg4[%add3A_14, %dma_start3A_33] : memref<4096x80xi32, #tpu.memory_space<hbm>> -> memref<4x80xi32, #tpu.memory_space<hbm>>
    %dma_start3A_35 = arith.constant 0 : i32
    %dma_start3A_36 = arith.constant 0 : i32
    %dma_start3A_37 = tpu.memref_slice %arg8[%dma_start3A_28, %dma_start3A_35, %dma_start3A_36] : memref<2x4x80xi32, #tpu.memory_space<vmem>> -> memref<1x4x80xi32, #tpu.memory_space<vmem>>
    %dma_start3A_38 = tpu.memref_squeeze %dma_start3A_37 : memref<1x4x80xi32, #tpu.memory_space<vmem>> -> memref<4x80xi32, #tpu.memory_space<vmem>>
    %dma_start3A_39 = arith.constant 0 : i32
    %dma_start3A_40 = tpu.memref_slice %arg4[%add3A_14, %dma_start3A_39] : memref<4096x80xi32, #tpu.memory_space<hbm>> -> memref<4x80xi32, #tpu.memory_space<hbm>>
    tpu.enqueue_dma source(%dma_start3A_40 : memref<4x80xi32, #tpu.memory_space<hbm>>) target(%dma_start3A_38 : memref<4x80xi32, #tpu.memory_space<vmem>>) target_semaphore(%arg19 : memref<!tpu.dma_semaphore, #tpu.memory_space<semaphore_mem>>)
    %dma_wait3A = arith.constant 0 : i32
    %dma_wait3A_41 = tpu.memref_slice %arg10[%mul3A_6, %dma_wait3A] : memref<10016x128xf32, #tpu.memory_space<vmem_shared>> -> memref<624x128xf32, #tpu.memory_space<vmem_shared>>
    %dma_wait3A_42 = arith.constant 0 : i32
    %dma_wait3A_43 = tpu.memref_slice %arg5[%mul3A_4, %dma_wait3A_42] : memref<10016x128xf32, #tpu.memory_space<hbm>> -> memref<624x128xf32, #tpu.memory_space<hbm>>
    tpu.wait_dma2 semaphore(%arg20 : memref<!tpu.dma_semaphore, #tpu.memory_space<semaphore_mem>>) src(%dma_wait3A_43 : memref<624x128xf32, #tpu.memory_space<hbm>>) dst(%dma_wait3A_41 : memref<624x128xf32, #tpu.memory_space<vmem_shared>>)
    %eq3A_44 = arith.constant 0 : i32
    %eq3A_45 = arith.cmpi eq, %arg1, %eq3A_44 : i32
    %convert_element_type3A_46 = arith.extui %eq3A_45 : i1 to i32
    %cond3A_47 = arith.constant 0 : i32
    %cond3A_48 = arith.cmpi ne, %convert_element_type3A_46, %cond3A_47 : i32
    scf.if %cond3A_48 {
      %dma_wait3A_103 = arith.constant 9984 : i32
      %dma_wait3A_104 = arith.constant 0 : i32
      %dma_wait3A_105 = tpu.memref_slice %arg10[%dma_wait3A_103, %dma_wait3A_104] : memref<10016x128xf32, #tpu.memory_space<vmem_shared>> -> memref<32x128xf32, #tpu.memory_space<vmem_shared>>
      %dma_wait3A_106 = arith.constant 9984 : i32
      %dma_wait3A_107 = arith.constant 0 : i32
      %dma_wait3A_108 = tpu.memref_slice %arg5[%dma_wait3A_106, %dma_wait3A_107] : memref<10016x128xf32, #tpu.memory_space<hbm>> -> memref<32x128xf32, #tpu.memory_space<hbm>>
      tpu.wait_dma2 semaphore(%arg20 : memref<!tpu.dma_semaphore, #tpu.memory_space<semaphore_mem>>) src(%dma_wait3A_108 : memref<32x128xf32, #tpu.memory_space<hbm>>) dst(%dma_wait3A_105 : memref<32x128xf32, #tpu.memory_space<vmem_shared>>)
    } else {
    }
    %barrier3A = arith.constant 0 : index
    tpu.barrier barrier_id(%barrier3A)
    %dma_start3A_49 = arith.constant 0 : i32
    %dma_start3A_50 = arith.constant 0 : i32
    %dma_start3A_51 = arith.constant 0 : i32
    %dma_start3A_52 = arith.constant 0 : i32
    %dma_start3A_53 = arith.constant 0 : i32
    %dma_start3A_54 = tpu.memref_slice %arg9[%dma_start3A_51, %dma_start3A_52, %dma_start3A_53] : memref<4x80x128xf32, #tpu.memory_space<vmem>> -> memref<1x80x128xf32, #tpu.memory_space<vmem>>
    %dma_start3A_55 = tpu.memref_squeeze %dma_start3A_54 : memref<1x80x128xf32, #tpu.memory_space<vmem>> -> memref<80x128xf32, #tpu.memory_space<vmem>>
    %dma_start3A_56 = arith.constant 0 : i32
    %dma_start3A_57 = tpu.memref_slice %arg7[%dma_start3A_49, %dma_start3A_50, %dma_start3A_56] : memref<2x4x80xi32, #tpu.memory_space<vmem>> -> memref<1x1x80xi32, #tpu.memory_space<vmem>>
    %dma_start3A_58 = tpu.memref_squeeze %dma_start3A_57 : memref<1x1x80xi32, #tpu.memory_space<vmem>> -> memref<80xi32, #tpu.memory_space<vmem>>
    %dma_start3A_59 = arith.constant 0 : i32
    %dma_start3A_60 = arith.constant 0 : i32
    %dma_start3A_61 = tpu.memref_slice %arg2[%dma_start3A_59, %dma_start3A_60] : memref<10000x128xf32, #tpu.memory_space<hbm>> -> memref<10000x128xf32, #tpu.memory_space<hbm>>
    tpu.enqueue_indirect_dma source(%dma_start3A_61 : memref<10000x128xf32, #tpu.memory_space<hbm>>) target(%dma_start3A_55 : memref<80x128xf32, #tpu.memory_space<vmem>>) offsets(%dma_start3A_58 : memref<80xi32, #tpu.memory_space<vmem>>) semaphore(%arg11 : memref<!tpu.dma_semaphore, #tpu.memory_space<semaphore_mem>>)
    %dma_start3A_62 = arith.constant 0 : i32
    %dma_start3A_63 = arith.constant 1 : i32
    %dma_start3A_64 = arith.constant 1 : i32
    %dma_start3A_65 = arith.constant 0 : i32
    %dma_start3A_66 = arith.constant 0 : i32
    %dma_start3A_67 = tpu.memref_slice %arg9[%dma_start3A_64, %dma_start3A_65, %dma_start3A_66] : memref<4x80x128xf32, #tpu.memory_space<vmem>> -> memref<1x80x128xf32, #tpu.memory_space<vmem>>
    %dma_start3A_68 = tpu.memref_squeeze %dma_start3A_67 : memref<1x80x128xf32, #tpu.memory_space<vmem>> -> memref<80x128xf32, #tpu.memory_space<vmem>>
    %dma_start3A_69 = arith.constant 0 : i32
    %dma_start3A_70 = tpu.memref_slice %arg7[%dma_start3A_62, %dma_start3A_63, %dma_start3A_69] : memref<2x4x80xi32, #tpu.memory_space<vmem>> -> memref<1x1x80xi32, #tpu.memory_space<vmem>>
    %dma_start3A_71 = tpu.memref_squeeze %dma_start3A_70 : memref<1x1x80xi32, #tpu.memory_space<vmem>> -> memref<80xi32, #tpu.memory_space<vmem>>
    %dma_start3A_72 = arith.constant 0 : i32
    %dma_start3A_73 = arith.constant 0 : i32
    %dma_start3A_74 = tpu.memref_slice %arg2[%dma_start3A_72, %dma_start3A_73] : memref<10000x128xf32, #tpu.memory_space<hbm>> -> memref<10000x128xf32, #tpu.memory_space<hbm>>
    tpu.enqueue_indirect_dma source(%dma_start3A_74 : memref<10000x128xf32, #tpu.memory_space<hbm>>) target(%dma_start3A_68 : memref<80x128xf32, #tpu.memory_space<vmem>>) offsets(%dma_start3A_71 : memref<80xi32, #tpu.memory_space<vmem>>) semaphore(%arg12 : memref<!tpu.dma_semaphore, #tpu.memory_space<semaphore_mem>>)
    %dma_start3A_75 = arith.constant 0 : i32
    %dma_start3A_76 = arith.constant 2 : i32
    %dma_start3A_77 = arith.constant 2 : i32
    %dma_start3A_78 = arith.constant 0 : i32
    %dma_start3A_79 = arith.constant 0 : i32
    %dma_start3A_80 = tpu.memref_slice %arg9[%dma_start3A_77, %dma_start3A_78, %dma_start3A_79] : memref<4x80x128xf32, #tpu.memory_space<vmem>> -> memref<1x80x128xf32, #tpu.memory_space<vmem>>
    %dma_start3A_81 = tpu.memref_squeeze %dma_start3A_80 : memref<1x80x128xf32, #tpu.memory_space<vmem>> -> memref<80x128xf32, #tpu.memory_space<vmem>>
    %dma_start3A_82 = arith.constant 0 : i32
    %dma_start3A_83 = tpu.memref_slice %arg7[%dma_start3A_75, %dma_start3A_76, %dma_start3A_82] : memref<2x4x80xi32, #tpu.memory_space<vmem>> -> memref<1x1x80xi32, #tpu.memory_space<vmem>>
    %dma_start3A_84 = tpu.memref_squeeze %dma_start3A_83 : memref<1x1x80xi32, #tpu.memory_space<vmem>> -> memref<80xi32, #tpu.memory_space<vmem>>
    %dma_start3A_85 = arith.constant 0 : i32
    %dma_start3A_86 = arith.constant 0 : i32
    %dma_start3A_87 = tpu.memref_slice %arg2[%dma_start3A_85, %dma_start3A_86] : memref<10000x128xf32, #tpu.memory_space<hbm>> -> memref<10000x128xf32, #tpu.memory_space<hbm>>
    tpu.enqueue_indirect_dma source(%dma_start3A_87 : memref<10000x128xf32, #tpu.memory_space<hbm>>) target(%dma_start3A_81 : memref<80x128xf32, #tpu.memory_space<vmem>>) offsets(%dma_start3A_84 : memref<80xi32, #tpu.memory_space<vmem>>) semaphore(%arg13 : memref<!tpu.dma_semaphore, #tpu.memory_space<semaphore_mem>>)
    %scan3A = arith.constant 0 : i32
    %scan3A_88 = arith.constant 0 : i32
    %scan3A_89 = arith.constant 32 : i32
    %scan3A_90 = arith.addi %scan3A_88, %scan3A_89 : i32
    %scan3A_91 = arith.constant 1 : i32
    scf.for %scan3A_103 = %scan3A_88 to %scan3A_90 step %scan3A_91  : i32 {
      %jit3A = arith.constant 2 : i32
      %eq3A_104 = arith.constant 0 : i32
      %eq3A_105 = arith.cmpi eq, %jit3A, %eq3A_104 : i32
      %jit3A_106 = arith.constant 1 : i32
      %select_n3A = arith.select %eq3A_105, %jit3A_106, %jit3A : i32
      %rem3A = arith.remsi %scan3A_103, %select_n3A : i32
      %ne3A = arith.constant 0 : i32
      %ne3A_107 = arith.cmpi ne, %rem3A, %ne3A : i32
      %lt3A = arith.constant 0 : i32
      %lt3A_108 = arith.cmpi slt, %rem3A, %lt3A : i32
      %lt3A_109 = arith.constant 0 : i32
      %lt3A_110 = arith.cmpi slt, %select_n3A, %lt3A_109 : i32
      %ne3A_111 = arith.xori %lt3A_108, %lt3A_110 : i1
      %and3A = arith.andi %ne3A_111, %ne3A_107 : i1
      %add3A_112 = arith.addi %rem3A, %select_n3A : i32
      %select_n3A_113 = arith.select %and3A, %add3A_112, %rem3A : i32
      %dma_wait3A_114 = arith.constant 0 : i32
      %dma_wait3A_115 = arith.constant 0 : i32
      %dma_wait3A_116 = arith.constant 0 : i32
      %dma_wait3A_117 = arith.constant 0 : i32
      %dma_wait3A_118 = tpu.memref_slice %arg9[%dma_wait3A_115, %dma_wait3A_116, %dma_wait3A_117] : memref<4x80x128xf32, #tpu.memory_space<vmem>> -> memref<1x80x128xf32, #tpu.memory_space<vmem>>
      %dma_wait3A_119 = tpu.memref_squeeze %dma_wait3A_118 : memref<1x80x128xf32, #tpu.memory_space<vmem>> -> memref<80x128xf32, #tpu.memory_space<vmem>>
      %dma_wait3A_120 = arith.constant 0 : i32
      %dma_wait3A_121 = tpu.memref_slice %arg7[%select_n3A_113, %dma_wait3A_114, %dma_wait3A_120] : memref<2x4x80xi32, #tpu.memory_space<vmem>> -> memref<1x1x80xi32, #tpu.memory_space<vmem>>
      %dma_wait3A_122 = tpu.memref_squeeze %dma_wait3A_121 : memref<1x1x80xi32, #tpu.memory_space<vmem>> -> memref<80xi32, #tpu.memory_space<vmem>>
      %dma_wait3A_123 = arith.constant 0 : i32
      %dma_wait3A_124 = arith.constant 0 : i32
      %dma_wait3A_125 = tpu.memref_slice %arg2[%dma_wait3A_123, %dma_wait3A_124] : memref<10000x128xf32, #tpu.memory_space<hbm>> -> memref<10000x128xf32, #tpu.memory_space<hbm>>
      tpu.wait_indirect_dma semaphore(%arg11 : memref<!tpu.dma_semaphore, #tpu.memory_space<semaphore_mem>>) src(%dma_wait3A_125 : memref<10000x128xf32, #tpu.memory_space<hbm>>) dst(%dma_wait3A_119 : memref<80x128xf32, #tpu.memory_space<vmem>>)
      %dma_start3A_126 = arith.constant 0 : i32
      %dma_start3A_127 = arith.constant 0 : i32
      %dma_start3A_128 = arith.constant 0 : i32
      %dma_start3A_129 = arith.constant 0 : i32
      %dma_start3A_130 = tpu.memref_slice %arg9[%dma_start3A_126, %dma_start3A_128, %dma_start3A_129] : memref<4x80x128xf32, #tpu.memory_space<vmem>> -> memref<1x80x128xf32, #tpu.memory_space<vmem>>
      %dma_start3A_131 = tpu.memref_squeeze %dma_start3A_130 : memref<1x80x128xf32, #tpu.memory_space<vmem>> -> memref<80x128xf32, #tpu.memory_space<vmem>>
      %dma_start3A_132 = arith.constant 0 : i32
      %dma_start3A_133 = tpu.memref_slice %arg8[%select_n3A_113, %dma_start3A_127, %dma_start3A_132] : memref<2x4x80xi32, #tpu.memory_space<vmem>> -> memref<1x1x80xi32, #tpu.memory_space<vmem>>
      %dma_start3A_134 = tpu.memref_squeeze %dma_start3A_133 : memref<1x1x80xi32, #tpu.memory_space<vmem>> -> memref<80xi32, #tpu.memory_space<vmem>>
      %dma_start3A_135 = arith.constant 0 : i32
      %dma_start3A_136 = arith.constant 0 : i32
      %dma_start3A_137 = tpu.memref_slice %arg10[%dma_start3A_135, %dma_start3A_136] : memref<10016x128xf32, #tpu.memory_space<vmem_shared>> -> memref<10016x128xf32, #tpu.memory_space<vmem_shared>>
      tpu.enqueue_indirect_dma source(%dma_start3A_131 : memref<80x128xf32, #tpu.memory_space<vmem>>) target(%dma_start3A_137 : memref<10016x128xf32, #tpu.memory_space<vmem_shared>>) offsets(%dma_start3A_134 : memref<80xi32, #tpu.memory_space<vmem>>) semaphore(%arg15 : memref<!tpu.dma_semaphore, #tpu.memory_space<semaphore_mem>>) {add = true}
      %dma_start3A_138 = arith.constant 3 : i32
      %dma_start3A_139 = arith.constant 3 : i32
      %dma_start3A_140 = arith.constant 0 : i32
      %dma_start3A_141 = arith.constant 0 : i32
      %dma_start3A_142 = tpu.memref_slice %arg9[%dma_start3A_139, %dma_start3A_140, %dma_start3A_141] : memref<4x80x128xf32, #tpu.memory_space<vmem>> -> memref<1x80x128xf32, #tpu.memory_space<vmem>>
      %dma_start3A_143 = tpu.memref_squeeze %dma_start3A_142 : memref<1x80x128xf32, #tpu.memory_space<vmem>> -> memref<80x128xf32, #tpu.memory_space<vmem>>
      %dma_start3A_144 = arith.constant 0 : i32
      %dma_start3A_145 = tpu.memref_slice %arg7[%select_n3A_113, %dma_start3A_138, %dma_start3A_144] : memref<2x4x80xi32, #tpu.memory_space<vmem>> -> memref<1x1x80xi32, #tpu.memory_space<vmem>>
      %dma_start3A_146 = tpu.memref_squeeze %dma_start3A_145 : memref<1x1x80xi32, #tpu.memory_space<vmem>> -> memref<80xi32, #tpu.memory_space<vmem>>
      %dma_start3A_147 = arith.constant 0 : i32
      %dma_start3A_148 = arith.constant 0 : i32
      %dma_start3A_149 = tpu.memref_slice %arg2[%dma_start3A_147, %dma_start3A_148] : memref<10000x128xf32, #tpu.memory_space<hbm>> -> memref<10000x128xf32, #tpu.memory_space<hbm>>
      tpu.enqueue_indirect_dma source(%dma_start3A_149 : memref<10000x128xf32, #tpu.memory_space<hbm>>) target(%dma_start3A_143 : memref<80x128xf32, #tpu.memory_space<vmem>>) offsets(%dma_start3A_146 : memref<80xi32, #tpu.memory_space<vmem>>) semaphore(%arg14 : memref<!tpu.dma_semaphore, #tpu.memory_space<semaphore_mem>>)
      %dma_wait3A_150 = arith.constant 1 : i32
      %dma_wait3A_151 = arith.constant 1 : i32
      %dma_wait3A_152 = arith.constant 0 : i32
      %dma_wait3A_153 = arith.constant 0 : i32
      %dma_wait3A_154 = tpu.memref_slice %arg9[%dma_wait3A_151, %dma_wait3A_152, %dma_wait3A_153] : memref<4x80x128xf32, #tpu.memory_space<vmem>> -> memref<1x80x128xf32, #tpu.memory_space<vmem>>
      %dma_wait3A_155 = tpu.memref_squeeze %dma_wait3A_154 : memref<1x80x128xf32, #tpu.memory_space<vmem>> -> memref<80x128xf32, #tpu.memory_space<vmem>>
      %dma_wait3A_156 = arith.constant 0 : i32
      %dma_wait3A_157 = tpu.memref_slice %arg7[%select_n3A_113, %dma_wait3A_150, %dma_wait3A_156] : memref<2x4x80xi32, #tpu.memory_space<vmem>> -> memref<1x1x80xi32, #tpu.memory_space<vmem>>
      %dma_wait3A_158 = tpu.memref_squeeze %dma_wait3A_157 : memref<1x1x80xi32, #tpu.memory_space<vmem>> -> memref<80xi32, #tpu.memory_space<vmem>>
      %dma_wait3A_159 = arith.constant 0 : i32
      %dma_wait3A_160 = arith.constant 0 : i32
      %dma_wait3A_161 = tpu.memref_slice %arg2[%dma_wait3A_159, %dma_wait3A_160] : memref<10000x128xf32, #tpu.memory_space<hbm>> -> memref<10000x128xf32, #tpu.memory_space<hbm>>
      tpu.wait_indirect_dma semaphore(%arg12 : memref<!tpu.dma_semaphore, #tpu.memory_space<semaphore_mem>>) src(%dma_wait3A_161 : memref<10000x128xf32, #tpu.memory_space<hbm>>) dst(%dma_wait3A_155 : memref<80x128xf32, #tpu.memory_space<vmem>>)
      %dma_start3A_162 = arith.constant 1 : i32
      %dma_start3A_163 = arith.constant 1 : i32
      %dma_start3A_164 = arith.constant 0 : i32
      %dma_start3A_165 = arith.constant 0 : i32
      %dma_start3A_166 = tpu.memref_slice %arg9[%dma_start3A_162, %dma_start3A_164, %dma_start3A_165] : memref<4x80x128xf32, #tpu.memory_space<vmem>> -> memref<1x80x128xf32, #tpu.memory_space<vmem>>
      %dma_start3A_167 = tpu.memref_squeeze %dma_start3A_166 : memref<1x80x128xf32, #tpu.memory_space<vmem>> -> memref<80x128xf32, #tpu.memory_space<vmem>>
      %dma_start3A_168 = arith.constant 0 : i32
      %dma_start3A_169 = tpu.memref_slice %arg8[%select_n3A_113, %dma_start3A_163, %dma_start3A_168] : memref<2x4x80xi32, #tpu.memory_space<vmem>> -> memref<1x1x80xi32, #tpu.memory_space<vmem>>
      %dma_start3A_170 = tpu.memref_squeeze %dma_start3A_169 : memref<1x1x80xi32, #tpu.memory_space<vmem>> -> memref<80xi32, #tpu.memory_space<vmem>>
      %dma_start3A_171 = arith.constant 0 : i32
      %dma_start3A_172 = arith.constant 0 : i32
      %dma_start3A_173 = tpu.memref_slice %arg10[%dma_start3A_171, %dma_start3A_172] : memref<10016x128xf32, #tpu.memory_space<vmem_shared>> -> memref<10016x128xf32, #tpu.memory_space<vmem_shared>>
      tpu.enqueue_indirect_dma source(%dma_start3A_167 : memref<80x128xf32, #tpu.memory_space<vmem>>) target(%dma_start3A_173 : memref<10016x128xf32, #tpu.memory_space<vmem_shared>>) offsets(%dma_start3A_170 : memref<80xi32, #tpu.memory_space<vmem>>) semaphore(%arg16 : memref<!tpu.dma_semaphore, #tpu.memory_space<semaphore_mem>>) {add = true}
      %dma_wait3A_174 = arith.constant 0 : i32
      %dma_wait3A_175 = arith.constant 0 : i32
      %dma_wait3A_176 = arith.constant 0 : i32
      %dma_wait3A_177 = arith.constant 0 : i32
      %dma_wait3A_178 = tpu.memref_slice %arg9[%dma_wait3A_174, %dma_wait3A_176, %dma_wait3A_177] : memref<4x80x128xf32, #tpu.memory_space<vmem>> -> memref<1x80x128xf32, #tpu.memory_space<vmem>>
      %dma_wait3A_179 = tpu.memref_squeeze %dma_wait3A_178 : memref<1x80x128xf32, #tpu.memory_space<vmem>> -> memref<80x128xf32, #tpu.memory_space<vmem>>
      %dma_wait3A_180 = arith.constant 0 : i32
      %dma_wait3A_181 = tpu.memref_slice %arg8[%select_n3A_113, %dma_wait3A_175, %dma_wait3A_180] : memref<2x4x80xi32, #tpu.memory_space<vmem>> -> memref<1x1x80xi32, #tpu.memory_space<vmem>>
      %dma_wait3A_182 = tpu.memref_squeeze %dma_wait3A_181 : memref<1x1x80xi32, #tpu.memory_space<vmem>> -> memref<80xi32, #tpu.memory_space<vmem>>
      %dma_wait3A_183 = arith.constant 0 : i32
      %dma_wait3A_184 = arith.constant 0 : i32
      %dma_wait3A_185 = tpu.memref_slice %arg10[%dma_wait3A_183, %dma_wait3A_184] : memref<10016x128xf32, #tpu.memory_space<vmem_shared>> -> memref<10016x128xf32, #tpu.memory_space<vmem_shared>>
      tpu.wait_indirect_dma semaphore(%arg15 : memref<!tpu.dma_semaphore, #tpu.memory_space<semaphore_mem>>) src(%dma_wait3A_179 : memref<80x128xf32, #tpu.memory_space<vmem>>) dst(%dma_wait3A_185 : memref<10016x128xf32, #tpu.memory_space<vmem_shared>>)
      %add3A_186 = arith.constant 1 : i32
      %add3A_187 = arith.addi %scan3A_103, %add3A_186 : i32
      %lt3A_188 = arith.constant 32 : i32
      %lt3A_189 = arith.cmpi slt, %add3A_187, %lt3A_188 : i32
      %convert_element_type3A_190 = arith.extui %lt3A_189 : i1 to i32
      %cond3A_191 = arith.constant 0 : i32
      %cond3A_192 = arith.cmpi ne, %convert_element_type3A_190, %cond3A_191 : i32
      scf.if %cond3A_192 {
        %add3A_298 = arith.constant 1 : i32
        %add3A_299 = arith.addi %scan3A_103, %add3A_298 : i32
        %sub3A = arith.constant 1 : i32
        %sub3A_300 = arith.subi %sub3A, %select_n3A_113 : i32
        %mul3A_301 = arith.constant 4 : i32
        %mul3A_302 = arith.muli %add3A_299, %mul3A_301 : i32
        %add3A_303 = arith.addi %mul3A_2, %mul3A_302 : i32
        %dma_wait3A_304 = arith.constant 0 : i32
        %dma_wait3A_305 = arith.constant 0 : i32
        %dma_wait3A_306 = tpu.memref_slice %arg7[%sub3A_300, %dma_wait3A_304, %dma_wait3A_305] : memref<2x4x80xi32, #tpu.memory_space<vmem>> -> memref<1x4x80xi32, #tpu.memory_space<vmem>>
        %dma_wait3A_307 = tpu.memref_squeeze %dma_wait3A_306 : memref<1x4x80xi32, #tpu.memory_space<vmem>> -> memref<4x80xi32, #tpu.memory_space<vmem>>
        %dma_wait3A_308 = arith.constant 0 : i32
        %dma_wait3A_309 = tpu.memref_slice %arg3[%add3A_303, %dma_wait3A_308] : memref<4096x80xi32, #tpu.memory_space<hbm>> -> memref<4x80xi32, #tpu.memory_space<hbm>>
        %dma_wait3A_310 = arith.constant 0 : i32
        %dma_wait3A_311 = arith.constant 0 : i32
        %dma_wait3A_312 = tpu.memref_slice %arg7[%sub3A_300, %dma_wait3A_310, %dma_wait3A_311] : memref<2x4x80xi32, #tpu.memory_space<vmem>> -> memref<1x4x80xi32, #tpu.memory_space<vmem>>
        %dma_wait3A_313 = tpu.memref_squeeze %dma_wait3A_312 : memref<1x4x80xi32, #tpu.memory_space<vmem>> -> memref<4x80xi32, #tpu.memory_space<vmem>>
        %dma_wait3A_314 = arith.constant 0 : i32
        %dma_wait3A_315 = tpu.memref_slice %arg3[%add3A_303, %dma_wait3A_314] : memref<4096x80xi32, #tpu.memory_space<hbm>> -> memref<4x80xi32, #tpu.memory_space<hbm>>
        tpu.wait_dma2 semaphore(%arg19 : memref<!tpu.dma_semaphore, #tpu.memory_space<semaphore_mem>>) src(%dma_wait3A_315 : memref<4x80xi32, #tpu.memory_space<hbm>>) dst(%dma_wait3A_313 : memref<4x80xi32, #tpu.memory_space<vmem>>)
        %dma_wait3A_316 = arith.constant 0 : i32
        %dma_wait3A_317 = arith.constant 0 : i32
        %dma_wait3A_318 = tpu.memref_slice %arg8[%sub3A_300, %dma_wait3A_316, %dma_wait3A_317] : memref<2x4x80xi32, #tpu.memory_space<vmem>> -> memref<1x4x80xi32, #tpu.memory_space<vmem>>
        %dma_wait3A_319 = tpu.memref_squeeze %dma_wait3A_318 : memref<1x4x80xi32, #tpu.memory_space<vmem>> -> memref<4x80xi32, #tpu.memory_space<vmem>>
        %dma_wait3A_320 = arith.constant 0 : i32
        %dma_wait3A_321 = tpu.memref_slice %arg4[%add3A_303, %dma_wait3A_320] : memref<4096x80xi32, #tpu.memory_space<hbm>> -> memref<4x80xi32, #tpu.memory_space<hbm>>
        %dma_wait3A_322 = arith.constant 0 : i32
        %dma_wait3A_323 = arith.constant 0 : i32
        %dma_wait3A_324 = tpu.memref_slice %arg8[%sub3A_300, %dma_wait3A_322, %dma_wait3A_323] : memref<2x4x80xi32, #tpu.memory_space<vmem>> -> memref<1x4x80xi32, #tpu.memory_space<vmem>>
        %dma_wait3A_325 = tpu.memref_squeeze %dma_wait3A_324 : memref<1x4x80xi32, #tpu.memory_space<vmem>> -> memref<4x80xi32, #tpu.memory_space<vmem>>
        %dma_wait3A_326 = arith.constant 0 : i32
        %dma_wait3A_327 = tpu.memref_slice %arg4[%add3A_303, %dma_wait3A_326] : memref<4096x80xi32, #tpu.memory_space<hbm>> -> memref<4x80xi32, #tpu.memory_space<hbm>>
        tpu.wait_dma2 semaphore(%arg19 : memref<!tpu.dma_semaphore, #tpu.memory_space<semaphore_mem>>) src(%dma_wait3A_327 : memref<4x80xi32, #tpu.memory_space<hbm>>) dst(%dma_wait3A_325 : memref<4x80xi32, #tpu.memory_space<vmem>>)
        %sub3A_328 = arith.constant 1 : i32
        %sub3A_329 = arith.subi %sub3A_328, %select_n3A_113 : i32
        %dma_start3A_330 = arith.constant 0 : i32
        %dma_start3A_331 = arith.constant 0 : i32
        %dma_start3A_332 = arith.constant 0 : i32
        %dma_start3A_333 = arith.constant 0 : i32
        %dma_start3A_334 = tpu.memref_slice %arg9[%dma_start3A_331, %dma_start3A_332, %dma_start3A_333] : memref<4x80x128xf32, #tpu.memory_space<vmem>> -> memref<1x80x128xf32, #tpu.memory_space<vmem>>
        %dma_start3A_335 = tpu.memref_squeeze %dma_start3A_334 : memref<1x80x128xf32, #tpu.memory_space<vmem>> -> memref<80x128xf32, #tpu.memory_space<vmem>>
        %dma_start3A_336 = arith.constant 0 : i32
        %dma_start3A_337 = tpu.memref_slice %arg7[%sub3A_329, %dma_start3A_330, %dma_start3A_336] : memref<2x4x80xi32, #tpu.memory_space<vmem>> -> memref<1x1x80xi32, #tpu.memory_space<vmem>>
        %dma_start3A_338 = tpu.memref_squeeze %dma_start3A_337 : memref<1x1x80xi32, #tpu.memory_space<vmem>> -> memref<80xi32, #tpu.memory_space<vmem>>
        %dma_start3A_339 = arith.constant 0 : i32
        %dma_start3A_340 = arith.constant 0 : i32
        %dma_start3A_341 = tpu.memref_slice %arg2[%dma_start3A_339, %dma_start3A_340] : memref<10000x128xf32, #tpu.memory_space<hbm>> -> memref<10000x128xf32, #tpu.memory_space<hbm>>
        tpu.enqueue_indirect_dma source(%dma_start3A_341 : memref<10000x128xf32, #tpu.memory_space<hbm>>) target(%dma_start3A_335 : memref<80x128xf32, #tpu.memory_space<vmem>>) offsets(%dma_start3A_338 : memref<80xi32, #tpu.memory_space<vmem>>) semaphore(%arg11 : memref<!tpu.dma_semaphore, #tpu.memory_space<semaphore_mem>>)
      } else {
      }
      %dma_wait3A_193 = arith.constant 2 : i32
      %dma_wait3A_194 = arith.constant 2 : i32
      %dma_wait3A_195 = arith.constant 0 : i32
      %dma_wait3A_196 = arith.constant 0 : i32
      %dma_wait3A_197 = tpu.memref_slice %arg9[%dma_wait3A_194, %dma_wait3A_195, %dma_wait3A_196] : memref<4x80x128xf32, #tpu.memory_space<vmem>> -> memref<1x80x128xf32, #tpu.memory_space<vmem>>
      %dma_wait3A_198 = tpu.memref_squeeze %dma_wait3A_197 : memref<1x80x128xf32, #tpu.memory_space<vmem>> -> memref<80x128xf32, #tpu.memory_space<vmem>>
      %dma_wait3A_199 = arith.constant 0 : i32
      %dma_wait3A_200 = tpu.memref_slice %arg7[%select_n3A_113, %dma_wait3A_193, %dma_wait3A_199] : memref<2x4x80xi32, #tpu.memory_space<vmem>> -> memref<1x1x80xi32, #tpu.memory_space<vmem>>
      %dma_wait3A_201 = tpu.memref_squeeze %dma_wait3A_200 : memref<1x1x80xi32, #tpu.memory_space<vmem>> -> memref<80xi32, #tpu.memory_space<vmem>>
      %dma_wait3A_202 = arith.constant 0 : i32
      %dma_wait3A_203 = arith.constant 0 : i32
      %dma_wait3A_204 = tpu.memref_slice %arg2[%dma_wait3A_202, %dma_wait3A_203] : memref<10000x128xf32, #tpu.memory_space<hbm>> -> memref<10000x128xf32, #tpu.memory_space<hbm>>
      tpu.wait_indirect_dma semaphore(%arg13 : memref<!tpu.dma_semaphore, #tpu.memory_space<semaphore_mem>>) src(%dma_wait3A_204 : memref<10000x128xf32, #tpu.memory_space<hbm>>) dst(%dma_wait3A_198 : memref<80x128xf32, #tpu.memory_space<vmem>>)
      %dma_start3A_205 = arith.constant 2 : i32
      %dma_start3A_206 = arith.constant 2 : i32
      %dma_start3A_207 = arith.constant 0 : i32
      %dma_start3A_208 = arith.constant 0 : i32
      %dma_start3A_209 = tpu.memref_slice %arg9[%dma_start3A_205, %dma_start3A_207, %dma_start3A_208] : memref<4x80x128xf32, #tpu.memory_space<vmem>> -> memref<1x80x128xf32, #tpu.memory_space<vmem>>
      %dma_start3A_210 = tpu.memref_squeeze %dma_start3A_209 : memref<1x80x128xf32, #tpu.memory_space<vmem>> -> memref<80x128xf32, #tpu.memory_space<vmem>>
      %dma_start3A_211 = arith.constant 0 : i32
      %dma_start3A_212 = tpu.memref_slice %arg8[%select_n3A_113, %dma_start3A_206, %dma_start3A_211] : memref<2x4x80xi32, #tpu.memory_space<vmem>> -> memref<1x1x80xi32, #tpu.memory_space<vmem>>
      %dma_start3A_213 = tpu.memref_squeeze %dma_start3A_212 : memref<1x1x80xi32, #tpu.memory_space<vmem>> -> memref<80xi32, #tpu.memory_space<vmem>>
      %dma_start3A_214 = arith.constant 0 : i32
      %dma_start3A_215 = arith.constant 0 : i32
      %dma_start3A_216 = tpu.memref_slice %arg10[%dma_start3A_214, %dma_start3A_215] : memref<10016x128xf32, #tpu.memory_space<vmem_shared>> -> memref<10016x128xf32, #tpu.memory_space<vmem_shared>>
      tpu.enqueue_indirect_dma source(%dma_start3A_210 : memref<80x128xf32, #tpu.memory_space<vmem>>) target(%dma_start3A_216 : memref<10016x128xf32, #tpu.memory_space<vmem_shared>>) offsets(%dma_start3A_213 : memref<80xi32, #tpu.memory_space<vmem>>) semaphore(%arg17 : memref<!tpu.dma_semaphore, #tpu.memory_space<semaphore_mem>>) {add = true}
      %dma_wait3A_217 = arith.constant 1 : i32
      %dma_wait3A_218 = arith.constant 1 : i32
      %dma_wait3A_219 = arith.constant 0 : i32
      %dma_wait3A_220 = arith.constant 0 : i32
      %dma_wait3A_221 = tpu.memref_slice %arg9[%dma_wait3A_217, %dma_wait3A_219, %dma_wait3A_220] : memref<4x80x128xf32, #tpu.memory_space<vmem>> -> memref<1x80x128xf32, #tpu.memory_space<vmem>>
      %dma_wait3A_222 = tpu.memref_squeeze %dma_wait3A_221 : memref<1x80x128xf32, #tpu.memory_space<vmem>> -> memref<80x128xf32, #tpu.memory_space<vmem>>
      %dma_wait3A_223 = arith.constant 0 : i32
      %dma_wait3A_224 = tpu.memref_slice %arg8[%select_n3A_113, %dma_wait3A_218, %dma_wait3A_223] : memref<2x4x80xi32, #tpu.memory_space<vmem>> -> memref<1x1x80xi32, #tpu.memory_space<vmem>>
      %dma_wait3A_225 = tpu.memref_squeeze %dma_wait3A_224 : memref<1x1x80xi32, #tpu.memory_space<vmem>> -> memref<80xi32, #tpu.memory_space<vmem>>
      %dma_wait3A_226 = arith.constant 0 : i32
      %dma_wait3A_227 = arith.constant 0 : i32
      %dma_wait3A_228 = tpu.memref_slice %arg10[%dma_wait3A_226, %dma_wait3A_227] : memref<10016x128xf32, #tpu.memory_space<vmem_shared>> -> memref<10016x128xf32, #tpu.memory_space<vmem_shared>>
      tpu.wait_indirect_dma semaphore(%arg16 : memref<!tpu.dma_semaphore, #tpu.memory_space<semaphore_mem>>) src(%dma_wait3A_222 : memref<80x128xf32, #tpu.memory_space<vmem>>) dst(%dma_wait3A_228 : memref<10016x128xf32, #tpu.memory_space<vmem_shared>>)
      %add3A_229 = arith.constant 1 : i32
      %add3A_230 = arith.addi %scan3A_103, %add3A_229 : i32
      %lt3A_231 = arith.constant 32 : i32
      %lt3A_232 = arith.cmpi slt, %add3A_230, %lt3A_231 : i32
      %convert_element_type3A_233 = arith.extui %lt3A_232 : i1 to i32
      %cond3A_234 = arith.constant 0 : i32
      %cond3A_235 = arith.cmpi ne, %convert_element_type3A_233, %cond3A_234 : i32
      scf.if %cond3A_235 {
        %sub3A = arith.constant 1 : i32
        %sub3A_298 = arith.subi %sub3A, %select_n3A_113 : i32
        %dma_start3A_299 = arith.constant 1 : i32
        %dma_start3A_300 = arith.constant 1 : i32
        %dma_start3A_301 = arith.constant 0 : i32
        %dma_start3A_302 = arith.constant 0 : i32
        %dma_start3A_303 = tpu.memref_slice %arg9[%dma_start3A_300, %dma_start3A_301, %dma_start3A_302] : memref<4x80x128xf32, #tpu.memory_space<vmem>> -> memref<1x80x128xf32, #tpu.memory_space<vmem>>
        %dma_start3A_304 = tpu.memref_squeeze %dma_start3A_303 : memref<1x80x128xf32, #tpu.memory_space<vmem>> -> memref<80x128xf32, #tpu.memory_space<vmem>>
        %dma_start3A_305 = arith.constant 0 : i32
        %dma_start3A_306 = tpu.memref_slice %arg7[%sub3A_298, %dma_start3A_299, %dma_start3A_305] : memref<2x4x80xi32, #tpu.memory_space<vmem>> -> memref<1x1x80xi32, #tpu.memory_space<vmem>>
        %dma_start3A_307 = tpu.memref_squeeze %dma_start3A_306 : memref<1x1x80xi32, #tpu.memory_space<vmem>> -> memref<80xi32, #tpu.memory_space<vmem>>
        %dma_start3A_308 = arith.constant 0 : i32
        %dma_start3A_309 = arith.constant 0 : i32
        %dma_start3A_310 = tpu.memref_slice %arg2[%dma_start3A_308, %dma_start3A_309] : memref<10000x128xf32, #tpu.memory_space<hbm>> -> memref<10000x128xf32, #tpu.memory_space<hbm>>
        tpu.enqueue_indirect_dma source(%dma_start3A_310 : memref<10000x128xf32, #tpu.memory_space<hbm>>) target(%dma_start3A_304 : memref<80x128xf32, #tpu.memory_space<vmem>>) offsets(%dma_start3A_307 : memref<80xi32, #tpu.memory_space<vmem>>) semaphore(%arg12 : memref<!tpu.dma_semaphore, #tpu.memory_space<semaphore_mem>>)
      } else {
      }
      %dma_wait3A_236 = arith.constant 3 : i32
      %dma_wait3A_237 = arith.constant 3 : i32
      %dma_wait3A_238 = arith.constant 0 : i32
      %dma_wait3A_239 = arith.constant 0 : i32
      %dma_wait3A_240 = tpu.memref_slice %arg9[%dma_wait3A_237, %dma_wait3A_238, %dma_wait3A_239] : memref<4x80x128xf32, #tpu.memory_space<vmem>> -> memref<1x80x128xf32, #tpu.memory_space<vmem>>
      %dma_wait3A_241 = tpu.memref_squeeze %dma_wait3A_240 : memref<1x80x128xf32, #tpu.memory_space<vmem>> -> memref<80x128xf32, #tpu.memory_space<vmem>>
      %dma_wait3A_242 = arith.constant 0 : i32
      %dma_wait3A_243 = tpu.memref_slice %arg7[%select_n3A_113, %dma_wait3A_236, %dma_wait3A_242] : memref<2x4x80xi32, #tpu.memory_space<vmem>> -> memref<1x1x80xi32, #tpu.memory_space<vmem>>
      %dma_wait3A_244 = tpu.memref_squeeze %dma_wait3A_243 : memref<1x1x80xi32, #tpu.memory_space<vmem>> -> memref<80xi32, #tpu.memory_space<vmem>>
      %dma_wait3A_245 = arith.constant 0 : i32
      %dma_wait3A_246 = arith.constant 0 : i32
      %dma_wait3A_247 = tpu.memref_slice %arg2[%dma_wait3A_245, %dma_wait3A_246] : memref<10000x128xf32, #tpu.memory_space<hbm>> -> memref<10000x128xf32, #tpu.memory_space<hbm>>
      tpu.wait_indirect_dma semaphore(%arg14 : memref<!tpu.dma_semaphore, #tpu.memory_space<semaphore_mem>>) src(%dma_wait3A_247 : memref<10000x128xf32, #tpu.memory_space<hbm>>) dst(%dma_wait3A_241 : memref<80x128xf32, #tpu.memory_space<vmem>>)
      %dma_start3A_248 = arith.constant 3 : i32
      %dma_start3A_249 = arith.constant 3 : i32
      %dma_start3A_250 = arith.constant 0 : i32
      %dma_start3A_251 = arith.constant 0 : i32
      %dma_start3A_252 = tpu.memref_slice %arg9[%dma_start3A_248, %dma_start3A_250, %dma_start3A_251] : memref<4x80x128xf32, #tpu.memory_space<vmem>> -> memref<1x80x128xf32, #tpu.memory_space<vmem>>
      %dma_start3A_253 = tpu.memref_squeeze %dma_start3A_252 : memref<1x80x128xf32, #tpu.memory_space<vmem>> -> memref<80x128xf32, #tpu.memory_space<vmem>>
      %dma_start3A_254 = arith.constant 0 : i32
      %dma_start3A_255 = tpu.memref_slice %arg8[%select_n3A_113, %dma_start3A_249, %dma_start3A_254] : memref<2x4x80xi32, #tpu.memory_space<vmem>> -> memref<1x1x80xi32, #tpu.memory_space<vmem>>
      %dma_start3A_256 = tpu.memref_squeeze %dma_start3A_255 : memref<1x1x80xi32, #tpu.memory_space<vmem>> -> memref<80xi32, #tpu.memory_space<vmem>>
      %dma_start3A_257 = arith.constant 0 : i32
      %dma_start3A_258 = arith.constant 0 : i32
      %dma_start3A_259 = tpu.memref_slice %arg10[%dma_start3A_257, %dma_start3A_258] : memref<10016x128xf32, #tpu.memory_space<vmem_shared>> -> memref<10016x128xf32, #tpu.memory_space<vmem_shared>>
      tpu.enqueue_indirect_dma source(%dma_start3A_253 : memref<80x128xf32, #tpu.memory_space<vmem>>) target(%dma_start3A_259 : memref<10016x128xf32, #tpu.memory_space<vmem_shared>>) offsets(%dma_start3A_256 : memref<80xi32, #tpu.memory_space<vmem>>) semaphore(%arg18 : memref<!tpu.dma_semaphore, #tpu.memory_space<semaphore_mem>>) {add = true}
      %dma_wait3A_260 = arith.constant 2 : i32
      %dma_wait3A_261 = arith.constant 2 : i32
      %dma_wait3A_262 = arith.constant 0 : i32
      %dma_wait3A_263 = arith.constant 0 : i32
      %dma_wait3A_264 = tpu.memref_slice %arg9[%dma_wait3A_260, %dma_wait3A_262, %dma_wait3A_263] : memref<4x80x128xf32, #tpu.memory_space<vmem>> -> memref<1x80x128xf32, #tpu.memory_space<vmem>>
      %dma_wait3A_265 = tpu.memref_squeeze %dma_wait3A_264 : memref<1x80x128xf32, #tpu.memory_space<vmem>> -> memref<80x128xf32, #tpu.memory_space<vmem>>
      %dma_wait3A_266 = arith.constant 0 : i32
      %dma_wait3A_267 = tpu.memref_slice %arg8[%select_n3A_113, %dma_wait3A_261, %dma_wait3A_266] : memref<2x4x80xi32, #tpu.memory_space<vmem>> -> memref<1x1x80xi32, #tpu.memory_space<vmem>>
      %dma_wait3A_268 = tpu.memref_squeeze %dma_wait3A_267 : memref<1x1x80xi32, #tpu.memory_space<vmem>> -> memref<80xi32, #tpu.memory_space<vmem>>
      %dma_wait3A_269 = arith.constant 0 : i32
      %dma_wait3A_270 = arith.constant 0 : i32
      %dma_wait3A_271 = tpu.memref_slice %arg10[%dma_wait3A_269, %dma_wait3A_270] : memref<10016x128xf32, #tpu.memory_space<vmem_shared>> -> memref<10016x128xf32, #tpu.memory_space<vmem_shared>>
      tpu.wait_indirect_dma semaphore(%arg17 : memref<!tpu.dma_semaphore, #tpu.memory_space<semaphore_mem>>) src(%dma_wait3A_265 : memref<80x128xf32, #tpu.memory_space<vmem>>) dst(%dma_wait3A_271 : memref<10016x128xf32, #tpu.memory_space<vmem_shared>>)
      %add3A_272 = arith.constant 1 : i32
      %add3A_273 = arith.addi %scan3A_103, %add3A_272 : i32
      %lt3A_274 = arith.constant 32 : i32
      %lt3A_275 = arith.cmpi slt, %add3A_273, %lt3A_274 : i32
      %convert_element_type3A_276 = arith.extui %lt3A_275 : i1 to i32
      %cond3A_277 = arith.constant 0 : i32
      %cond3A_278 = arith.cmpi ne, %convert_element_type3A_276, %cond3A_277 : i32
      scf.if %cond3A_278 {
        %sub3A = arith.constant 1 : i32
        %sub3A_298 = arith.subi %sub3A, %select_n3A_113 : i32
        %dma_start3A_299 = arith.constant 2 : i32
        %dma_start3A_300 = arith.constant 2 : i32
        %dma_start3A_301 = arith.constant 0 : i32
        %dma_start3A_302 = arith.constant 0 : i32
        %dma_start3A_303 = tpu.memref_slice %arg9[%dma_start3A_300, %dma_start3A_301, %dma_start3A_302] : memref<4x80x128xf32, #tpu.memory_space<vmem>> -> memref<1x80x128xf32, #tpu.memory_space<vmem>>
        %dma_start3A_304 = tpu.memref_squeeze %dma_start3A_303 : memref<1x80x128xf32, #tpu.memory_space<vmem>> -> memref<80x128xf32, #tpu.memory_space<vmem>>
        %dma_start3A_305 = arith.constant 0 : i32
        %dma_start3A_306 = tpu.memref_slice %arg7[%sub3A_298, %dma_start3A_299, %dma_start3A_305] : memref<2x4x80xi32, #tpu.memory_space<vmem>> -> memref<1x1x80xi32, #tpu.memory_space<vmem>>
        %dma_start3A_307 = tpu.memref_squeeze %dma_start3A_306 : memref<1x1x80xi32, #tpu.memory_space<vmem>> -> memref<80xi32, #tpu.memory_space<vmem>>
        %dma_start3A_308 = arith.constant 0 : i32
        %dma_start3A_309 = arith.constant 0 : i32
        %dma_start3A_310 = tpu.memref_slice %arg2[%dma_start3A_308, %dma_start3A_309] : memref<10000x128xf32, #tpu.memory_space<hbm>> -> memref<10000x128xf32, #tpu.memory_space<hbm>>
        tpu.enqueue_indirect_dma source(%dma_start3A_310 : memref<10000x128xf32, #tpu.memory_space<hbm>>) target(%dma_start3A_304 : memref<80x128xf32, #tpu.memory_space<vmem>>) offsets(%dma_start3A_307 : memref<80xi32, #tpu.memory_space<vmem>>) semaphore(%arg13 : memref<!tpu.dma_semaphore, #tpu.memory_space<semaphore_mem>>)
      } else {
      }
      %dma_wait3A_279 = arith.constant 3 : i32
      %dma_wait3A_280 = arith.constant 3 : i32
      %dma_wait3A_281 = arith.constant 0 : i32
      %dma_wait3A_282 = arith.constant 0 : i32
      %dma_wait3A_283 = tpu.memref_slice %arg9[%dma_wait3A_279, %dma_wait3A_281, %dma_wait3A_282] : memref<4x80x128xf32, #tpu.memory_space<vmem>> -> memref<1x80x128xf32, #tpu.memory_space<vmem>>
      %dma_wait3A_284 = tpu.memref_squeeze %dma_wait3A_283 : memref<1x80x128xf32, #tpu.memory_space<vmem>> -> memref<80x128xf32, #tpu.memory_space<vmem>>
      %dma_wait3A_285 = arith.constant 0 : i32
      %dma_wait3A_286 = tpu.memref_slice %arg8[%select_n3A_113, %dma_wait3A_280, %dma_wait3A_285] : memref<2x4x80xi32, #tpu.memory_space<vmem>> -> memref<1x1x80xi32, #tpu.memory_space<vmem>>
      %dma_wait3A_287 = tpu.memref_squeeze %dma_wait3A_286 : memref<1x1x80xi32, #tpu.memory_space<vmem>> -> memref<80xi32, #tpu.memory_space<vmem>>
      %dma_wait3A_288 = arith.constant 0 : i32
      %dma_wait3A_289 = arith.constant 0 : i32
      %dma_wait3A_290 = tpu.memref_slice %arg10[%dma_wait3A_288, %dma_wait3A_289] : memref<10016x128xf32, #tpu.memory_space<vmem_shared>> -> memref<10016x128xf32, #tpu.memory_space<vmem_shared>>
      tpu.wait_indirect_dma semaphore(%arg18 : memref<!tpu.dma_semaphore, #tpu.memory_space<semaphore_mem>>) src(%dma_wait3A_284 : memref<80x128xf32, #tpu.memory_space<vmem>>) dst(%dma_wait3A_290 : memref<10016x128xf32, #tpu.memory_space<vmem_shared>>)
      %add3A_291 = arith.constant 2 : i32
      %add3A_292 = arith.addi %scan3A_103, %add3A_291 : i32
      %lt3A_293 = arith.constant 32 : i32
      %lt3A_294 = arith.cmpi slt, %add3A_292, %lt3A_293 : i32
      %convert_element_type3A_295 = arith.extui %lt3A_294 : i1 to i32
      %cond3A_296 = arith.constant 0 : i32
      %cond3A_297 = arith.cmpi ne, %convert_element_type3A_295, %cond3A_296 : i32
      scf.if %cond3A_297 {
        %add3A_298 = arith.constant 2 : i32
        %add3A_299 = arith.addi %scan3A_103, %add3A_298 : i32
        %mul3A_300 = arith.constant 4 : i32
        %mul3A_301 = arith.muli %add3A_299, %mul3A_300 : i32
        %add3A_302 = arith.addi %mul3A_2, %mul3A_301 : i32
        %dma_start3A_303 = arith.constant 0 : i32
        %dma_start3A_304 = arith.constant 0 : i32
        %dma_start3A_305 = tpu.memref_slice %arg7[%select_n3A_113, %dma_start3A_303, %dma_start3A_304] : memref<2x4x80xi32, #tpu.memory_space<vmem>> -> memref<1x4x80xi32, #tpu.memory_space<vmem>>
        %dma_start3A_306 = tpu.memref_squeeze %dma_start3A_305 : memref<1x4x80xi32, #tpu.memory_space<vmem>> -> memref<4x80xi32, #tpu.memory_space<vmem>>
        %dma_start3A_307 = arith.constant 0 : i32
        %dma_start3A_308 = tpu.memref_slice %arg3[%add3A_302, %dma_start3A_307] : memref<4096x80xi32, #tpu.memory_space<hbm>> -> memref<4x80xi32, #tpu.memory_space<hbm>>
        %dma_start3A_309 = arith.constant 0 : i32
        %dma_start3A_310 = arith.constant 0 : i32
        %dma_start3A_311 = tpu.memref_slice %arg7[%select_n3A_113, %dma_start3A_309, %dma_start3A_310] : memref<2x4x80xi32, #tpu.memory_space<vmem>> -> memref<1x4x80xi32, #tpu.memory_space<vmem>>
        %dma_start3A_312 = tpu.memref_squeeze %dma_start3A_311 : memref<1x4x80xi32, #tpu.memory_space<vmem>> -> memref<4x80xi32, #tpu.memory_space<vmem>>
        %dma_start3A_313 = arith.constant 0 : i32
        %dma_start3A_314 = tpu.memref_slice %arg3[%add3A_302, %dma_start3A_313] : memref<4096x80xi32, #tpu.memory_space<hbm>> -> memref<4x80xi32, #tpu.memory_space<hbm>>
        tpu.enqueue_dma source(%dma_start3A_314 : memref<4x80xi32, #tpu.memory_space<hbm>>) target(%dma_start3A_312 : memref<4x80xi32, #tpu.memory_space<vmem>>) target_semaphore(%arg19 : memref<!tpu.dma_semaphore, #tpu.memory_space<semaphore_mem>>)
        %dma_start3A_315 = arith.constant 0 : i32
        %dma_start3A_316 = arith.constant 0 : i32
        %dma_start3A_317 = tpu.memref_slice %arg8[%select_n3A_113, %dma_start3A_315, %dma_start3A_316] : memref<2x4x80xi32, #tpu.memory_space<vmem>> -> memref<1x4x80xi32, #tpu.memory_space<vmem>>
        %dma_start3A_318 = tpu.memref_squeeze %dma_start3A_317 : memref<1x4x80xi32, #tpu.memory_space<vmem>> -> memref<4x80xi32, #tpu.memory_space<vmem>>
        %dma_start3A_319 = arith.constant 0 : i32
        %dma_start3A_320 = tpu.memref_slice %arg4[%add3A_302, %dma_start3A_319] : memref<4096x80xi32, #tpu.memory_space<hbm>> -> memref<4x80xi32, #tpu.memory_space<hbm>>
        %dma_start3A_321 = arith.constant 0 : i32
        %dma_start3A_322 = arith.constant 0 : i32
        %dma_start3A_323 = tpu.memref_slice %arg8[%select_n3A_113, %dma_start3A_321, %dma_start3A_322] : memref<2x4x80xi32, #tpu.memory_space<vmem>> -> memref<1x4x80xi32, #tpu.memory_space<vmem>>
        %dma_start3A_324 = tpu.memref_squeeze %dma_start3A_323 : memref<1x4x80xi32, #tpu.memory_space<vmem>> -> memref<4x80xi32, #tpu.memory_space<vmem>>
        %dma_start3A_325 = arith.constant 0 : i32
        %dma_start3A_326 = tpu.memref_slice %arg4[%add3A_302, %dma_start3A_325] : memref<4096x80xi32, #tpu.memory_space<hbm>> -> memref<4x80xi32, #tpu.memory_space<hbm>>
        tpu.enqueue_dma source(%dma_start3A_326 : memref<4x80xi32, #tpu.memory_space<hbm>>) target(%dma_start3A_324 : memref<4x80xi32, #tpu.memory_space<vmem>>) target_semaphore(%arg19 : memref<!tpu.dma_semaphore, #tpu.memory_space<semaphore_mem>>)
      } else {
      }
    }
    %scan3A_92 = arith.constant 32 : i32
    %barrier3A_93 = arith.constant 0 : index
    tpu.barrier barrier_id(%barrier3A_93)
    %mul3A_94 = arith.constant 624 : i32
    %mul3A_95 = arith.muli %arg1, %mul3A_94 : i32
    %mul3A_96 = arith.constant 624 : i32
    %mul3A_97 = arith.muli %arg1, %mul3A_96 : i32
    "tpu.region"() ({
      %run_scoped3A_103 = tpu.sem_alloc : memref<!tpu.dma_semaphore, #tpu.memory_space<semaphore_mem>>
      %dma_start3A_104 = arith.constant 0 : i32
      %dma_start3A_105 = tpu.memref_slice %arg6[%arg0, %mul3A_97, %dma_start3A_104] : memref<2x10000x128xf32, #tpu.memory_space<hbm>> -> memref<1x624x128xf32, #tpu.memory_space<hbm>>
      %dma_start3A_106 = tpu.memref_squeeze %dma_start3A_105 : memref<1x624x128xf32, #tpu.memory_space<hbm>> -> memref<624x128xf32, #tpu.memory_space<hbm>>
      %dma_start3A_107 = arith.constant 0 : i32
      %dma_start3A_108 = tpu.memref_slice %arg10[%mul3A_95, %dma_start3A_107] : memref<10016x128xf32, #tpu.memory_space<vmem_shared>> -> memref<624x128xf32, #tpu.memory_space<vmem_shared>>
      tpu.enqueue_dma source(%dma_start3A_108 : memref<624x128xf32, #tpu.memory_space<vmem_shared>>) target(%dma_start3A_106 : memref<624x128xf32, #tpu.memory_space<hbm>>) target_semaphore(%run_scoped3A_103 : memref<!tpu.dma_semaphore, #tpu.memory_space<semaphore_mem>>)
      %dma_wait3A_109 = arith.constant 0 : i32
      %dma_wait3A_110 = tpu.memref_slice %arg6[%arg0, %mul3A_97, %dma_wait3A_109] : memref<2x10000x128xf32, #tpu.memory_space<hbm>> -> memref<1x624x128xf32, #tpu.memory_space<hbm>>
      %dma_wait3A_111 = tpu.memref_squeeze %dma_wait3A_110 : memref<1x624x128xf32, #tpu.memory_space<hbm>> -> memref<624x128xf32, #tpu.memory_space<hbm>>
      %dma_wait3A_112 = arith.constant 0 : i32
      %dma_wait3A_113 = tpu.memref_slice %arg10[%mul3A_95, %dma_wait3A_112] : memref<10016x128xf32, #tpu.memory_space<vmem_shared>> -> memref<624x128xf32, #tpu.memory_space<vmem_shared>>
      tpu.wait_dma2 semaphore(%run_scoped3A_103 : memref<!tpu.dma_semaphore, #tpu.memory_space<semaphore_mem>>) src(%dma_wait3A_113 : memref<624x128xf32, #tpu.memory_space<vmem_shared>>) dst(%dma_wait3A_111 : memref<624x128xf32, #tpu.memory_space<hbm>>)
      tpu.yield
    }) : () -> ()
    %eq3A_98 = arith.constant 0 : i32
    %eq3A_99 = arith.cmpi eq, %arg1, %eq3A_98 : i32
    %convert_element_type3A_100 = arith.extui %eq3A_99 : i1 to i32
    %cond3A_101 = arith.constant 0 : i32
    %cond3A_102 = arith.cmpi ne, %convert_element_type3A_100, %cond3A_101 : i32
    scf.if %cond3A_102 {
      "tpu.region"() ({
        %run_scoped3A_103 = tpu.sem_alloc : memref<!tpu.dma_semaphore, #tpu.memory_space<semaphore_mem>>
        %dma_start3A_104 = arith.constant 9984 : i32
        %dma_start3A_105 = arith.constant 0 : i32
        %dma_start3A_106 = tpu.memref_slice %arg6[%arg0, %dma_start3A_104, %dma_start3A_105] : memref<2x10000x128xf32, #tpu.memory_space<hbm>> -> memref<1x16x128xf32, #tpu.memory_space<hbm>>
        %dma_start3A_107 = tpu.memref_squeeze %dma_start3A_106 : memref<1x16x128xf32, #tpu.memory_space<hbm>> -> memref<16x128xf32, #tpu.memory_space<hbm>>
        %dma_start3A_108 = arith.constant 9984 : i32
        %dma_start3A_109 = arith.constant 0 : i32
        %dma_start3A_110 = tpu.memref_slice %arg10[%dma_start3A_108, %dma_start3A_109] : memref<10016x128xf32, #tpu.memory_space<vmem_shared>> -> memref<16x128xf32, #tpu.memory_space<vmem_shared>>
        tpu.enqueue_dma source(%dma_start3A_110 : memref<16x128xf32, #tpu.memory_space<vmem_shared>>) target(%dma_start3A_107 : memref<16x128xf32, #tpu.memory_space<hbm>>) target_semaphore(%run_scoped3A_103 : memref<!tpu.dma_semaphore, #tpu.memory_space<semaphore_mem>>)
        %dma_wait3A_111 = arith.constant 9984 : i32
        %dma_wait3A_112 = arith.constant 0 : i32
        %dma_wait3A_113 = tpu.memref_slice %arg6[%arg0, %dma_wait3A_111, %dma_wait3A_112] : memref<2x10000x128xf32, #tpu.memory_space<hbm>> -> memref<1x16x128xf32, #tpu.memory_space<hbm>>
        %dma_wait3A_114 = tpu.memref_squeeze %dma_wait3A_113 : memref<1x16x128xf32, #tpu.memory_space<hbm>> -> memref<16x128xf32, #tpu.memory_space<hbm>>
        %dma_wait3A_115 = arith.constant 9984 : i32
        %dma_wait3A_116 = arith.constant 0 : i32
        %dma_wait3A_117 = tpu.memref_slice %arg10[%dma_wait3A_115, %dma_wait3A_116] : memref<10016x128xf32, #tpu.memory_space<vmem_shared>> -> memref<16x128xf32, #tpu.memory_space<vmem_shared>>
        tpu.wait_dma2 semaphore(%run_scoped3A_103 : memref<!tpu.dma_semaphore, #tpu.memory_space<semaphore_mem>>) src(%dma_wait3A_117 : memref<16x128xf32, #tpu.memory_space<vmem_shared>>) dst(%dma_wait3A_114 : memref<16x128xf32, #tpu.memory_space<hbm>>)
        tpu.yield
      }) : () -> ()
    } else {
    }
    return
  }
}

#map = affine_map<(d0, d1) -> (0, 0)>
#map1 = affine_map<(d0, d1) -> (0, 0, 0)>
module attributes {stable_mosaic.version = 14 : i64} {
  func.func @body(%arg0: i32, %arg1: i32, %arg2: memref<80x128xf32, #tpu.memory_space<hbm>>, %arg3: memref<4096x80xi32, #tpu.memory_space<hbm>>, %arg4: memref<10016x128xf32, #tpu.memory_space<hbm>>, %arg5: memref<2x10000x128xf32, #tpu.memory_space<hbm>>, %arg6: memref<2x8x80xi32, #tpu.memory_space<vmem>>, %arg7: memref<80x128xf32, #tpu.memory_space<vmem>>, %arg8: memref<10016x128xf32, #tpu.memory_space<vmem_shared>>, %arg9: memref<!tpu.dma_semaphore, #tpu.memory_space<semaphore_mem>>, %arg10: memref<!tpu.dma_semaphore, #tpu.memory_space<semaphore_mem>>, %arg11: memref<!tpu.dma_semaphore, #tpu.memory_space<semaphore_mem>>, %arg12: memref<!tpu.dma_semaphore, #tpu.memory_space<semaphore_mem>>, %arg13: memref<!tpu.dma_semaphore, #tpu.memory_space<semaphore_mem>>, %arg14: memref<!tpu.dma_semaphore, #tpu.memory_space<semaphore_mem>>) attributes {dimension_semantics = [#tpu.dimension_semantics<core_parallel>, #tpu.dimension_semantics<subcore_parallel>], iteration_bounds = array<i64: 2, 16>, scalar_prefetch = 0 : i64, scratch_operands = 9 : i64, tpu.core_type = #tpu.core_type<sc_vector_subcore>, window_params = [{transform_indices = #map}, {transform_indices = #map}, {transform_indices = #map}, {transform_indices = #map1}]} {
    %mul3A = arith.constant 16 : i32
    %mul3A_0 = arith.muli %arg0, %mul3A : i32
    %add3A = arith.addi %mul3A_0, %arg1 : i32
    %mul3A_1 = arith.constant 128 : i32
    %mul3A_2 = arith.muli %add3A, %mul3A_1 : i32
    %mul3A_3 = arith.constant 624 : i32
    %mul3A_4 = arith.muli %arg1, %mul3A_3 : i32
    %mul3A_5 = arith.constant 624 : i32
    %mul3A_6 = arith.muli %arg1, %mul3A_5 : i32
    %dma_start3A = arith.constant 0 : i32
    %dma_start3A_7 = tpu.memref_slice %arg8[%mul3A_6, %dma_start3A] : memref<10016x128xf32, #tpu.memory_space<vmem_shared>> -> memref<624x128xf32, #tpu.memory_space<vmem_shared>>
    %dma_start3A_8 = arith.constant 0 : i32
    %dma_start3A_9 = tpu.memref_slice %arg4[%mul3A_4, %dma_start3A_8] : memref<10016x128xf32, #tpu.memory_space<hbm>> -> memref<624x128xf32, #tpu.memory_space<hbm>>
    tpu.enqueue_dma source(%dma_start3A_9 : memref<624x128xf32, #tpu.memory_space<hbm>>) target(%dma_start3A_7 : memref<624x128xf32, #tpu.memory_space<vmem_shared>>) target_semaphore(%arg14 : memref<!tpu.dma_semaphore, #tpu.memory_space<semaphore_mem>>)
    %eq3A = arith.constant 0 : i32
    %eq3A_10 = arith.cmpi eq, %arg1, %eq3A : i32
    %convert_element_type3A = arith.extui %eq3A_10 : i1 to i32
    %cond3A = arith.constant 0 : i32
    %cond3A_11 = arith.cmpi ne, %convert_element_type3A, %cond3A : i32
    scf.if %cond3A_11 {
      %dma_start3A_50 = arith.constant 9984 : i32
      %dma_start3A_51 = arith.constant 0 : i32
      %dma_start3A_52 = tpu.memref_slice %arg8[%dma_start3A_50, %dma_start3A_51] : memref<10016x128xf32, #tpu.memory_space<vmem_shared>> -> memref<32x128xf32, #tpu.memory_space<vmem_shared>>
      %dma_start3A_53 = arith.constant 9984 : i32
      %dma_start3A_54 = arith.constant 0 : i32
      %dma_start3A_55 = tpu.memref_slice %arg4[%dma_start3A_53, %dma_start3A_54] : memref<10016x128xf32, #tpu.memory_space<hbm>> -> memref<32x128xf32, #tpu.memory_space<hbm>>
      tpu.enqueue_dma source(%dma_start3A_55 : memref<32x128xf32, #tpu.memory_space<hbm>>) target(%dma_start3A_52 : memref<32x128xf32, #tpu.memory_space<vmem_shared>>) target_semaphore(%arg14 : memref<!tpu.dma_semaphore, #tpu.memory_space<semaphore_mem>>)
    } else {
    }
    %run_scoped3A = arith.constant 0 : i32
    "tpu.region"() ({
      %run_scoped3A_50 = tpu.sem_alloc : memref<!tpu.dma_semaphore, #tpu.memory_space<semaphore_mem>>
      %dma_start3A_51 = arith.constant 0 : i32
      %dma_start3A_52 = arith.constant 0 : i32
      %dma_start3A_53 = tpu.memref_slice %arg6[%run_scoped3A, %dma_start3A_51, %dma_start3A_52] : memref<2x8x80xi32, #tpu.memory_space<vmem>> -> memref<1x8x80xi32, #tpu.memory_space<vmem>>
      %dma_start3A_54 = tpu.memref_squeeze %dma_start3A_53 : memref<1x8x80xi32, #tpu.memory_space<vmem>> -> memref<8x80xi32, #tpu.memory_space<vmem>>
      %dma_start3A_55 = arith.constant 0 : i32
      %dma_start3A_56 = tpu.memref_slice %arg3[%mul3A_2, %dma_start3A_55] : memref<4096x80xi32, #tpu.memory_space<hbm>> -> memref<8x80xi32, #tpu.memory_space<hbm>>
      %dma_start3A_57 = arith.constant 0 : i32
      %dma_start3A_58 = arith.constant 0 : i32
      %dma_start3A_59 = tpu.memref_slice %arg6[%run_scoped3A, %dma_start3A_57, %dma_start3A_58] : memref<2x8x80xi32, #tpu.memory_space<vmem>> -> memref<1x8x80xi32, #tpu.memory_space<vmem>>
      %dma_start3A_60 = tpu.memref_squeeze %dma_start3A_59 : memref<1x8x80xi32, #tpu.memory_space<vmem>> -> memref<8x80xi32, #tpu.memory_space<vmem>>
      %dma_start3A_61 = arith.constant 0 : i32
      %dma_start3A_62 = tpu.memref_slice %arg3[%mul3A_2, %dma_start3A_61] : memref<4096x80xi32, #tpu.memory_space<hbm>> -> memref<8x80xi32, #tpu.memory_space<hbm>>
      tpu.enqueue_dma source(%dma_start3A_62 : memref<8x80xi32, #tpu.memory_space<hbm>>) target(%dma_start3A_60 : memref<8x80xi32, #tpu.memory_space<vmem>>) target_semaphore(%run_scoped3A_50 : memref<!tpu.dma_semaphore, #tpu.memory_space<semaphore_mem>>)
      %dma_wait3A_63 = arith.constant 0 : i32
      %dma_wait3A_64 = arith.constant 0 : i32
      %dma_wait3A_65 = tpu.memref_slice %arg6[%run_scoped3A, %dma_wait3A_63, %dma_wait3A_64] : memref<2x8x80xi32, #tpu.memory_space<vmem>> -> memref<1x8x80xi32, #tpu.memory_space<vmem>>
      %dma_wait3A_66 = tpu.memref_squeeze %dma_wait3A_65 : memref<1x8x80xi32, #tpu.memory_space<vmem>> -> memref<8x80xi32, #tpu.memory_space<vmem>>
      %dma_wait3A_67 = arith.constant 0 : i32
      %dma_wait3A_68 = tpu.memref_slice %arg3[%mul3A_2, %dma_wait3A_67] : memref<4096x80xi32, #tpu.memory_space<hbm>> -> memref<8x80xi32, #tpu.memory_space<hbm>>
      %dma_wait3A_69 = arith.constant 0 : i32
      %dma_wait3A_70 = arith.constant 0 : i32
      %dma_wait3A_71 = tpu.memref_slice %arg6[%run_scoped3A, %dma_wait3A_69, %dma_wait3A_70] : memref<2x8x80xi32, #tpu.memory_space<vmem>> -> memref<1x8x80xi32, #tpu.memory_space<vmem>>
      %dma_wait3A_72 = tpu.memref_squeeze %dma_wait3A_71 : memref<1x8x80xi32, #tpu.memory_space<vmem>> -> memref<8x80xi32, #tpu.memory_space<vmem>>
      %dma_wait3A_73 = arith.constant 0 : i32
      %dma_wait3A_74 = tpu.memref_slice %arg3[%mul3A_2, %dma_wait3A_73] : memref<4096x80xi32, #tpu.memory_space<hbm>> -> memref<8x80xi32, #tpu.memory_space<hbm>>
      tpu.wait_dma2 semaphore(%run_scoped3A_50 : memref<!tpu.dma_semaphore, #tpu.memory_space<semaphore_mem>>) src(%dma_wait3A_74 : memref<8x80xi32, #tpu.memory_space<hbm>>) dst(%dma_wait3A_72 : memref<8x80xi32, #tpu.memory_space<vmem>>)
      tpu.yield
    }) : () -> ()
    %add3A_12 = arith.constant 8 : i32
    %add3A_13 = arith.addi %mul3A_2, %add3A_12 : i32
    %dma_start3A_14 = arith.constant 1 : i32
    %dma_start3A_15 = arith.constant 0 : i32
    %dma_start3A_16 = arith.constant 0 : i32
    %dma_start3A_17 = tpu.memref_slice %arg6[%dma_start3A_14, %dma_start3A_15, %dma_start3A_16] : memref<2x8x80xi32, #tpu.memory_space<vmem>> -> memref<1x8x80xi32, #tpu.memory_space<vmem>>
    %dma_start3A_18 = tpu.memref_squeeze %dma_start3A_17 : memref<1x8x80xi32, #tpu.memory_space<vmem>> -> memref<8x80xi32, #tpu.memory_space<vmem>>
    %dma_start3A_19 = arith.constant 0 : i32
    %dma_start3A_20 = tpu.memref_slice %arg3[%add3A_13, %dma_start3A_19] : memref<4096x80xi32, #tpu.memory_space<hbm>> -> memref<8x80xi32, #tpu.memory_space<hbm>>
    %dma_start3A_21 = arith.constant 0 : i32
    %dma_start3A_22 = arith.constant 0 : i32
    %dma_start3A_23 = tpu.memref_slice %arg6[%dma_start3A_14, %dma_start3A_21, %dma_start3A_22] : memref<2x8x80xi32, #tpu.memory_space<vmem>> -> memref<1x8x80xi32, #tpu.memory_space<vmem>>
    %dma_start3A_24 = tpu.memref_squeeze %dma_start3A_23 : memref<1x8x80xi32, #tpu.memory_space<vmem>> -> memref<8x80xi32, #tpu.memory_space<vmem>>
    %dma_start3A_25 = arith.constant 0 : i32
    %dma_start3A_26 = tpu.memref_slice %arg3[%add3A_13, %dma_start3A_25] : memref<4096x80xi32, #tpu.memory_space<hbm>> -> memref<8x80xi32, #tpu.memory_space<hbm>>
    tpu.enqueue_dma source(%dma_start3A_26 : memref<8x80xi32, #tpu.memory_space<hbm>>) target(%dma_start3A_24 : memref<8x80xi32, #tpu.memory_space<vmem>>) target_semaphore(%arg13 : memref<!tpu.dma_semaphore, #tpu.memory_space<semaphore_mem>>)
    "tpu.region"() ({
      %run_scoped3A_50 = tpu.sem_alloc : memref<!tpu.dma_semaphore, #tpu.memory_space<semaphore_mem>>
      tpu.enqueue_dma source(%arg2 : memref<80x128xf32, #tpu.memory_space<hbm>>) target(%arg7 : memref<80x128xf32, #tpu.memory_space<vmem>>) target_semaphore(%run_scoped3A_50 : memref<!tpu.dma_semaphore, #tpu.memory_space<semaphore_mem>>)
      tpu.wait_dma2 semaphore(%run_scoped3A_50 : memref<!tpu.dma_semaphore, #tpu.memory_space<semaphore_mem>>) src(%arg2 : memref<80x128xf32, #tpu.memory_space<hbm>>) dst(%arg7 : memref<80x128xf32, #tpu.memory_space<vmem>>)
      tpu.yield
    }) : () -> ()
    %dma_wait3A = arith.constant 0 : i32
    %dma_wait3A_27 = tpu.memref_slice %arg8[%mul3A_6, %dma_wait3A] : memref<10016x128xf32, #tpu.memory_space<vmem_shared>> -> memref<624x128xf32, #tpu.memory_space<vmem_shared>>
    %dma_wait3A_28 = arith.constant 0 : i32
    %dma_wait3A_29 = tpu.memref_slice %arg4[%mul3A_4, %dma_wait3A_28] : memref<10016x128xf32, #tpu.memory_space<hbm>> -> memref<624x128xf32, #tpu.memory_space<hbm>>
    tpu.wait_dma2 semaphore(%arg14 : memref<!tpu.dma_semaphore, #tpu.memory_space<semaphore_mem>>) src(%dma_wait3A_29 : memref<624x128xf32, #tpu.memory_space<hbm>>) dst(%dma_wait3A_27 : memref<624x128xf32, #tpu.memory_space<vmem_shared>>)
    %eq3A_30 = arith.constant 0 : i32
    %eq3A_31 = arith.cmpi eq, %arg1, %eq3A_30 : i32
    %convert_element_type3A_32 = arith.extui %eq3A_31 : i1 to i32
    %cond3A_33 = arith.constant 0 : i32
    %cond3A_34 = arith.cmpi ne, %convert_element_type3A_32, %cond3A_33 : i32
    scf.if %cond3A_34 {
      %dma_wait3A_50 = arith.constant 9984 : i32
      %dma_wait3A_51 = arith.constant 0 : i32
      %dma_wait3A_52 = tpu.memref_slice %arg8[%dma_wait3A_50, %dma_wait3A_51] : memref<10016x128xf32, #tpu.memory_space<vmem_shared>> -> memref<32x128xf32, #tpu.memory_space<vmem_shared>>
      %dma_wait3A_53 = arith.constant 9984 : i32
      %dma_wait3A_54 = arith.constant 0 : i32
      %dma_wait3A_55 = tpu.memref_slice %arg4[%dma_wait3A_53, %dma_wait3A_54] : memref<10016x128xf32, #tpu.memory_space<hbm>> -> memref<32x128xf32, #tpu.memory_space<hbm>>
      tpu.wait_dma2 semaphore(%arg14 : memref<!tpu.dma_semaphore, #tpu.memory_space<semaphore_mem>>) src(%dma_wait3A_55 : memref<32x128xf32, #tpu.memory_space<hbm>>) dst(%dma_wait3A_52 : memref<32x128xf32, #tpu.memory_space<vmem_shared>>)
    } else {
    }
    %barrier3A = arith.constant 0 : index
    tpu.barrier barrier_id(%barrier3A)
    %scan3A = arith.constant 0 : i32
    %scan3A_35 = arith.constant 0 : i32
    %scan3A_36 = arith.constant 16 : i32
    %scan3A_37 = arith.addi %scan3A_35, %scan3A_36 : i32
    %scan3A_38 = arith.constant 1 : i32
    scf.for %scan3A_50 = %scan3A_35 to %scan3A_37 step %scan3A_38  : i32 {
      %jit3A = arith.constant 2 : i32
      %eq3A_51 = arith.constant 0 : i32
      %eq3A_52 = arith.cmpi eq, %jit3A, %eq3A_51 : i32
      %jit3A_53 = arith.constant 1 : i32
      %select_n3A = arith.select %eq3A_52, %jit3A_53, %jit3A : i32
      %rem3A = arith.remsi %scan3A_50, %select_n3A : i32
      %ne3A = arith.constant 0 : i32
      %ne3A_54 = arith.cmpi ne, %rem3A, %ne3A : i32
      %lt3A = arith.constant 0 : i32
      %lt3A_55 = arith.cmpi slt, %rem3A, %lt3A : i32
      %lt3A_56 = arith.constant 0 : i32
      %lt3A_57 = arith.cmpi slt, %select_n3A, %lt3A_56 : i32
      %ne3A_58 = arith.xori %lt3A_55, %lt3A_57 : i1
      %and3A = arith.andi %ne3A_58, %ne3A_54 : i1
      %add3A_59 = arith.addi %rem3A, %select_n3A : i32
      %select_n3A_60 = arith.select %and3A, %add3A_59, %rem3A : i32
      %dma_start3A_61 = arith.constant 0 : i32
      %dma_start3A_62 = arith.constant 0 : i32
      %dma_start3A_63 = tpu.memref_slice %arg6[%select_n3A_60, %dma_start3A_61, %dma_start3A_62] : memref<2x8x80xi32, #tpu.memory_space<vmem>> -> memref<1x1x80xi32, #tpu.memory_space<vmem>>
      %dma_start3A_64 = tpu.memref_squeeze %dma_start3A_63 : memref<1x1x80xi32, #tpu.memory_space<vmem>> -> memref<80xi32, #tpu.memory_space<vmem>>
      %dma_start3A_65 = arith.constant 0 : i32
      %dma_start3A_66 = arith.constant 0 : i32
      %dma_start3A_67 = tpu.memref_slice %arg8[%dma_start3A_65, %dma_start3A_66] : memref<10016x128xf32, #tpu.memory_space<vmem_shared>> -> memref<10016x128xf32, #tpu.memory_space<vmem_shared>>
      tpu.enqueue_indirect_dma source(%arg7 : memref<80x128xf32, #tpu.memory_space<vmem>>) target(%dma_start3A_67 : memref<10016x128xf32, #tpu.memory_space<vmem_shared>>) offsets(%dma_start3A_64 : memref<80xi32, #tpu.memory_space<vmem>>) semaphore(%arg9 : memref<!tpu.dma_semaphore, #tpu.memory_space<semaphore_mem>>) {add = true}
      %dma_start3A_68 = arith.constant 1 : i32
      %dma_start3A_69 = arith.constant 0 : i32
      %dma_start3A_70 = tpu.memref_slice %arg6[%select_n3A_60, %dma_start3A_68, %dma_start3A_69] : memref<2x8x80xi32, #tpu.memory_space<vmem>> -> memref<1x1x80xi32, #tpu.memory_space<vmem>>
      %dma_start3A_71 = tpu.memref_squeeze %dma_start3A_70 : memref<1x1x80xi32, #tpu.memory_space<vmem>> -> memref<80xi32, #tpu.memory_space<vmem>>
      %dma_start3A_72 = arith.constant 0 : i32
      %dma_start3A_73 = arith.constant 0 : i32
      %dma_start3A_74 = tpu.memref_slice %arg8[%dma_start3A_72, %dma_start3A_73] : memref<10016x128xf32, #tpu.memory_space<vmem_shared>> -> memref<10016x128xf32, #tpu.memory_space<vmem_shared>>
      tpu.enqueue_indirect_dma source(%arg7 : memref<80x128xf32, #tpu.memory_space<vmem>>) target(%dma_start3A_74 : memref<10016x128xf32, #tpu.memory_space<vmem_shared>>) offsets(%dma_start3A_71 : memref<80xi32, #tpu.memory_space<vmem>>) semaphore(%arg10 : memref<!tpu.dma_semaphore, #tpu.memory_space<semaphore_mem>>) {add = true}
      %dma_start3A_75 = arith.constant 2 : i32
      %dma_start3A_76 = arith.constant 0 : i32
      %dma_start3A_77 = tpu.memref_slice %arg6[%select_n3A_60, %dma_start3A_75, %dma_start3A_76] : memref<2x8x80xi32, #tpu.memory_space<vmem>> -> memref<1x1x80xi32, #tpu.memory_space<vmem>>
      %dma_start3A_78 = tpu.memref_squeeze %dma_start3A_77 : memref<1x1x80xi32, #tpu.memory_space<vmem>> -> memref<80xi32, #tpu.memory_space<vmem>>
      %dma_start3A_79 = arith.constant 0 : i32
      %dma_start3A_80 = arith.constant 0 : i32
      %dma_start3A_81 = tpu.memref_slice %arg8[%dma_start3A_79, %dma_start3A_80] : memref<10016x128xf32, #tpu.memory_space<vmem_shared>> -> memref<10016x128xf32, #tpu.memory_space<vmem_shared>>
      tpu.enqueue_indirect_dma source(%arg7 : memref<80x128xf32, #tpu.memory_space<vmem>>) target(%dma_start3A_81 : memref<10016x128xf32, #tpu.memory_space<vmem_shared>>) offsets(%dma_start3A_78 : memref<80xi32, #tpu.memory_space<vmem>>) semaphore(%arg11 : memref<!tpu.dma_semaphore, #tpu.memory_space<semaphore_mem>>) {add = true}
      %dma_start3A_82 = arith.constant 3 : i32
      %dma_start3A_83 = arith.constant 0 : i32
      %dma_start3A_84 = tpu.memref_slice %arg6[%select_n3A_60, %dma_start3A_82, %dma_start3A_83] : memref<2x8x80xi32, #tpu.memory_space<vmem>> -> memref<1x1x80xi32, #tpu.memory_space<vmem>>
      %dma_start3A_85 = tpu.memref_squeeze %dma_start3A_84 : memref<1x1x80xi32, #tpu.memory_space<vmem>> -> memref<80xi32, #tpu.memory_space<vmem>>
      %dma_start3A_86 = arith.constant 0 : i32
      %dma_start3A_87 = arith.constant 0 : i32
      %dma_start3A_88 = tpu.memref_slice %arg8[%dma_start3A_86, %dma_start3A_87] : memref<10016x128xf32, #tpu.memory_space<vmem_shared>> -> memref<10016x128xf32, #tpu.memory_space<vmem_shared>>
      tpu.enqueue_indirect_dma source(%arg7 : memref<80x128xf32, #tpu.memory_space<vmem>>) target(%dma_start3A_88 : memref<10016x128xf32, #tpu.memory_space<vmem_shared>>) offsets(%dma_start3A_85 : memref<80xi32, #tpu.memory_space<vmem>>) semaphore(%arg12 : memref<!tpu.dma_semaphore, #tpu.memory_space<semaphore_mem>>) {add = true}
      %dma_wait3A_89 = arith.constant 0 : i32
      %dma_wait3A_90 = arith.constant 0 : i32
      %dma_wait3A_91 = tpu.memref_slice %arg6[%select_n3A_60, %dma_wait3A_89, %dma_wait3A_90] : memref<2x8x80xi32, #tpu.memory_space<vmem>> -> memref<1x1x80xi32, #tpu.memory_space<vmem>>
      %dma_wait3A_92 = tpu.memref_squeeze %dma_wait3A_91 : memref<1x1x80xi32, #tpu.memory_space<vmem>> -> memref<80xi32, #tpu.memory_space<vmem>>
      %dma_wait3A_93 = arith.constant 0 : i32
      %dma_wait3A_94 = arith.constant 0 : i32
      %dma_wait3A_95 = tpu.memref_slice %arg8[%dma_wait3A_93, %dma_wait3A_94] : memref<10016x128xf32, #tpu.memory_space<vmem_shared>> -> memref<10016x128xf32, #tpu.memory_space<vmem_shared>>
      tpu.wait_indirect_dma semaphore(%arg9 : memref<!tpu.dma_semaphore, #tpu.memory_space<semaphore_mem>>) src(%arg7 : memref<80x128xf32, #tpu.memory_space<vmem>>) dst(%dma_wait3A_95 : memref<10016x128xf32, #tpu.memory_space<vmem_shared>>)
      %dma_start3A_96 = arith.constant 4 : i32
      %dma_start3A_97 = arith.constant 0 : i32
      %dma_start3A_98 = tpu.memref_slice %arg6[%select_n3A_60, %dma_start3A_96, %dma_start3A_97] : memref<2x8x80xi32, #tpu.memory_space<vmem>> -> memref<1x1x80xi32, #tpu.memory_space<vmem>>
      %dma_start3A_99 = tpu.memref_squeeze %dma_start3A_98 : memref<1x1x80xi32, #tpu.memory_space<vmem>> -> memref<80xi32, #tpu.memory_space<vmem>>
      %dma_start3A_100 = arith.constant 0 : i32
      %dma_start3A_101 = arith.constant 0 : i32
      %dma_start3A_102 = tpu.memref_slice %arg8[%dma_start3A_100, %dma_start3A_101] : memref<10016x128xf32, #tpu.memory_space<vmem_shared>> -> memref<10016x128xf32, #tpu.memory_space<vmem_shared>>
      tpu.enqueue_indirect_dma source(%arg7 : memref<80x128xf32, #tpu.memory_space<vmem>>) target(%dma_start3A_102 : memref<10016x128xf32, #tpu.memory_space<vmem_shared>>) offsets(%dma_start3A_99 : memref<80xi32, #tpu.memory_space<vmem>>) semaphore(%arg9 : memref<!tpu.dma_semaphore, #tpu.memory_space<semaphore_mem>>) {add = true}
      %dma_wait3A_103 = arith.constant 1 : i32
      %dma_wait3A_104 = arith.constant 0 : i32
      %dma_wait3A_105 = tpu.memref_slice %arg6[%select_n3A_60, %dma_wait3A_103, %dma_wait3A_104] : memref<2x8x80xi32, #tpu.memory_space<vmem>> -> memref<1x1x80xi32, #tpu.memory_space<vmem>>
      %dma_wait3A_106 = tpu.memref_squeeze %dma_wait3A_105 : memref<1x1x80xi32, #tpu.memory_space<vmem>> -> memref<80xi32, #tpu.memory_space<vmem>>
      %dma_wait3A_107 = arith.constant 0 : i32
      %dma_wait3A_108 = arith.constant 0 : i32
      %dma_wait3A_109 = tpu.memref_slice %arg8[%dma_wait3A_107, %dma_wait3A_108] : memref<10016x128xf32, #tpu.memory_space<vmem_shared>> -> memref<10016x128xf32, #tpu.memory_space<vmem_shared>>
      tpu.wait_indirect_dma semaphore(%arg10 : memref<!tpu.dma_semaphore, #tpu.memory_space<semaphore_mem>>) src(%arg7 : memref<80x128xf32, #tpu.memory_space<vmem>>) dst(%dma_wait3A_109 : memref<10016x128xf32, #tpu.memory_space<vmem_shared>>)
      %dma_start3A_110 = arith.constant 5 : i32
      %dma_start3A_111 = arith.constant 0 : i32
      %dma_start3A_112 = tpu.memref_slice %arg6[%select_n3A_60, %dma_start3A_110, %dma_start3A_111] : memref<2x8x80xi32, #tpu.memory_space<vmem>> -> memref<1x1x80xi32, #tpu.memory_space<vmem>>
      %dma_start3A_113 = tpu.memref_squeeze %dma_start3A_112 : memref<1x1x80xi32, #tpu.memory_space<vmem>> -> memref<80xi32, #tpu.memory_space<vmem>>
      %dma_start3A_114 = arith.constant 0 : i32
      %dma_start3A_115 = arith.constant 0 : i32
      %dma_start3A_116 = tpu.memref_slice %arg8[%dma_start3A_114, %dma_start3A_115] : memref<10016x128xf32, #tpu.memory_space<vmem_shared>> -> memref<10016x128xf32, #tpu.memory_space<vmem_shared>>
      tpu.enqueue_indirect_dma source(%arg7 : memref<80x128xf32, #tpu.memory_space<vmem>>) target(%dma_start3A_116 : memref<10016x128xf32, #tpu.memory_space<vmem_shared>>) offsets(%dma_start3A_113 : memref<80xi32, #tpu.memory_space<vmem>>) semaphore(%arg10 : memref<!tpu.dma_semaphore, #tpu.memory_space<semaphore_mem>>) {add = true}
      %dma_wait3A_117 = arith.constant 2 : i32
      %dma_wait3A_118 = arith.constant 0 : i32
      %dma_wait3A_119 = tpu.memref_slice %arg6[%select_n3A_60, %dma_wait3A_117, %dma_wait3A_118] : memref<2x8x80xi32, #tpu.memory_space<vmem>> -> memref<1x1x80xi32, #tpu.memory_space<vmem>>
      %dma_wait3A_120 = tpu.memref_squeeze %dma_wait3A_119 : memref<1x1x80xi32, #tpu.memory_space<vmem>> -> memref<80xi32, #tpu.memory_space<vmem>>
      %dma_wait3A_121 = arith.constant 0 : i32
      %dma_wait3A_122 = arith.constant 0 : i32
      %dma_wait3A_123 = tpu.memref_slice %arg8[%dma_wait3A_121, %dma_wait3A_122] : memref<10016x128xf32, #tpu.memory_space<vmem_shared>> -> memref<10016x128xf32, #tpu.memory_space<vmem_shared>>
      tpu.wait_indirect_dma semaphore(%arg11 : memref<!tpu.dma_semaphore, #tpu.memory_space<semaphore_mem>>) src(%arg7 : memref<80x128xf32, #tpu.memory_space<vmem>>) dst(%dma_wait3A_123 : memref<10016x128xf32, #tpu.memory_space<vmem_shared>>)
      %dma_start3A_124 = arith.constant 6 : i32
      %dma_start3A_125 = arith.constant 0 : i32
      %dma_start3A_126 = tpu.memref_slice %arg6[%select_n3A_60, %dma_start3A_124, %dma_start3A_125] : memref<2x8x80xi32, #tpu.memory_space<vmem>> -> memref<1x1x80xi32, #tpu.memory_space<vmem>>
      %dma_start3A_127 = tpu.memref_squeeze %dma_start3A_126 : memref<1x1x80xi32, #tpu.memory_space<vmem>> -> memref<80xi32, #tpu.memory_space<vmem>>
      %dma_start3A_128 = arith.constant 0 : i32
      %dma_start3A_129 = arith.constant 0 : i32
      %dma_start3A_130 = tpu.memref_slice %arg8[%dma_start3A_128, %dma_start3A_129] : memref<10016x128xf32, #tpu.memory_space<vmem_shared>> -> memref<10016x128xf32, #tpu.memory_space<vmem_shared>>
      tpu.enqueue_indirect_dma source(%arg7 : memref<80x128xf32, #tpu.memory_space<vmem>>) target(%dma_start3A_130 : memref<10016x128xf32, #tpu.memory_space<vmem_shared>>) offsets(%dma_start3A_127 : memref<80xi32, #tpu.memory_space<vmem>>) semaphore(%arg11 : memref<!tpu.dma_semaphore, #tpu.memory_space<semaphore_mem>>) {add = true}
      %dma_wait3A_131 = arith.constant 3 : i32
      %dma_wait3A_132 = arith.constant 0 : i32
      %dma_wait3A_133 = tpu.memref_slice %arg6[%select_n3A_60, %dma_wait3A_131, %dma_wait3A_132] : memref<2x8x80xi32, #tpu.memory_space<vmem>> -> memref<1x1x80xi32, #tpu.memory_space<vmem>>
      %dma_wait3A_134 = tpu.memref_squeeze %dma_wait3A_133 : memref<1x1x80xi32, #tpu.memory_space<vmem>> -> memref<80xi32, #tpu.memory_space<vmem>>
      %dma_wait3A_135 = arith.constant 0 : i32
      %dma_wait3A_136 = arith.constant 0 : i32
      %dma_wait3A_137 = tpu.memref_slice %arg8[%dma_wait3A_135, %dma_wait3A_136] : memref<10016x128xf32, #tpu.memory_space<vmem_shared>> -> memref<10016x128xf32, #tpu.memory_space<vmem_shared>>
      tpu.wait_indirect_dma semaphore(%arg12 : memref<!tpu.dma_semaphore, #tpu.memory_space<semaphore_mem>>) src(%arg7 : memref<80x128xf32, #tpu.memory_space<vmem>>) dst(%dma_wait3A_137 : memref<10016x128xf32, #tpu.memory_space<vmem_shared>>)
      %add3A_138 = arith.constant 1 : i32
      %add3A_139 = arith.addi %scan3A_50, %add3A_138 : i32
      %lt3A_140 = arith.constant 16 : i32
      %lt3A_141 = arith.cmpi slt, %add3A_139, %lt3A_140 : i32
      %convert_element_type3A_142 = arith.extui %lt3A_141 : i1 to i32
      %cond3A_143 = arith.constant 0 : i32
      %cond3A_144 = arith.cmpi ne, %convert_element_type3A_142, %cond3A_143 : i32
      scf.if %cond3A_144 {
        %add3A_187 = arith.constant 1 : i32
        %add3A_188 = arith.addi %scan3A_50, %add3A_187 : i32
        %sub3A = arith.constant 1 : i32
        %sub3A_189 = arith.subi %sub3A, %select_n3A_60 : i32
        %mul3A_190 = arith.constant 8 : i32
        %mul3A_191 = arith.muli %add3A_188, %mul3A_190 : i32
        %add3A_192 = arith.addi %mul3A_2, %mul3A_191 : i32
        %dma_wait3A_193 = arith.constant 0 : i32
        %dma_wait3A_194 = arith.constant 0 : i32
        %dma_wait3A_195 = tpu.memref_slice %arg6[%sub3A_189, %dma_wait3A_193, %dma_wait3A_194] : memref<2x8x80xi32, #tpu.memory_space<vmem>> -> memref<1x8x80xi32, #tpu.memory_space<vmem>>
        %dma_wait3A_196 = tpu.memref_squeeze %dma_wait3A_195 : memref<1x8x80xi32, #tpu.memory_space<vmem>> -> memref<8x80xi32, #tpu.memory_space<vmem>>
        %dma_wait3A_197 = arith.constant 0 : i32
        %dma_wait3A_198 = tpu.memref_slice %arg3[%add3A_192, %dma_wait3A_197] : memref<4096x80xi32, #tpu.memory_space<hbm>> -> memref<8x80xi32, #tpu.memory_space<hbm>>
        %dma_wait3A_199 = arith.constant 0 : i32
        %dma_wait3A_200 = arith.constant 0 : i32
        %dma_wait3A_201 = tpu.memref_slice %arg6[%sub3A_189, %dma_wait3A_199, %dma_wait3A_200] : memref<2x8x80xi32, #tpu.memory_space<vmem>> -> memref<1x8x80xi32, #tpu.memory_space<vmem>>
        %dma_wait3A_202 = tpu.memref_squeeze %dma_wait3A_201 : memref<1x8x80xi32, #tpu.memory_space<vmem>> -> memref<8x80xi32, #tpu.memory_space<vmem>>
        %dma_wait3A_203 = arith.constant 0 : i32
        %dma_wait3A_204 = tpu.memref_slice %arg3[%add3A_192, %dma_wait3A_203] : memref<4096x80xi32, #tpu.memory_space<hbm>> -> memref<8x80xi32, #tpu.memory_space<hbm>>
        tpu.wait_dma2 semaphore(%arg13 : memref<!tpu.dma_semaphore, #tpu.memory_space<semaphore_mem>>) src(%dma_wait3A_204 : memref<8x80xi32, #tpu.memory_space<hbm>>) dst(%dma_wait3A_202 : memref<8x80xi32, #tpu.memory_space<vmem>>)
      } else {
      }
      %dma_start3A_145 = arith.constant 7 : i32
      %dma_start3A_146 = arith.constant 0 : i32
      %dma_start3A_147 = tpu.memref_slice %arg6[%select_n3A_60, %dma_start3A_145, %dma_start3A_146] : memref<2x8x80xi32, #tpu.memory_space<vmem>> -> memref<1x1x80xi32, #tpu.memory_space<vmem>>
      %dma_start3A_148 = tpu.memref_squeeze %dma_start3A_147 : memref<1x1x80xi32, #tpu.memory_space<vmem>> -> memref<80xi32, #tpu.memory_space<vmem>>
      %dma_start3A_149 = arith.constant 0 : i32
      %dma_start3A_150 = arith.constant 0 : i32
      %dma_start3A_151 = tpu.memref_slice %arg8[%dma_start3A_149, %dma_start3A_150] : memref<10016x128xf32, #tpu.memory_space<vmem_shared>> -> memref<10016x128xf32, #tpu.memory_space<vmem_shared>>
      tpu.enqueue_indirect_dma source(%arg7 : memref<80x128xf32, #tpu.memory_space<vmem>>) target(%dma_start3A_151 : memref<10016x128xf32, #tpu.memory_space<vmem_shared>>) offsets(%dma_start3A_148 : memref<80xi32, #tpu.memory_space<vmem>>) semaphore(%arg12 : memref<!tpu.dma_semaphore, #tpu.memory_space<semaphore_mem>>) {add = true}
      %dma_wait3A_152 = arith.constant 4 : i32
      %dma_wait3A_153 = arith.constant 0 : i32
      %dma_wait3A_154 = tpu.memref_slice %arg6[%select_n3A_60, %dma_wait3A_152, %dma_wait3A_153] : memref<2x8x80xi32, #tpu.memory_space<vmem>> -> memref<1x1x80xi32, #tpu.memory_space<vmem>>
      %dma_wait3A_155 = tpu.memref_squeeze %dma_wait3A_154 : memref<1x1x80xi32, #tpu.memory_space<vmem>> -> memref<80xi32, #tpu.memory_space<vmem>>
      %dma_wait3A_156 = arith.constant 0 : i32
      %dma_wait3A_157 = arith.constant 0 : i32
      %dma_wait3A_158 = tpu.memref_slice %arg8[%dma_wait3A_156, %dma_wait3A_157] : memref<10016x128xf32, #tpu.memory_space<vmem_shared>> -> memref<10016x128xf32, #tpu.memory_space<vmem_shared>>
      tpu.wait_indirect_dma semaphore(%arg9 : memref<!tpu.dma_semaphore, #tpu.memory_space<semaphore_mem>>) src(%arg7 : memref<80x128xf32, #tpu.memory_space<vmem>>) dst(%dma_wait3A_158 : memref<10016x128xf32, #tpu.memory_space<vmem_shared>>)
      %dma_wait3A_159 = arith.constant 5 : i32
      %dma_wait3A_160 = arith.constant 0 : i32
      %dma_wait3A_161 = tpu.memref_slice %arg6[%select_n3A_60, %dma_wait3A_159, %dma_wait3A_160] : memref<2x8x80xi32, #tpu.memory_space<vmem>> -> memref<1x1x80xi32, #tpu.memory_space<vmem>>
      %dma_wait3A_162 = tpu.memref_squeeze %dma_wait3A_161 : memref<1x1x80xi32, #tpu.memory_space<vmem>> -> memref<80xi32, #tpu.memory_space<vmem>>
      %dma_wait3A_163 = arith.constant 0 : i32
      %dma_wait3A_164 = arith.constant 0 : i32
      %dma_wait3A_165 = tpu.memref_slice %arg8[%dma_wait3A_163, %dma_wait3A_164] : memref<10016x128xf32, #tpu.memory_space<vmem_shared>> -> memref<10016x128xf32, #tpu.memory_space<vmem_shared>>
      tpu.wait_indirect_dma semaphore(%arg10 : memref<!tpu.dma_semaphore, #tpu.memory_space<semaphore_mem>>) src(%arg7 : memref<80x128xf32, #tpu.memory_space<vmem>>) dst(%dma_wait3A_165 : memref<10016x128xf32, #tpu.memory_space<vmem_shared>>)
      %dma_wait3A_166 = arith.constant 6 : i32
      %dma_wait3A_167 = arith.constant 0 : i32
      %dma_wait3A_168 = tpu.memref_slice %arg6[%select_n3A_60, %dma_wait3A_166, %dma_wait3A_167] : memref<2x8x80xi32, #tpu.memory_space<vmem>> -> memref<1x1x80xi32, #tpu.memory_space<vmem>>
      %dma_wait3A_169 = tpu.memref_squeeze %dma_wait3A_168 : memref<1x1x80xi32, #tpu.memory_space<vmem>> -> memref<80xi32, #tpu.memory_space<vmem>>
      %dma_wait3A_170 = arith.constant 0 : i32
      %dma_wait3A_171 = arith.constant 0 : i32
      %dma_wait3A_172 = tpu.memref_slice %arg8[%dma_wait3A_170, %dma_wait3A_171] : memref<10016x128xf32, #tpu.memory_space<vmem_shared>> -> memref<10016x128xf32, #tpu.memory_space<vmem_shared>>
      tpu.wait_indirect_dma semaphore(%arg11 : memref<!tpu.dma_semaphore, #tpu.memory_space<semaphore_mem>>) src(%arg7 : memref<80x128xf32, #tpu.memory_space<vmem>>) dst(%dma_wait3A_172 : memref<10016x128xf32, #tpu.memory_space<vmem_shared>>)
      %dma_wait3A_173 = arith.constant 7 : i32
      %dma_wait3A_174 = arith.constant 0 : i32
      %dma_wait3A_175 = tpu.memref_slice %arg6[%select_n3A_60, %dma_wait3A_173, %dma_wait3A_174] : memref<2x8x80xi32, #tpu.memory_space<vmem>> -> memref<1x1x80xi32, #tpu.memory_space<vmem>>
      %dma_wait3A_176 = tpu.memref_squeeze %dma_wait3A_175 : memref<1x1x80xi32, #tpu.memory_space<vmem>> -> memref<80xi32, #tpu.memory_space<vmem>>
      %dma_wait3A_177 = arith.constant 0 : i32
      %dma_wait3A_178 = arith.constant 0 : i32
      %dma_wait3A_179 = tpu.memref_slice %arg8[%dma_wait3A_177, %dma_wait3A_178] : memref<10016x128xf32, #tpu.memory_space<vmem_shared>> -> memref<10016x128xf32, #tpu.memory_space<vmem_shared>>
      tpu.wait_indirect_dma semaphore(%arg12 : memref<!tpu.dma_semaphore, #tpu.memory_space<semaphore_mem>>) src(%arg7 : memref<80x128xf32, #tpu.memory_space<vmem>>) dst(%dma_wait3A_179 : memref<10016x128xf32, #tpu.memory_space<vmem_shared>>)
      %add3A_180 = arith.constant 2 : i32
      %add3A_181 = arith.addi %scan3A_50, %add3A_180 : i32
      %lt3A_182 = arith.constant 16 : i32
      %lt3A_183 = arith.cmpi slt, %add3A_181, %lt3A_182 : i32
      %convert_element_type3A_184 = arith.extui %lt3A_183 : i1 to i32
      %cond3A_185 = arith.constant 0 : i32
      %cond3A_186 = arith.cmpi ne, %convert_element_type3A_184, %cond3A_185 : i32
      scf.if %cond3A_186 {
        %add3A_187 = arith.constant 2 : i32
        %add3A_188 = arith.addi %scan3A_50, %add3A_187 : i32
        %mul3A_189 = arith.constant 8 : i32
        %mul3A_190 = arith.muli %add3A_188, %mul3A_189 : i32
        %add3A_191 = arith.addi %mul3A_2, %mul3A_190 : i32
        %dma_start3A_192 = arith.constant 0 : i32
        %dma_start3A_193 = arith.constant 0 : i32
        %dma_start3A_194 = tpu.memref_slice %arg6[%select_n3A_60, %dma_start3A_192, %dma_start3A_193] : memref<2x8x80xi32, #tpu.memory_space<vmem>> -> memref<1x8x80xi32, #tpu.memory_space<vmem>>
        %dma_start3A_195 = tpu.memref_squeeze %dma_start3A_194 : memref<1x8x80xi32, #tpu.memory_space<vmem>> -> memref<8x80xi32, #tpu.memory_space<vmem>>
        %dma_start3A_196 = arith.constant 0 : i32
        %dma_start3A_197 = tpu.memref_slice %arg3[%add3A_191, %dma_start3A_196] : memref<4096x80xi32, #tpu.memory_space<hbm>> -> memref<8x80xi32, #tpu.memory_space<hbm>>
        %dma_start3A_198 = arith.constant 0 : i32
        %dma_start3A_199 = arith.constant 0 : i32
        %dma_start3A_200 = tpu.memref_slice %arg6[%select_n3A_60, %dma_start3A_198, %dma_start3A_199] : memref<2x8x80xi32, #tpu.memory_space<vmem>> -> memref<1x8x80xi32, #tpu.memory_space<vmem>>
        %dma_start3A_201 = tpu.memref_squeeze %dma_start3A_200 : memref<1x8x80xi32, #tpu.memory_space<vmem>> -> memref<8x80xi32, #tpu.memory_space<vmem>>
        %dma_start3A_202 = arith.constant 0 : i32
        %dma_start3A_203 = tpu.memref_slice %arg3[%add3A_191, %dma_start3A_202] : memref<4096x80xi32, #tpu.memory_space<hbm>> -> memref<8x80xi32, #tpu.memory_space<hbm>>
        tpu.enqueue_dma source(%dma_start3A_203 : memref<8x80xi32, #tpu.memory_space<hbm>>) target(%dma_start3A_201 : memref<8x80xi32, #tpu.memory_space<vmem>>) target_semaphore(%arg13 : memref<!tpu.dma_semaphore, #tpu.memory_space<semaphore_mem>>)
      } else {
      }
    }
    %scan3A_39 = arith.constant 16 : i32
    %barrier3A_40 = arith.constant 0 : index
    tpu.barrier barrier_id(%barrier3A_40)
    %mul3A_41 = arith.constant 624 : i32
    %mul3A_42 = arith.muli %arg1, %mul3A_41 : i32
    %mul3A_43 = arith.constant 624 : i32
    %mul3A_44 = arith.muli %arg1, %mul3A_43 : i32
    "tpu.region"() ({
      %run_scoped3A_50 = tpu.sem_alloc : memref<!tpu.dma_semaphore, #tpu.memory_space<semaphore_mem>>
      %dma_start3A_51 = arith.constant 0 : i32
      %dma_start3A_52 = tpu.memref_slice %arg5[%arg0, %mul3A_44, %dma_start3A_51] : memref<2x10000x128xf32, #tpu.memory_space<hbm>> -> memref<1x624x128xf32, #tpu.memory_space<hbm>>
      %dma_start3A_53 = tpu.memref_squeeze %dma_start3A_52 : memref<1x624x128xf32, #tpu.memory_space<hbm>> -> memref<624x128xf32, #tpu.memory_space<hbm>>
      %dma_start3A_54 = arith.constant 0 : i32
      %dma_start3A_55 = tpu.memref_slice %arg8[%mul3A_42, %dma_start3A_54] : memref<10016x128xf32, #tpu.memory_space<vmem_shared>> -> memref<624x128xf32, #tpu.memory_space<vmem_shared>>
      tpu.enqueue_dma source(%dma_start3A_55 : memref<624x128xf32, #tpu.memory_space<vmem_shared>>) target(%dma_start3A_53 : memref<624x128xf32, #tpu.memory_space<hbm>>) target_semaphore(%run_scoped3A_50 : memref<!tpu.dma_semaphore, #tpu.memory_space<semaphore_mem>>)
      %dma_wait3A_56 = arith.constant 0 : i32
      %dma_wait3A_57 = tpu.memref_slice %arg5[%arg0, %mul3A_44, %dma_wait3A_56] : memref<2x10000x128xf32, #tpu.memory_space<hbm>> -> memref<1x624x128xf32, #tpu.memory_space<hbm>>
      %dma_wait3A_58 = tpu.memref_squeeze %dma_wait3A_57 : memref<1x624x128xf32, #tpu.memory_space<hbm>> -> memref<624x128xf32, #tpu.memory_space<hbm>>
      %dma_wait3A_59 = arith.constant 0 : i32
      %dma_wait3A_60 = tpu.memref_slice %arg8[%mul3A_42, %dma_wait3A_59] : memref<10016x128xf32, #tpu.memory_space<vmem_shared>> -> memref<624x128xf32, #tpu.memory_space<vmem_shared>>
      tpu.wait_dma2 semaphore(%run_scoped3A_50 : memref<!tpu.dma_semaphore, #tpu.memory_space<semaphore_mem>>) src(%dma_wait3A_60 : memref<624x128xf32, #tpu.memory_space<vmem_shared>>) dst(%dma_wait3A_58 : memref<624x128xf32, #tpu.memory_space<hbm>>)
      tpu.yield
    }) : () -> ()
    %eq3A_45 = arith.constant 0 : i32
    %eq3A_46 = arith.cmpi eq, %arg1, %eq3A_45 : i32
    %convert_element_type3A_47 = arith.extui %eq3A_46 : i1 to i32
    %cond3A_48 = arith.constant 0 : i32
    %cond3A_49 = arith.cmpi ne, %convert_element_type3A_47, %cond3A_48 : i32
    scf.if %cond3A_49 {
      "tpu.region"() ({
        %run_scoped3A_50 = tpu.sem_alloc : memref<!tpu.dma_semaphore, #tpu.memory_space<semaphore_mem>>
        %dma_start3A_51 = arith.constant 9984 : i32
        %dma_start3A_52 = arith.constant 0 : i32
        %dma_start3A_53 = tpu.memref_slice %arg5[%arg0, %dma_start3A_51, %dma_start3A_52] : memref<2x10000x128xf32, #tpu.memory_space<hbm>> -> memref<1x16x128xf32, #tpu.memory_space<hbm>>
        %dma_start3A_54 = tpu.memref_squeeze %dma_start3A_53 : memref<1x16x128xf32, #tpu.memory_space<hbm>> -> memref<16x128xf32, #tpu.memory_space<hbm>>
        %dma_start3A_55 = arith.constant 9984 : i32
        %dma_start3A_56 = arith.constant 0 : i32
        %dma_start3A_57 = tpu.memref_slice %arg8[%dma_start3A_55, %dma_start3A_56] : memref<10016x128xf32, #tpu.memory_space<vmem_shared>> -> memref<16x128xf32, #tpu.memory_space<vmem_shared>>
        tpu.enqueue_dma source(%dma_start3A_57 : memref<16x128xf32, #tpu.memory_space<vmem_shared>>) target(%dma_start3A_54 : memref<16x128xf32, #tpu.memory_space<hbm>>) target_semaphore(%run_scoped3A_50 : memref<!tpu.dma_semaphore, #tpu.memory_space<semaphore_mem>>)
        %dma_wait3A_58 = arith.constant 9984 : i32
        %dma_wait3A_59 = arith.constant 0 : i32
        %dma_wait3A_60 = tpu.memref_slice %arg5[%arg0, %dma_wait3A_58, %dma_wait3A_59] : memref<2x10000x128xf32, #tpu.memory_space<hbm>> -> memref<1x16x128xf32, #tpu.memory_space<hbm>>
        %dma_wait3A_61 = tpu.memref_squeeze %dma_wait3A_60 : memref<1x16x128xf32, #tpu.memory_space<hbm>> -> memref<16x128xf32, #tpu.memory_space<hbm>>
        %dma_wait3A_62 = arith.constant 9984 : i32
        %dma_wait3A_63 = arith.constant 0 : i32
        %dma_wait3A_64 = tpu.memref_slice %arg8[%dma_wait3A_62, %dma_wait3A_63] : memref<10016x128xf32, #tpu.memory_space<vmem_shared>> -> memref<16x128xf32, #tpu.memory_space<vmem_shared>>
        tpu.wait_dma2 semaphore(%run_scoped3A_50 : memref<!tpu.dma_semaphore, #tpu.memory_space<semaphore_mem>>) src(%dma_wait3A_64 : memref<16x128xf32, #tpu.memory_space<vmem_shared>>) dst(%dma_wait3A_61 : memref<16x128xf32, #tpu.memory_space<hbm>>)
        tpu.yield
      }) : () -> ()
    } else {
    }
    return
  }
}

#map = affine_map<(d0, d1) -> (0, 0)>
#map1 = affine_map<(d0, d1) -> (0, 0, 0)>
module attributes {stable_mosaic.version = 14 : i64} {
  func.func @body(%arg0: i32, %arg1: i32, %arg2: memref<10000x128xf32, #tpu.memory_space<hbm>>, %arg3: memref<4096x80xi32, #tpu.memory_space<hbm>>, %arg4: memref<4096x80xi32, #tpu.memory_space<hbm>>, %arg5: memref<10016x128xf32, #tpu.memory_space<hbm>>, %arg6: memref<2x10000x128xf32, #tpu.memory_space<hbm>>, %arg7: memref<2x4x80xi32, #tpu.memory_space<vmem>>, %arg8: memref<2x4x80xi32, #tpu.memory_space<vmem>>, %arg9: memref<4x80x128xf32, #tpu.memory_space<vmem>>, %arg10: memref<10016x128xf32, #tpu.memory_space<vmem_shared>>, %arg11: memref<!tpu.dma_semaphore, #tpu.memory_space<semaphore_mem>>, %arg12: memref<!tpu.dma_semaphore, #tpu.memory_space<semaphore_mem>>, %arg13: memref<!tpu.dma_semaphore, #tpu.memory_space<semaphore_mem>>, %arg14: memref<!tpu.dma_semaphore, #tpu.memory_space<semaphore_mem>>, %arg15: memref<!tpu.dma_semaphore, #tpu.memory_space<semaphore_mem>>, %arg16: memref<!tpu.dma_semaphore, #tpu.memory_space<semaphore_mem>>, %arg17: memref<!tpu.dma_semaphore, #tpu.memory_space<semaphore_mem>>, %arg18: memref<!tpu.dma_semaphore, #tpu.memory_space<semaphore_mem>>, %arg19: memref<!tpu.dma_semaphore, #tpu.memory_space<semaphore_mem>>, %arg20: memref<!tpu.dma_semaphore, #tpu.memory_space<semaphore_mem>>) attributes {dimension_semantics = [#tpu.dimension_semantics<core_parallel>, #tpu.dimension_semantics<subcore_parallel>], iteration_bounds = array<i64: 2, 16>, scalar_prefetch = 0 : i64, scratch_operands = 14 : i64, tpu.core_type = #tpu.core_type<sc_vector_subcore>, window_params = [{transform_indices = #map}, {transform_indices = #map}, {transform_indices = #map}, {transform_indices = #map}, {transform_indices = #map1}]} {
    %mul3A = arith.constant 16 : i32
    %mul3A_0 = arith.muli %arg0, %mul3A : i32
    %add3A = arith.addi %mul3A_0, %arg1 : i32
    %mul3A_1 = arith.constant 128 : i32
    %mul3A_2 = arith.muli %add3A, %mul3A_1 : i32
    %mul3A_3 = arith.constant 624 : i32
    %mul3A_4 = arith.muli %arg1, %mul3A_3 : i32
    %mul3A_5 = arith.constant 624 : i32
    %mul3A_6 = arith.muli %arg1, %mul3A_5 : i32
    %dma_start3A = arith.constant 0 : i32
    %dma_start3A_7 = tpu.memref_slice %arg10[%mul3A_6, %dma_start3A] : memref<10016x128xf32, #tpu.memory_space<vmem_shared>> -> memref<624x128xf32, #tpu.memory_space<vmem_shared>>
    %dma_start3A_8 = arith.constant 0 : i32
    %dma_start3A_9 = tpu.memref_slice %arg5[%mul3A_4, %dma_start3A_8] : memref<10016x128xf32, #tpu.memory_space<hbm>> -> memref<624x128xf32, #tpu.memory_space<hbm>>
    tpu.enqueue_dma source(%dma_start3A_9 : memref<624x128xf32, #tpu.memory_space<hbm>>) target(%dma_start3A_7 : memref<624x128xf32, #tpu.memory_space<vmem_shared>>) target_semaphore(%arg20 : memref<!tpu.dma_semaphore, #tpu.memory_space<semaphore_mem>>)
    %eq3A = arith.constant 0 : i32
    %eq3A_10 = arith.cmpi eq, %arg1, %eq3A : i32
    %convert_element_type3A = arith.extui %eq3A_10 : i1 to i32
    %cond3A = arith.constant 0 : i32
    %cond3A_11 = arith.cmpi ne, %convert_element_type3A, %cond3A : i32
    scf.if %cond3A_11 {
      %dma_start3A_103 = arith.constant 9984 : i32
      %dma_start3A_104 = arith.constant 0 : i32
      %dma_start3A_105 = tpu.memref_slice %arg10[%dma_start3A_103, %dma_start3A_104] : memref<10016x128xf32, #tpu.memory_space<vmem_shared>> -> memref<32x128xf32, #tpu.memory_space<vmem_shared>>
      %dma_start3A_106 = arith.constant 9984 : i32
      %dma_start3A_107 = arith.constant 0 : i32
      %dma_start3A_108 = tpu.memref_slice %arg5[%dma_start3A_106, %dma_start3A_107] : memref<10016x128xf32, #tpu.memory_space<hbm>> -> memref<32x128xf32, #tpu.memory_space<hbm>>
      tpu.enqueue_dma source(%dma_start3A_108 : memref<32x128xf32, #tpu.memory_space<hbm>>) target(%dma_start3A_105 : memref<32x128xf32, #tpu.memory_space<vmem_shared>>) target_semaphore(%arg20 : memref<!tpu.dma_semaphore, #tpu.memory_space<semaphore_mem>>)
    } else {
    }
    %run_scoped3A = arith.constant 0 : i32
    "tpu.region"() ({
      %run_scoped3A_103 = tpu.sem_alloc : memref<!tpu.dma_semaphore, #tpu.memory_space<semaphore_mem>>
      %dma_start3A_104 = arith.constant 0 : i32
      %dma_start3A_105 = arith.constant 0 : i32
      %dma_start3A_106 = tpu.memref_slice %arg7[%run_scoped3A, %dma_start3A_104, %dma_start3A_105] : memref<2x4x80xi32, #tpu.memory_space<vmem>> -> memref<1x4x80xi32, #tpu.memory_space<vmem>>
      %dma_start3A_107 = tpu.memref_squeeze %dma_start3A_106 : memref<1x4x80xi32, #tpu.memory_space<vmem>> -> memref<4x80xi32, #tpu.memory_space<vmem>>
      %dma_start3A_108 = arith.constant 0 : i32
      %dma_start3A_109 = tpu.memref_slice %arg3[%mul3A_2, %dma_start3A_108] : memref<4096x80xi32, #tpu.memory_space<hbm>> -> memref<4x80xi32, #tpu.memory_space<hbm>>
      %dma_start3A_110 = arith.constant 0 : i32
      %dma_start3A_111 = arith.constant 0 : i32
      %dma_start3A_112 = tpu.memref_slice %arg7[%run_scoped3A, %dma_start3A_110, %dma_start3A_111] : memref<2x4x80xi32, #tpu.memory_space<vmem>> -> memref<1x4x80xi32, #tpu.memory_space<vmem>>
      %dma_start3A_113 = tpu.memref_squeeze %dma_start3A_112 : memref<1x4x80xi32, #tpu.memory_space<vmem>> -> memref<4x80xi32, #tpu.memory_space<vmem>>
      %dma_start3A_114 = arith.constant 0 : i32
      %dma_start3A_115 = tpu.memref_slice %arg3[%mul3A_2, %dma_start3A_114] : memref<4096x80xi32, #tpu.memory_space<hbm>> -> memref<4x80xi32, #tpu.memory_space<hbm>>
      tpu.enqueue_dma source(%dma_start3A_115 : memref<4x80xi32, #tpu.memory_space<hbm>>) target(%dma_start3A_113 : memref<4x80xi32, #tpu.memory_space<vmem>>) target_semaphore(%run_scoped3A_103 : memref<!tpu.dma_semaphore, #tpu.memory_space<semaphore_mem>>)
      %dma_wait3A_116 = arith.constant 0 : i32
      %dma_wait3A_117 = arith.constant 0 : i32
      %dma_wait3A_118 = tpu.memref_slice %arg7[%run_scoped3A, %dma_wait3A_116, %dma_wait3A_117] : memref<2x4x80xi32, #tpu.memory_space<vmem>> -> memref<1x4x80xi32, #tpu.memory_space<vmem>>
      %dma_wait3A_119 = tpu.memref_squeeze %dma_wait3A_118 : memref<1x4x80xi32, #tpu.memory_space<vmem>> -> memref<4x80xi32, #tpu.memory_space<vmem>>
      %dma_wait3A_120 = arith.constant 0 : i32
      %dma_wait3A_121 = tpu.memref_slice %arg3[%mul3A_2, %dma_wait3A_120] : memref<4096x80xi32, #tpu.memory_space<hbm>> -> memref<4x80xi32, #tpu.memory_space<hbm>>
      %dma_wait3A_122 = arith.constant 0 : i32
      %dma_wait3A_123 = arith.constant 0 : i32
      %dma_wait3A_124 = tpu.memref_slice %arg7[%run_scoped3A, %dma_wait3A_122, %dma_wait3A_123] : memref<2x4x80xi32, #tpu.memory_space<vmem>> -> memref<1x4x80xi32, #tpu.memory_space<vmem>>
      %dma_wait3A_125 = tpu.memref_squeeze %dma_wait3A_124 : memref<1x4x80xi32, #tpu.memory_space<vmem>> -> memref<4x80xi32, #tpu.memory_space<vmem>>
      %dma_wait3A_126 = arith.constant 0 : i32
      %dma_wait3A_127 = tpu.memref_slice %arg3[%mul3A_2, %dma_wait3A_126] : memref<4096x80xi32, #tpu.memory_space<hbm>> -> memref<4x80xi32, #tpu.memory_space<hbm>>
      tpu.wait_dma2 semaphore(%run_scoped3A_103 : memref<!tpu.dma_semaphore, #tpu.memory_space<semaphore_mem>>) src(%dma_wait3A_127 : memref<4x80xi32, #tpu.memory_space<hbm>>) dst(%dma_wait3A_125 : memref<4x80xi32, #tpu.memory_space<vmem>>)
      tpu.yield
    }) : () -> ()
    %run_scoped3A_12 = arith.constant 0 : i32
    "tpu.region"() ({
      %run_scoped3A_103 = tpu.sem_alloc : memref<!tpu.dma_semaphore, #tpu.memory_space<semaphore_mem>>
      %dma_start3A_104 = arith.constant 0 : i32
      %dma_start3A_105 = arith.constant 0 : i32
      %dma_start3A_106 = tpu.memref_slice %arg8[%run_scoped3A_12, %dma_start3A_104, %dma_start3A_105] : memref<2x4x80xi32, #tpu.memory_space<vmem>> -> memref<1x4x80xi32, #tpu.memory_space<vmem>>
      %dma_start3A_107 = tpu.memref_squeeze %dma_start3A_106 : memref<1x4x80xi32, #tpu.memory_space<vmem>> -> memref<4x80xi32, #tpu.memory_space<vmem>>
      %dma_start3A_108 = arith.constant 0 : i32
      %dma_start3A_109 = tpu.memref_slice %arg4[%mul3A_2, %dma_start3A_108] : memref<4096x80xi32, #tpu.memory_space<hbm>> -> memref<4x80xi32, #tpu.memory_space<hbm>>
      %dma_start3A_110 = arith.constant 0 : i32
      %dma_start3A_111 = arith.constant 0 : i32
      %dma_start3A_112 = tpu.memref_slice %arg8[%run_scoped3A_12, %dma_start3A_110, %dma_start3A_111] : memref<2x4x80xi32, #tpu.memory_space<vmem>> -> memref<1x4x80xi32, #tpu.memory_space<vmem>>
      %dma_start3A_113 = tpu.memref_squeeze %dma_start3A_112 : memref<1x4x80xi32, #tpu.memory_space<vmem>> -> memref<4x80xi32, #tpu.memory_space<vmem>>
      %dma_start3A_114 = arith.constant 0 : i32
      %dma_start3A_115 = tpu.memref_slice %arg4[%mul3A_2, %dma_start3A_114] : memref<4096x80xi32, #tpu.memory_space<hbm>> -> memref<4x80xi32, #tpu.memory_space<hbm>>
      tpu.enqueue_dma source(%dma_start3A_115 : memref<4x80xi32, #tpu.memory_space<hbm>>) target(%dma_start3A_113 : memref<4x80xi32, #tpu.memory_space<vmem>>) target_semaphore(%run_scoped3A_103 : memref<!tpu.dma_semaphore, #tpu.memory_space<semaphore_mem>>)
      %dma_wait3A_116 = arith.constant 0 : i32
      %dma_wait3A_117 = arith.constant 0 : i32
      %dma_wait3A_118 = tpu.memref_slice %arg8[%run_scoped3A_12, %dma_wait3A_116, %dma_wait3A_117] : memref<2x4x80xi32, #tpu.memory_space<vmem>> -> memref<1x4x80xi32, #tpu.memory_space<vmem>>
      %dma_wait3A_119 = tpu.memref_squeeze %dma_wait3A_118 : memref<1x4x80xi32, #tpu.memory_space<vmem>> -> memref<4x80xi32, #tpu.memory_space<vmem>>
      %dma_wait3A_120 = arith.constant 0 : i32
      %dma_wait3A_121 = tpu.memref_slice %arg4[%mul3A_2, %dma_wait3A_120] : memref<4096x80xi32, #tpu.memory_space<hbm>> -> memref<4x80xi32, #tpu.memory_space<hbm>>
      %dma_wait3A_122 = arith.constant 0 : i32
      %dma_wait3A_123 = arith.constant 0 : i32
      %dma_wait3A_124 = tpu.memref_slice %arg8[%run_scoped3A_12, %dma_wait3A_122, %dma_wait3A_123] : memref<2x4x80xi32, #tpu.memory_space<vmem>> -> memref<1x4x80xi32, #tpu.memory_space<vmem>>
      %dma_wait3A_125 = tpu.memref_squeeze %dma_wait3A_124 : memref<1x4x80xi32, #tpu.memory_space<vmem>> -> memref<4x80xi32, #tpu.memory_space<vmem>>
      %dma_wait3A_126 = arith.constant 0 : i32
      %dma_wait3A_127 = tpu.memref_slice %arg4[%mul3A_2, %dma_wait3A_126] : memref<4096x80xi32, #tpu.memory_space<hbm>> -> memref<4x80xi32, #tpu.memory_space<hbm>>
      tpu.wait_dma2 semaphore(%run_scoped3A_103 : memref<!tpu.dma_semaphore, #tpu.memory_space<semaphore_mem>>) src(%dma_wait3A_127 : memref<4x80xi32, #tpu.memory_space<hbm>>) dst(%dma_wait3A_125 : memref<4x80xi32, #tpu.memory_space<vmem>>)
      tpu.yield
    }) : () -> ()
    %add3A_13 = arith.constant 4 : i32
    %add3A_14 = arith.addi %mul3A_2, %add3A_13 : i32
    %dma_start3A_15 = arith.constant 1 : i32
    %dma_start3A_16 = arith.constant 0 : i32
    %dma_start3A_17 = arith.constant 0 : i32
    %dma_start3A_18 = tpu.memref_slice %arg7[%dma_start3A_15, %dma_start3A_16, %dma_start3A_17] : memref<2x4x80xi32, #tpu.memory_space<vmem>> -> memref<1x4x80xi32, #tpu.memory_space<vmem>>
    %dma_start3A_19 = tpu.memref_squeeze %dma_start3A_18 : memref<1x4x80xi32, #tpu.memory_space<vmem>> -> memref<4x80xi32, #tpu.memory_space<vmem>>
    %dma_start3A_20 = arith.constant 0 : i32
    %dma_start3A_21 = tpu.memref_slice %arg3[%add3A_14, %dma_start3A_20] : memref<4096x80xi32, #tpu.memory_space<hbm>> -> memref<4x80xi32, #tpu.memory_space<hbm>>
    %dma_start3A_22 = arith.constant 0 : i32
    %dma_start3A_23 = arith.constant 0 : i32
    %dma_start3A_24 = tpu.memref_slice %arg7[%dma_start3A_15, %dma_start3A_22, %dma_start3A_23] : memref<2x4x80xi32, #tpu.memory_space<vmem>> -> memref<1x4x80xi32, #tpu.memory_space<vmem>>
    %dma_start3A_25 = tpu.memref_squeeze %dma_start3A_24 : memref<1x4x80xi32, #tpu.memory_space<vmem>> -> memref<4x80xi32, #tpu.memory_space<vmem>>
    %dma_start3A_26 = arith.constant 0 : i32
    %dma_start3A_27 = tpu.memref_slice %arg3[%add3A_14, %dma_start3A_26] : memref<4096x80xi32, #tpu.memory_space<hbm>> -> memref<4x80xi32, #tpu.memory_space<hbm>>
    tpu.enqueue_dma source(%dma_start3A_27 : memref<4x80xi32, #tpu.memory_space<hbm>>) target(%dma_start3A_25 : memref<4x80xi32, #tpu.memory_space<vmem>>) target_semaphore(%arg19 : memref<!tpu.dma_semaphore, #tpu.memory_space<semaphore_mem>>)
    %dma_start3A_28 = arith.constant 1 : i32
    %dma_start3A_29 = arith.constant 0 : i32
    %dma_start3A_30 = arith.constant 0 : i32
    %dma_start3A_31 = tpu.memref_slice %arg8[%dma_start3A_28, %dma_start3A_29, %dma_start3A_30] : memref<2x4x80xi32, #tpu.memory_space<vmem>> -> memref<1x4x80xi32, #tpu.memory_space<vmem>>
    %dma_start3A_32 = tpu.memref_squeeze %dma_start3A_31 : memref<1x4x80xi32, #tpu.memory_space<vmem>> -> memref<4x80xi32, #tpu.memory_space<vmem>>
    %dma_start3A_33 = arith.constant 0 : i32
    %dma_start3A_34 = tpu.memref_slice %arg4[%add3A_14, %dma_start3A_33] : memref<4096x80xi32, #tpu.memory_space<hbm>> -> memref<4x80xi32, #tpu.memory_space<hbm>>
    %dma_start3A_35 = arith.constant 0 : i32
    %dma_start3A_36 = arith.constant 0 : i32
    %dma_start3A_37 = tpu.memref_slice %arg8[%dma_start3A_28, %dma_start3A_35, %dma_start3A_36] : memref<2x4x80xi32, #tpu.memory_space<vmem>> -> memref<1x4x80xi32, #tpu.memory_space<vmem>>
    %dma_start3A_38 = tpu.memref_squeeze %dma_start3A_37 : memref<1x4x80xi32, #tpu.memory_space<vmem>> -> memref<4x80xi32, #tpu.memory_space<vmem>>
    %dma_start3A_39 = arith.constant 0 : i32
    %dma_start3A_40 = tpu.memref_slice %arg4[%add3A_14, %dma_start3A_39] : memref<4096x80xi32, #tpu.memory_space<hbm>> -> memref<4x80xi32, #tpu.memory_space<hbm>>
    tpu.enqueue_dma source(%dma_start3A_40 : memref<4x80xi32, #tpu.memory_space<hbm>>) target(%dma_start3A_38 : memref<4x80xi32, #tpu.memory_space<vmem>>) target_semaphore(%arg19 : memref<!tpu.dma_semaphore, #tpu.memory_space<semaphore_mem>>)
    %dma_wait3A = arith.constant 0 : i32
    %dma_wait3A_41 = tpu.memref_slice %arg10[%mul3A_6, %dma_wait3A] : memref<10016x128xf32, #tpu.memory_space<vmem_shared>> -> memref<624x128xf32, #tpu.memory_space<vmem_shared>>
    %dma_wait3A_42 = arith.constant 0 : i32
    %dma_wait3A_43 = tpu.memref_slice %arg5[%mul3A_4, %dma_wait3A_42] : memref<10016x128xf32, #tpu.memory_space<hbm>> -> memref<624x128xf32, #tpu.memory_space<hbm>>
    tpu.wait_dma2 semaphore(%arg20 : memref<!tpu.dma_semaphore, #tpu.memory_space<semaphore_mem>>) src(%dma_wait3A_43 : memref<624x128xf32, #tpu.memory_space<hbm>>) dst(%dma_wait3A_41 : memref<624x128xf32, #tpu.memory_space<vmem_shared>>)
    %eq3A_44 = arith.constant 0 : i32
    %eq3A_45 = arith.cmpi eq, %arg1, %eq3A_44 : i32
    %convert_element_type3A_46 = arith.extui %eq3A_45 : i1 to i32
    %cond3A_47 = arith.constant 0 : i32
    %cond3A_48 = arith.cmpi ne, %convert_element_type3A_46, %cond3A_47 : i32
    scf.if %cond3A_48 {
      %dma_wait3A_103 = arith.constant 9984 : i32
      %dma_wait3A_104 = arith.constant 0 : i32
      %dma_wait3A_105 = tpu.memref_slice %arg10[%dma_wait3A_103, %dma_wait3A_104] : memref<10016x128xf32, #tpu.memory_space<vmem_shared>> -> memref<32x128xf32, #tpu.memory_space<vmem_shared>>
      %dma_wait3A_106 = arith.constant 9984 : i32
      %dma_wait3A_107 = arith.constant 0 : i32
      %dma_wait3A_108 = tpu.memref_slice %arg5[%dma_wait3A_106, %dma_wait3A_107] : memref<10016x128xf32, #tpu.memory_space<hbm>> -> memref<32x128xf32, #tpu.memory_space<hbm>>
      tpu.wait_dma2 semaphore(%arg20 : memref<!tpu.dma_semaphore, #tpu.memory_space<semaphore_mem>>) src(%dma_wait3A_108 : memref<32x128xf32, #tpu.memory_space<hbm>>) dst(%dma_wait3A_105 : memref<32x128xf32, #tpu.memory_space<vmem_shared>>)
    } else {
    }
    %barrier3A = arith.constant 0 : index
    tpu.barrier barrier_id(%barrier3A)
    %dma_start3A_49 = arith.constant 0 : i32
    %dma_start3A_50 = arith.constant 0 : i32
    %dma_start3A_51 = arith.constant 0 : i32
    %dma_start3A_52 = arith.constant 0 : i32
    %dma_start3A_53 = arith.constant 0 : i32
    %dma_start3A_54 = tpu.memref_slice %arg9[%dma_start3A_51, %dma_start3A_52, %dma_start3A_53] : memref<4x80x128xf32, #tpu.memory_space<vmem>> -> memref<1x80x128xf32, #tpu.memory_space<vmem>>
    %dma_start3A_55 = tpu.memref_squeeze %dma_start3A_54 : memref<1x80x128xf32, #tpu.memory_space<vmem>> -> memref<80x128xf32, #tpu.memory_space<vmem>>
    %dma_start3A_56 = arith.constant 0 : i32
    %dma_start3A_57 = tpu.memref_slice %arg7[%dma_start3A_49, %dma_start3A_50, %dma_start3A_56] : memref<2x4x80xi32, #tpu.memory_space<vmem>> -> memref<1x1x80xi32, #tpu.memory_space<vmem>>
    %dma_start3A_58 = tpu.memref_squeeze %dma_start3A_57 : memref<1x1x80xi32, #tpu.memory_space<vmem>> -> memref<80xi32, #tpu.memory_space<vmem>>
    %dma_start3A_59 = arith.constant 0 : i32
    %dma_start3A_60 = arith.constant 0 : i32
    %dma_start3A_61 = tpu.memref_slice %arg2[%dma_start3A_59, %dma_start3A_60] : memref<10000x128xf32, #tpu.memory_space<hbm>> -> memref<10000x128xf32, #tpu.memory_space<hbm>>
    tpu.enqueue_indirect_dma source(%dma_start3A_61 : memref<10000x128xf32, #tpu.memory_space<hbm>>) target(%dma_start3A_55 : memref<80x128xf32, #tpu.memory_space<vmem>>) offsets(%dma_start3A_58 : memref<80xi32, #tpu.memory_space<vmem>>) semaphore(%arg11 : memref<!tpu.dma_semaphore, #tpu.memory_space<semaphore_mem>>)
    %dma_start3A_62 = arith.constant 0 : i32
    %dma_start3A_63 = arith.constant 1 : i32
    %dma_start3A_64 = arith.constant 1 : i32
    %dma_start3A_65 = arith.constant 0 : i32
    %dma_start3A_66 = arith.constant 0 : i32
    %dma_start3A_67 = tpu.memref_slice %arg9[%dma_start3A_64, %dma_start3A_65, %dma_start3A_66] : memref<4x80x128xf32, #tpu.memory_space<vmem>> -> memref<1x80x128xf32, #tpu.memory_space<vmem>>
    %dma_start3A_68 = tpu.memref_squeeze %dma_start3A_67 : memref<1x80x128xf32, #tpu.memory_space<vmem>> -> memref<80x128xf32, #tpu.memory_space<vmem>>
    %dma_start3A_69 = arith.constant 0 : i32
    %dma_start3A_70 = tpu.memref_slice %arg7[%dma_start3A_62, %dma_start3A_63, %dma_start3A_69] : memref<2x4x80xi32, #tpu.memory_space<vmem>> -> memref<1x1x80xi32, #tpu.memory_space<vmem>>
    %dma_start3A_71 = tpu.memref_squeeze %dma_start3A_70 : memref<1x1x80xi32, #tpu.memory_space<vmem>> -> memref<80xi32, #tpu.memory_space<vmem>>
    %dma_start3A_72 = arith.constant 0 : i32
    %dma_start3A_73 = arith.constant 0 : i32
    %dma_start3A_74 = tpu.memref_slice %arg2[%dma_start3A_72, %dma_start3A_73] : memref<10000x128xf32, #tpu.memory_space<hbm>> -> memref<10000x128xf32, #tpu.memory_space<hbm>>
    tpu.enqueue_indirect_dma source(%dma_start3A_74 : memref<10000x128xf32, #tpu.memory_space<hbm>>) target(%dma_start3A_68 : memref<80x128xf32, #tpu.memory_space<vmem>>) offsets(%dma_start3A_71 : memref<80xi32, #tpu.memory_space<vmem>>) semaphore(%arg12 : memref<!tpu.dma_semaphore, #tpu.memory_space<semaphore_mem>>)
    %dma_start3A_75 = arith.constant 0 : i32
    %dma_start3A_76 = arith.constant 2 : i32
    %dma_start3A_77 = arith.constant 2 : i32
    %dma_start3A_78 = arith.constant 0 : i32
    %dma_start3A_79 = arith.constant 0 : i32
    %dma_start3A_80 = tpu.memref_slice %arg9[%dma_start3A_77, %dma_start3A_78, %dma_start3A_79] : memref<4x80x128xf32, #tpu.memory_space<vmem>> -> memref<1x80x128xf32, #tpu.memory_space<vmem>>
    %dma_start3A_81 = tpu.memref_squeeze %dma_start3A_80 : memref<1x80x128xf32, #tpu.memory_space<vmem>> -> memref<80x128xf32, #tpu.memory_space<vmem>>
    %dma_start3A_82 = arith.constant 0 : i32
    %dma_start3A_83 = tpu.memref_slice %arg7[%dma_start3A_75, %dma_start3A_76, %dma_start3A_82] : memref<2x4x80xi32, #tpu.memory_space<vmem>> -> memref<1x1x80xi32, #tpu.memory_space<vmem>>
    %dma_start3A_84 = tpu.memref_squeeze %dma_start3A_83 : memref<1x1x80xi32, #tpu.memory_space<vmem>> -> memref<80xi32, #tpu.memory_space<vmem>>
    %dma_start3A_85 = arith.constant 0 : i32
    %dma_start3A_86 = arith.constant 0 : i32
    %dma_start3A_87 = tpu.memref_slice %arg2[%dma_start3A_85, %dma_start3A_86] : memref<10000x128xf32, #tpu.memory_space<hbm>> -> memref<10000x128xf32, #tpu.memory_space<hbm>>
    tpu.enqueue_indirect_dma source(%dma_start3A_87 : memref<10000x128xf32, #tpu.memory_space<hbm>>) target(%dma_start3A_81 : memref<80x128xf32, #tpu.memory_space<vmem>>) offsets(%dma_start3A_84 : memref<80xi32, #tpu.memory_space<vmem>>) semaphore(%arg13 : memref<!tpu.dma_semaphore, #tpu.memory_space<semaphore_mem>>)
    %scan3A = arith.constant 0 : i32
    %scan3A_88 = arith.constant 0 : i32
    %scan3A_89 = arith.constant 32 : i32
    %scan3A_90 = arith.addi %scan3A_88, %scan3A_89 : i32
    %scan3A_91 = arith.constant 1 : i32
    scf.for %scan3A_103 = %scan3A_88 to %scan3A_90 step %scan3A_91  : i32 {
      %jit3A = arith.constant 2 : i32
      %eq3A_104 = arith.constant 0 : i32
      %eq3A_105 = arith.cmpi eq, %jit3A, %eq3A_104 : i32
      %jit3A_106 = arith.constant 1 : i32
      %select_n3A = arith.select %eq3A_105, %jit3A_106, %jit3A : i32
      %rem3A = arith.remsi %scan3A_103, %select_n3A : i32
      %ne3A = arith.constant 0 : i32
      %ne3A_107 = arith.cmpi ne, %rem3A, %ne3A : i32
      %lt3A = arith.constant 0 : i32
      %lt3A_108 = arith.cmpi slt, %rem3A, %lt3A : i32
      %lt3A_109 = arith.constant 0 : i32
      %lt3A_110 = arith.cmpi slt, %select_n3A, %lt3A_109 : i32
      %ne3A_111 = arith.xori %lt3A_108, %lt3A_110 : i1
      %and3A = arith.andi %ne3A_111, %ne3A_107 : i1
      %add3A_112 = arith.addi %rem3A, %select_n3A : i32
      %select_n3A_113 = arith.select %and3A, %add3A_112, %rem3A : i32
      %dma_wait3A_114 = arith.constant 0 : i32
      %dma_wait3A_115 = arith.constant 0 : i32
      %dma_wait3A_116 = arith.constant 0 : i32
      %dma_wait3A_117 = arith.constant 0 : i32
      %dma_wait3A_118 = tpu.memref_slice %arg9[%dma_wait3A_115, %dma_wait3A_116, %dma_wait3A_117] : memref<4x80x128xf32, #tpu.memory_space<vmem>> -> memref<1x80x128xf32, #tpu.memory_space<vmem>>
      %dma_wait3A_119 = tpu.memref_squeeze %dma_wait3A_118 : memref<1x80x128xf32, #tpu.memory_space<vmem>> -> memref<80x128xf32, #tpu.memory_space<vmem>>
      %dma_wait3A_120 = arith.constant 0 : i32
      %dma_wait3A_121 = tpu.memref_slice %arg7[%select_n3A_113, %dma_wait3A_114, %dma_wait3A_120] : memref<2x4x80xi32, #tpu.memory_space<vmem>> -> memref<1x1x80xi32, #tpu.memory_space<vmem>>
      %dma_wait3A_122 = tpu.memref_squeeze %dma_wait3A_121 : memref<1x1x80xi32, #tpu.memory_space<vmem>> -> memref<80xi32, #tpu.memory_space<vmem>>
      %dma_wait3A_123 = arith.constant 0 : i32
      %dma_wait3A_124 = arith.constant 0 : i32
      %dma_wait3A_125 = tpu.memref_slice %arg2[%dma_wait3A_123, %dma_wait3A_124] : memref<10000x128xf32, #tpu.memory_space<hbm>> -> memref<10000x128xf32, #tpu.memory_space<hbm>>
      tpu.wait_indirect_dma semaphore(%arg11 : memref<!tpu.dma_semaphore, #tpu.memory_space<semaphore_mem>>) src(%dma_wait3A_125 : memref<10000x128xf32, #tpu.memory_space<hbm>>) dst(%dma_wait3A_119 : memref<80x128xf32, #tpu.memory_space<vmem>>)
      %dma_start3A_126 = arith.constant 0 : i32
      %dma_start3A_127 = arith.constant 0 : i32
      %dma_start3A_128 = arith.constant 0 : i32
      %dma_start3A_129 = arith.constant 0 : i32
      %dma_start3A_130 = tpu.memref_slice %arg9[%dma_start3A_126, %dma_start3A_128, %dma_start3A_129] : memref<4x80x128xf32, #tpu.memory_space<vmem>> -> memref<1x80x128xf32, #tpu.memory_space<vmem>>
      %dma_start3A_131 = tpu.memref_squeeze %dma_start3A_130 : memref<1x80x128xf32, #tpu.memory_space<vmem>> -> memref<80x128xf32, #tpu.memory_space<vmem>>
      %dma_start3A_132 = arith.constant 0 : i32
      %dma_start3A_133 = tpu.memref_slice %arg8[%select_n3A_113, %dma_start3A_127, %dma_start3A_132] : memref<2x4x80xi32, #tpu.memory_space<vmem>> -> memref<1x1x80xi32, #tpu.memory_space<vmem>>
      %dma_start3A_134 = tpu.memref_squeeze %dma_start3A_133 : memref<1x1x80xi32, #tpu.memory_space<vmem>> -> memref<80xi32, #tpu.memory_space<vmem>>
      %dma_start3A_135 = arith.constant 0 : i32
      %dma_start3A_136 = arith.constant 0 : i32
      %dma_start3A_137 = tpu.memref_slice %arg10[%dma_start3A_135, %dma_start3A_136] : memref<10016x128xf32, #tpu.memory_space<vmem_shared>> -> memref<10016x128xf32, #tpu.memory_space<vmem_shared>>
      tpu.enqueue_indirect_dma source(%dma_start3A_131 : memref<80x128xf32, #tpu.memory_space<vmem>>) target(%dma_start3A_137 : memref<10016x128xf32, #tpu.memory_space<vmem_shared>>) offsets(%dma_start3A_134 : memref<80xi32, #tpu.memory_space<vmem>>) semaphore(%arg15 : memref<!tpu.dma_semaphore, #tpu.memory_space<semaphore_mem>>) {add = true}
      %dma_start3A_138 = arith.constant 3 : i32
      %dma_start3A_139 = arith.constant 3 : i32
      %dma_start3A_140 = arith.constant 0 : i32
      %dma_start3A_141 = arith.constant 0 : i32
      %dma_start3A_142 = tpu.memref_slice %arg9[%dma_start3A_139, %dma_start3A_140, %dma_start3A_141] : memref<4x80x128xf32, #tpu.memory_space<vmem>> -> memref<1x80x128xf32, #tpu.memory_space<vmem>>
      %dma_start3A_143 = tpu.memref_squeeze %dma_start3A_142 : memref<1x80x128xf32, #tpu.memory_space<vmem>> -> memref<80x128xf32, #tpu.memory_space<vmem>>
      %dma_start3A_144 = arith.constant 0 : i32
      %dma_start3A_145 = tpu.memref_slice %arg7[%select_n3A_113, %dma_start3A_138, %dma_start3A_144] : memref<2x4x80xi32, #tpu.memory_space<vmem>> -> memref<1x1x80xi32, #tpu.memory_space<vmem>>
      %dma_start3A_146 = tpu.memref_squeeze %dma_start3A_145 : memref<1x1x80xi32, #tpu.memory_space<vmem>> -> memref<80xi32, #tpu.memory_space<vmem>>
      %dma_start3A_147 = arith.constant 0 : i32
      %dma_start3A_148 = arith.constant 0 : i32
      %dma_start3A_149 = tpu.memref_slice %arg2[%dma_start3A_147, %dma_start3A_148] : memref<10000x128xf32, #tpu.memory_space<hbm>> -> memref<10000x128xf32, #tpu.memory_space<hbm>>
      tpu.enqueue_indirect_dma source(%dma_start3A_149 : memref<10000x128xf32, #tpu.memory_space<hbm>>) target(%dma_start3A_143 : memref<80x128xf32, #tpu.memory_space<vmem>>) offsets(%dma_start3A_146 : memref<80xi32, #tpu.memory_space<vmem>>) semaphore(%arg14 : memref<!tpu.dma_semaphore, #tpu.memory_space<semaphore_mem>>)
      %dma_wait3A_150 = arith.constant 1 : i32
      %dma_wait3A_151 = arith.constant 1 : i32
      %dma_wait3A_152 = arith.constant 0 : i32
      %dma_wait3A_153 = arith.constant 0 : i32
      %dma_wait3A_154 = tpu.memref_slice %arg9[%dma_wait3A_151, %dma_wait3A_152, %dma_wait3A_153] : memref<4x80x128xf32, #tpu.memory_space<vmem>> -> memref<1x80x128xf32, #tpu.memory_space<vmem>>
      %dma_wait3A_155 = tpu.memref_squeeze %dma_wait3A_154 : memref<1x80x128xf32, #tpu.memory_space<vmem>> -> memref<80x128xf32, #tpu.memory_space<vmem>>
      %dma_wait3A_156 = arith.constant 0 : i32
      %dma_wait3A_157 = tpu.memref_slice %arg7[%select_n3A_113, %dma_wait3A_150, %dma_wait3A_156] : memref<2x4x80xi32, #tpu.memory_space<vmem>> -> memref<1x1x80xi32, #tpu.memory_space<vmem>>
      %dma_wait3A_158 = tpu.memref_squeeze %dma_wait3A_157 : memref<1x1x80xi32, #tpu.memory_space<vmem>> -> memref<80xi32, #tpu.memory_space<vmem>>
      %dma_wait3A_159 = arith.constant 0 : i32
      %dma_wait3A_160 = arith.constant 0 : i32
      %dma_wait3A_161 = tpu.memref_slice %arg2[%dma_wait3A_159, %dma_wait3A_160] : memref<10000x128xf32, #tpu.memory_space<hbm>> -> memref<10000x128xf32, #tpu.memory_space<hbm>>
      tpu.wait_indirect_dma semaphore(%arg12 : memref<!tpu.dma_semaphore, #tpu.memory_space<semaphore_mem>>) src(%dma_wait3A_161 : memref<10000x128xf32, #tpu.memory_space<hbm>>) dst(%dma_wait3A_155 : memref<80x128xf32, #tpu.memory_space<vmem>>)
      %dma_start3A_162 = arith.constant 1 : i32
      %dma_start3A_163 = arith.constant 1 : i32
      %dma_start3A_164 = arith.constant 0 : i32
      %dma_start3A_165 = arith.constant 0 : i32
      %dma_start3A_166 = tpu.memref_slice %arg9[%dma_start3A_162, %dma_start3A_164, %dma_start3A_165] : memref<4x80x128xf32, #tpu.memory_space<vmem>> -> memref<1x80x128xf32, #tpu.memory_space<vmem>>
      %dma_start3A_167 = tpu.memref_squeeze %dma_start3A_166 : memref<1x80x128xf32, #tpu.memory_space<vmem>> -> memref<80x128xf32, #tpu.memory_space<vmem>>
      %dma_start3A_168 = arith.constant 0 : i32
      %dma_start3A_169 = tpu.memref_slice %arg8[%select_n3A_113, %dma_start3A_163, %dma_start3A_168] : memref<2x4x80xi32, #tpu.memory_space<vmem>> -> memref<1x1x80xi32, #tpu.memory_space<vmem>>
      %dma_start3A_170 = tpu.memref_squeeze %dma_start3A_169 : memref<1x1x80xi32, #tpu.memory_space<vmem>> -> memref<80xi32, #tpu.memory_space<vmem>>
      %dma_start3A_171 = arith.constant 0 : i32
      %dma_start3A_172 = arith.constant 0 : i32
      %dma_start3A_173 = tpu.memref_slice %arg10[%dma_start3A_171, %dma_start3A_172] : memref<10016x128xf32, #tpu.memory_space<vmem_shared>> -> memref<10016x128xf32, #tpu.memory_space<vmem_shared>>
      tpu.enqueue_indirect_dma source(%dma_start3A_167 : memref<80x128xf32, #tpu.memory_space<vmem>>) target(%dma_start3A_173 : memref<10016x128xf32, #tpu.memory_space<vmem_shared>>) offsets(%dma_start3A_170 : memref<80xi32, #tpu.memory_space<vmem>>) semaphore(%arg16 : memref<!tpu.dma_semaphore, #tpu.memory_space<semaphore_mem>>) {add = true}
      %dma_wait3A_174 = arith.constant 0 : i32
      %dma_wait3A_175 = arith.constant 0 : i32
      %dma_wait3A_176 = arith.constant 0 : i32
      %dma_wait3A_177 = arith.constant 0 : i32
      %dma_wait3A_178 = tpu.memref_slice %arg9[%dma_wait3A_174, %dma_wait3A_176, %dma_wait3A_177] : memref<4x80x128xf32, #tpu.memory_space<vmem>> -> memref<1x80x128xf32, #tpu.memory_space<vmem>>
      %dma_wait3A_179 = tpu.memref_squeeze %dma_wait3A_178 : memref<1x80x128xf32, #tpu.memory_space<vmem>> -> memref<80x128xf32, #tpu.memory_space<vmem>>
      %dma_wait3A_180 = arith.constant 0 : i32
      %dma_wait3A_181 = tpu.memref_slice %arg8[%select_n3A_113, %dma_wait3A_175, %dma_wait3A_180] : memref<2x4x80xi32, #tpu.memory_space<vmem>> -> memref<1x1x80xi32, #tpu.memory_space<vmem>>
      %dma_wait3A_182 = tpu.memref_squeeze %dma_wait3A_181 : memref<1x1x80xi32, #tpu.memory_space<vmem>> -> memref<80xi32, #tpu.memory_space<vmem>>
      %dma_wait3A_183 = arith.constant 0 : i32
      %dma_wait3A_184 = arith.constant 0 : i32
      %dma_wait3A_185 = tpu.memref_slice %arg10[%dma_wait3A_183, %dma_wait3A_184] : memref<10016x128xf32, #tpu.memory_space<vmem_shared>> -> memref<10016x128xf32, #tpu.memory_space<vmem_shared>>
      tpu.wait_indirect_dma semaphore(%arg15 : memref<!tpu.dma_semaphore, #tpu.memory_space<semaphore_mem>>) src(%dma_wait3A_179 : memref<80x128xf32, #tpu.memory_space<vmem>>) dst(%dma_wait3A_185 : memref<10016x128xf32, #tpu.memory_space<vmem_shared>>)
      %add3A_186 = arith.constant 1 : i32
      %add3A_187 = arith.addi %scan3A_103, %add3A_186 : i32
      %lt3A_188 = arith.constant 32 : i32
      %lt3A_189 = arith.cmpi slt, %add3A_187, %lt3A_188 : i32
      %convert_element_type3A_190 = arith.extui %lt3A_189 : i1 to i32
      %cond3A_191 = arith.constant 0 : i32
      %cond3A_192 = arith.cmpi ne, %convert_element_type3A_190, %cond3A_191 : i32
      scf.if %cond3A_192 {
        %add3A_298 = arith.constant 1 : i32
        %add3A_299 = arith.addi %scan3A_103, %add3A_298 : i32
        %sub3A = arith.constant 1 : i32
        %sub3A_300 = arith.subi %sub3A, %select_n3A_113 : i32
        %mul3A_301 = arith.constant 4 : i32
        %mul3A_302 = arith.muli %add3A_299, %mul3A_301 : i32
        %add3A_303 = arith.addi %mul3A_2, %mul3A_302 : i32
        %dma_wait3A_304 = arith.constant 0 : i32
        %dma_wait3A_305 = arith.constant 0 : i32
        %dma_wait3A_306 = tpu.memref_slice %arg7[%sub3A_300, %dma_wait3A_304, %dma_wait3A_305] : memref<2x4x80xi32, #tpu.memory_space<vmem>> -> memref<1x4x80xi32, #tpu.memory_space<vmem>>
        %dma_wait3A_307 = tpu.memref_squeeze %dma_wait3A_306 : memref<1x4x80xi32, #tpu.memory_space<vmem>> -> memref<4x80xi32, #tpu.memory_space<vmem>>
        %dma_wait3A_308 = arith.constant 0 : i32
        %dma_wait3A_309 = tpu.memref_slice %arg3[%add3A_303, %dma_wait3A_308] : memref<4096x80xi32, #tpu.memory_space<hbm>> -> memref<4x80xi32, #tpu.memory_space<hbm>>
        %dma_wait3A_310 = arith.constant 0 : i32
        %dma_wait3A_311 = arith.constant 0 : i32
        %dma_wait3A_312 = tpu.memref_slice %arg7[%sub3A_300, %dma_wait3A_310, %dma_wait3A_311] : memref<2x4x80xi32, #tpu.memory_space<vmem>> -> memref<1x4x80xi32, #tpu.memory_space<vmem>>
        %dma_wait3A_313 = tpu.memref_squeeze %dma_wait3A_312 : memref<1x4x80xi32, #tpu.memory_space<vmem>> -> memref<4x80xi32, #tpu.memory_space<vmem>>
        %dma_wait3A_314 = arith.constant 0 : i32
        %dma_wait3A_315 = tpu.memref_slice %arg3[%add3A_303, %dma_wait3A_314] : memref<4096x80xi32, #tpu.memory_space<hbm>> -> memref<4x80xi32, #tpu.memory_space<hbm>>
        tpu.wait_dma2 semaphore(%arg19 : memref<!tpu.dma_semaphore, #tpu.memory_space<semaphore_mem>>) src(%dma_wait3A_315 : memref<4x80xi32, #tpu.memory_space<hbm>>) dst(%dma_wait3A_313 : memref<4x80xi32, #tpu.memory_space<vmem>>)
        %dma_wait3A_316 = arith.constant 0 : i32
        %dma_wait3A_317 = arith.constant 0 : i32
        %dma_wait3A_318 = tpu.memref_slice %arg8[%sub3A_300, %dma_wait3A_316, %dma_wait3A_317] : memref<2x4x80xi32, #tpu.memory_space<vmem>> -> memref<1x4x80xi32, #tpu.memory_space<vmem>>
        %dma_wait3A_319 = tpu.memref_squeeze %dma_wait3A_318 : memref<1x4x80xi32, #tpu.memory_space<vmem>> -> memref<4x80xi32, #tpu.memory_space<vmem>>
        %dma_wait3A_320 = arith.constant 0 : i32
        %dma_wait3A_321 = tpu.memref_slice %arg4[%add3A_303, %dma_wait3A_320] : memref<4096x80xi32, #tpu.memory_space<hbm>> -> memref<4x80xi32, #tpu.memory_space<hbm>>
        %dma_wait3A_322 = arith.constant 0 : i32
        %dma_wait3A_323 = arith.constant 0 : i32
        %dma_wait3A_324 = tpu.memref_slice %arg8[%sub3A_300, %dma_wait3A_322, %dma_wait3A_323] : memref<2x4x80xi32, #tpu.memory_space<vmem>> -> memref<1x4x80xi32, #tpu.memory_space<vmem>>
        %dma_wait3A_325 = tpu.memref_squeeze %dma_wait3A_324 : memref<1x4x80xi32, #tpu.memory_space<vmem>> -> memref<4x80xi32, #tpu.memory_space<vmem>>
        %dma_wait3A_326 = arith.constant 0 : i32
        %dma_wait3A_327 = tpu.memref_slice %arg4[%add3A_303, %dma_wait3A_326] : memref<4096x80xi32, #tpu.memory_space<hbm>> -> memref<4x80xi32, #tpu.memory_space<hbm>>
        tpu.wait_dma2 semaphore(%arg19 : memref<!tpu.dma_semaphore, #tpu.memory_space<semaphore_mem>>) src(%dma_wait3A_327 : memref<4x80xi32, #tpu.memory_space<hbm>>) dst(%dma_wait3A_325 : memref<4x80xi32, #tpu.memory_space<vmem>>)
        %sub3A_328 = arith.constant 1 : i32
        %sub3A_329 = arith.subi %sub3A_328, %select_n3A_113 : i32
        %dma_start3A_330 = arith.constant 0 : i32
        %dma_start3A_331 = arith.constant 0 : i32
        %dma_start3A_332 = arith.constant 0 : i32
        %dma_start3A_333 = arith.constant 0 : i32
        %dma_start3A_334 = tpu.memref_slice %arg9[%dma_start3A_331, %dma_start3A_332, %dma_start3A_333] : memref<4x80x128xf32, #tpu.memory_space<vmem>> -> memref<1x80x128xf32, #tpu.memory_space<vmem>>
        %dma_start3A_335 = tpu.memref_squeeze %dma_start3A_334 : memref<1x80x128xf32, #tpu.memory_space<vmem>> -> memref<80x128xf32, #tpu.memory_space<vmem>>
        %dma_start3A_336 = arith.constant 0 : i32
        %dma_start3A_337 = tpu.memref_slice %arg7[%sub3A_329, %dma_start3A_330, %dma_start3A_336] : memref<2x4x80xi32, #tpu.memory_space<vmem>> -> memref<1x1x80xi32, #tpu.memory_space<vmem>>
        %dma_start3A_338 = tpu.memref_squeeze %dma_start3A_337 : memref<1x1x80xi32, #tpu.memory_space<vmem>> -> memref<80xi32, #tpu.memory_space<vmem>>
        %dma_start3A_339 = arith.constant 0 : i32
        %dma_start3A_340 = arith.constant 0 : i32
        %dma_start3A_341 = tpu.memref_slice %arg2[%dma_start3A_339, %dma_start3A_340] : memref<10000x128xf32, #tpu.memory_space<hbm>> -> memref<10000x128xf32, #tpu.memory_space<hbm>>
        tpu.enqueue_indirect_dma source(%dma_start3A_341 : memref<10000x128xf32, #tpu.memory_space<hbm>>) target(%dma_start3A_335 : memref<80x128xf32, #tpu.memory_space<vmem>>) offsets(%dma_start3A_338 : memref<80xi32, #tpu.memory_space<vmem>>) semaphore(%arg11 : memref<!tpu.dma_semaphore, #tpu.memory_space<semaphore_mem>>)
      } else {
      }
      %dma_wait3A_193 = arith.constant 2 : i32
      %dma_wait3A_194 = arith.constant 2 : i32
      %dma_wait3A_195 = arith.constant 0 : i32
      %dma_wait3A_196 = arith.constant 0 : i32
      %dma_wait3A_197 = tpu.memref_slice %arg9[%dma_wait3A_194, %dma_wait3A_195, %dma_wait3A_196] : memref<4x80x128xf32, #tpu.memory_space<vmem>> -> memref<1x80x128xf32, #tpu.memory_space<vmem>>
      %dma_wait3A_198 = tpu.memref_squeeze %dma_wait3A_197 : memref<1x80x128xf32, #tpu.memory_space<vmem>> -> memref<80x128xf32, #tpu.memory_space<vmem>>
      %dma_wait3A_199 = arith.constant 0 : i32
      %dma_wait3A_200 = tpu.memref_slice %arg7[%select_n3A_113, %dma_wait3A_193, %dma_wait3A_199] : memref<2x4x80xi32, #tpu.memory_space<vmem>> -> memref<1x1x80xi32, #tpu.memory_space<vmem>>
      %dma_wait3A_201 = tpu.memref_squeeze %dma_wait3A_200 : memref<1x1x80xi32, #tpu.memory_space<vmem>> -> memref<80xi32, #tpu.memory_space<vmem>>
      %dma_wait3A_202 = arith.constant 0 : i32
      %dma_wait3A_203 = arith.constant 0 : i32
      %dma_wait3A_204 = tpu.memref_slice %arg2[%dma_wait3A_202, %dma_wait3A_203] : memref<10000x128xf32, #tpu.memory_space<hbm>> -> memref<10000x128xf32, #tpu.memory_space<hbm>>
      tpu.wait_indirect_dma semaphore(%arg13 : memref<!tpu.dma_semaphore, #tpu.memory_space<semaphore_mem>>) src(%dma_wait3A_204 : memref<10000x128xf32, #tpu.memory_space<hbm>>) dst(%dma_wait3A_198 : memref<80x128xf32, #tpu.memory_space<vmem>>)
      %dma_start3A_205 = arith.constant 2 : i32
      %dma_start3A_206 = arith.constant 2 : i32
      %dma_start3A_207 = arith.constant 0 : i32
      %dma_start3A_208 = arith.constant 0 : i32
      %dma_start3A_209 = tpu.memref_slice %arg9[%dma_start3A_205, %dma_start3A_207, %dma_start3A_208] : memref<4x80x128xf32, #tpu.memory_space<vmem>> -> memref<1x80x128xf32, #tpu.memory_space<vmem>>
      %dma_start3A_210 = tpu.memref_squeeze %dma_start3A_209 : memref<1x80x128xf32, #tpu.memory_space<vmem>> -> memref<80x128xf32, #tpu.memory_space<vmem>>
      %dma_start3A_211 = arith.constant 0 : i32
      %dma_start3A_212 = tpu.memref_slice %arg8[%select_n3A_113, %dma_start3A_206, %dma_start3A_211] : memref<2x4x80xi32, #tpu.memory_space<vmem>> -> memref<1x1x80xi32, #tpu.memory_space<vmem>>
      %dma_start3A_213 = tpu.memref_squeeze %dma_start3A_212 : memref<1x1x80xi32, #tpu.memory_space<vmem>> -> memref<80xi32, #tpu.memory_space<vmem>>
      %dma_start3A_214 = arith.constant 0 : i32
      %dma_start3A_215 = arith.constant 0 : i32
      %dma_start3A_216 = tpu.memref_slice %arg10[%dma_start3A_214, %dma_start3A_215] : memref<10016x128xf32, #tpu.memory_space<vmem_shared>> -> memref<10016x128xf32, #tpu.memory_space<vmem_shared>>
      tpu.enqueue_indirect_dma source(%dma_start3A_210 : memref<80x128xf32, #tpu.memory_space<vmem>>) target(%dma_start3A_216 : memref<10016x128xf32, #tpu.memory_space<vmem_shared>>) offsets(%dma_start3A_213 : memref<80xi32, #tpu.memory_space<vmem>>) semaphore(%arg17 : memref<!tpu.dma_semaphore, #tpu.memory_space<semaphore_mem>>) {add = true}
      %dma_wait3A_217 = arith.constant 1 : i32
      %dma_wait3A_218 = arith.constant 1 : i32
      %dma_wait3A_219 = arith.constant 0 : i32
      %dma_wait3A_220 = arith.constant 0 : i32
      %dma_wait3A_221 = tpu.memref_slice %arg9[%dma_wait3A_217, %dma_wait3A_219, %dma_wait3A_220] : memref<4x80x128xf32, #tpu.memory_space<vmem>> -> memref<1x80x128xf32, #tpu.memory_space<vmem>>
      %dma_wait3A_222 = tpu.memref_squeeze %dma_wait3A_221 : memref<1x80x128xf32, #tpu.memory_space<vmem>> -> memref<80x128xf32, #tpu.memory_space<vmem>>
      %dma_wait3A_223 = arith.constant 0 : i32
      %dma_wait3A_224 = tpu.memref_slice %arg8[%select_n3A_113, %dma_wait3A_218, %dma_wait3A_223] : memref<2x4x80xi32, #tpu.memory_space<vmem>> -> memref<1x1x80xi32, #tpu.memory_space<vmem>>
      %dma_wait3A_225 = tpu.memref_squeeze %dma_wait3A_224 : memref<1x1x80xi32, #tpu.memory_space<vmem>> -> memref<80xi32, #tpu.memory_space<vmem>>
      %dma_wait3A_226 = arith.constant 0 : i32
      %dma_wait3A_227 = arith.constant 0 : i32
      %dma_wait3A_228 = tpu.memref_slice %arg10[%dma_wait3A_226, %dma_wait3A_227] : memref<10016x128xf32, #tpu.memory_space<vmem_shared>> -> memref<10016x128xf32, #tpu.memory_space<vmem_shared>>
      tpu.wait_indirect_dma semaphore(%arg16 : memref<!tpu.dma_semaphore, #tpu.memory_space<semaphore_mem>>) src(%dma_wait3A_222 : memref<80x128xf32, #tpu.memory_space<vmem>>) dst(%dma_wait3A_228 : memref<10016x128xf32, #tpu.memory_space<vmem_shared>>)
      %add3A_229 = arith.constant 1 : i32
      %add3A_230 = arith.addi %scan3A_103, %add3A_229 : i32
      %lt3A_231 = arith.constant 32 : i32
      %lt3A_232 = arith.cmpi slt, %add3A_230, %lt3A_231 : i32
      %convert_element_type3A_233 = arith.extui %lt3A_232 : i1 to i32
      %cond3A_234 = arith.constant 0 : i32
      %cond3A_235 = arith.cmpi ne, %convert_element_type3A_233, %cond3A_234 : i32
      scf.if %cond3A_235 {
        %sub3A = arith.constant 1 : i32
        %sub3A_298 = arith.subi %sub3A, %select_n3A_113 : i32
        %dma_start3A_299 = arith.constant 1 : i32
        %dma_start3A_300 = arith.constant 1 : i32
        %dma_start3A_301 = arith.constant 0 : i32
        %dma_start3A_302 = arith.constant 0 : i32
        %dma_start3A_303 = tpu.memref_slice %arg9[%dma_start3A_300, %dma_start3A_301, %dma_start3A_302] : memref<4x80x128xf32, #tpu.memory_space<vmem>> -> memref<1x80x128xf32, #tpu.memory_space<vmem>>
        %dma_start3A_304 = tpu.memref_squeeze %dma_start3A_303 : memref<1x80x128xf32, #tpu.memory_space<vmem>> -> memref<80x128xf32, #tpu.memory_space<vmem>>
        %dma_start3A_305 = arith.constant 0 : i32
        %dma_start3A_306 = tpu.memref_slice %arg7[%sub3A_298, %dma_start3A_299, %dma_start3A_305] : memref<2x4x80xi32, #tpu.memory_space<vmem>> -> memref<1x1x80xi32, #tpu.memory_space<vmem>>
        %dma_start3A_307 = tpu.memref_squeeze %dma_start3A_306 : memref<1x1x80xi32, #tpu.memory_space<vmem>> -> memref<80xi32, #tpu.memory_space<vmem>>
        %dma_start3A_308 = arith.constant 0 : i32
        %dma_start3A_309 = arith.constant 0 : i32
        %dma_start3A_310 = tpu.memref_slice %arg2[%dma_start3A_308, %dma_start3A_309] : memref<10000x128xf32, #tpu.memory_space<hbm>> -> memref<10000x128xf32, #tpu.memory_space<hbm>>
        tpu.enqueue_indirect_dma source(%dma_start3A_310 : memref<10000x128xf32, #tpu.memory_space<hbm>>) target(%dma_start3A_304 : memref<80x128xf32, #tpu.memory_space<vmem>>) offsets(%dma_start3A_307 : memref<80xi32, #tpu.memory_space<vmem>>) semaphore(%arg12 : memref<!tpu.dma_semaphore, #tpu.memory_space<semaphore_mem>>)
      } else {
      }
      %dma_wait3A_236 = arith.constant 3 : i32
      %dma_wait3A_237 = arith.constant 3 : i32
      %dma_wait3A_238 = arith.constant 0 : i32
      %dma_wait3A_239 = arith.constant 0 : i32
      %dma_wait3A_240 = tpu.memref_slice %arg9[%dma_wait3A_237, %dma_wait3A_238, %dma_wait3A_239] : memref<4x80x128xf32, #tpu.memory_space<vmem>> -> memref<1x80x128xf32, #tpu.memory_space<vmem>>
      %dma_wait3A_241 = tpu.memref_squeeze %dma_wait3A_240 : memref<1x80x128xf32, #tpu.memory_space<vmem>> -> memref<80x128xf32, #tpu.memory_space<vmem>>
      %dma_wait3A_242 = arith.constant 0 : i32
      %dma_wait3A_243 = tpu.memref_slice %arg7[%select_n3A_113, %dma_wait3A_236, %dma_wait3A_242] : memref<2x4x80xi32, #tpu.memory_space<vmem>> -> memref<1x1x80xi32, #tpu.memory_space<vmem>>
      %dma_wait3A_244 = tpu.memref_squeeze %dma_wait3A_243 : memref<1x1x80xi32, #tpu.memory_space<vmem>> -> memref<80xi32, #tpu.memory_space<vmem>>
      %dma_wait3A_245 = arith.constant 0 : i32
      %dma_wait3A_246 = arith.constant 0 : i32
      %dma_wait3A_247 = tpu.memref_slice %arg2[%dma_wait3A_245, %dma_wait3A_246] : memref<10000x128xf32, #tpu.memory_space<hbm>> -> memref<10000x128xf32, #tpu.memory_space<hbm>>
      tpu.wait_indirect_dma semaphore(%arg14 : memref<!tpu.dma_semaphore, #tpu.memory_space<semaphore_mem>>) src(%dma_wait3A_247 : memref<10000x128xf32, #tpu.memory_space<hbm>>) dst(%dma_wait3A_241 : memref<80x128xf32, #tpu.memory_space<vmem>>)
      %dma_start3A_248 = arith.constant 3 : i32
      %dma_start3A_249 = arith.constant 3 : i32
      %dma_start3A_250 = arith.constant 0 : i32
      %dma_start3A_251 = arith.constant 0 : i32
      %dma_start3A_252 = tpu.memref_slice %arg9[%dma_start3A_248, %dma_start3A_250, %dma_start3A_251] : memref<4x80x128xf32, #tpu.memory_space<vmem>> -> memref<1x80x128xf32, #tpu.memory_space<vmem>>
      %dma_start3A_253 = tpu.memref_squeeze %dma_start3A_252 : memref<1x80x128xf32, #tpu.memory_space<vmem>> -> memref<80x128xf32, #tpu.memory_space<vmem>>
      %dma_start3A_254 = arith.constant 0 : i32
      %dma_start3A_255 = tpu.memref_slice %arg8[%select_n3A_113, %dma_start3A_249, %dma_start3A_254] : memref<2x4x80xi32, #tpu.memory_space<vmem>> -> memref<1x1x80xi32, #tpu.memory_space<vmem>>
      %dma_start3A_256 = tpu.memref_squeeze %dma_start3A_255 : memref<1x1x80xi32, #tpu.memory_space<vmem>> -> memref<80xi32, #tpu.memory_space<vmem>>
      %dma_start3A_257 = arith.constant 0 : i32
      %dma_start3A_258 = arith.constant 0 : i32
      %dma_start3A_259 = tpu.memref_slice %arg10[%dma_start3A_257, %dma_start3A_258] : memref<10016x128xf32, #tpu.memory_space<vmem_shared>> -> memref<10016x128xf32, #tpu.memory_space<vmem_shared>>
      tpu.enqueue_indirect_dma source(%dma_start3A_253 : memref<80x128xf32, #tpu.memory_space<vmem>>) target(%dma_start3A_259 : memref<10016x128xf32, #tpu.memory_space<vmem_shared>>) offsets(%dma_start3A_256 : memref<80xi32, #tpu.memory_space<vmem>>) semaphore(%arg18 : memref<!tpu.dma_semaphore, #tpu.memory_space<semaphore_mem>>) {add = true}
      %dma_wait3A_260 = arith.constant 2 : i32
      %dma_wait3A_261 = arith.constant 2 : i32
      %dma_wait3A_262 = arith.constant 0 : i32
      %dma_wait3A_263 = arith.constant 0 : i32
      %dma_wait3A_264 = tpu.memref_slice %arg9[%dma_wait3A_260, %dma_wait3A_262, %dma_wait3A_263] : memref<4x80x128xf32, #tpu.memory_space<vmem>> -> memref<1x80x128xf32, #tpu.memory_space<vmem>>
      %dma_wait3A_265 = tpu.memref_squeeze %dma_wait3A_264 : memref<1x80x128xf32, #tpu.memory_space<vmem>> -> memref<80x128xf32, #tpu.memory_space<vmem>>
      %dma_wait3A_266 = arith.constant 0 : i32
      %dma_wait3A_267 = tpu.memref_slice %arg8[%select_n3A_113, %dma_wait3A_261, %dma_wait3A_266] : memref<2x4x80xi32, #tpu.memory_space<vmem>> -> memref<1x1x80xi32, #tpu.memory_space<vmem>>
      %dma_wait3A_268 = tpu.memref_squeeze %dma_wait3A_267 : memref<1x1x80xi32, #tpu.memory_space<vmem>> -> memref<80xi32, #tpu.memory_space<vmem>>
      %dma_wait3A_269 = arith.constant 0 : i32
      %dma_wait3A_270 = arith.constant 0 : i32
      %dma_wait3A_271 = tpu.memref_slice %arg10[%dma_wait3A_269, %dma_wait3A_270] : memref<10016x128xf32, #tpu.memory_space<vmem_shared>> -> memref<10016x128xf32, #tpu.memory_space<vmem_shared>>
      tpu.wait_indirect_dma semaphore(%arg17 : memref<!tpu.dma_semaphore, #tpu.memory_space<semaphore_mem>>) src(%dma_wait3A_265 : memref<80x128xf32, #tpu.memory_space<vmem>>) dst(%dma_wait3A_271 : memref<10016x128xf32, #tpu.memory_space<vmem_shared>>)
      %add3A_272 = arith.constant 1 : i32
      %add3A_273 = arith.addi %scan3A_103, %add3A_272 : i32
      %lt3A_274 = arith.constant 32 : i32
      %lt3A_275 = arith.cmpi slt, %add3A_273, %lt3A_274 : i32
      %convert_element_type3A_276 = arith.extui %lt3A_275 : i1 to i32
      %cond3A_277 = arith.constant 0 : i32
      %cond3A_278 = arith.cmpi ne, %convert_element_type3A_276, %cond3A_277 : i32
      scf.if %cond3A_278 {
        %sub3A = arith.constant 1 : i32
        %sub3A_298 = arith.subi %sub3A, %select_n3A_113 : i32
        %dma_start3A_299 = arith.constant 2 : i32
        %dma_start3A_300 = arith.constant 2 : i32
        %dma_start3A_301 = arith.constant 0 : i32
        %dma_start3A_302 = arith.constant 0 : i32
        %dma_start3A_303 = tpu.memref_slice %arg9[%dma_start3A_300, %dma_start3A_301, %dma_start3A_302] : memref<4x80x128xf32, #tpu.memory_space<vmem>> -> memref<1x80x128xf32, #tpu.memory_space<vmem>>
        %dma_start3A_304 = tpu.memref_squeeze %dma_start3A_303 : memref<1x80x128xf32, #tpu.memory_space<vmem>> -> memref<80x128xf32, #tpu.memory_space<vmem>>
        %dma_start3A_305 = arith.constant 0 : i32
        %dma_start3A_306 = tpu.memref_slice %arg7[%sub3A_298, %dma_start3A_299, %dma_start3A_305] : memref<2x4x80xi32, #tpu.memory_space<vmem>> -> memref<1x1x80xi32, #tpu.memory_space<vmem>>
        %dma_start3A_307 = tpu.memref_squeeze %dma_start3A_306 : memref<1x1x80xi32, #tpu.memory_space<vmem>> -> memref<80xi32, #tpu.memory_space<vmem>>
        %dma_start3A_308 = arith.constant 0 : i32
        %dma_start3A_309 = arith.constant 0 : i32
        %dma_start3A_310 = tpu.memref_slice %arg2[%dma_start3A_308, %dma_start3A_309] : memref<10000x128xf32, #tpu.memory_space<hbm>> -> memref<10000x128xf32, #tpu.memory_space<hbm>>
        tpu.enqueue_indirect_dma source(%dma_start3A_310 : memref<10000x128xf32, #tpu.memory_space<hbm>>) target(%dma_start3A_304 : memref<80x128xf32, #tpu.memory_space<vmem>>) offsets(%dma_start3A_307 : memref<80xi32, #tpu.memory_space<vmem>>) semaphore(%arg13 : memref<!tpu.dma_semaphore, #tpu.memory_space<semaphore_mem>>)
      } else {
      }
      %dma_wait3A_279 = arith.constant 3 : i32
      %dma_wait3A_280 = arith.constant 3 : i32
      %dma_wait3A_281 = arith.constant 0 : i32
      %dma_wait3A_282 = arith.constant 0 : i32
      %dma_wait3A_283 = tpu.memref_slice %arg9[%dma_wait3A_279, %dma_wait3A_281, %dma_wait3A_282] : memref<4x80x128xf32, #tpu.memory_space<vmem>> -> memref<1x80x128xf32, #tpu.memory_space<vmem>>
      %dma_wait3A_284 = tpu.memref_squeeze %dma_wait3A_283 : memref<1x80x128xf32, #tpu.memory_space<vmem>> -> memref<80x128xf32, #tpu.memory_space<vmem>>
      %dma_wait3A_285 = arith.constant 0 : i32
      %dma_wait3A_286 = tpu.memref_slice %arg8[%select_n3A_113, %dma_wait3A_280, %dma_wait3A_285] : memref<2x4x80xi32, #tpu.memory_space<vmem>> -> memref<1x1x80xi32, #tpu.memory_space<vmem>>
      %dma_wait3A_287 = tpu.memref_squeeze %dma_wait3A_286 : memref<1x1x80xi32, #tpu.memory_space<vmem>> -> memref<80xi32, #tpu.memory_space<vmem>>
      %dma_wait3A_288 = arith.constant 0 : i32
      %dma_wait3A_289 = arith.constant 0 : i32
      %dma_wait3A_290 = tpu.memref_slice %arg10[%dma_wait3A_288, %dma_wait3A_289] : memref<10016x128xf32, #tpu.memory_space<vmem_shared>> -> memref<10016x128xf32, #tpu.memory_space<vmem_shared>>
      tpu.wait_indirect_dma semaphore(%arg18 : memref<!tpu.dma_semaphore, #tpu.memory_space<semaphore_mem>>) src(%dma_wait3A_284 : memref<80x128xf32, #tpu.memory_space<vmem>>) dst(%dma_wait3A_290 : memref<10016x128xf32, #tpu.memory_space<vmem_shared>>)
      %add3A_291 = arith.constant 2 : i32
      %add3A_292 = arith.addi %scan3A_103, %add3A_291 : i32
      %lt3A_293 = arith.constant 32 : i32
      %lt3A_294 = arith.cmpi slt, %add3A_292, %lt3A_293 : i32
      %convert_element_type3A_295 = arith.extui %lt3A_294 : i1 to i32
      %cond3A_296 = arith.constant 0 : i32
      %cond3A_297 = arith.cmpi ne, %convert_element_type3A_295, %cond3A_296 : i32
      scf.if %cond3A_297 {
        %add3A_298 = arith.constant 2 : i32
        %add3A_299 = arith.addi %scan3A_103, %add3A_298 : i32
        %mul3A_300 = arith.constant 4 : i32
        %mul3A_301 = arith.muli %add3A_299, %mul3A_300 : i32
        %add3A_302 = arith.addi %mul3A_2, %mul3A_301 : i32
        %dma_start3A_303 = arith.constant 0 : i32
        %dma_start3A_304 = arith.constant 0 : i32
        %dma_start3A_305 = tpu.memref_slice %arg7[%select_n3A_113, %dma_start3A_303, %dma_start3A_304] : memref<2x4x80xi32, #tpu.memory_space<vmem>> -> memref<1x4x80xi32, #tpu.memory_space<vmem>>
        %dma_start3A_306 = tpu.memref_squeeze %dma_start3A_305 : memref<1x4x80xi32, #tpu.memory_space<vmem>> -> memref<4x80xi32, #tpu.memory_space<vmem>>
        %dma_start3A_307 = arith.constant 0 : i32
        %dma_start3A_308 = tpu.memref_slice %arg3[%add3A_302, %dma_start3A_307] : memref<4096x80xi32, #tpu.memory_space<hbm>> -> memref<4x80xi32, #tpu.memory_space<hbm>>
        %dma_start3A_309 = arith.constant 0 : i32
        %dma_start3A_310 = arith.constant 0 : i32
        %dma_start3A_311 = tpu.memref_slice %arg7[%select_n3A_113, %dma_start3A_309, %dma_start3A_310] : memref<2x4x80xi32, #tpu.memory_space<vmem>> -> memref<1x4x80xi32, #tpu.memory_space<vmem>>
        %dma_start3A_312 = tpu.memref_squeeze %dma_start3A_311 : memref<1x4x80xi32, #tpu.memory_space<vmem>> -> memref<4x80xi32, #tpu.memory_space<vmem>>
        %dma_start3A_313 = arith.constant 0 : i32
        %dma_start3A_314 = tpu.memref_slice %arg3[%add3A_302, %dma_start3A_313] : memref<4096x80xi32, #tpu.memory_space<hbm>> -> memref<4x80xi32, #tpu.memory_space<hbm>>
        tpu.enqueue_dma source(%dma_start3A_314 : memref<4x80xi32, #tpu.memory_space<hbm>>) target(%dma_start3A_312 : memref<4x80xi32, #tpu.memory_space<vmem>>) target_semaphore(%arg19 : memref<!tpu.dma_semaphore, #tpu.memory_space<semaphore_mem>>)
        %dma_start3A_315 = arith.constant 0 : i32
        %dma_start3A_316 = arith.constant 0 : i32
        %dma_start3A_317 = tpu.memref_slice %arg8[%select_n3A_113, %dma_start3A_315, %dma_start3A_316] : memref<2x4x80xi32, #tpu.memory_space<vmem>> -> memref<1x4x80xi32, #tpu.memory_space<vmem>>
        %dma_start3A_318 = tpu.memref_squeeze %dma_start3A_317 : memref<1x4x80xi32, #tpu.memory_space<vmem>> -> memref<4x80xi32, #tpu.memory_space<vmem>>
        %dma_start3A_319 = arith.constant 0 : i32
        %dma_start3A_320 = tpu.memref_slice %arg4[%add3A_302, %dma_start3A_319] : memref<4096x80xi32, #tpu.memory_space<hbm>> -> memref<4x80xi32, #tpu.memory_space<hbm>>
        %dma_start3A_321 = arith.constant 0 : i32
        %dma_start3A_322 = arith.constant 0 : i32
        %dma_start3A_323 = tpu.memref_slice %arg8[%select_n3A_113, %dma_start3A_321, %dma_start3A_322] : memref<2x4x80xi32, #tpu.memory_space<vmem>> -> memref<1x4x80xi32, #tpu.memory_space<vmem>>
        %dma_start3A_324 = tpu.memref_squeeze %dma_start3A_323 : memref<1x4x80xi32, #tpu.memory_space<vmem>> -> memref<4x80xi32, #tpu.memory_space<vmem>>
        %dma_start3A_325 = arith.constant 0 : i32
        %dma_start3A_326 = tpu.memref_slice %arg4[%add3A_302, %dma_start3A_325] : memref<4096x80xi32, #tpu.memory_space<hbm>> -> memref<4x80xi32, #tpu.memory_space<hbm>>
        tpu.enqueue_dma source(%dma_start3A_326 : memref<4x80xi32, #tpu.memory_space<hbm>>) target(%dma_start3A_324 : memref<4x80xi32, #tpu.memory_space<vmem>>) target_semaphore(%arg19 : memref<!tpu.dma_semaphore, #tpu.memory_space<semaphore_mem>>)
      } else {
      }
    }
    %scan3A_92 = arith.constant 32 : i32
    %barrier3A_93 = arith.constant 0 : index
    tpu.barrier barrier_id(%barrier3A_93)
    %mul3A_94 = arith.constant 624 : i32
    %mul3A_95 = arith.muli %arg1, %mul3A_94 : i32
    %mul3A_96 = arith.constant 624 : i32
    %mul3A_97 = arith.muli %arg1, %mul3A_96 : i32
    "tpu.region"() ({
      %run_scoped3A_103 = tpu.sem_alloc : memref<!tpu.dma_semaphore, #tpu.memory_space<semaphore_mem>>
      %dma_start3A_104 = arith.constant 0 : i32
      %dma_start3A_105 = tpu.memref_slice %arg6[%arg0, %mul3A_97, %dma_start3A_104] : memref<2x10000x128xf32, #tpu.memory_space<hbm>> -> memref<1x624x128xf32, #tpu.memory_space<hbm>>
      %dma_start3A_106 = tpu.memref_squeeze %dma_start3A_105 : memref<1x624x128xf32, #tpu.memory_space<hbm>> -> memref<624x128xf32, #tpu.memory_space<hbm>>
      %dma_start3A_107 = arith.constant 0 : i32
      %dma_start3A_108 = tpu.memref_slice %arg10[%mul3A_95, %dma_start3A_107] : memref<10016x128xf32, #tpu.memory_space<vmem_shared>> -> memref<624x128xf32, #tpu.memory_space<vmem_shared>>
      tpu.enqueue_dma source(%dma_start3A_108 : memref<624x128xf32, #tpu.memory_space<vmem_shared>>) target(%dma_start3A_106 : memref<624x128xf32, #tpu.memory_space<hbm>>) target_semaphore(%run_scoped3A_103 : memref<!tpu.dma_semaphore, #tpu.memory_space<semaphore_mem>>)
      %dma_wait3A_109 = arith.constant 0 : i32
      %dma_wait3A_110 = tpu.memref_slice %arg6[%arg0, %mul3A_97, %dma_wait3A_109] : memref<2x10000x128xf32, #tpu.memory_space<hbm>> -> memref<1x624x128xf32, #tpu.memory_space<hbm>>
      %dma_wait3A_111 = tpu.memref_squeeze %dma_wait3A_110 : memref<1x624x128xf32, #tpu.memory_space<hbm>> -> memref<624x128xf32, #tpu.memory_space<hbm>>
      %dma_wait3A_112 = arith.constant 0 : i32
      %dma_wait3A_113 = tpu.memref_slice %arg10[%mul3A_95, %dma_wait3A_112] : memref<10016x128xf32, #tpu.memory_space<vmem_shared>> -> memref<624x128xf32, #tpu.memory_space<vmem_shared>>
      tpu.wait_dma2 semaphore(%run_scoped3A_103 : memref<!tpu.dma_semaphore, #tpu.memory_space<semaphore_mem>>) src(%dma_wait3A_113 : memref<624x128xf32, #tpu.memory_space<vmem_shared>>) dst(%dma_wait3A_111 : memref<624x128xf32, #tpu.memory_space<hbm>>)
      tpu.yield
    }) : () -> ()
    %eq3A_98 = arith.constant 0 : i32
    %eq3A_99 = arith.cmpi eq, %arg1, %eq3A_98 : i32
    %convert_element_type3A_100 = arith.extui %eq3A_99 : i1 to i32
    %cond3A_101 = arith.constant 0 : i32
    %cond3A_102 = arith.cmpi ne, %convert_element_type3A_100, %cond3A_101 : i32
    scf.if %cond3A_102 {
      "tpu.region"() ({
        %run_scoped3A_103 = tpu.sem_alloc : memref<!tpu.dma_semaphore, #tpu.memory_space<semaphore_mem>>
        %dma_start3A_104 = arith.constant 9984 : i32
        %dma_start3A_105 = arith.constant 0 : i32
        %dma_start3A_106 = tpu.memref_slice %arg6[%arg0, %dma_start3A_104, %dma_start3A_105] : memref<2x10000x128xf32, #tpu.memory_space<hbm>> -> memref<1x16x128xf32, #tpu.memory_space<hbm>>
        %dma_start3A_107 = tpu.memref_squeeze %dma_start3A_106 : memref<1x16x128xf32, #tpu.memory_space<hbm>> -> memref<16x128xf32, #tpu.memory_space<hbm>>
        %dma_start3A_108 = arith.constant 9984 : i32
        %dma_start3A_109 = arith.constant 0 : i32
        %dma_start3A_110 = tpu.memref_slice %arg10[%dma_start3A_108, %dma_start3A_109] : memref<10016x128xf32, #tpu.memory_space<vmem_shared>> -> memref<16x128xf32, #tpu.memory_space<vmem_shared>>
        tpu.enqueue_dma source(%dma_start3A_110 : memref<16x128xf32, #tpu.memory_space<vmem_shared>>) target(%dma_start3A_107 : memref<16x128xf32, #tpu.memory_space<hbm>>) target_semaphore(%run_scoped3A_103 : memref<!tpu.dma_semaphore, #tpu.memory_space<semaphore_mem>>)
        %dma_wait3A_111 = arith.constant 9984 : i32
        %dma_wait3A_112 = arith.constant 0 : i32
        %dma_wait3A_113 = tpu.memref_slice %arg6[%arg0, %dma_wait3A_111, %dma_wait3A_112] : memref<2x10000x128xf32, #tpu.memory_space<hbm>> -> memref<1x16x128xf32, #tpu.memory_space<hbm>>
        %dma_wait3A_114 = tpu.memref_squeeze %dma_wait3A_113 : memref<1x16x128xf32, #tpu.memory_space<hbm>> -> memref<16x128xf32, #tpu.memory_space<hbm>>
        %dma_wait3A_115 = arith.constant 9984 : i32
        %dma_wait3A_116 = arith.constant 0 : i32
        %dma_wait3A_117 = tpu.memref_slice %arg10[%dma_wait3A_115, %dma_wait3A_116] : memref<10016x128xf32, #tpu.memory_space<vmem_shared>> -> memref<16x128xf32, #tpu.memory_space<vmem_shared>>
        tpu.wait_dma2 semaphore(%run_scoped3A_103 : memref<!tpu.dma_semaphore, #tpu.memory_space<semaphore_mem>>) src(%dma_wait3A_117 : memref<16x128xf32, #tpu.memory_space<vmem_shared>>) dst(%dma_wait3A_114 : memref<16x128xf32, #tpu.memory_space<hbm>>)
        tpu.yield
      }) : () -> ()
    } else {
    }
    return
  }
}

#map = affine_map<(d0, d1) -> (0, 0, 0)>
#map1 = affine_map<(d0, d1) -> (0, 0)>
module attributes {stable_mosaic.version = 14 : i64} {
  func.func @body(%arg0: i32, %arg1: i32, %arg2: memref<2x10000x128xf32, #tpu.memory_space<hbm>>, %arg3: memref<4096x80xi32, #tpu.memory_space<hbm>>, %arg4: memref<4096x80xi32, #tpu.memory_space<hbm>>, %arg5: memref<10016x128xf32, #tpu.memory_space<hbm>>, %arg6: memref<2x10000x128xf32, #tpu.memory_space<hbm>>, %arg7: memref<2x4x80xi32, #tpu.memory_space<vmem>>, %arg8: memref<2x4x80xi32, #tpu.memory_space<vmem>>, %arg9: memref<4x80x128xf32, #tpu.memory_space<vmem>>, %arg10: memref<10016x128xf32, #tpu.memory_space<vmem_shared>>, %arg11: memref<!tpu.dma_semaphore, #tpu.memory_space<semaphore_mem>>, %arg12: memref<!tpu.dma_semaphore, #tpu.memory_space<semaphore_mem>>, %arg13: memref<!tpu.dma_semaphore, #tpu.memory_space<semaphore_mem>>, %arg14: memref<!tpu.dma_semaphore, #tpu.memory_space<semaphore_mem>>, %arg15: memref<!tpu.dma_semaphore, #tpu.memory_space<semaphore_mem>>, %arg16: memref<!tpu.dma_semaphore, #tpu.memory_space<semaphore_mem>>, %arg17: memref<!tpu.dma_semaphore, #tpu.memory_space<semaphore_mem>>, %arg18: memref<!tpu.dma_semaphore, #tpu.memory_space<semaphore_mem>>, %arg19: memref<!tpu.dma_semaphore, #tpu.memory_space<semaphore_mem>>, %arg20: memref<!tpu.dma_semaphore, #tpu.memory_space<semaphore_mem>>) attributes {dimension_semantics = [#tpu.dimension_semantics<core_parallel>, #tpu.dimension_semantics<subcore_parallel>], iteration_bounds = array<i64: 2, 16>, scalar_prefetch = 0 : i64, scratch_operands = 14 : i64, tpu.core_type = #tpu.core_type<sc_vector_subcore>, window_params = [{transform_indices = #map}, {transform_indices = #map1}, {transform_indices = #map1}, {transform_indices = #map1}, {transform_indices = #map}]} {
    %mul3A = arith.constant 256 : i32
    %mul3A_0 = arith.muli %arg1, %mul3A : i32
    %mul3A_1 = arith.constant 624 : i32
    %mul3A_2 = arith.muli %arg1, %mul3A_1 : i32
    %mul3A_3 = arith.constant 624 : i32
    %mul3A_4 = arith.muli %arg1, %mul3A_3 : i32
    %dma_start3A = arith.constant 0 : i32
    %dma_start3A_5 = tpu.memref_slice %arg10[%mul3A_4, %dma_start3A] : memref<10016x128xf32, #tpu.memory_space<vmem_shared>> -> memref<624x128xf32, #tpu.memory_space<vmem_shared>>
    %dma_start3A_6 = arith.constant 0 : i32
    %dma_start3A_7 = tpu.memref_slice %arg5[%mul3A_2, %dma_start3A_6] : memref<10016x128xf32, #tpu.memory_space<hbm>> -> memref<624x128xf32, #tpu.memory_space<hbm>>
    tpu.enqueue_dma source(%dma_start3A_7 : memref<624x128xf32, #tpu.memory_space<hbm>>) target(%dma_start3A_5 : memref<624x128xf32, #tpu.memory_space<vmem_shared>>) target_semaphore(%arg20 : memref<!tpu.dma_semaphore, #tpu.memory_space<semaphore_mem>>)
    %eq3A = arith.constant 0 : i32
    %eq3A_8 = arith.cmpi eq, %arg1, %eq3A : i32
    %convert_element_type3A = arith.extui %eq3A_8 : i1 to i32
    %cond3A = arith.constant 0 : i32
    %cond3A_9 = arith.cmpi ne, %convert_element_type3A, %cond3A : i32
    scf.if %cond3A_9 {
      %dma_start3A_112 = arith.constant 9984 : i32
      %dma_start3A_113 = arith.constant 0 : i32
      %dma_start3A_114 = tpu.memref_slice %arg10[%dma_start3A_112, %dma_start3A_113] : memref<10016x128xf32, #tpu.memory_space<vmem_shared>> -> memref<32x128xf32, #tpu.memory_space<vmem_shared>>
      %dma_start3A_115 = arith.constant 9984 : i32
      %dma_start3A_116 = arith.constant 0 : i32
      %dma_start3A_117 = tpu.memref_slice %arg5[%dma_start3A_115, %dma_start3A_116] : memref<10016x128xf32, #tpu.memory_space<hbm>> -> memref<32x128xf32, #tpu.memory_space<hbm>>
      tpu.enqueue_dma source(%dma_start3A_117 : memref<32x128xf32, #tpu.memory_space<hbm>>) target(%dma_start3A_114 : memref<32x128xf32, #tpu.memory_space<vmem_shared>>) target_semaphore(%arg20 : memref<!tpu.dma_semaphore, #tpu.memory_space<semaphore_mem>>)
    } else {
    }
    %run_scoped3A = arith.constant 0 : i32
    "tpu.region"() ({
      %run_scoped3A_112 = tpu.sem_alloc : memref<!tpu.dma_semaphore, #tpu.memory_space<semaphore_mem>>
      %dma_start3A_113 = arith.constant 0 : i32
      %dma_start3A_114 = arith.constant 0 : i32
      %dma_start3A_115 = tpu.memref_slice %arg7[%run_scoped3A, %dma_start3A_113, %dma_start3A_114] : memref<2x4x80xi32, #tpu.memory_space<vmem>> -> memref<1x4x80xi32, #tpu.memory_space<vmem>>
      %dma_start3A_116 = tpu.memref_squeeze %dma_start3A_115 : memref<1x4x80xi32, #tpu.memory_space<vmem>> -> memref<4x80xi32, #tpu.memory_space<vmem>>
      %dma_start3A_117 = arith.constant 0 : i32
      %dma_start3A_118 = tpu.memref_slice %arg3[%mul3A_0, %dma_start3A_117] : memref<4096x80xi32, #tpu.memory_space<hbm>> -> memref<4x80xi32, #tpu.memory_space<hbm>>
      %dma_start3A_119 = arith.constant 0 : i32
      %dma_start3A_120 = arith.constant 0 : i32
      %dma_start3A_121 = tpu.memref_slice %arg7[%run_scoped3A, %dma_start3A_119, %dma_start3A_120] : memref<2x4x80xi32, #tpu.memory_space<vmem>> -> memref<1x4x80xi32, #tpu.memory_space<vmem>>
      %dma_start3A_122 = tpu.memref_squeeze %dma_start3A_121 : memref<1x4x80xi32, #tpu.memory_space<vmem>> -> memref<4x80xi32, #tpu.memory_space<vmem>>
      %dma_start3A_123 = arith.constant 0 : i32
      %dma_start3A_124 = tpu.memref_slice %arg3[%mul3A_0, %dma_start3A_123] : memref<4096x80xi32, #tpu.memory_space<hbm>> -> memref<4x80xi32, #tpu.memory_space<hbm>>
      tpu.enqueue_dma source(%dma_start3A_124 : memref<4x80xi32, #tpu.memory_space<hbm>>) target(%dma_start3A_122 : memref<4x80xi32, #tpu.memory_space<vmem>>) target_semaphore(%run_scoped3A_112 : memref<!tpu.dma_semaphore, #tpu.memory_space<semaphore_mem>>)
      %dma_wait3A_125 = arith.constant 0 : i32
      %dma_wait3A_126 = arith.constant 0 : i32
      %dma_wait3A_127 = tpu.memref_slice %arg7[%run_scoped3A, %dma_wait3A_125, %dma_wait3A_126] : memref<2x4x80xi32, #tpu.memory_space<vmem>> -> memref<1x4x80xi32, #tpu.memory_space<vmem>>
      %dma_wait3A_128 = tpu.memref_squeeze %dma_wait3A_127 : memref<1x4x80xi32, #tpu.memory_space<vmem>> -> memref<4x80xi32, #tpu.memory_space<vmem>>
      %dma_wait3A_129 = arith.constant 0 : i32
      %dma_wait3A_130 = tpu.memref_slice %arg3[%mul3A_0, %dma_wait3A_129] : memref<4096x80xi32, #tpu.memory_space<hbm>> -> memref<4x80xi32, #tpu.memory_space<hbm>>
      %dma_wait3A_131 = arith.constant 0 : i32
      %dma_wait3A_132 = arith.constant 0 : i32
      %dma_wait3A_133 = tpu.memref_slice %arg7[%run_scoped3A, %dma_wait3A_131, %dma_wait3A_132] : memref<2x4x80xi32, #tpu.memory_space<vmem>> -> memref<1x4x80xi32, #tpu.memory_space<vmem>>
      %dma_wait3A_134 = tpu.memref_squeeze %dma_wait3A_133 : memref<1x4x80xi32, #tpu.memory_space<vmem>> -> memref<4x80xi32, #tpu.memory_space<vmem>>
      %dma_wait3A_135 = arith.constant 0 : i32
      %dma_wait3A_136 = tpu.memref_slice %arg3[%mul3A_0, %dma_wait3A_135] : memref<4096x80xi32, #tpu.memory_space<hbm>> -> memref<4x80xi32, #tpu.memory_space<hbm>>
      tpu.wait_dma2 semaphore(%run_scoped3A_112 : memref<!tpu.dma_semaphore, #tpu.memory_space<semaphore_mem>>) src(%dma_wait3A_136 : memref<4x80xi32, #tpu.memory_space<hbm>>) dst(%dma_wait3A_134 : memref<4x80xi32, #tpu.memory_space<vmem>>)
      tpu.yield
    }) : () -> ()
    %run_scoped3A_10 = arith.constant 0 : i32
    "tpu.region"() ({
      %run_scoped3A_112 = tpu.sem_alloc : memref<!tpu.dma_semaphore, #tpu.memory_space<semaphore_mem>>
      %dma_start3A_113 = arith.constant 0 : i32
      %dma_start3A_114 = arith.constant 0 : i32
      %dma_start3A_115 = tpu.memref_slice %arg8[%run_scoped3A_10, %dma_start3A_113, %dma_start3A_114] : memref<2x4x80xi32, #tpu.memory_space<vmem>> -> memref<1x4x80xi32, #tpu.memory_space<vmem>>
      %dma_start3A_116 = tpu.memref_squeeze %dma_start3A_115 : memref<1x4x80xi32, #tpu.memory_space<vmem>> -> memref<4x80xi32, #tpu.memory_space<vmem>>
      %dma_start3A_117 = arith.constant 0 : i32
      %dma_start3A_118 = tpu.memref_slice %arg4[%mul3A_0, %dma_start3A_117] : memref<4096x80xi32, #tpu.memory_space<hbm>> -> memref<4x80xi32, #tpu.memory_space<hbm>>
      %dma_start3A_119 = arith.constant 0 : i32
      %dma_start3A_120 = arith.constant 0 : i32
      %dma_start3A_121 = tpu.memref_slice %arg8[%run_scoped3A_10, %dma_start3A_119, %dma_start3A_120] : memref<2x4x80xi32, #tpu.memory_space<vmem>> -> memref<1x4x80xi32, #tpu.memory_space<vmem>>
      %dma_start3A_122 = tpu.memref_squeeze %dma_start3A_121 : memref<1x4x80xi32, #tpu.memory_space<vmem>> -> memref<4x80xi32, #tpu.memory_space<vmem>>
      %dma_start3A_123 = arith.constant 0 : i32
      %dma_start3A_124 = tpu.memref_slice %arg4[%mul3A_0, %dma_start3A_123] : memref<4096x80xi32, #tpu.memory_space<hbm>> -> memref<4x80xi32, #tpu.memory_space<hbm>>
      tpu.enqueue_dma source(%dma_start3A_124 : memref<4x80xi32, #tpu.memory_space<hbm>>) target(%dma_start3A_122 : memref<4x80xi32, #tpu.memory_space<vmem>>) target_semaphore(%run_scoped3A_112 : memref<!tpu.dma_semaphore, #tpu.memory_space<semaphore_mem>>)
      %dma_wait3A_125 = arith.constant 0 : i32
      %dma_wait3A_126 = arith.constant 0 : i32
      %dma_wait3A_127 = tpu.memref_slice %arg8[%run_scoped3A_10, %dma_wait3A_125, %dma_wait3A_126] : memref<2x4x80xi32, #tpu.memory_space<vmem>> -> memref<1x4x80xi32, #tpu.memory_space<vmem>>
      %dma_wait3A_128 = tpu.memref_squeeze %dma_wait3A_127 : memref<1x4x80xi32, #tpu.memory_space<vmem>> -> memref<4x80xi32, #tpu.memory_space<vmem>>
      %dma_wait3A_129 = arith.constant 0 : i32
      %dma_wait3A_130 = tpu.memref_slice %arg4[%mul3A_0, %dma_wait3A_129] : memref<4096x80xi32, #tpu.memory_space<hbm>> -> memref<4x80xi32, #tpu.memory_space<hbm>>
      %dma_wait3A_131 = arith.constant 0 : i32
      %dma_wait3A_132 = arith.constant 0 : i32
      %dma_wait3A_133 = tpu.memref_slice %arg8[%run_scoped3A_10, %dma_wait3A_131, %dma_wait3A_132] : memref<2x4x80xi32, #tpu.memory_space<vmem>> -> memref<1x4x80xi32, #tpu.memory_space<vmem>>
      %dma_wait3A_134 = tpu.memref_squeeze %dma_wait3A_133 : memref<1x4x80xi32, #tpu.memory_space<vmem>> -> memref<4x80xi32, #tpu.memory_space<vmem>>
      %dma_wait3A_135 = arith.constant 0 : i32
      %dma_wait3A_136 = tpu.memref_slice %arg4[%mul3A_0, %dma_wait3A_135] : memref<4096x80xi32, #tpu.memory_space<hbm>> -> memref<4x80xi32, #tpu.memory_space<hbm>>
      tpu.wait_dma2 semaphore(%run_scoped3A_112 : memref<!tpu.dma_semaphore, #tpu.memory_space<semaphore_mem>>) src(%dma_wait3A_136 : memref<4x80xi32, #tpu.memory_space<hbm>>) dst(%dma_wait3A_134 : memref<4x80xi32, #tpu.memory_space<vmem>>)
      tpu.yield
    }) : () -> ()
    %add3A = arith.constant 4 : i32
    %add3A_11 = arith.addi %mul3A_0, %add3A : i32
    %dma_start3A_12 = arith.constant 1 : i32
    %dma_start3A_13 = arith.constant 0 : i32
    %dma_start3A_14 = arith.constant 0 : i32
    %dma_start3A_15 = tpu.memref_slice %arg7[%dma_start3A_12, %dma_start3A_13, %dma_start3A_14] : memref<2x4x80xi32, #tpu.memory_space<vmem>> -> memref<1x4x80xi32, #tpu.memory_space<vmem>>
    %dma_start3A_16 = tpu.memref_squeeze %dma_start3A_15 : memref<1x4x80xi32, #tpu.memory_space<vmem>> -> memref<4x80xi32, #tpu.memory_space<vmem>>
    %dma_start3A_17 = arith.constant 0 : i32
    %dma_start3A_18 = tpu.memref_slice %arg3[%add3A_11, %dma_start3A_17] : memref<4096x80xi32, #tpu.memory_space<hbm>> -> memref<4x80xi32, #tpu.memory_space<hbm>>
    %dma_start3A_19 = arith.constant 0 : i32
    %dma_start3A_20 = arith.constant 0 : i32
    %dma_start3A_21 = tpu.memref_slice %arg7[%dma_start3A_12, %dma_start3A_19, %dma_start3A_20] : memref<2x4x80xi32, #tpu.memory_space<vmem>> -> memref<1x4x80xi32, #tpu.memory_space<vmem>>
    %dma_start3A_22 = tpu.memref_squeeze %dma_start3A_21 : memref<1x4x80xi32, #tpu.memory_space<vmem>> -> memref<4x80xi32, #tpu.memory_space<vmem>>
    %dma_start3A_23 = arith.constant 0 : i32
    %dma_start3A_24 = tpu.memref_slice %arg3[%add3A_11, %dma_start3A_23] : memref<4096x80xi32, #tpu.memory_space<hbm>> -> memref<4x80xi32, #tpu.memory_space<hbm>>
    tpu.enqueue_dma source(%dma_start3A_24 : memref<4x80xi32, #tpu.memory_space<hbm>>) target(%dma_start3A_22 : memref<4x80xi32, #tpu.memory_space<vmem>>) target_semaphore(%arg19 : memref<!tpu.dma_semaphore, #tpu.memory_space<semaphore_mem>>)
    %dma_start3A_25 = arith.constant 1 : i32
    %dma_start3A_26 = arith.constant 0 : i32
    %dma_start3A_27 = arith.constant 0 : i32
    %dma_start3A_28 = tpu.memref_slice %arg8[%dma_start3A_25, %dma_start3A_26, %dma_start3A_27] : memref<2x4x80xi32, #tpu.memory_space<vmem>> -> memref<1x4x80xi32, #tpu.memory_space<vmem>>
    %dma_start3A_29 = tpu.memref_squeeze %dma_start3A_28 : memref<1x4x80xi32, #tpu.memory_space<vmem>> -> memref<4x80xi32, #tpu.memory_space<vmem>>
    %dma_start3A_30 = arith.constant 0 : i32
    %dma_start3A_31 = tpu.memref_slice %arg4[%add3A_11, %dma_start3A_30] : memref<4096x80xi32, #tpu.memory_space<hbm>> -> memref<4x80xi32, #tpu.memory_space<hbm>>
    %dma_start3A_32 = arith.constant 0 : i32
    %dma_start3A_33 = arith.constant 0 : i32
    %dma_start3A_34 = tpu.memref_slice %arg8[%dma_start3A_25, %dma_start3A_32, %dma_start3A_33] : memref<2x4x80xi32, #tpu.memory_space<vmem>> -> memref<1x4x80xi32, #tpu.memory_space<vmem>>
    %dma_start3A_35 = tpu.memref_squeeze %dma_start3A_34 : memref<1x4x80xi32, #tpu.memory_space<vmem>> -> memref<4x80xi32, #tpu.memory_space<vmem>>
    %dma_start3A_36 = arith.constant 0 : i32
    %dma_start3A_37 = tpu.memref_slice %arg4[%add3A_11, %dma_start3A_36] : memref<4096x80xi32, #tpu.memory_space<hbm>> -> memref<4x80xi32, #tpu.memory_space<hbm>>
    tpu.enqueue_dma source(%dma_start3A_37 : memref<4x80xi32, #tpu.memory_space<hbm>>) target(%dma_start3A_35 : memref<4x80xi32, #tpu.memory_space<vmem>>) target_semaphore(%arg19 : memref<!tpu.dma_semaphore, #tpu.memory_space<semaphore_mem>>)
    %dma_wait3A = arith.constant 0 : i32
    %dma_wait3A_38 = tpu.memref_slice %arg10[%mul3A_4, %dma_wait3A] : memref<10016x128xf32, #tpu.memory_space<vmem_shared>> -> memref<624x128xf32, #tpu.memory_space<vmem_shared>>
    %dma_wait3A_39 = arith.constant 0 : i32
    %dma_wait3A_40 = tpu.memref_slice %arg5[%mul3A_2, %dma_wait3A_39] : memref<10016x128xf32, #tpu.memory_space<hbm>> -> memref<624x128xf32, #tpu.memory_space<hbm>>
    tpu.wait_dma2 semaphore(%arg20 : memref<!tpu.dma_semaphore, #tpu.memory_space<semaphore_mem>>) src(%dma_wait3A_40 : memref<624x128xf32, #tpu.memory_space<hbm>>) dst(%dma_wait3A_38 : memref<624x128xf32, #tpu.memory_space<vmem_shared>>)
    %eq3A_41 = arith.constant 0 : i32
    %eq3A_42 = arith.cmpi eq, %arg1, %eq3A_41 : i32
    %convert_element_type3A_43 = arith.extui %eq3A_42 : i1 to i32
    %cond3A_44 = arith.constant 0 : i32
    %cond3A_45 = arith.cmpi ne, %convert_element_type3A_43, %cond3A_44 : i32
    scf.if %cond3A_45 {
      %dma_wait3A_112 = arith.constant 9984 : i32
      %dma_wait3A_113 = arith.constant 0 : i32
      %dma_wait3A_114 = tpu.memref_slice %arg10[%dma_wait3A_112, %dma_wait3A_113] : memref<10016x128xf32, #tpu.memory_space<vmem_shared>> -> memref<32x128xf32, #tpu.memory_space<vmem_shared>>
      %dma_wait3A_115 = arith.constant 9984 : i32
      %dma_wait3A_116 = arith.constant 0 : i32
      %dma_wait3A_117 = tpu.memref_slice %arg5[%dma_wait3A_115, %dma_wait3A_116] : memref<10016x128xf32, #tpu.memory_space<hbm>> -> memref<32x128xf32, #tpu.memory_space<hbm>>
      tpu.wait_dma2 semaphore(%arg20 : memref<!tpu.dma_semaphore, #tpu.memory_space<semaphore_mem>>) src(%dma_wait3A_117 : memref<32x128xf32, #tpu.memory_space<hbm>>) dst(%dma_wait3A_114 : memref<32x128xf32, #tpu.memory_space<vmem_shared>>)
    } else {
    }
    %barrier3A = arith.constant 0 : index
    tpu.barrier barrier_id(%barrier3A)
    %dma_start3A_46 = arith.constant 0 : i32
    %dma_start3A_47 = arith.constant 0 : i32
    %dma_start3A_48 = arith.constant 0 : i32
    %dma_start3A_49 = arith.constant 0 : i32
    %dma_start3A_50 = arith.constant 0 : i32
    %dma_start3A_51 = tpu.memref_slice %arg9[%dma_start3A_48, %dma_start3A_49, %dma_start3A_50] : memref<4x80x128xf32, #tpu.memory_space<vmem>> -> memref<1x80x128xf32, #tpu.memory_space<vmem>>
    %dma_start3A_52 = tpu.memref_squeeze %dma_start3A_51 : memref<1x80x128xf32, #tpu.memory_space<vmem>> -> memref<80x128xf32, #tpu.memory_space<vmem>>
    %dma_start3A_53 = arith.constant 0 : i32
    %dma_start3A_54 = tpu.memref_slice %arg7[%dma_start3A_46, %dma_start3A_47, %dma_start3A_53] : memref<2x4x80xi32, #tpu.memory_space<vmem>> -> memref<1x1x80xi32, #tpu.memory_space<vmem>>
    %dma_start3A_55 = tpu.memref_squeeze %dma_start3A_54 : memref<1x1x80xi32, #tpu.memory_space<vmem>> -> memref<80xi32, #tpu.memory_space<vmem>>
    %dma_start3A_56 = arith.constant 0 : i32
    %dma_start3A_57 = arith.constant 0 : i32
    %dma_start3A_58 = tpu.memref_slice %arg2[%arg0, %dma_start3A_56, %dma_start3A_57] : memref<2x10000x128xf32, #tpu.memory_space<hbm>> -> memref<1x10000x128xf32, #tpu.memory_space<hbm>>
    %dma_start3A_59 = tpu.memref_squeeze %dma_start3A_58 : memref<1x10000x128xf32, #tpu.memory_space<hbm>> -> memref<10000x128xf32, #tpu.memory_space<hbm>>
    %dma_start3A_60 = arith.constant 0 : i32
    %dma_start3A_61 = arith.constant 0 : i32
    %dma_start3A_62 = tpu.memref_slice %dma_start3A_59[%dma_start3A_60, %dma_start3A_61] : memref<10000x128xf32, #tpu.memory_space<hbm>> -> memref<10000x128xf32, #tpu.memory_space<hbm>>
    tpu.enqueue_indirect_dma source(%dma_start3A_62 : memref<10000x128xf32, #tpu.memory_space<hbm>>) target(%dma_start3A_52 : memref<80x128xf32, #tpu.memory_space<vmem>>) offsets(%dma_start3A_55 : memref<80xi32, #tpu.memory_space<vmem>>) semaphore(%arg11 : memref<!tpu.dma_semaphore, #tpu.memory_space<semaphore_mem>>)
    %dma_start3A_63 = arith.constant 0 : i32
    %dma_start3A_64 = arith.constant 1 : i32
    %dma_start3A_65 = arith.constant 1 : i32
    %dma_start3A_66 = arith.constant 0 : i32
    %dma_start3A_67 = arith.constant 0 : i32
    %dma_start3A_68 = tpu.memref_slice %arg9[%dma_start3A_65, %dma_start3A_66, %dma_start3A_67] : memref<4x80x128xf32, #tpu.memory_space<vmem>> -> memref<1x80x128xf32, #tpu.memory_space<vmem>>
    %dma_start3A_69 = tpu.memref_squeeze %dma_start3A_68 : memref<1x80x128xf32, #tpu.memory_space<vmem>> -> memref<80x128xf32, #tpu.memory_space<vmem>>
    %dma_start3A_70 = arith.constant 0 : i32
    %dma_start3A_71 = tpu.memref_slice %arg7[%dma_start3A_63, %dma_start3A_64, %dma_start3A_70] : memref<2x4x80xi32, #tpu.memory_space<vmem>> -> memref<1x1x80xi32, #tpu.memory_space<vmem>>
    %dma_start3A_72 = tpu.memref_squeeze %dma_start3A_71 : memref<1x1x80xi32, #tpu.memory_space<vmem>> -> memref<80xi32, #tpu.memory_space<vmem>>
    %dma_start3A_73 = arith.constant 0 : i32
    %dma_start3A_74 = arith.constant 0 : i32
    %dma_start3A_75 = tpu.memref_slice %arg2[%arg0, %dma_start3A_73, %dma_start3A_74] : memref<2x10000x128xf32, #tpu.memory_space<hbm>> -> memref<1x10000x128xf32, #tpu.memory_space<hbm>>
    %dma_start3A_76 = tpu.memref_squeeze %dma_start3A_75 : memref<1x10000x128xf32, #tpu.memory_space<hbm>> -> memref<10000x128xf32, #tpu.memory_space<hbm>>
    %dma_start3A_77 = arith.constant 0 : i32
    %dma_start3A_78 = arith.constant 0 : i32
    %dma_start3A_79 = tpu.memref_slice %dma_start3A_76[%dma_start3A_77, %dma_start3A_78] : memref<10000x128xf32, #tpu.memory_space<hbm>> -> memref<10000x128xf32, #tpu.memory_space<hbm>>
    tpu.enqueue_indirect_dma source(%dma_start3A_79 : memref<10000x128xf32, #tpu.memory_space<hbm>>) target(%dma_start3A_69 : memref<80x128xf32, #tpu.memory_space<vmem>>) offsets(%dma_start3A_72 : memref<80xi32, #tpu.memory_space<vmem>>) semaphore(%arg12 : memref<!tpu.dma_semaphore, #tpu.memory_space<semaphore_mem>>)
    %dma_start3A_80 = arith.constant 0 : i32
    %dma_start3A_81 = arith.constant 2 : i32
    %dma_start3A_82 = arith.constant 2 : i32
    %dma_start3A_83 = arith.constant 0 : i32
    %dma_start3A_84 = arith.constant 0 : i32
    %dma_start3A_85 = tpu.memref_slice %arg9[%dma_start3A_82, %dma_start3A_83, %dma_start3A_84] : memref<4x80x128xf32, #tpu.memory_space<vmem>> -> memref<1x80x128xf32, #tpu.memory_space<vmem>>
    %dma_start3A_86 = tpu.memref_squeeze %dma_start3A_85 : memref<1x80x128xf32, #tpu.memory_space<vmem>> -> memref<80x128xf32, #tpu.memory_space<vmem>>
    %dma_start3A_87 = arith.constant 0 : i32
    %dma_start3A_88 = tpu.memref_slice %arg7[%dma_start3A_80, %dma_start3A_81, %dma_start3A_87] : memref<2x4x80xi32, #tpu.memory_space<vmem>> -> memref<1x1x80xi32, #tpu.memory_space<vmem>>
    %dma_start3A_89 = tpu.memref_squeeze %dma_start3A_88 : memref<1x1x80xi32, #tpu.memory_space<vmem>> -> memref<80xi32, #tpu.memory_space<vmem>>
    %dma_start3A_90 = arith.constant 0 : i32
    %dma_start3A_91 = arith.constant 0 : i32
    %dma_start3A_92 = tpu.memref_slice %arg2[%arg0, %dma_start3A_90, %dma_start3A_91] : memref<2x10000x128xf32, #tpu.memory_space<hbm>> -> memref<1x10000x128xf32, #tpu.memory_space<hbm>>
    %dma_start3A_93 = tpu.memref_squeeze %dma_start3A_92 : memref<1x10000x128xf32, #tpu.memory_space<hbm>> -> memref<10000x128xf32, #tpu.memory_space<hbm>>
    %dma_start3A_94 = arith.constant 0 : i32
    %dma_start3A_95 = arith.constant 0 : i32
    %dma_start3A_96 = tpu.memref_slice %dma_start3A_93[%dma_start3A_94, %dma_start3A_95] : memref<10000x128xf32, #tpu.memory_space<hbm>> -> memref<10000x128xf32, #tpu.memory_space<hbm>>
    tpu.enqueue_indirect_dma source(%dma_start3A_96 : memref<10000x128xf32, #tpu.memory_space<hbm>>) target(%dma_start3A_86 : memref<80x128xf32, #tpu.memory_space<vmem>>) offsets(%dma_start3A_89 : memref<80xi32, #tpu.memory_space<vmem>>) semaphore(%arg13 : memref<!tpu.dma_semaphore, #tpu.memory_space<semaphore_mem>>)
    %scan3A = arith.constant 0 : i32
    %scan3A_97 = arith.constant 0 : i32
    %scan3A_98 = arith.constant 64 : i32
    %scan3A_99 = arith.addi %scan3A_97, %scan3A_98 : i32
    %scan3A_100 = arith.constant 1 : i32
    scf.for %scan3A_112 = %scan3A_97 to %scan3A_99 step %scan3A_100  : i32 {
      %jit3A = arith.constant 2 : i32
      %eq3A_113 = arith.constant 0 : i32
      %eq3A_114 = arith.cmpi eq, %jit3A, %eq3A_113 : i32
      %jit3A_115 = arith.constant 1 : i32
      %select_n3A = arith.select %eq3A_114, %jit3A_115, %jit3A : i32
      %rem3A = arith.remsi %scan3A_112, %select_n3A : i32
      %ne3A = arith.constant 0 : i32
      %ne3A_116 = arith.cmpi ne, %rem3A, %ne3A : i32
      %lt3A = arith.constant 0 : i32
      %lt3A_117 = arith.cmpi slt, %rem3A, %lt3A : i32
      %lt3A_118 = arith.constant 0 : i32
      %lt3A_119 = arith.cmpi slt, %select_n3A, %lt3A_118 : i32
      %ne3A_120 = arith.xori %lt3A_117, %lt3A_119 : i1
      %and3A = arith.andi %ne3A_120, %ne3A_116 : i1
      %add3A_121 = arith.addi %rem3A, %select_n3A : i32
      %select_n3A_122 = arith.select %and3A, %add3A_121, %rem3A : i32
      %dma_wait3A_123 = arith.constant 0 : i32
      %dma_wait3A_124 = arith.constant 0 : i32
      %dma_wait3A_125 = arith.constant 0 : i32
      %dma_wait3A_126 = arith.constant 0 : i32
      %dma_wait3A_127 = tpu.memref_slice %arg9[%dma_wait3A_124, %dma_wait3A_125, %dma_wait3A_126] : memref<4x80x128xf32, #tpu.memory_space<vmem>> -> memref<1x80x128xf32, #tpu.memory_space<vmem>>
      %dma_wait3A_128 = tpu.memref_squeeze %dma_wait3A_127 : memref<1x80x128xf32, #tpu.memory_space<vmem>> -> memref<80x128xf32, #tpu.memory_space<vmem>>
      %dma_wait3A_129 = arith.constant 0 : i32
      %dma_wait3A_130 = tpu.memref_slice %arg7[%select_n3A_122, %dma_wait3A_123, %dma_wait3A_129] : memref<2x4x80xi32, #tpu.memory_space<vmem>> -> memref<1x1x80xi32, #tpu.memory_space<vmem>>
      %dma_wait3A_131 = tpu.memref_squeeze %dma_wait3A_130 : memref<1x1x80xi32, #tpu.memory_space<vmem>> -> memref<80xi32, #tpu.memory_space<vmem>>
      %dma_wait3A_132 = arith.constant 0 : i32
      %dma_wait3A_133 = arith.constant 0 : i32
      %dma_wait3A_134 = tpu.memref_slice %arg2[%arg0, %dma_wait3A_132, %dma_wait3A_133] : memref<2x10000x128xf32, #tpu.memory_space<hbm>> -> memref<1x10000x128xf32, #tpu.memory_space<hbm>>
      %dma_wait3A_135 = tpu.memref_squeeze %dma_wait3A_134 : memref<1x10000x128xf32, #tpu.memory_space<hbm>> -> memref<10000x128xf32, #tpu.memory_space<hbm>>
      %dma_wait3A_136 = arith.constant 0 : i32
      %dma_wait3A_137 = arith.constant 0 : i32
      %dma_wait3A_138 = tpu.memref_slice %dma_wait3A_135[%dma_wait3A_136, %dma_wait3A_137] : memref<10000x128xf32, #tpu.memory_space<hbm>> -> memref<10000x128xf32, #tpu.memory_space<hbm>>
      tpu.wait_indirect_dma semaphore(%arg11 : memref<!tpu.dma_semaphore, #tpu.memory_space<semaphore_mem>>) src(%dma_wait3A_138 : memref<10000x128xf32, #tpu.memory_space<hbm>>) dst(%dma_wait3A_128 : memref<80x128xf32, #tpu.memory_space<vmem>>)
      %dma_start3A_139 = arith.constant 0 : i32
      %dma_start3A_140 = arith.constant 0 : i32
      %dma_start3A_141 = arith.constant 0 : i32
      %dma_start3A_142 = arith.constant 0 : i32
      %dma_start3A_143 = tpu.memref_slice %arg9[%dma_start3A_139, %dma_start3A_141, %dma_start3A_142] : memref<4x80x128xf32, #tpu.memory_space<vmem>> -> memref<1x80x128xf32, #tpu.memory_space<vmem>>
      %dma_start3A_144 = tpu.memref_squeeze %dma_start3A_143 : memref<1x80x128xf32, #tpu.memory_space<vmem>> -> memref<80x128xf32, #tpu.memory_space<vmem>>
      %dma_start3A_145 = arith.constant 0 : i32
      %dma_start3A_146 = tpu.memref_slice %arg8[%select_n3A_122, %dma_start3A_140, %dma_start3A_145] : memref<2x4x80xi32, #tpu.memory_space<vmem>> -> memref<1x1x80xi32, #tpu.memory_space<vmem>>
      %dma_start3A_147 = tpu.memref_squeeze %dma_start3A_146 : memref<1x1x80xi32, #tpu.memory_space<vmem>> -> memref<80xi32, #tpu.memory_space<vmem>>
      %dma_start3A_148 = arith.constant 0 : i32
      %dma_start3A_149 = arith.constant 0 : i32
      %dma_start3A_150 = tpu.memref_slice %arg10[%dma_start3A_148, %dma_start3A_149] : memref<10016x128xf32, #tpu.memory_space<vmem_shared>> -> memref<10016x128xf32, #tpu.memory_space<vmem_shared>>
      tpu.enqueue_indirect_dma source(%dma_start3A_144 : memref<80x128xf32, #tpu.memory_space<vmem>>) target(%dma_start3A_150 : memref<10016x128xf32, #tpu.memory_space<vmem_shared>>) offsets(%dma_start3A_147 : memref<80xi32, #tpu.memory_space<vmem>>) semaphore(%arg15 : memref<!tpu.dma_semaphore, #tpu.memory_space<semaphore_mem>>) {add = true}
      %dma_start3A_151 = arith.constant 3 : i32
      %dma_start3A_152 = arith.constant 3 : i32
      %dma_start3A_153 = arith.constant 0 : i32
      %dma_start3A_154 = arith.constant 0 : i32
      %dma_start3A_155 = tpu.memref_slice %arg9[%dma_start3A_152, %dma_start3A_153, %dma_start3A_154] : memref<4x80x128xf32, #tpu.memory_space<vmem>> -> memref<1x80x128xf32, #tpu.memory_space<vmem>>
      %dma_start3A_156 = tpu.memref_squeeze %dma_start3A_155 : memref<1x80x128xf32, #tpu.memory_space<vmem>> -> memref<80x128xf32, #tpu.memory_space<vmem>>
      %dma_start3A_157 = arith.constant 0 : i32
      %dma_start3A_158 = tpu.memref_slice %arg7[%select_n3A_122, %dma_start3A_151, %dma_start3A_157] : memref<2x4x80xi32, #tpu.memory_space<vmem>> -> memref<1x1x80xi32, #tpu.memory_space<vmem>>
      %dma_start3A_159 = tpu.memref_squeeze %dma_start3A_158 : memref<1x1x80xi32, #tpu.memory_space<vmem>> -> memref<80xi32, #tpu.memory_space<vmem>>
      %dma_start3A_160 = arith.constant 0 : i32
      %dma_start3A_161 = arith.constant 0 : i32
      %dma_start3A_162 = tpu.memref_slice %arg2[%arg0, %dma_start3A_160, %dma_start3A_161] : memref<2x10000x128xf32, #tpu.memory_space<hbm>> -> memref<1x10000x128xf32, #tpu.memory_space<hbm>>
      %dma_start3A_163 = tpu.memref_squeeze %dma_start3A_162 : memref<1x10000x128xf32, #tpu.memory_space<hbm>> -> memref<10000x128xf32, #tpu.memory_space<hbm>>
      %dma_start3A_164 = arith.constant 0 : i32
      %dma_start3A_165 = arith.constant 0 : i32
      %dma_start3A_166 = tpu.memref_slice %dma_start3A_163[%dma_start3A_164, %dma_start3A_165] : memref<10000x128xf32, #tpu.memory_space<hbm>> -> memref<10000x128xf32, #tpu.memory_space<hbm>>
      tpu.enqueue_indirect_dma source(%dma_start3A_166 : memref<10000x128xf32, #tpu.memory_space<hbm>>) target(%dma_start3A_156 : memref<80x128xf32, #tpu.memory_space<vmem>>) offsets(%dma_start3A_159 : memref<80xi32, #tpu.memory_space<vmem>>) semaphore(%arg14 : memref<!tpu.dma_semaphore, #tpu.memory_space<semaphore_mem>>)
      %dma_wait3A_167 = arith.constant 1 : i32
      %dma_wait3A_168 = arith.constant 1 : i32
      %dma_wait3A_169 = arith.constant 0 : i32
      %dma_wait3A_170 = arith.constant 0 : i32
      %dma_wait3A_171 = tpu.memref_slice %arg9[%dma_wait3A_168, %dma_wait3A_169, %dma_wait3A_170] : memref<4x80x128xf32, #tpu.memory_space<vmem>> -> memref<1x80x128xf32, #tpu.memory_space<vmem>>
      %dma_wait3A_172 = tpu.memref_squeeze %dma_wait3A_171 : memref<1x80x128xf32, #tpu.memory_space<vmem>> -> memref<80x128xf32, #tpu.memory_space<vmem>>
      %dma_wait3A_173 = arith.constant 0 : i32
      %dma_wait3A_174 = tpu.memref_slice %arg7[%select_n3A_122, %dma_wait3A_167, %dma_wait3A_173] : memref<2x4x80xi32, #tpu.memory_space<vmem>> -> memref<1x1x80xi32, #tpu.memory_space<vmem>>
      %dma_wait3A_175 = tpu.memref_squeeze %dma_wait3A_174 : memref<1x1x80xi32, #tpu.memory_space<vmem>> -> memref<80xi32, #tpu.memory_space<vmem>>
      %dma_wait3A_176 = arith.constant 0 : i32
      %dma_wait3A_177 = arith.constant 0 : i32
      %dma_wait3A_178 = tpu.memref_slice %arg2[%arg0, %dma_wait3A_176, %dma_wait3A_177] : memref<2x10000x128xf32, #tpu.memory_space<hbm>> -> memref<1x10000x128xf32, #tpu.memory_space<hbm>>
      %dma_wait3A_179 = tpu.memref_squeeze %dma_wait3A_178 : memref<1x10000x128xf32, #tpu.memory_space<hbm>> -> memref<10000x128xf32, #tpu.memory_space<hbm>>
      %dma_wait3A_180 = arith.constant 0 : i32
      %dma_wait3A_181 = arith.constant 0 : i32
      %dma_wait3A_182 = tpu.memref_slice %dma_wait3A_179[%dma_wait3A_180, %dma_wait3A_181] : memref<10000x128xf32, #tpu.memory_space<hbm>> -> memref<10000x128xf32, #tpu.memory_space<hbm>>
      tpu.wait_indirect_dma semaphore(%arg12 : memref<!tpu.dma_semaphore, #tpu.memory_space<semaphore_mem>>) src(%dma_wait3A_182 : memref<10000x128xf32, #tpu.memory_space<hbm>>) dst(%dma_wait3A_172 : memref<80x128xf32, #tpu.memory_space<vmem>>)
      %dma_start3A_183 = arith.constant 1 : i32
      %dma_start3A_184 = arith.constant 1 : i32
      %dma_start3A_185 = arith.constant 0 : i32
      %dma_start3A_186 = arith.constant 0 : i32
      %dma_start3A_187 = tpu.memref_slice %arg9[%dma_start3A_183, %dma_start3A_185, %dma_start3A_186] : memref<4x80x128xf32, #tpu.memory_space<vmem>> -> memref<1x80x128xf32, #tpu.memory_space<vmem>>
      %dma_start3A_188 = tpu.memref_squeeze %dma_start3A_187 : memref<1x80x128xf32, #tpu.memory_space<vmem>> -> memref<80x128xf32, #tpu.memory_space<vmem>>
      %dma_start3A_189 = arith.constant 0 : i32
      %dma_start3A_190 = tpu.memref_slice %arg8[%select_n3A_122, %dma_start3A_184, %dma_start3A_189] : memref<2x4x80xi32, #tpu.memory_space<vmem>> -> memref<1x1x80xi32, #tpu.memory_space<vmem>>
      %dma_start3A_191 = tpu.memref_squeeze %dma_start3A_190 : memref<1x1x80xi32, #tpu.memory_space<vmem>> -> memref<80xi32, #tpu.memory_space<vmem>>
      %dma_start3A_192 = arith.constant 0 : i32
      %dma_start3A_193 = arith.constant 0 : i32
      %dma_start3A_194 = tpu.memref_slice %arg10[%dma_start3A_192, %dma_start3A_193] : memref<10016x128xf32, #tpu.memory_space<vmem_shared>> -> memref<10016x128xf32, #tpu.memory_space<vmem_shared>>
      tpu.enqueue_indirect_dma source(%dma_start3A_188 : memref<80x128xf32, #tpu.memory_space<vmem>>) target(%dma_start3A_194 : memref<10016x128xf32, #tpu.memory_space<vmem_shared>>) offsets(%dma_start3A_191 : memref<80xi32, #tpu.memory_space<vmem>>) semaphore(%arg16 : memref<!tpu.dma_semaphore, #tpu.memory_space<semaphore_mem>>) {add = true}
      %dma_wait3A_195 = arith.constant 0 : i32
      %dma_wait3A_196 = arith.constant 0 : i32
      %dma_wait3A_197 = arith.constant 0 : i32
      %dma_wait3A_198 = arith.constant 0 : i32
      %dma_wait3A_199 = tpu.memref_slice %arg9[%dma_wait3A_195, %dma_wait3A_197, %dma_wait3A_198] : memref<4x80x128xf32, #tpu.memory_space<vmem>> -> memref<1x80x128xf32, #tpu.memory_space<vmem>>
      %dma_wait3A_200 = tpu.memref_squeeze %dma_wait3A_199 : memref<1x80x128xf32, #tpu.memory_space<vmem>> -> memref<80x128xf32, #tpu.memory_space<vmem>>
      %dma_wait3A_201 = arith.constant 0 : i32
      %dma_wait3A_202 = tpu.memref_slice %arg8[%select_n3A_122, %dma_wait3A_196, %dma_wait3A_201] : memref<2x4x80xi32, #tpu.memory_space<vmem>> -> memref<1x1x80xi32, #tpu.memory_space<vmem>>
      %dma_wait3A_203 = tpu.memref_squeeze %dma_wait3A_202 : memref<1x1x80xi32, #tpu.memory_space<vmem>> -> memref<80xi32, #tpu.memory_space<vmem>>
      %dma_wait3A_204 = arith.constant 0 : i32
      %dma_wait3A_205 = arith.constant 0 : i32
      %dma_wait3A_206 = tpu.memref_slice %arg10[%dma_wait3A_204, %dma_wait3A_205] : memref<10016x128xf32, #tpu.memory_space<vmem_shared>> -> memref<10016x128xf32, #tpu.memory_space<vmem_shared>>
      tpu.wait_indirect_dma semaphore(%arg15 : memref<!tpu.dma_semaphore, #tpu.memory_space<semaphore_mem>>) src(%dma_wait3A_200 : memref<80x128xf32, #tpu.memory_space<vmem>>) dst(%dma_wait3A_206 : memref<10016x128xf32, #tpu.memory_space<vmem_shared>>)
      %add3A_207 = arith.constant 1 : i32
      %add3A_208 = arith.addi %scan3A_112, %add3A_207 : i32
      %lt3A_209 = arith.constant 64 : i32
      %lt3A_210 = arith.cmpi slt, %add3A_208, %lt3A_209 : i32
      %convert_element_type3A_211 = arith.extui %lt3A_210 : i1 to i32
      %cond3A_212 = arith.constant 0 : i32
      %cond3A_213 = arith.cmpi ne, %convert_element_type3A_211, %cond3A_212 : i32
      scf.if %cond3A_213 {
        %add3A_327 = arith.constant 1 : i32
        %add3A_328 = arith.addi %scan3A_112, %add3A_327 : i32
        %sub3A = arith.constant 1 : i32
        %sub3A_329 = arith.subi %sub3A, %select_n3A_122 : i32
        %mul3A_330 = arith.constant 4 : i32
        %mul3A_331 = arith.muli %add3A_328, %mul3A_330 : i32
        %add3A_332 = arith.addi %mul3A_0, %mul3A_331 : i32
        %dma_wait3A_333 = arith.constant 0 : i32
        %dma_wait3A_334 = arith.constant 0 : i32
        %dma_wait3A_335 = tpu.memref_slice %arg7[%sub3A_329, %dma_wait3A_333, %dma_wait3A_334] : memref<2x4x80xi32, #tpu.memory_space<vmem>> -> memref<1x4x80xi32, #tpu.memory_space<vmem>>
        %dma_wait3A_336 = tpu.memref_squeeze %dma_wait3A_335 : memref<1x4x80xi32, #tpu.memory_space<vmem>> -> memref<4x80xi32, #tpu.memory_space<vmem>>
        %dma_wait3A_337 = arith.constant 0 : i32
        %dma_wait3A_338 = tpu.memref_slice %arg3[%add3A_332, %dma_wait3A_337] : memref<4096x80xi32, #tpu.memory_space<hbm>> -> memref<4x80xi32, #tpu.memory_space<hbm>>
        %dma_wait3A_339 = arith.constant 0 : i32
        %dma_wait3A_340 = arith.constant 0 : i32
        %dma_wait3A_341 = tpu.memref_slice %arg7[%sub3A_329, %dma_wait3A_339, %dma_wait3A_340] : memref<2x4x80xi32, #tpu.memory_space<vmem>> -> memref<1x4x80xi32, #tpu.memory_space<vmem>>
        %dma_wait3A_342 = tpu.memref_squeeze %dma_wait3A_341 : memref<1x4x80xi32, #tpu.memory_space<vmem>> -> memref<4x80xi32, #tpu.memory_space<vmem>>
        %dma_wait3A_343 = arith.constant 0 : i32
        %dma_wait3A_344 = tpu.memref_slice %arg3[%add3A_332, %dma_wait3A_343] : memref<4096x80xi32, #tpu.memory_space<hbm>> -> memref<4x80xi32, #tpu.memory_space<hbm>>
        tpu.wait_dma2 semaphore(%arg19 : memref<!tpu.dma_semaphore, #tpu.memory_space<semaphore_mem>>) src(%dma_wait3A_344 : memref<4x80xi32, #tpu.memory_space<hbm>>) dst(%dma_wait3A_342 : memref<4x80xi32, #tpu.memory_space<vmem>>)
        %dma_wait3A_345 = arith.constant 0 : i32
        %dma_wait3A_346 = arith.constant 0 : i32
        %dma_wait3A_347 = tpu.memref_slice %arg8[%sub3A_329, %dma_wait3A_345, %dma_wait3A_346] : memref<2x4x80xi32, #tpu.memory_space<vmem>> -> memref<1x4x80xi32, #tpu.memory_space<vmem>>
        %dma_wait3A_348 = tpu.memref_squeeze %dma_wait3A_347 : memref<1x4x80xi32, #tpu.memory_space<vmem>> -> memref<4x80xi32, #tpu.memory_space<vmem>>
        %dma_wait3A_349 = arith.constant 0 : i32
        %dma_wait3A_350 = tpu.memref_slice %arg4[%add3A_332, %dma_wait3A_349] : memref<4096x80xi32, #tpu.memory_space<hbm>> -> memref<4x80xi32, #tpu.memory_space<hbm>>
        %dma_wait3A_351 = arith.constant 0 : i32
        %dma_wait3A_352 = arith.constant 0 : i32
        %dma_wait3A_353 = tpu.memref_slice %arg8[%sub3A_329, %dma_wait3A_351, %dma_wait3A_352] : memref<2x4x80xi32, #tpu.memory_space<vmem>> -> memref<1x4x80xi32, #tpu.memory_space<vmem>>
        %dma_wait3A_354 = tpu.memref_squeeze %dma_wait3A_353 : memref<1x4x80xi32, #tpu.memory_space<vmem>> -> memref<4x80xi32, #tpu.memory_space<vmem>>
        %dma_wait3A_355 = arith.constant 0 : i32
        %dma_wait3A_356 = tpu.memref_slice %arg4[%add3A_332, %dma_wait3A_355] : memref<4096x80xi32, #tpu.memory_space<hbm>> -> memref<4x80xi32, #tpu.memory_space<hbm>>
        tpu.wait_dma2 semaphore(%arg19 : memref<!tpu.dma_semaphore, #tpu.memory_space<semaphore_mem>>) src(%dma_wait3A_356 : memref<4x80xi32, #tpu.memory_space<hbm>>) dst(%dma_wait3A_354 : memref<4x80xi32, #tpu.memory_space<vmem>>)
        %sub3A_357 = arith.constant 1 : i32
        %sub3A_358 = arith.subi %sub3A_357, %select_n3A_122 : i32
        %dma_start3A_359 = arith.constant 0 : i32
        %dma_start3A_360 = arith.constant 0 : i32
        %dma_start3A_361 = arith.constant 0 : i32
        %dma_start3A_362 = arith.constant 0 : i32
        %dma_start3A_363 = tpu.memref_slice %arg9[%dma_start3A_360, %dma_start3A_361, %dma_start3A_362] : memref<4x80x128xf32, #tpu.memory_space<vmem>> -> memref<1x80x128xf32, #tpu.memory_space<vmem>>
        %dma_start3A_364 = tpu.memref_squeeze %dma_start3A_363 : memref<1x80x128xf32, #tpu.memory_space<vmem>> -> memref<80x128xf32, #tpu.memory_space<vmem>>
        %dma_start3A_365 = arith.constant 0 : i32
        %dma_start3A_366 = tpu.memref_slice %arg7[%sub3A_358, %dma_start3A_359, %dma_start3A_365] : memref<2x4x80xi32, #tpu.memory_space<vmem>> -> memref<1x1x80xi32, #tpu.memory_space<vmem>>
        %dma_start3A_367 = tpu.memref_squeeze %dma_start3A_366 : memref<1x1x80xi32, #tpu.memory_space<vmem>> -> memref<80xi32, #tpu.memory_space<vmem>>
        %dma_start3A_368 = arith.constant 0 : i32
        %dma_start3A_369 = arith.constant 0 : i32
        %dma_start3A_370 = tpu.memref_slice %arg2[%arg0, %dma_start3A_368, %dma_start3A_369] : memref<2x10000x128xf32, #tpu.memory_space<hbm>> -> memref<1x10000x128xf32, #tpu.memory_space<hbm>>
        %dma_start3A_371 = tpu.memref_squeeze %dma_start3A_370 : memref<1x10000x128xf32, #tpu.memory_space<hbm>> -> memref<10000x128xf32, #tpu.memory_space<hbm>>
        %dma_start3A_372 = arith.constant 0 : i32
        %dma_start3A_373 = arith.constant 0 : i32
        %dma_start3A_374 = tpu.memref_slice %dma_start3A_371[%dma_start3A_372, %dma_start3A_373] : memref<10000x128xf32, #tpu.memory_space<hbm>> -> memref<10000x128xf32, #tpu.memory_space<hbm>>
        tpu.enqueue_indirect_dma source(%dma_start3A_374 : memref<10000x128xf32, #tpu.memory_space<hbm>>) target(%dma_start3A_364 : memref<80x128xf32, #tpu.memory_space<vmem>>) offsets(%dma_start3A_367 : memref<80xi32, #tpu.memory_space<vmem>>) semaphore(%arg11 : memref<!tpu.dma_semaphore, #tpu.memory_space<semaphore_mem>>)
      } else {
      }
      %dma_wait3A_214 = arith.constant 2 : i32
      %dma_wait3A_215 = arith.constant 2 : i32
      %dma_wait3A_216 = arith.constant 0 : i32
      %dma_wait3A_217 = arith.constant 0 : i32
      %dma_wait3A_218 = tpu.memref_slice %arg9[%dma_wait3A_215, %dma_wait3A_216, %dma_wait3A_217] : memref<4x80x128xf32, #tpu.memory_space<vmem>> -> memref<1x80x128xf32, #tpu.memory_space<vmem>>
      %dma_wait3A_219 = tpu.memref_squeeze %dma_wait3A_218 : memref<1x80x128xf32, #tpu.memory_space<vmem>> -> memref<80x128xf32, #tpu.memory_space<vmem>>
      %dma_wait3A_220 = arith.constant 0 : i32
      %dma_wait3A_221 = tpu.memref_slice %arg7[%select_n3A_122, %dma_wait3A_214, %dma_wait3A_220] : memref<2x4x80xi32, #tpu.memory_space<vmem>> -> memref<1x1x80xi32, #tpu.memory_space<vmem>>
      %dma_wait3A_222 = tpu.memref_squeeze %dma_wait3A_221 : memref<1x1x80xi32, #tpu.memory_space<vmem>> -> memref<80xi32, #tpu.memory_space<vmem>>
      %dma_wait3A_223 = arith.constant 0 : i32
      %dma_wait3A_224 = arith.constant 0 : i32
      %dma_wait3A_225 = tpu.memref_slice %arg2[%arg0, %dma_wait3A_223, %dma_wait3A_224] : memref<2x10000x128xf32, #tpu.memory_space<hbm>> -> memref<1x10000x128xf32, #tpu.memory_space<hbm>>
      %dma_wait3A_226 = tpu.memref_squeeze %dma_wait3A_225 : memref<1x10000x128xf32, #tpu.memory_space<hbm>> -> memref<10000x128xf32, #tpu.memory_space<hbm>>
      %dma_wait3A_227 = arith.constant 0 : i32
      %dma_wait3A_228 = arith.constant 0 : i32
      %dma_wait3A_229 = tpu.memref_slice %dma_wait3A_226[%dma_wait3A_227, %dma_wait3A_228] : memref<10000x128xf32, #tpu.memory_space<hbm>> -> memref<10000x128xf32, #tpu.memory_space<hbm>>
      tpu.wait_indirect_dma semaphore(%arg13 : memref<!tpu.dma_semaphore, #tpu.memory_space<semaphore_mem>>) src(%dma_wait3A_229 : memref<10000x128xf32, #tpu.memory_space<hbm>>) dst(%dma_wait3A_219 : memref<80x128xf32, #tpu.memory_space<vmem>>)
      %dma_start3A_230 = arith.constant 2 : i32
      %dma_start3A_231 = arith.constant 2 : i32
      %dma_start3A_232 = arith.constant 0 : i32
      %dma_start3A_233 = arith.constant 0 : i32
      %dma_start3A_234 = tpu.memref_slice %arg9[%dma_start3A_230, %dma_start3A_232, %dma_start3A_233] : memref<4x80x128xf32, #tpu.memory_space<vmem>> -> memref<1x80x128xf32, #tpu.memory_space<vmem>>
      %dma_start3A_235 = tpu.memref_squeeze %dma_start3A_234 : memref<1x80x128xf32, #tpu.memory_space<vmem>> -> memref<80x128xf32, #tpu.memory_space<vmem>>
      %dma_start3A_236 = arith.constant 0 : i32
      %dma_start3A_237 = tpu.memref_slice %arg8[%select_n3A_122, %dma_start3A_231, %dma_start3A_236] : memref<2x4x80xi32, #tpu.memory_space<vmem>> -> memref<1x1x80xi32, #tpu.memory_space<vmem>>
      %dma_start3A_238 = tpu.memref_squeeze %dma_start3A_237 : memref<1x1x80xi32, #tpu.memory_space<vmem>> -> memref<80xi32, #tpu.memory_space<vmem>>
      %dma_start3A_239 = arith.constant 0 : i32
      %dma_start3A_240 = arith.constant 0 : i32
      %dma_start3A_241 = tpu.memref_slice %arg10[%dma_start3A_239, %dma_start3A_240] : memref<10016x128xf32, #tpu.memory_space<vmem_shared>> -> memref<10016x128xf32, #tpu.memory_space<vmem_shared>>
      tpu.enqueue_indirect_dma source(%dma_start3A_235 : memref<80x128xf32, #tpu.memory_space<vmem>>) target(%dma_start3A_241 : memref<10016x128xf32, #tpu.memory_space<vmem_shared>>) offsets(%dma_start3A_238 : memref<80xi32, #tpu.memory_space<vmem>>) semaphore(%arg17 : memref<!tpu.dma_semaphore, #tpu.memory_space<semaphore_mem>>) {add = true}
      %dma_wait3A_242 = arith.constant 1 : i32
      %dma_wait3A_243 = arith.constant 1 : i32
      %dma_wait3A_244 = arith.constant 0 : i32
      %dma_wait3A_245 = arith.constant 0 : i32
      %dma_wait3A_246 = tpu.memref_slice %arg9[%dma_wait3A_242, %dma_wait3A_244, %dma_wait3A_245] : memref<4x80x128xf32, #tpu.memory_space<vmem>> -> memref<1x80x128xf32, #tpu.memory_space<vmem>>
      %dma_wait3A_247 = tpu.memref_squeeze %dma_wait3A_246 : memref<1x80x128xf32, #tpu.memory_space<vmem>> -> memref<80x128xf32, #tpu.memory_space<vmem>>
      %dma_wait3A_248 = arith.constant 0 : i32
      %dma_wait3A_249 = tpu.memref_slice %arg8[%select_n3A_122, %dma_wait3A_243, %dma_wait3A_248] : memref<2x4x80xi32, #tpu.memory_space<vmem>> -> memref<1x1x80xi32, #tpu.memory_space<vmem>>
      %dma_wait3A_250 = tpu.memref_squeeze %dma_wait3A_249 : memref<1x1x80xi32, #tpu.memory_space<vmem>> -> memref<80xi32, #tpu.memory_space<vmem>>
      %dma_wait3A_251 = arith.constant 0 : i32
      %dma_wait3A_252 = arith.constant 0 : i32
      %dma_wait3A_253 = tpu.memref_slice %arg10[%dma_wait3A_251, %dma_wait3A_252] : memref<10016x128xf32, #tpu.memory_space<vmem_shared>> -> memref<10016x128xf32, #tpu.memory_space<vmem_shared>>
      tpu.wait_indirect_dma semaphore(%arg16 : memref<!tpu.dma_semaphore, #tpu.memory_space<semaphore_mem>>) src(%dma_wait3A_247 : memref<80x128xf32, #tpu.memory_space<vmem>>) dst(%dma_wait3A_253 : memref<10016x128xf32, #tpu.memory_space<vmem_shared>>)
      %add3A_254 = arith.constant 1 : i32
      %add3A_255 = arith.addi %scan3A_112, %add3A_254 : i32
      %lt3A_256 = arith.constant 64 : i32
      %lt3A_257 = arith.cmpi slt, %add3A_255, %lt3A_256 : i32
      %convert_element_type3A_258 = arith.extui %lt3A_257 : i1 to i32
      %cond3A_259 = arith.constant 0 : i32
      %cond3A_260 = arith.cmpi ne, %convert_element_type3A_258, %cond3A_259 : i32
      scf.if %cond3A_260 {
        %sub3A = arith.constant 1 : i32
        %sub3A_327 = arith.subi %sub3A, %select_n3A_122 : i32
        %dma_start3A_328 = arith.constant 1 : i32
        %dma_start3A_329 = arith.constant 1 : i32
        %dma_start3A_330 = arith.constant 0 : i32
        %dma_start3A_331 = arith.constant 0 : i32
        %dma_start3A_332 = tpu.memref_slice %arg9[%dma_start3A_329, %dma_start3A_330, %dma_start3A_331] : memref<4x80x128xf32, #tpu.memory_space<vmem>> -> memref<1x80x128xf32, #tpu.memory_space<vmem>>
        %dma_start3A_333 = tpu.memref_squeeze %dma_start3A_332 : memref<1x80x128xf32, #tpu.memory_space<vmem>> -> memref<80x128xf32, #tpu.memory_space<vmem>>
        %dma_start3A_334 = arith.constant 0 : i32
        %dma_start3A_335 = tpu.memref_slice %arg7[%sub3A_327, %dma_start3A_328, %dma_start3A_334] : memref<2x4x80xi32, #tpu.memory_space<vmem>> -> memref<1x1x80xi32, #tpu.memory_space<vmem>>
        %dma_start3A_336 = tpu.memref_squeeze %dma_start3A_335 : memref<1x1x80xi32, #tpu.memory_space<vmem>> -> memref<80xi32, #tpu.memory_space<vmem>>
        %dma_start3A_337 = arith.constant 0 : i32
        %dma_start3A_338 = arith.constant 0 : i32
        %dma_start3A_339 = tpu.memref_slice %arg2[%arg0, %dma_start3A_337, %dma_start3A_338] : memref<2x10000x128xf32, #tpu.memory_space<hbm>> -> memref<1x10000x128xf32, #tpu.memory_space<hbm>>
        %dma_start3A_340 = tpu.memref_squeeze %dma_start3A_339 : memref<1x10000x128xf32, #tpu.memory_space<hbm>> -> memref<10000x128xf32, #tpu.memory_space<hbm>>
        %dma_start3A_341 = arith.constant 0 : i32
        %dma_start3A_342 = arith.constant 0 : i32
        %dma_start3A_343 = tpu.memref_slice %dma_start3A_340[%dma_start3A_341, %dma_start3A_342] : memref<10000x128xf32, #tpu.memory_space<hbm>> -> memref<10000x128xf32, #tpu.memory_space<hbm>>
        tpu.enqueue_indirect_dma source(%dma_start3A_343 : memref<10000x128xf32, #tpu.memory_space<hbm>>) target(%dma_start3A_333 : memref<80x128xf32, #tpu.memory_space<vmem>>) offsets(%dma_start3A_336 : memref<80xi32, #tpu.memory_space<vmem>>) semaphore(%arg12 : memref<!tpu.dma_semaphore, #tpu.memory_space<semaphore_mem>>)
      } else {
      }
      %dma_wait3A_261 = arith.constant 3 : i32
      %dma_wait3A_262 = arith.constant 3 : i32
      %dma_wait3A_263 = arith.constant 0 : i32
      %dma_wait3A_264 = arith.constant 0 : i32
      %dma_wait3A_265 = tpu.memref_slice %arg9[%dma_wait3A_262, %dma_wait3A_263, %dma_wait3A_264] : memref<4x80x128xf32, #tpu.memory_space<vmem>> -> memref<1x80x128xf32, #tpu.memory_space<vmem>>
      %dma_wait3A_266 = tpu.memref_squeeze %dma_wait3A_265 : memref<1x80x128xf32, #tpu.memory_space<vmem>> -> memref<80x128xf32, #tpu.memory_space<vmem>>
      %dma_wait3A_267 = arith.constant 0 : i32
      %dma_wait3A_268 = tpu.memref_slice %arg7[%select_n3A_122, %dma_wait3A_261, %dma_wait3A_267] : memref<2x4x80xi32, #tpu.memory_space<vmem>> -> memref<1x1x80xi32, #tpu.memory_space<vmem>>
      %dma_wait3A_269 = tpu.memref_squeeze %dma_wait3A_268 : memref<1x1x80xi32, #tpu.memory_space<vmem>> -> memref<80xi32, #tpu.memory_space<vmem>>
      %dma_wait3A_270 = arith.constant 0 : i32
      %dma_wait3A_271 = arith.constant 0 : i32
      %dma_wait3A_272 = tpu.memref_slice %arg2[%arg0, %dma_wait3A_270, %dma_wait3A_271] : memref<2x10000x128xf32, #tpu.memory_space<hbm>> -> memref<1x10000x128xf32, #tpu.memory_space<hbm>>
      %dma_wait3A_273 = tpu.memref_squeeze %dma_wait3A_272 : memref<1x10000x128xf32, #tpu.memory_space<hbm>> -> memref<10000x128xf32, #tpu.memory_space<hbm>>
      %dma_wait3A_274 = arith.constant 0 : i32
      %dma_wait3A_275 = arith.constant 0 : i32
      %dma_wait3A_276 = tpu.memref_slice %dma_wait3A_273[%dma_wait3A_274, %dma_wait3A_275] : memref<10000x128xf32, #tpu.memory_space<hbm>> -> memref<10000x128xf32, #tpu.memory_space<hbm>>
      tpu.wait_indirect_dma semaphore(%arg14 : memref<!tpu.dma_semaphore, #tpu.memory_space<semaphore_mem>>) src(%dma_wait3A_276 : memref<10000x128xf32, #tpu.memory_space<hbm>>) dst(%dma_wait3A_266 : memref<80x128xf32, #tpu.memory_space<vmem>>)
      %dma_start3A_277 = arith.constant 3 : i32
      %dma_start3A_278 = arith.constant 3 : i32
      %dma_start3A_279 = arith.constant 0 : i32
      %dma_start3A_280 = arith.constant 0 : i32
      %dma_start3A_281 = tpu.memref_slice %arg9[%dma_start3A_277, %dma_start3A_279, %dma_start3A_280] : memref<4x80x128xf32, #tpu.memory_space<vmem>> -> memref<1x80x128xf32, #tpu.memory_space<vmem>>
      %dma_start3A_282 = tpu.memref_squeeze %dma_start3A_281 : memref<1x80x128xf32, #tpu.memory_space<vmem>> -> memref<80x128xf32, #tpu.memory_space<vmem>>
      %dma_start3A_283 = arith.constant 0 : i32
      %dma_start3A_284 = tpu.memref_slice %arg8[%select_n3A_122, %dma_start3A_278, %dma_start3A_283] : memref<2x4x80xi32, #tpu.memory_space<vmem>> -> memref<1x1x80xi32, #tpu.memory_space<vmem>>
      %dma_start3A_285 = tpu.memref_squeeze %dma_start3A_284 : memref<1x1x80xi32, #tpu.memory_space<vmem>> -> memref<80xi32, #tpu.memory_space<vmem>>
      %dma_start3A_286 = arith.constant 0 : i32
      %dma_start3A_287 = arith.constant 0 : i32
      %dma_start3A_288 = tpu.memref_slice %arg10[%dma_start3A_286, %dma_start3A_287] : memref<10016x128xf32, #tpu.memory_space<vmem_shared>> -> memref<10016x128xf32, #tpu.memory_space<vmem_shared>>
      tpu.enqueue_indirect_dma source(%dma_start3A_282 : memref<80x128xf32, #tpu.memory_space<vmem>>) target(%dma_start3A_288 : memref<10016x128xf32, #tpu.memory_space<vmem_shared>>) offsets(%dma_start3A_285 : memref<80xi32, #tpu.memory_space<vmem>>) semaphore(%arg18 : memref<!tpu.dma_semaphore, #tpu.memory_space<semaphore_mem>>) {add = true}
      %dma_wait3A_289 = arith.constant 2 : i32
      %dma_wait3A_290 = arith.constant 2 : i32
      %dma_wait3A_291 = arith.constant 0 : i32
      %dma_wait3A_292 = arith.constant 0 : i32
      %dma_wait3A_293 = tpu.memref_slice %arg9[%dma_wait3A_289, %dma_wait3A_291, %dma_wait3A_292] : memref<4x80x128xf32, #tpu.memory_space<vmem>> -> memref<1x80x128xf32, #tpu.memory_space<vmem>>
      %dma_wait3A_294 = tpu.memref_squeeze %dma_wait3A_293 : memref<1x80x128xf32, #tpu.memory_space<vmem>> -> memref<80x128xf32, #tpu.memory_space<vmem>>
      %dma_wait3A_295 = arith.constant 0 : i32
      %dma_wait3A_296 = tpu.memref_slice %arg8[%select_n3A_122, %dma_wait3A_290, %dma_wait3A_295] : memref<2x4x80xi32, #tpu.memory_space<vmem>> -> memref<1x1x80xi32, #tpu.memory_space<vmem>>
      %dma_wait3A_297 = tpu.memref_squeeze %dma_wait3A_296 : memref<1x1x80xi32, #tpu.memory_space<vmem>> -> memref<80xi32, #tpu.memory_space<vmem>>
      %dma_wait3A_298 = arith.constant 0 : i32
      %dma_wait3A_299 = arith.constant 0 : i32
      %dma_wait3A_300 = tpu.memref_slice %arg10[%dma_wait3A_298, %dma_wait3A_299] : memref<10016x128xf32, #tpu.memory_space<vmem_shared>> -> memref<10016x128xf32, #tpu.memory_space<vmem_shared>>
      tpu.wait_indirect_dma semaphore(%arg17 : memref<!tpu.dma_semaphore, #tpu.memory_space<semaphore_mem>>) src(%dma_wait3A_294 : memref<80x128xf32, #tpu.memory_space<vmem>>) dst(%dma_wait3A_300 : memref<10016x128xf32, #tpu.memory_space<vmem_shared>>)
      %add3A_301 = arith.constant 1 : i32
      %add3A_302 = arith.addi %scan3A_112, %add3A_301 : i32
      %lt3A_303 = arith.constant 64 : i32
      %lt3A_304 = arith.cmpi slt, %add3A_302, %lt3A_303 : i32
      %convert_element_type3A_305 = arith.extui %lt3A_304 : i1 to i32
      %cond3A_306 = arith.constant 0 : i32
      %cond3A_307 = arith.cmpi ne, %convert_element_type3A_305, %cond3A_306 : i32
      scf.if %cond3A_307 {
        %sub3A = arith.constant 1 : i32
        %sub3A_327 = arith.subi %sub3A, %select_n3A_122 : i32
        %dma_start3A_328 = arith.constant 2 : i32
        %dma_start3A_329 = arith.constant 2 : i32
        %dma_start3A_330 = arith.constant 0 : i32
        %dma_start3A_331 = arith.constant 0 : i32
        %dma_start3A_332 = tpu.memref_slice %arg9[%dma_start3A_329, %dma_start3A_330, %dma_start3A_331] : memref<4x80x128xf32, #tpu.memory_space<vmem>> -> memref<1x80x128xf32, #tpu.memory_space<vmem>>
        %dma_start3A_333 = tpu.memref_squeeze %dma_start3A_332 : memref<1x80x128xf32, #tpu.memory_space<vmem>> -> memref<80x128xf32, #tpu.memory_space<vmem>>
        %dma_start3A_334 = arith.constant 0 : i32
        %dma_start3A_335 = tpu.memref_slice %arg7[%sub3A_327, %dma_start3A_328, %dma_start3A_334] : memref<2x4x80xi32, #tpu.memory_space<vmem>> -> memref<1x1x80xi32, #tpu.memory_space<vmem>>
        %dma_start3A_336 = tpu.memref_squeeze %dma_start3A_335 : memref<1x1x80xi32, #tpu.memory_space<vmem>> -> memref<80xi32, #tpu.memory_space<vmem>>
        %dma_start3A_337 = arith.constant 0 : i32
        %dma_start3A_338 = arith.constant 0 : i32
        %dma_start3A_339 = tpu.memref_slice %arg2[%arg0, %dma_start3A_337, %dma_start3A_338] : memref<2x10000x128xf32, #tpu.memory_space<hbm>> -> memref<1x10000x128xf32, #tpu.memory_space<hbm>>
        %dma_start3A_340 = tpu.memref_squeeze %dma_start3A_339 : memref<1x10000x128xf32, #tpu.memory_space<hbm>> -> memref<10000x128xf32, #tpu.memory_space<hbm>>
        %dma_start3A_341 = arith.constant 0 : i32
        %dma_start3A_342 = arith.constant 0 : i32
        %dma_start3A_343 = tpu.memref_slice %dma_start3A_340[%dma_start3A_341, %dma_start3A_342] : memref<10000x128xf32, #tpu.memory_space<hbm>> -> memref<10000x128xf32, #tpu.memory_space<hbm>>
        tpu.enqueue_indirect_dma source(%dma_start3A_343 : memref<10000x128xf32, #tpu.memory_space<hbm>>) target(%dma_start3A_333 : memref<80x128xf32, #tpu.memory_space<vmem>>) offsets(%dma_start3A_336 : memref<80xi32, #tpu.memory_space<vmem>>) semaphore(%arg13 : memref<!tpu.dma_semaphore, #tpu.memory_space<semaphore_mem>>)
      } else {
      }
      %dma_wait3A_308 = arith.constant 3 : i32
      %dma_wait3A_309 = arith.constant 3 : i32
      %dma_wait3A_310 = arith.constant 0 : i32
      %dma_wait3A_311 = arith.constant 0 : i32
      %dma_wait3A_312 = tpu.memref_slice %arg9[%dma_wait3A_308, %dma_wait3A_310, %dma_wait3A_311] : memref<4x80x128xf32, #tpu.memory_space<vmem>> -> memref<1x80x128xf32, #tpu.memory_space<vmem>>
      %dma_wait3A_313 = tpu.memref_squeeze %dma_wait3A_312 : memref<1x80x128xf32, #tpu.memory_space<vmem>> -> memref<80x128xf32, #tpu.memory_space<vmem>>
      %dma_wait3A_314 = arith.constant 0 : i32
      %dma_wait3A_315 = tpu.memref_slice %arg8[%select_n3A_122, %dma_wait3A_309, %dma_wait3A_314] : memref<2x4x80xi32, #tpu.memory_space<vmem>> -> memref<1x1x80xi32, #tpu.memory_space<vmem>>
      %dma_wait3A_316 = tpu.memref_squeeze %dma_wait3A_315 : memref<1x1x80xi32, #tpu.memory_space<vmem>> -> memref<80xi32, #tpu.memory_space<vmem>>
      %dma_wait3A_317 = arith.constant 0 : i32
      %dma_wait3A_318 = arith.constant 0 : i32
      %dma_wait3A_319 = tpu.memref_slice %arg10[%dma_wait3A_317, %dma_wait3A_318] : memref<10016x128xf32, #tpu.memory_space<vmem_shared>> -> memref<10016x128xf32, #tpu.memory_space<vmem_shared>>
      tpu.wait_indirect_dma semaphore(%arg18 : memref<!tpu.dma_semaphore, #tpu.memory_space<semaphore_mem>>) src(%dma_wait3A_313 : memref<80x128xf32, #tpu.memory_space<vmem>>) dst(%dma_wait3A_319 : memref<10016x128xf32, #tpu.memory_space<vmem_shared>>)
      %add3A_320 = arith.constant 2 : i32
      %add3A_321 = arith.addi %scan3A_112, %add3A_320 : i32
      %lt3A_322 = arith.constant 64 : i32
      %lt3A_323 = arith.cmpi slt, %add3A_321, %lt3A_322 : i32
      %convert_element_type3A_324 = arith.extui %lt3A_323 : i1 to i32
      %cond3A_325 = arith.constant 0 : i32
      %cond3A_326 = arith.cmpi ne, %convert_element_type3A_324, %cond3A_325 : i32
      scf.if %cond3A_326 {
        %add3A_327 = arith.constant 2 : i32
        %add3A_328 = arith.addi %scan3A_112, %add3A_327 : i32
        %mul3A_329 = arith.constant 4 : i32
        %mul3A_330 = arith.muli %add3A_328, %mul3A_329 : i32
        %add3A_331 = arith.addi %mul3A_0, %mul3A_330 : i32
        %dma_start3A_332 = arith.constant 0 : i32
        %dma_start3A_333 = arith.constant 0 : i32
        %dma_start3A_334 = tpu.memref_slice %arg7[%select_n3A_122, %dma_start3A_332, %dma_start3A_333] : memref<2x4x80xi32, #tpu.memory_space<vmem>> -> memref<1x4x80xi32, #tpu.memory_space<vmem>>
        %dma_start3A_335 = tpu.memref_squeeze %dma_start3A_334 : memref<1x4x80xi32, #tpu.memory_space<vmem>> -> memref<4x80xi32, #tpu.memory_space<vmem>>
        %dma_start3A_336 = arith.constant 0 : i32
        %dma_start3A_337 = tpu.memref_slice %arg3[%add3A_331, %dma_start3A_336] : memref<4096x80xi32, #tpu.memory_space<hbm>> -> memref<4x80xi32, #tpu.memory_space<hbm>>
        %dma_start3A_338 = arith.constant 0 : i32
        %dma_start3A_339 = arith.constant 0 : i32
        %dma_start3A_340 = tpu.memref_slice %arg7[%select_n3A_122, %dma_start3A_338, %dma_start3A_339] : memref<2x4x80xi32, #tpu.memory_space<vmem>> -> memref<1x4x80xi32, #tpu.memory_space<vmem>>
        %dma_start3A_341 = tpu.memref_squeeze %dma_start3A_340 : memref<1x4x80xi32, #tpu.memory_space<vmem>> -> memref<4x80xi32, #tpu.memory_space<vmem>>
        %dma_start3A_342 = arith.constant 0 : i32
        %dma_start3A_343 = tpu.memref_slice %arg3[%add3A_331, %dma_start3A_342] : memref<4096x80xi32, #tpu.memory_space<hbm>> -> memref<4x80xi32, #tpu.memory_space<hbm>>
        tpu.enqueue_dma source(%dma_start3A_343 : memref<4x80xi32, #tpu.memory_space<hbm>>) target(%dma_start3A_341 : memref<4x80xi32, #tpu.memory_space<vmem>>) target_semaphore(%arg19 : memref<!tpu.dma_semaphore, #tpu.memory_space<semaphore_mem>>)
        %dma_start3A_344 = arith.constant 0 : i32
        %dma_start3A_345 = arith.constant 0 : i32
        %dma_start3A_346 = tpu.memref_slice %arg8[%select_n3A_122, %dma_start3A_344, %dma_start3A_345] : memref<2x4x80xi32, #tpu.memory_space<vmem>> -> memref<1x4x80xi32, #tpu.memory_space<vmem>>
        %dma_start3A_347 = tpu.memref_squeeze %dma_start3A_346 : memref<1x4x80xi32, #tpu.memory_space<vmem>> -> memref<4x80xi32, #tpu.memory_space<vmem>>
        %dma_start3A_348 = arith.constant 0 : i32
        %dma_start3A_349 = tpu.memref_slice %arg4[%add3A_331, %dma_start3A_348] : memref<4096x80xi32, #tpu.memory_space<hbm>> -> memref<4x80xi32, #tpu.memory_space<hbm>>
        %dma_start3A_350 = arith.constant 0 : i32
        %dma_start3A_351 = arith.constant 0 : i32
        %dma_start3A_352 = tpu.memref_slice %arg8[%select_n3A_122, %dma_start3A_350, %dma_start3A_351] : memref<2x4x80xi32, #tpu.memory_space<vmem>> -> memref<1x4x80xi32, #tpu.memory_space<vmem>>
        %dma_start3A_353 = tpu.memref_squeeze %dma_start3A_352 : memref<1x4x80xi32, #tpu.memory_space<vmem>> -> memref<4x80xi32, #tpu.memory_space<vmem>>
        %dma_start3A_354 = arith.constant 0 : i32
        %dma_start3A_355 = tpu.memref_slice %arg4[%add3A_331, %dma_start3A_354] : memref<4096x80xi32, #tpu.memory_space<hbm>> -> memref<4x80xi32, #tpu.memory_space<hbm>>
        tpu.enqueue_dma source(%dma_start3A_355 : memref<4x80xi32, #tpu.memory_space<hbm>>) target(%dma_start3A_353 : memref<4x80xi32, #tpu.memory_space<vmem>>) target_semaphore(%arg19 : memref<!tpu.dma_semaphore, #tpu.memory_space<semaphore_mem>>)
      } else {
      }
    }
    %scan3A_101 = arith.constant 64 : i32
    %barrier3A_102 = arith.constant 0 : index
    tpu.barrier barrier_id(%barrier3A_102)
    %mul3A_103 = arith.constant 624 : i32
    %mul3A_104 = arith.muli %arg1, %mul3A_103 : i32
    %mul3A_105 = arith.constant 624 : i32
    %mul3A_106 = arith.muli %arg1, %mul3A_105 : i32
    "tpu.region"() ({
      %run_scoped3A_112 = tpu.sem_alloc : memref<!tpu.dma_semaphore, #tpu.memory_space<semaphore_mem>>
      %dma_start3A_113 = arith.constant 0 : i32
      %dma_start3A_114 = tpu.memref_slice %arg6[%arg0, %mul3A_106, %dma_start3A_113] : memref<2x10000x128xf32, #tpu.memory_space<hbm>> -> memref<1x624x128xf32, #tpu.memory_space<hbm>>
      %dma_start3A_115 = tpu.memref_squeeze %dma_start3A_114 : memref<1x624x128xf32, #tpu.memory_space<hbm>> -> memref<624x128xf32, #tpu.memory_space<hbm>>
      %dma_start3A_116 = arith.constant 0 : i32
      %dma_start3A_117 = tpu.memref_slice %arg10[%mul3A_104, %dma_start3A_116] : memref<10016x128xf32, #tpu.memory_space<vmem_shared>> -> memref<624x128xf32, #tpu.memory_space<vmem_shared>>
      tpu.enqueue_dma source(%dma_start3A_117 : memref<624x128xf32, #tpu.memory_space<vmem_shared>>) target(%dma_start3A_115 : memref<624x128xf32, #tpu.memory_space<hbm>>) target_semaphore(%run_scoped3A_112 : memref<!tpu.dma_semaphore, #tpu.memory_space<semaphore_mem>>)
      %dma_wait3A_118 = arith.constant 0 : i32
      %dma_wait3A_119 = tpu.memref_slice %arg6[%arg0, %mul3A_106, %dma_wait3A_118] : memref<2x10000x128xf32, #tpu.memory_space<hbm>> -> memref<1x624x128xf32, #tpu.memory_space<hbm>>
      %dma_wait3A_120 = tpu.memref_squeeze %dma_wait3A_119 : memref<1x624x128xf32, #tpu.memory_space<hbm>> -> memref<624x128xf32, #tpu.memory_space<hbm>>
      %dma_wait3A_121 = arith.constant 0 : i32
      %dma_wait3A_122 = tpu.memref_slice %arg10[%mul3A_104, %dma_wait3A_121] : memref<10016x128xf32, #tpu.memory_space<vmem_shared>> -> memref<624x128xf32, #tpu.memory_space<vmem_shared>>
      tpu.wait_dma2 semaphore(%run_scoped3A_112 : memref<!tpu.dma_semaphore, #tpu.memory_space<semaphore_mem>>) src(%dma_wait3A_122 : memref<624x128xf32, #tpu.memory_space<vmem_shared>>) dst(%dma_wait3A_120 : memref<624x128xf32, #tpu.memory_space<hbm>>)
      tpu.yield
    }) : () -> ()
    %eq3A_107 = arith.constant 0 : i32
    %eq3A_108 = arith.cmpi eq, %arg1, %eq3A_107 : i32
    %convert_element_type3A_109 = arith.extui %eq3A_108 : i1 to i32
    %cond3A_110 = arith.constant 0 : i32
    %cond3A_111 = arith.cmpi ne, %convert_element_type3A_109, %cond3A_110 : i32
    scf.if %cond3A_111 {
      "tpu.region"() ({
        %run_scoped3A_112 = tpu.sem_alloc : memref<!tpu.dma_semaphore, #tpu.memory_space<semaphore_mem>>
        %dma_start3A_113 = arith.constant 9984 : i32
        %dma_start3A_114 = arith.constant 0 : i32
        %dma_start3A_115 = tpu.memref_slice %arg6[%arg0, %dma_start3A_113, %dma_start3A_114] : memref<2x10000x128xf32, #tpu.memory_space<hbm>> -> memref<1x16x128xf32, #tpu.memory_space<hbm>>
        %dma_start3A_116 = tpu.memref_squeeze %dma_start3A_115 : memref<1x16x128xf32, #tpu.memory_space<hbm>> -> memref<16x128xf32, #tpu.memory_space<hbm>>
        %dma_start3A_117 = arith.constant 9984 : i32
        %dma_start3A_118 = arith.constant 0 : i32
        %dma_start3A_119 = tpu.memref_slice %arg10[%dma_start3A_117, %dma_start3A_118] : memref<10016x128xf32, #tpu.memory_space<vmem_shared>> -> memref<16x128xf32, #tpu.memory_space<vmem_shared>>
        tpu.enqueue_dma source(%dma_start3A_119 : memref<16x128xf32, #tpu.memory_space<vmem_shared>>) target(%dma_start3A_116 : memref<16x128xf32, #tpu.memory_space<hbm>>) target_semaphore(%run_scoped3A_112 : memref<!tpu.dma_semaphore, #tpu.memory_space<semaphore_mem>>)
        %dma_wait3A_120 = arith.constant 9984 : i32
        %dma_wait3A_121 = arith.constant 0 : i32
        %dma_wait3A_122 = tpu.memref_slice %arg6[%arg0, %dma_wait3A_120, %dma_wait3A_121] : memref<2x10000x128xf32, #tpu.memory_space<hbm>> -> memref<1x16x128xf32, #tpu.memory_space<hbm>>
        %dma_wait3A_123 = tpu.memref_squeeze %dma_wait3A_122 : memref<1x16x128xf32, #tpu.memory_space<hbm>> -> memref<16x128xf32, #tpu.memory_space<hbm>>
        %dma_wait3A_124 = arith.constant 9984 : i32
        %dma_wait3A_125 = arith.constant 0 : i32
        %dma_wait3A_126 = tpu.memref_slice %arg10[%dma_wait3A_124, %dma_wait3A_125] : memref<10016x128xf32, #tpu.memory_space<vmem_shared>> -> memref<16x128xf32, #tpu.memory_space<vmem_shared>>
        tpu.wait_dma2 semaphore(%run_scoped3A_112 : memref<!tpu.dma_semaphore, #tpu.memory_space<semaphore_mem>>) src(%dma_wait3A_126 : memref<16x128xf32, #tpu.memory_space<vmem_shared>>) dst(%dma_wait3A_123 : memref<16x128xf32, #tpu.memory_space<hbm>>)
        tpu.yield
      }) : () -> ()
    } else {
    }
    return
  }
}

module attributes {stable_mosaic.version = 14 : i64} {
  func.func @body(%arg0: i32, %arg1: memref<2x1000x128xf32, #tpu.memory_space<vmem>>, %arg2: memref<1000x128xf32, #tpu.memory_space<vmem>>, %arg3: memref<1000x1xf32, #tpu.memory_space<vmem>>, %arg4: memref<128x256xf32, #tpu.memory_space<vmem>>, %arg5: memref<1x256xf32, #tpu.memory_space<vmem>>, %arg6: memref<256x256xf32, #tpu.memory_space<vmem>>, %arg7: memref<2x1000x128xf32, #tpu.memory_space<vmem>>) attributes {dimension_semantics = [#tpu.dimension_semantics<arbitrary>], iteration_bounds = array<i64: 10>, scalar_prefetch = 0 : i64, scratch_operands = 0 : i64, tpu.core_type = #tpu.core_type<tc>, window_params = [{transform_indices = @transform_0, window_bounds = array<i64: 2, 1000, 128>}, {transform_indices = @transform_1, window_bounds = array<i64: 1000, 128>}, {transform_indices = @transform_2, window_bounds = array<i64: 1000, 1>}, {pipeline_mode = #tpu.pipeline_mode<synchronous>, transform_indices = @transform_3, window_bounds = array<i64: 128, 256>}, {pipeline_mode = #tpu.pipeline_mode<synchronous>, transform_indices = @transform_4, window_bounds = array<i64: 1, 256>}, {pipeline_mode = #tpu.pipeline_mode<synchronous>, transform_indices = @transform_5, window_bounds = array<i64: 256, 256>}, {transform_indices = @transform_6, window_bounds = array<i64: 2, 1000, 128>}]} {
    %get3A = arith.constant 0 : index
    %get3A_0 = arith.constant 0 : index
    %get3A_1 = arith.constant 0 : index
    %get3A_2 = vector.load %arg1[%get3A, %get3A_0, %get3A_1] : memref<2x1000x128xf32, #tpu.memory_space<vmem>>, vector<1x1000x128xf32>
    %get3A_3 = vector.shape_cast %get3A_2 : vector<1x1000x128xf32> to vector<1000x128xf32>
    %get3A_4 = arith.constant 1 : index
    %get3A_5 = arith.constant 0 : index
    %get3A_6 = arith.constant 0 : index
    %get3A_7 = vector.load %arg1[%get3A_4, %get3A_5, %get3A_6] : memref<2x1000x128xf32, #tpu.memory_space<vmem>>, vector<1x1000x128xf32>
    %get3A_8 = vector.shape_cast %get3A_7 : vector<1x1000x128xf32> to vector<1000x128xf32>
    %add3A = arith.addf %get3A_3, %get3A_8 : vector<1000x128xf32>
    %get3A_9 = arith.constant 0 : index
    %get3A_10 = arith.constant 0 : index
    %get3A_11 = vector.load %arg2[%get3A_9, %get3A_10] : memref<1000x128xf32, #tpu.memory_space<vmem>>, vector<1000x128xf32>
    %add3A_12 = arith.addf %add3A, %get3A_11 : vector<1000x128xf32>
    %get3A_13 = arith.constant 0 : index
    %get3A_14 = arith.constant 0 : index
    %get3A_15 = vector.load %arg3[%get3A_13, %get3A_14] : memref<1000x1xf32, #tpu.memory_space<vmem>>, vector<1000x1xf32>
    %mul3A = vector.broadcast %get3A_15 : vector<1000x1xf32> to vector<1000x128xf32>
    %mul3A_16 = arith.mulf %add3A_12, %mul3A : vector<1000x128xf32>
    %get3A_17 = arith.constant 0 : index
    %get3A_18 = arith.constant 0 : index
    %get3A_19 = vector.load %arg4[%get3A_17, %get3A_18] : memref<128x256xf32, #tpu.memory_space<vmem>>, vector<128x256xf32>
    %dot_general3A = arith.constant dense<0.000000e+00> : vector<1000x256xf32>
    %dot_general3A_20 = tpu.matmul %mul3A_16, %get3A_19, %dot_general3A {dimension_numbers = #tpu.dot_dimension_numbers<[1], [0], [0], [1], [0, 0, 1, 1], [], []>, transpose_lhs_hint = false} : vector<1000x128xf32>, vector<128x256xf32>, vector<1000x256xf32> -> vector<1000x256xf32>
    %get3A_21 = arith.constant 0 : index
    %get3A_22 = arith.constant 0 : index
    %get3A_23 = vector.load %arg5[%get3A_21, %get3A_22] : memref<1x256xf32, #tpu.memory_space<vmem>>, vector<1x256xf32>
    %add3A_24 = vector.broadcast %get3A_23 : vector<1x256xf32> to vector<1000x256xf32>
    %add3A_25 = arith.addf %dot_general3A_20, %add3A_24 : vector<1000x256xf32>
    %max3A = arith.constant 0.000000e+00 : f32
    %max3A_26 = vector.broadcast %max3A : f32 to vector<1000x256xf32>
    %max3A_27 = arith.maximumf %add3A_25, %max3A_26 : vector<1000x256xf32>
    %get3A_28 = arith.constant 0 : index
    %get3A_29 = arith.constant 0 : index
    %get3A_30 = vector.load %arg6[%get3A_28, %get3A_29] : memref<256x256xf32, #tpu.memory_space<vmem>>, vector<256x256xf32>
    %dot_general3A_31 = arith.constant dense<0.000000e+00> : vector<1000x256xf32>
    %dot_general3A_32 = tpu.matmul %max3A_27, %get3A_30, %dot_general3A_31 {dimension_numbers = #tpu.dot_dimension_numbers<[1], [0], [0], [1], [0, 0, 1, 1], [], []>, transpose_lhs_hint = false} : vector<1000x256xf32>, vector<256x256xf32>, vector<1000x256xf32> -> vector<1000x256xf32>
    %get3A_33 = arith.constant 0 : index
    %get3A_34 = arith.constant 0 : index
    %get3A_35 = vector.load %arg3[%get3A_33, %get3A_34] : memref<1000x1xf32, #tpu.memory_space<vmem>>, vector<1000x1xf32>
    %mul3A_36 = vector.broadcast %get3A_35 : vector<1000x1xf32> to vector<1000x256xf32>
    %mul3A_37 = arith.mulf %dot_general3A_32, %mul3A_36 : vector<1000x256xf32>
    %slice3A = vector.extract_strided_slice %mul3A_37 {offsets = [0, 0], sizes = [1000, 128], strides = [1, 1]} : vector<1000x256xf32> to vector<1000x128xf32>
    %swap3A = arith.constant 0 : index
    %swap3A_38 = arith.constant 0 : index
    %swap3A_39 = arith.constant 0 : index
    %swap3A_40 = vector.load %arg7[%swap3A, %swap3A_38, %swap3A_39] : memref<2x1000x128xf32, #tpu.memory_space<vmem>>, vector<1x1000x128xf32>
    %swap3A_41 = vector.shape_cast %swap3A_40 : vector<1x1000x128xf32> to vector<1000x128xf32>
    %swap3A_42 = vector.shape_cast %slice3A : vector<1000x128xf32> to vector<1x1000x128xf32>
    tpu.vector_store %arg7[%swap3A, %swap3A_38, %swap3A_39], %swap3A_42 {strides = array<i32>} : memref<2x1000x128xf32, #tpu.memory_space<vmem>>, vector<1x1000x128xf32>,
    %slice3A_43 = vector.extract_strided_slice %mul3A_37 {offsets = [0, 128], sizes = [1000, 128], strides = [1, 1]} : vector<1000x256xf32> to vector<1000x128xf32>
    %swap3A_44 = arith.constant 1 : index
    %swap3A_45 = arith.constant 0 : index
    %swap3A_46 = arith.constant 0 : index
    %swap3A_47 = vector.load %arg7[%swap3A_44, %swap3A_45, %swap3A_46] : memref<2x1000x128xf32, #tpu.memory_space<vmem>>, vector<1x1000x128xf32>
    %swap3A_48 = vector.shape_cast %swap3A_47 : vector<1x1000x128xf32> to vector<1000x128xf32>
    %swap3A_49 = vector.shape_cast %slice3A_43 : vector<1000x128xf32> to vector<1x1000x128xf32>
    tpu.vector_store %arg7[%swap3A_44, %swap3A_45, %swap3A_46], %swap3A_49 {strides = array<i32>} : memref<2x1000x128xf32, #tpu.memory_space<vmem>>, vector<1x1000x128xf32>,
    return
  }
  func.func @transform_0(%arg0: i32) -> (i32, i32, i32) {
    %c0_i32 = arith.constant 0 : i32
    %c0_i32_0 = arith.constant 0 : i32
    %c0_i32_1 = arith.constant 0 : i32
    return %c0_i32, %arg0, %c0_i32_0 : i32, i32, i32
  }
  func.func @transform_1(%arg0: i32) -> (i32, i32) {
    %c0_i32 = arith.constant 0 : i32
    %c0_i32_0 = arith.constant 0 : i32
    return %arg0, %c0_i32 : i32, i32
  }
  func.func @transform_2(%arg0: i32) -> (i32, i32) {
    %c0_i32 = arith.constant 0 : i32
    %c0_i32_0 = arith.constant 0 : i32
    return %arg0, %c0_i32 : i32, i32
  }
  func.func @transform_3(%arg0: i32) -> (i32, i32) {
    %c0_i32 = arith.constant 0 : i32
    %c0_i32_0 = arith.constant 0 : i32
    %c0_i32_1 = arith.constant 0 : i32
    return %c0_i32, %c0_i32_0 : i32, i32
  }
  func.func @transform_4(%arg0: i32) -> (i32, i32) {
    %c0_i32 = arith.constant 0 : i32
    %c0_i32_0 = arith.constant 0 : i32
    %c0_i32_1 = arith.constant 0 : i32
    return %c0_i32, %c0_i32_0 : i32, i32
  }
  func.func @transform_5(%arg0: i32) -> (i32, i32) {
    %c0_i32 = arith.constant 0 : i32
    %c0_i32_0 = arith.constant 0 : i32
    %c0_i32_1 = arith.constant 0 : i32
    return %c0_i32, %c0_i32_0 : i32, i32
  }
  func.func @transform_6(%arg0: i32) -> (i32, i32, i32) {
    %c0_i32 = arith.constant 0 : i32
    %c0_i32_0 = arith.constant 0 : i32
    %c0_i32_1 = arith.constant 0 : i32
    return %c0_i32, %arg0, %c0_i32_0 : i32, i32, i32
  }
}

module attributes {stable_mosaic.version = 14 : i64} {
  func.func @body(%arg0: i32, %arg1: memref<2x1000x128xf32, #tpu.memory_space<vmem>>, %arg2: memref<1000x128xf32, #tpu.memory_space<vmem>>, %arg3: memref<1000x1xf32, #tpu.memory_space<vmem>>, %arg4: memref<1000x128xf32, #tpu.memory_space<vmem>>) attributes {dimension_semantics = [#tpu.dimension_semantics<arbitrary>], iteration_bounds = array<i64: 10>, scalar_prefetch = 0 : i64, scratch_operands = 0 : i64, tpu.core_type = #tpu.core_type<tc>, window_params = [{transform_indices = @transform_0, window_bounds = array<i64: 2, 1000, 128>}, {transform_indices = @transform_1, window_bounds = array<i64: 1000, 128>}, {transform_indices = @transform_2, window_bounds = array<i64: 1000, 1>}, {transform_indices = @transform_3, window_bounds = array<i64: 1000, 128>}]} {
    %get3A = arith.constant 0 : index
    %get3A_0 = arith.constant 0 : index
    %get3A_1 = arith.constant 0 : index
    %get3A_2 = vector.load %arg1[%get3A, %get3A_0, %get3A_1] : memref<2x1000x128xf32, #tpu.memory_space<vmem>>, vector<1x1000x1xf32>
    %get3A_3 = vector.shape_cast %get3A_2 : vector<1x1000x1xf32> to vector<1000x1xf32>
    %get3A_4 = arith.constant 1 : index
    %get3A_5 = arith.constant 0 : index
    %get3A_6 = arith.constant 0 : index
    %get3A_7 = vector.load %arg1[%get3A_4, %get3A_5, %get3A_6] : memref<2x1000x128xf32, #tpu.memory_space<vmem>>, vector<1x1000x1xf32>
    %get3A_8 = vector.shape_cast %get3A_7 : vector<1x1000x1xf32> to vector<1000x1xf32>
    %add3A = arith.addf %get3A_3, %get3A_8 : vector<1000x1xf32>
    %add3A_9 = arith.constant 1.000000e+00 : f32
    %add3A_10 = vector.broadcast %add3A_9 : f32 to vector<1000x1xf32>
    %add3A_11 = arith.addf %add3A, %add3A_10 : vector<1000x1xf32>
    %rsqrt3A = math.rsqrt %add3A_11 : vector<1000x1xf32>
    %swap3A = arith.constant 0 : index
    %swap3A_12 = arith.constant 0 : index
    %swap3A_13 = vector.load %arg3[%swap3A, %swap3A_12] : memref<1000x1xf32, #tpu.memory_space<vmem>>, vector<1000x1xf32>
    tpu.vector_store %arg3[%swap3A, %swap3A_12], %rsqrt3A {strides = array<i32>} : memref<1000x1xf32, #tpu.memory_space<vmem>>, vector<1000x1xf32>,
    %get3A_14 = arith.constant 0 : index
    %get3A_15 = arith.constant 0 : index
    %get3A_16 = vector.load %arg2[%get3A_14, %get3A_15] : memref<1000x128xf32, #tpu.memory_space<vmem>>, vector<1000x128xf32>
    %mul3A = vector.broadcast %rsqrt3A : vector<1000x1xf32> to vector<1000x128xf32>
    %mul3A_17 = arith.mulf %get3A_16, %mul3A : vector<1000x128xf32>
    %swap3A_18 = arith.constant 0 : index
    %swap3A_19 = arith.constant 0 : index
    %swap3A_20 = vector.load %arg4[%swap3A_18, %swap3A_19] : memref<1000x128xf32, #tpu.memory_space<vmem>>, vector<1000x128xf32>
    tpu.vector_store %arg4[%swap3A_18, %swap3A_19], %mul3A_17 {strides = array<i32>} : memref<1000x128xf32, #tpu.memory_space<vmem>>, vector<1000x128xf32>,
    return
  }
  func.func @transform_0(%arg0: i32) -> (i32, i32, i32) {
    %c0_i32 = arith.constant 0 : i32
    %c0_i32_0 = arith.constant 0 : i32
    %c0_i32_1 = arith.constant 0 : i32
    return %c0_i32, %arg0, %c0_i32_0 : i32, i32, i32
  }
  func.func @transform_1(%arg0: i32) -> (i32, i32) {
    %c0_i32 = arith.constant 0 : i32
    %c0_i32_0 = arith.constant 0 : i32
    return %arg0, %c0_i32 : i32, i32
  }
  func.func @transform_2(%arg0: i32) -> (i32, i32) {
    %c0_i32 = arith.constant 0 : i32
    %c0_i32_0 = arith.constant 0 : i32
    return %arg0, %c0_i32 : i32, i32
  }
  func.func @transform_3(%arg0: i32) -> (i32, i32) {
    %c0_i32 = arith.constant 0 : i32
    %c0_i32_0 = arith.constant 0 : i32
    return %arg0, %c0_i32 : i32, i32
  }
}

module attributes {stable_mosaic.version = 14 : i64} {
  func.func @body(%arg0: i32, %arg1: memref<2x1000x128xf32, #tpu.memory_space<vmem>>, %arg2: memref<2x1000x128xf32, #tpu.memory_space<vmem>>, %arg3: memref<1000x1xf32, #tpu.memory_space<vmem>>, %arg4: memref<1x256xf32, #tpu.memory_space<vmem>>, %arg5: memref<256x128xf32, #tpu.memory_space<vmem>>, %arg6: memref<1000x128xf32, #tpu.memory_space<vmem>>) attributes {dimension_semantics = [#tpu.dimension_semantics<arbitrary>], iteration_bounds = array<i64: 10>, scalar_prefetch = 0 : i64, scratch_operands = 0 : i64, tpu.core_type = #tpu.core_type<tc>, window_params = [{transform_indices = @transform_0, window_bounds = array<i64: 2, 1000, 128>}, {transform_indices = @transform_1, window_bounds = array<i64: 2, 1000, 128>}, {transform_indices = @transform_2, window_bounds = array<i64: 1000, 1>}, {pipeline_mode = #tpu.pipeline_mode<synchronous>, transform_indices = @transform_3, window_bounds = array<i64: 1, 256>}, {pipeline_mode = #tpu.pipeline_mode<synchronous>, transform_indices = @transform_4, window_bounds = array<i64: 256, 128>}, {transform_indices = @transform_5, window_bounds = array<i64: 1000, 128>}]} {
    %get3A = arith.constant 0 : index
    %get3A_0 = arith.constant 0 : index
    %get3A_1 = arith.constant 0 : index
    %get3A_2 = vector.load %arg1[%get3A, %get3A_0, %get3A_1] : memref<2x1000x128xf32, #tpu.memory_space<vmem>>, vector<1x1000x128xf32>
    %get3A_3 = vector.shape_cast %get3A_2 : vector<1x1000x128xf32> to vector<1000x128xf32>
    %get3A_4 = arith.constant 0 : index
    %get3A_5 = arith.constant 0 : index
    %get3A_6 = arith.constant 0 : index
    %get3A_7 = vector.load %arg2[%get3A_4, %get3A_5, %get3A_6] : memref<2x1000x128xf32, #tpu.memory_space<vmem>>, vector<1x1000x128xf32>
    %get3A_8 = vector.shape_cast %get3A_7 : vector<1x1000x128xf32> to vector<1000x128xf32>
    %add3A = arith.addf %get3A_3, %get3A_8 : vector<1000x128xf32>
    %get3A_9 = arith.constant 0 : index
    %get3A_10 = arith.constant 0 : index
    %get3A_11 = vector.load %arg3[%get3A_9, %get3A_10] : memref<1000x1xf32, #tpu.memory_space<vmem>>, vector<1000x1xf32>
    %mul3A = vector.broadcast %get3A_11 : vector<1000x1xf32> to vector<1000x128xf32>
    %mul3A_12 = arith.mulf %add3A, %mul3A : vector<1000x128xf32>
    %get3A_13 = arith.constant 1 : index
    %get3A_14 = arith.constant 0 : index
    %get3A_15 = arith.constant 0 : index
    %get3A_16 = vector.load %arg1[%get3A_13, %get3A_14, %get3A_15] : memref<2x1000x128xf32, #tpu.memory_space<vmem>>, vector<1x1000x128xf32>
    %get3A_17 = vector.shape_cast %get3A_16 : vector<1x1000x128xf32> to vector<1000x128xf32>
    %get3A_18 = arith.constant 1 : index
    %get3A_19 = arith.constant 0 : index
    %get3A_20 = arith.constant 0 : index
    %get3A_21 = vector.load %arg2[%get3A_18, %get3A_19, %get3A_20] : memref<2x1000x128xf32, #tpu.memory_space<vmem>>, vector<1x1000x128xf32>
    %get3A_22 = vector.shape_cast %get3A_21 : vector<1x1000x128xf32> to vector<1000x128xf32>
    %add3A_23 = arith.addf %get3A_17, %get3A_22 : vector<1000x128xf32>
    %get3A_24 = arith.constant 0 : index
    %get3A_25 = arith.constant 0 : index
    %get3A_26 = vector.load %arg3[%get3A_24, %get3A_25] : memref<1000x1xf32, #tpu.memory_space<vmem>>, vector<1000x1xf32>
    %mul3A_27 = vector.broadcast %get3A_26 : vector<1000x1xf32> to vector<1000x128xf32>
    %mul3A_28 = arith.mulf %add3A_23, %mul3A_27 : vector<1000x128xf32>
    %concatenate3A = tpu.concatenate %mul3A_12, %mul3A_28 in 1 : vector<1000x128xf32>, vector<1000x128xf32> -> vector<1000x256xf32>
    %get3A_29 = arith.constant 0 : index
    %get3A_30 = arith.constant 0 : index
    %get3A_31 = vector.load %arg4[%get3A_29, %get3A_30] : memref<1x256xf32, #tpu.memory_space<vmem>>, vector<1x256xf32>
    %add3A_32 = vector.broadcast %get3A_31 : vector<1x256xf32> to vector<1000x256xf32>
    %add3A_33 = arith.addf %concatenate3A, %add3A_32 : vector<1000x256xf32>
    %max3A = arith.constant 0.000000e+00 : f32
    %max3A_34 = vector.broadcast %max3A : f32 to vector<1000x256xf32>
    %max3A_35 = arith.maximumf %add3A_33, %max3A_34 : vector<1000x256xf32>
    %get3A_36 = arith.constant 0 : index
    %get3A_37 = arith.constant 0 : index
    %get3A_38 = vector.load %arg5[%get3A_36, %get3A_37] : memref<256x128xf32, #tpu.memory_space<vmem>>, vector<256x128xf32>
    %dot_general3A = arith.constant dense<0.000000e+00> : vector<1000x128xf32>
    %dot_general3A_39 = tpu.matmul %max3A_35, %get3A_38, %dot_general3A {dimension_numbers = #tpu.dot_dimension_numbers<[1], [0], [0], [1], [0, 0, 1, 1], [], []>, transpose_lhs_hint = false} : vector<1000x256xf32>, vector<256x128xf32>, vector<1000x128xf32> -> vector<1000x128xf32>
    %get3A_40 = arith.constant 0 : index
    %get3A_41 = arith.constant 0 : index
    %get3A_42 = vector.load %arg3[%get3A_40, %get3A_41] : memref<1000x1xf32, #tpu.memory_space<vmem>>, vector<1000x1xf32>
    %mul3A_43 = vector.broadcast %get3A_42 : vector<1000x1xf32> to vector<1000x128xf32>
    %mul3A_44 = arith.mulf %dot_general3A_39, %mul3A_43 : vector<1000x128xf32>
    %swap3A = arith.constant 0 : index
    %swap3A_45 = arith.constant 0 : index
    %swap3A_46 = vector.load %arg6[%swap3A, %swap3A_45] : memref<1000x128xf32, #tpu.memory_space<vmem>>, vector<1000x128xf32>
    tpu.vector_store %arg6[%swap3A, %swap3A_45], %mul3A_44 {strides = array<i32>} : memref<1000x128xf32, #tpu.memory_space<vmem>>, vector<1000x128xf32>,
    return
  }
  func.func @transform_0(%arg0: i32) -> (i32, i32, i32) {
    %c0_i32 = arith.constant 0 : i32
    %c0_i32_0 = arith.constant 0 : i32
    %c0_i32_1 = arith.constant 0 : i32
    return %c0_i32, %arg0, %c0_i32_0 : i32, i32, i32
  }
  func.func @transform_1(%arg0: i32) -> (i32, i32, i32) {
    %c0_i32 = arith.constant 0 : i32
    %c0_i32_0 = arith.constant 0 : i32
    %c0_i32_1 = arith.constant 0 : i32
    return %c0_i32, %arg0, %c0_i32_0 : i32, i32, i32
  }
  func.func @transform_2(%arg0: i32) -> (i32, i32) {
    %c0_i32 = arith.constant 0 : i32
    %c0_i32_0 = arith.constant 0 : i32
    return %arg0, %c0_i32 : i32, i32
  }
  func.func @transform_3(%arg0: i32) -> (i32, i32) {
    %c0_i32 = arith.constant 0 : i32
    %c0_i32_0 = arith.constant 0 : i32
    %c0_i32_1 = arith.constant 0 : i32
    return %c0_i32, %c0_i32_0 : i32, i32
  }
  func.func @transform_4(%arg0: i32) -> (i32, i32) {
    %c0_i32 = arith.constant 0 : i32
    %c0_i32_0 = arith.constant 0 : i32
    %c0_i32_1 = arith.constant 0 : i32
    return %c0_i32, %c0_i32_0 : i32, i32
  }
  func.func @transform_5(%arg0: i32) -> (i32, i32) {
    %c0_i32 = arith.constant 0 : i32
    %c0_i32_0 = arith.constant 0 : i32
    return %arg0, %c0_i32 : i32, i32
  }
}

module attributes {stable_mosaic.version = 14 : i64} {
  func.func @body(%arg0: i32, %arg1: memref<2x1000x128xf32, #tpu.memory_space<vmem>>, %arg2: memref<1000x128xf32, #tpu.memory_space<vmem>>, %arg3: memref<1000x1xf32, #tpu.memory_space<vmem>>, %arg4: memref<1x64xf32, #tpu.memory_space<vmem>>, %arg5: memref<1000x64xf32, #tpu.memory_space<vmem>>) attributes {dimension_semantics = [#tpu.dimension_semantics<arbitrary>], iteration_bounds = array<i64: 10>, scalar_prefetch = 0 : i64, scratch_operands = 0 : i64, tpu.core_type = #tpu.core_type<tc>, window_params = [{transform_indices = @transform_0, window_bounds = array<i64: 2, 1000, 128>}, {transform_indices = @transform_1, window_bounds = array<i64: 1000, 128>}, {transform_indices = @transform_2, window_bounds = array<i64: 1000, 1>}, {pipeline_mode = #tpu.pipeline_mode<synchronous>, transform_indices = @transform_3, window_bounds = array<i64: 1, 64>}, {transform_indices = @transform_4, window_bounds = array<i64: 1000, 64>}]} {
    %get3A = arith.constant 0 : index
    %get3A_0 = arith.constant 0 : index
    %get3A_1 = arith.constant 0 : index
    %get3A_2 = vector.load %arg1[%get3A, %get3A_0, %get3A_1] : memref<2x1000x128xf32, #tpu.memory_space<vmem>>, vector<1x1000x128xf32>
    %get3A_3 = vector.shape_cast %get3A_2 : vector<1x1000x128xf32> to vector<1000x128xf32>
    %get3A_4 = arith.constant 1 : index
    %get3A_5 = arith.constant 0 : index
    %get3A_6 = arith.constant 0 : index
    %get3A_7 = vector.load %arg1[%get3A_4, %get3A_5, %get3A_6] : memref<2x1000x128xf32, #tpu.memory_space<vmem>>, vector<1x1000x128xf32>
    %get3A_8 = vector.shape_cast %get3A_7 : vector<1x1000x128xf32> to vector<1000x128xf32>
    %add3A = arith.addf %get3A_3, %get3A_8 : vector<1000x128xf32>
    %get3A_9 = arith.constant 0 : index
    %get3A_10 = arith.constant 0 : index
    %get3A_11 = vector.load %arg2[%get3A_9, %get3A_10] : memref<1000x128xf32, #tpu.memory_space<vmem>>, vector<1000x128xf32>
    %add3A_12 = arith.addf %add3A, %get3A_11 : vector<1000x128xf32>
    %get3A_13 = arith.constant 0 : index
    %get3A_14 = arith.constant 0 : index
    %get3A_15 = vector.load %arg3[%get3A_13, %get3A_14] : memref<1000x1xf32, #tpu.memory_space<vmem>>, vector<1000x1xf32>
    %mul3A = vector.broadcast %get3A_15 : vector<1000x1xf32> to vector<1000x128xf32>
    %mul3A_16 = arith.mulf %add3A_12, %mul3A : vector<1000x128xf32>
    %slice3A = vector.extract_strided_slice %mul3A_16 {offsets = [0, 0], sizes = [1000, 64], strides = [1, 1]} : vector<1000x128xf32> to vector<1000x64xf32>
    %get3A_17 = arith.constant 0 : index
    %get3A_18 = arith.constant 0 : index
    %get3A_19 = vector.load %arg4[%get3A_17, %get3A_18] : memref<1x64xf32, #tpu.memory_space<vmem>>, vector<1x64xf32>
    %add3A_20 = vector.broadcast %get3A_19 : vector<1x64xf32> to vector<1000x64xf32>
    %add3A_21 = arith.addf %slice3A, %add3A_20 : vector<1000x64xf32>
    %swap3A = arith.constant 0 : index
    %swap3A_22 = arith.constant 0 : index
    %swap3A_23 = vector.load %arg5[%swap3A, %swap3A_22] : memref<1000x64xf32, #tpu.memory_space<vmem>>, vector<1000x64xf32>
    tpu.vector_store %arg5[%swap3A, %swap3A_22], %add3A_21 {strides = array<i32>} : memref<1000x64xf32, #tpu.memory_space<vmem>>, vector<1000x64xf32>,
    return
  }
  func.func @transform_0(%arg0: i32) -> (i32, i32, i32) {
    %c0_i32 = arith.constant 0 : i32
    %c0_i32_0 = arith.constant 0 : i32
    %c0_i32_1 = arith.constant 0 : i32
    return %c0_i32, %arg0, %c0_i32_0 : i32, i32, i32
  }
  func.func @transform_1(%arg0: i32) -> (i32, i32) {
    %c0_i32 = arith.constant 0 : i32
    %c0_i32_0 = arith.constant 0 : i32
    return %arg0, %c0_i32 : i32, i32
  }
  func.func @transform_2(%arg0: i32) -> (i32, i32) {
    %c0_i32 = arith.constant 0 : i32
    %c0_i32_0 = arith.constant 0 : i32
    return %arg0, %c0_i32 : i32, i32
  }
  func.func @transform_3(%arg0: i32) -> (i32, i32) {
    %c0_i32 = arith.constant 0 : i32
    %c0_i32_0 = arith.constant 0 : i32
    %c0_i32_1 = arith.constant 0 : i32
    return %c0_i32, %c0_i32_0 : i32, i32
  }
  func.func @transform_4(%arg0: i32) -> (i32, i32) {
    %c0_i32 = arith.constant 0 : i32
    %c0_i32_0 = arith.constant 0 : i32
    return %arg0, %c0_i32 : i32, i32
  }
}

</mosaic_0001>

<sc_bundles>
// kernel: kernel.10.cloned.1.call-start
scs
__scs_entry_jumppad:
0x0: {  	(pc) =	sbr.rel $0x88, $3  }
0x1: {  	(tag) =	ssettag $0x0;
	lr =	simm.s32 $0x1  }
0x2: {  	[smem:$0x3F99] =	sst lr;
	_ =	strace $0xD0000000  }
0x3: {  	_ = 	snop  }
0x4: {  	_ = 	snop  }
0x5: {  	_ = 	snop  }
0x6: {  	_ = 	snop  }
0x7: {  	_ = 	snop  }
__scs_overlays_trampoline_lowered:
0x8: {  	[smem:$0x3FA8] =	sst s0  }
0x9: {  	[smem:$0x3FA9] =	sst s1  }
0xa: {  	[smem:$0x3FAA] =	sst s2  }
0xb: {  	[smem:$0x3FAB] =	sst s3  }
0xc: {  	[smem:$0x3FAC] =	sst s4  }
0xd: {  	[smem:$0x3FAD] =	sst s5  }
0xe: {  	[smem:$0x3FAE] =	sst s6  }
0xf: {  	[smem:$0x3FAF] =	sst s7  }
0x10: {  	[smem:$0x3FB0] =	sst s8  }
0x11: {  	[smem:$0x3FB1] =	sst s9;
	s0 =	simm.s32 @!p0 $0x0  }
0x12: {  	s1 =	sld [smem:$0x3F97];
	s0 =	simm.s32 @p0 $0x1  }
0x13: {  	[smem:$0x3FB2] =	sst s0;
	s0 =	simm.s32 @!p1 $0x0  }
0x14: {  	s2 =	sld [smem:$0x3F96];
	s0 =	simm.s32 @p1 $0x1  }
0x15: {  	[smem:$0x3FB3] =	sst s0;
	s0 =	simm.s32 @!p2 $0x0  }
0x16: {  	s3 =	sld [smem:$0x3FDB];
	s0 =	simm.s32 @p2 $0x1  }
0x17: {  	s4 =	simm.s32 $0x1BF5;
	[smem:$0x3FB5] =	sst s0  }
0x18: {  	s0 =	sld [smem:$0x3F98];
	_ =	swait.ge [sflag:s4], $0x0  }
0x19: {  	s7 =	sld [smem:$0x3F99]  }
0x1a: {  	s8 =	sadd.s32 $0xFFFFE003, lr  }
0x1b: {  	s9 =	sadd.s32 $0xFFFFFEF7, lr;
	s5 =	simm.s32 $0xFFFFFFFF;
	p2 =	slt.u32 s8, $0xFFFFF086  }
0x1c: {  	p1 =	slt.u32 s9, $0xF7A;
	s5 =	simm.s32 @!p2 $0x0  }
0x1d: {  	s5 =	simm.s32 @p1 $0x1;
	p0 =	seq.s32 s7, s2  }
0x1e: {  	s7 =	smul.u32 @!p0 $0xF7A, s2;
	p2 =	seq.s32 @!p0 s5, $0x0  }
0x1f: {  	s9 =	smul.u32 $0xF7A, s1;
	s8 =	simm.s32 @!p0 $0x1BF5;
	p2 =	por !p2, p0  }
0x20: {  	[sflag:s8] =	ssyncset.s32 @!p0 $0xFFFFF086;
	s6 =	sadd.s32 @!p0 s3, s7;
	s7 =	simm.s32 @!p0 $0x108  }
0x21: {  	s3 =	sadd.s32 s3, s9;
	s6 =	sadd.s32 @!p0 $0x88, s6;
	s7 =	simm.s32 @p2 $0x1082  }
0x22: {  	[simem:s7], [sflag:s8] =	dma.local @!p0 [hbm:s6], $0xF7A  }
0x23: {  	s9 =	sor.u32 $0xD0000000, s2;
	s6 =	simm.s32 $0x108;
	_ =	swait.ge @!p0 [sflag:s8], $0x0  }
0x24: {  	s3 =	sadd.s32 $0x88, s3;
	s6 =	simm.s32 @!p1 $0x1082;
	[sflag:s4] =	ssyncset.s32 $0xFFFFF086  }
0x25: {  	[simem:s6], [sflag:s4] =	dma.local [hbm:s3], $0xF7A  }
0x26: {  	[smem:$0x3F99] =	sst s1;
	(tag) =	ssettag s2;
	_ =	strace s9  }
0x27: {  	s1 =	sld [smem:$0x3FA9]  }
0x28: {  	s2 =	sld [smem:$0x3FAA]  }
0x29: {  	s4 =	sld [smem:$0x3FAC]  }
0x2a: {  	p0 =	seq.s32 s5, $0x0;
	s5 =	sld [smem:$0x3FAD]  }
0x2b: {  	s6 =	sld [smem:$0x3FAE]  }
0x2c: {  	s7 =	sld [smem:$0x3FAF]  }
0x2d: {  	s3 =	simm.s32 $0x108;
	s8 =	sld [smem:$0x3FB0]  }
0x2e: {  	s3 =	simm.s32 @!p0 $0x1082;
	s9 =	sld [smem:$0x3FB1]  }
0x2f: {  	lr =	sadd.s32 s0, s3;
	s0 =	sld [smem:$0x3FA8]  }
0x30: {  	s3 =	sld [smem:$0x3FAB]  }
0x31: {  	[smem:$0x3FB4] =	sst s10  }
0x32: {  	s10 =	sld [smem:$0x3FB2];
	_ =	sdelay $0x3  }
0x33: {  	p0 =	seq.s32 s10, $0x1;
	s10 =	sld [smem:$0x3FB4];
	_ =	sdelay $0x3  }
0x34: {  	[smem:$0x3FB4] =	sst s10  }
0x35: {  	s10 =	sld [smem:$0x3FB3];
	_ =	sdelay $0x3  }
0x36: {  	p1 =	seq.s32 s10, $0x1;
	s10 =	sld [smem:$0x3FB4];
	_ =	sdelay $0x3  }
0x37: {  	[smem:$0x3FB4] =	sst s10  }
0x38: {  	s10 =	sld [smem:$0x3FB5]  }
0x39: {  	_ = 	snop;
	(pc) =	sbr.ind lr, $3  }
0x3a: {  	_ = 	snop  }
0x3b: {  	_ = 	snop  }
0x3c: {  	p2 =	seq.s32 s10, $0x1;
	s10 =	sld [smem:$0x3FB4]  }
0x3d: {  	_ =	shalt  }
0x3e: {  	_ =	shalt  }
0x3f: {  	_ =	shalt  }
0x40: {  	_ =	shalt  }
0x41: {  	_ =	shalt  }
0x42: {  	_ =	shalt  }
0x43: {  	_ =	shalt  }
0x44: {  	_ =	shalt  }
0x45: {  	_ =	shalt  }
0x46: {  	_ =	shalt  }
0x47: {  	_ =	shalt  }
0x48: {  	_ =	shalt  }
0x49: {  	_ =	shalt  }
0x4a: {  	_ =	shalt  }
0x4b: {  	_ =	shalt  }
0x4c: {  	_ =	shalt  }
0x4d: {  	_ =	shalt  }
0x4e: {  	_ =	shalt  }
0x4f: {  	_ =	shalt  }
0x50: {  	_ =	shalt  }
0x51: {  	_ =	shalt  }
0x52: {  	_ =	shalt  }
0x53: {  	_ =	shalt  }
0x54: {  	_ =	shalt  }
0x55: {  	_ =	shalt  }
0x56: {  	_ =	shalt  }
0x57: {  	_ =	shalt  }
0x58: {  	_ =	shalt  }
0x59: {  	_ =	shalt  }
0x5a: {  	_ =	shalt  }
0x5b: {  	_ =	shalt  }
0x5c: {  	_ =	shalt  }
0x5d: {  	_ =	shalt  }
0x5e: {  	_ =	shalt  }
0x5f: {  	_ =	shalt  }
0x60: {  	_ =	shalt  }
0x61: {  	_ =	shalt  }
0x62: {  	_ =	shalt  }
0x63: {  	_ =	shalt  }
0x64: {  	_ =	shalt  }
0x65: {  	_ =	shalt  }
0x66: {  	_ =	shalt  }
0x67: {  	_ =	shalt  }
0x68: {  	_ =	shalt  }
0x69: {  	_ =	shalt  }
0x6a: {  	_ =	shalt  }
0x6b: {  	_ =	shalt  }
0x6c: {  	_ =	shalt  }
0x6d: {  	_ =	shalt  }
0x6e: {  	_ =	shalt  }
0x6f: {  	_ =	shalt  }
0x70: {  	_ =	shalt  }
0x71: {  	_ =	shalt  }
0x72: {  	_ =	shalt  }
0x73: {  	_ =	shalt  }
0x74: {  	_ =	shalt  }
0x75: {  	_ =	shalt  }
0x76: {  	_ =	shalt  }
0x77: {  	_ =	shalt  }
0x78: {  	_ =	shalt  }
0x79: {  	_ =	shalt  }
0x7a: {  	_ =	shalt  }
0x7b: {  	_ =	shalt  }
0x7c: {  	_ =	shalt  }
0x7d: {  	_ =	shalt  }
0x7e: {  	_ =	shalt  }
0x7f: {  	_ =	shalt  }
0x80: {  	_ =	shalt  }
0x81: {  	_ =	shalt  }
0x82: {  	_ =	shalt  }
0x83: {  	_ =	shalt  }
0x84: {  	_ =	shalt  }
0x85: {  	_ =	shalt  }
0x86: {  	_ =	shalt  }
0x87: {  	_ =	shalt  }
.Lfunc_end0:
.L_simem_size_0:
called_computation_lowered:
.L_overlay_start_0:
0x88: {  	s2 =	sld [smem:$0x3FD9]  }
0x89: {  	s3 =	sld [smem:$0x3FFE];
	_ =	sdelay $0x1  }
0x8a: {  	s1 =	srdreg.scid  }
0x8b: {  	s0 =	sand.u32 $0x1, s1  }
0x8c: {  	s17 =	sshll.u32 s0, $0xA;
	s2 =	sadd.s32 s3, s2  }
0x8d: {  	s2 =	sadd.s32 s2, s17  }
0x8e: {  	[smem:$0x3FC0] =	sst s2  }
0x8f: {  	_ = 	snop  }
0x90: {  	s2 =	sld [smem:$0x3FD0];
	(tm) =	ssettm $0x1  }
0x91: {  	s18 =	sld [smem:$0x3FFB];
	_ =	sdelay $0x3  }
0x92: {  	_ =	strace s18  }
0x93: {  	s3 =	sld [smem:$0x3FFC];
	_ =	sdelay $0x3  }
0x94: {  	_ =	strace s3  }
0x95: {  	s3 =	sld [smem:$0x3FFD];
	_ =	sdelay $0x3  }
0x96: {  	_ =	strace s3  }
0x97: {  	_ =	strace $0x8FFFFFFF  }
0x98: {  	s19 =	sld [smem:$0x3FDB];
	_ =	sdelay $0x1  }
0x99: {  	s4 =	simm.s32 $_scs_section_size  }
0x9a: {  	s5 =	simm.s32 $_size__tile_overlayer_lowered;
	s6 =	simm.s32 $_tile_overlayer_lowered  }
0x9b: {  	s22 =	simm.s32 $0x1BFF;
	s21 =	sshll.u32 s6, $0x1;
	s3 =	sadd.s32 s4, s19  }
0x9c: {  	s7 =	simm.s32 $0x0;
	s20 =	sshll.u32 s5, $0x1;
	s5 =	sadd.s32 s21, s3  }
0x9d: {  	[timem:s7], [sflag:s22] =	dma.local [hbm:s5], s20  }
0x9e: {  	_ =	swait.ge [sflag:s22], s20  }
0x9f: {  	s4 =	ssub.s32 $0x0, s20;
	[sflag:s22] =	ssyncset.done $0x0  }
0xa0: {  	[sflag:s22] =	ssyncadd.s32 s4;
	_ =	sdelay $0x1  }
0xa1: {  	s23 =	simm.s32 $0x1B8B  }
0xa2: {  	_ =	swait.ge [sflag:s23], $0x1  }
0xa3: {  	[sflag:s23] =	ssyncset.done $0x0  }
0xa4: {  	s25 =	simm.s32 $0x1B8E;
	s24 =	sld [smem:$0x3FFE];
	[sflag:s23] =	ssyncadd.s32 $0xFFFFFFFF  }
0xa5: {  	s26 =	simm.s32 $execute0_lowered;
	[smem:$0x3FD2] =	sst s25  }
0xa6: {  	s5 =	sshll.u32 s26, $0x1;
	_ =	strace $0x80000046;
	[dreg:$0x1] =	wrdreg $0xFFFFFFFF  }
0xa7: {  	s28 =	simm.s32 $_size_execute0_lowered;
	s3 =	sadd.s32 s3, s5;
	[dreg:$0x0] =	wrdreg $0x0  }
0xa8: {  	s5 =	sshll.u32 s28, $0x1;
	[dreg:$0x2] =	wrdreg s3  }
0xa9: {  	[dreg:$0x3] =	wrdreg s5  }
0xaa: {  	[dreg:$0x4] =	wrdreg $0xC0  }
0xab: {  	_ =	task [dreg:s7], $0x5FFFF  }
0xac: {  	[dreg:$0x1] =	wrdreg $0xFFFFFFFF  }
0xad: {  	[dreg:$0x0] =	wrdreg $0x60  }
0xae: {  	[dreg:$0x2] =	wrdreg s24  }
0xaf: {  	[dreg:$0x3] =	wrdreg s2  }
0xb0: {  	[dreg:$0x4] =	wrdreg $0x30000  }
0xb1: {  	[dreg:$0x5] =	wrdreg $0x9  }
0xb2: {  	_ =	task.clear_ibuf [dreg:s7], $0x6FFFF;
	_ =	strace $0x90000046  }
0xb3: {  	s29 =	simm.s32 $0x9;
	_ =	strace $0x80000048  }
0xb4: {  	_ =	swait.ge [sflag:s29], $0x1  }
0xb5: {  	[sflag:s29] =	ssyncadd.s32 $0xFFFFFFFF  }
0xb6: {  	_ =	strace $0x90000048  }
0xb7: {  	_ =	sfence  }
0xb8: {  	s30 =	sld [smem:$0x0];
	_ =	sdelay $0x2  }
0xb9: {  	s31 =	sshll.u32 s1, $0xD;
	s1 =	sshrl.u32 s1, $0x2  }
0xba: {  	s3 =	sand.u32 $0x4000, s31;
	s1 =	sadd.s32 s1, s30  }
0xbb: {  	s0 =	sor.u32 s3, s0;
	s1 =	sshll.u32 s1, $0x11  }
0xbc: {  	s0 =	sor.u32 s1, s0  }
0xbd: {  	s0 =	sadd.s32 $0x8F2B, s0  }
0xbe: {  	[sflag:s0] =	ssyncadd.remote.s32 $0x1  }
0xbf: {  	_ =	sfence.sel $0xFFFF  }
0xc0: {  	[dreg:$0x0] =	wrdreg $0xFFFFFFFF;
	(pc) =	sbr.abs _section_cstart, $3  }
0xc1: {  	[dreg:$0x1] =	wrdreg $0xFFFFFFFF  }
0xc2: {  	_ =	task.clear_ibuf [dreg:s7], $0x2FFFF;
	_ =	strace $0x9FFFFFFF  }
0xc3: {  	(tm) =	ssettm $0x7FFFFFFF  }
tec
execute0_lowered:
.L_overlay_start_1:
0x0: {  	(tag) =	ssettag $0x1  }
0x1: {  	s0 =	rddreg [dreg:$0x0]  }
0x2: {  	s10 =	rddreg [dreg:$0x1]  }
0x3: {  	s1 =	rddreg [dreg:$0x2];
	s2 =	simm.s32 $0x0  }
0x4: {  	s13 =	stileid.u32;
	s3 =	srdreg.scid;
	s20 =	simm.s32 $0x50  }
0x5: {  	s21 =	simm.s32 $0x1;
	s22 =	simm.s32 $0x2;
	s23 =	simm.s32 $0x3  }
0x6: {  	s24 =	simm.s32 $0x4;
	s25 =	simm.s32 $0x5;
	s29 =	simm.s32 $0x0  }
0x7: {  	[smem:$0x7FF] =	sst s2;
	s11 =	smul.u32 $0x13800, s13;
	s7 =	sand.u32 $0x1, s3  }
0x8: {  	s5 =	smul.u32 $0x4E000, s13;
	s3 =	sadd.s32 $0x3200, s0;
	s12 =	sadd.s32 $0x2AA00, s0  }
0x9: {  	s17 =	sshll.u32 s13, $0xB;
	s19 =	sadd.s32 $0x138000, s1;
	p0 =	sne.s32 s13, $0x0  }
0xa: {  	_ =	strace $0x80000047;
	s6 =	ssub.s32 $0x2, s7;
	s16 =	sshll.u32 s7, $0xF  }
0xb: {  	s18 =	smul.u32 $0x138800, s7;
	s7 =	sadd.s32 $0x2A800, s0;
	s4 =	sshrl.u32 s11, $0x3  }
0xc: {  	s8 =	sshrl.u32 s6, $0x1;
	s5 =	sshrl.u32 s5, $0x2;
	s26 =	sor.u32 s17, s16  }
0xd: {  	s16 =	sadd.s32 s16, s10;
	s4 =	sadd.s32 s4, s0;
	s14 =	ssub.s32 s6, s8  }
0xe: {  	s15 =	sadd.s32 s5, s1;
	s5 =	sshll.u32 s13, $0x6;
	s8 =	sadd.s32 s10, s26  }
0xf: {  	s28 =	sadd.s32 s11, s18;
	s30 =	sshrl.u32 s18, $0x3;
	s31 =	sadd.s32 s17, s16  }
0x10: {  	s16 =	simm.s32 $0x7;
	s17 =	simm.s32 $0x400;
	s18 =	simm.s32 $0x800  }
0x11: {  	s4 =	sadd.s32 $0x3800, s4;
	s6 =	sor.u32 $0x1C06, s5;
	s9 =	sadd.s32 $0x80, s8  }
0x12: {  	s0 =	sshrl.u32 s28, $0x3;
	s11 =	sadd.s32 s12, s30;
	s26 =	sadd.s32 $0x100, s31  }
0x13: {  	s10 =	sadd.s32 s12, s0;
	s11 =	sadd.s32 $0x27000, s11;
	s12 =	smax.u32 s14, $0x1  }
0x14: {  	s14 =	sshrl.u32 s15, $0x3;
	s15 =	sshrl.u32 @!p0 s19, $0x3;
	s19 =	simm.s32 $0x6  }
.LBB2_1:
0x15: {  	[spmem:s14], [sflag:s6] =	dma.local [hbm:s4], $0x2700  }
0x16: {  	[spmem:s15], [sflag:s6] =	dma.local @!p0 [hbm:s7], $0x200  }
0x17: {  	[tilespmem:s2], [sflag:$0x7] =	stream.linear.gather [hbm4b:s8+s2], $0x400, $0x38;
	[tilespmem:$0x16900] =	vst v63  }
0x18: {  	_ =	swait.ge [sflag:s16], $0x400  }
0x19: {  	[sflag:s16] =	ssyncset.done $0x0  }
0x1a: {  	[sflag:s16] =	ssyncadd.s32 $0xFFFFFC00  }
0x1b: {  	[tilespmem:s17], [sflag:$0x5] =	stream.linear.gather [hbm4b:s9+s2], $0x400, $0x38;
	[tilespmem:$0x16900] =	vst v63  }
0x1c: {  	_ = 	snop  }
0x1d: {  	[tilespmem:s18], [sflag:$0x7] =	stream.linear.gather [hbm4b:s3+s2], $0x2800, $0x38;
	[tilespmem:$0x16900] =	vst v63  }
0x1e: {  	_ =	swait.ge [sflag:s16], $0x2800  }
0x1f: {  	[sflag:s16] =	ssyncset.done $0x0  }
0x20: {  	[sflag:s16] =	ssyncadd.s32 $0xFFFFD800  }
0x21: {  	_ =	swait.ge [sflag:s19], $0x2700  }
0x22: {  	[sflag:s19] =	ssyncset.done $0x0  }
0x23: {  	s0 =	simm.s32 @!p0 $0x6;
	[sflag:s19] =	ssyncadd.s32 $0xFFFFD900  }
0x24: {  	_ =	swait.ge @!p0 [sflag:s0], $0x200  }
0x25: {  	[sflag:s0] =	ssyncset.done @!p0 $0x0  }
0x26: {  	[sflag:s0] =	ssyncadd.s32 @!p0 $0xFFFFFE00  }
0x27: {  	s30 =	sand.u32 $0x400, s2;
	[bflag:$0x0] =	sbarrier.arrive $0xFFFF  }
0x28: {  	[spmem:s1] =	stream.indirect.scatter.add.f32 [tilespmem:s18], [sflag:$0x1], $0x80, s30, s20, $0xb8;
	[tilespmem:$0x16900] =	vst v63  }
0x29: {  	s28 =	sor.u32 $0x80, s30  }
0x2a: {  	[spmem:s1] =	stream.indirect.scatter.add.f32 [tilespmem:s18], [sflag:$0x2], $0x80, s28, s20, $0xb8;
	[tilespmem:$0x16900] =	vst v63  }
0x2b: {  	s13 =	sor.u32 $0x100, s30  }
0x2c: {  	[spmem:s1] =	stream.indirect.scatter.add.f32 [tilespmem:s18], [sflag:$0x3], $0x80, s13, s20, $0xb8;
	[tilespmem:$0x16900] =	vst v63  }
0x2d: {  	s28 =	sor.u32 $0x180, s30  }
0x2e: {  	[spmem:s1] =	stream.indirect.scatter.add.f32 [tilespmem:s18], [sflag:$0x4], $0x80, s28, s20, $0xb8;
	[tilespmem:$0x16900] =	vst v63  }
0x2f: {  	_ =	swait.ge [sflag:s21], $0x2800  }
0x30: {  	[sflag:s21] =	ssyncset.done $0x0  }
0x31: {  	s13 =	sor.u32 $0x200, s30;
	[sflag:s21] =	ssyncadd.s32 $0xFFFFD800  }
0x32: {  	[spmem:s1] =	stream.indirect.scatter.add.f32 [tilespmem:s18], [sflag:$0x1], $0x80, s13, s20, $0xb8;
	[tilespmem:$0x16900] =	vst v63  }
0x33: {  	_ =	swait.ge [sflag:s22], $0x2800  }
0x34: {  	[sflag:s22] =	ssyncset.done $0x0  }
0x35: {  	s28 =	sor.u32 $0x280, s30;
	[sflag:s22] =	ssyncadd.s32 $0xFFFFD800  }
0x36: {  	[spmem:s1] =	stream.indirect.scatter.add.f32 [tilespmem:s18], [sflag:$0x2], $0x80, s28, s20, $0xb8;
	[tilespmem:$0x16900] =	vst v63  }
0x37: {  	_ =	swait.ge [sflag:s23], $0x2800  }
0x38: {  	[sflag:s23] =	ssyncset.done $0x0  }
0x39: {  	s13 =	sor.u32 $0x300, s30;
	[sflag:s23] =	ssyncadd.s32 $0xFFFFD800  }
0x3a: {  	[spmem:s1] =	stream.indirect.scatter.add.f32 [tilespmem:s18], [sflag:$0x3], $0x80, s13, s20, $0xb8;
	[tilespmem:$0x16900] =	vst v63  }
0x3b: {  	_ =	swait.ge [sflag:s24], $0x2800  }
0x3c: {  	[sflag:s24] =	ssyncset.done $0x0  }
0x3d: {  	[sflag:s24] =	ssyncadd.s32 $0xFFFFD800  }
0x3e: {  	_ =	swait.ge [sflag:s25], $0x400  }
0x3f: {  	[sflag:s25] =	ssyncset.done $0x0  }
0x40: {  	s28 =	sor.u32 $0x380, s30;
	[sflag:s25] =	ssyncadd.s32 $0xFFFFFC00  }
0x41: {  	[spmem:s1] =	stream.indirect.scatter.add.f32 [tilespmem:s18], [sflag:$0x4], $0x80, s28, s20, $0xb8;
	[tilespmem:$0x16900] =	vst v63  }
0x42: {  	_ =	swait.ge [sflag:s21], $0x2800  }
0x43: {  	[sflag:s21] =	ssyncset.done $0x0  }
0x44: {  	[sflag:s21] =	ssyncadd.s32 $0xFFFFD800  }
0x45: {  	_ =	swait.ge [sflag:s22], $0x2800  }
0x46: {  	[sflag:s22] =	ssyncset.done $0x0  }
0x47: {  	[sflag:s22] =	ssyncadd.s32 $0xFFFFD800  }
0x48: {  	_ =	swait.ge [sflag:s23], $0x2800  }
0x49: {  	[sflag:s23] =	ssyncset.done $0x0  }
0x4a: {  	[sflag:s23] =	ssyncadd.s32 $0xFFFFD800  }
0x4b: {  	_ =	swait.ge [sflag:s24], $0x2800  }
0x4c: {  	s31 =	simm.s32 $0x400;
	[sflag:s24] =	ssyncset.done $0x0  }
0x4d: {  	s0 =	sadd.s32 $0x80, s26;
	s13 =	smov.u32 s26;
	[sflag:s24] =	ssyncadd.s32 $0xFFFFD800  }
.LBB2_2:
0x4e: {  	[tilespmem:s30], [sflag:$0x5] =	stream.linear.gather [hbm4b:s13+s2], $0x400, $0x38;
	[tilespmem:$0x16900] =	vst v63  }
0x4f: {  	s30 =	sand.u32 $0x400, s31;
	p1 =	sne.s32 s31, $0x3400;
	s31 =	sadd.s32 $0x400, s31  }
0x50: {  	[spmem:s1] =	stream.indirect.scatter.add.f32 [tilespmem:s18], [sflag:$0x1], $0x80, s30, s20, $0xb8;
	[tilespmem:$0x16900] =	vst v63  }
0x51: {  	s13 =	smov.u32 s0;
	s28 =	sor.u32 $0x80, s30  }
0x52: {  	[spmem:s1] =	stream.indirect.scatter.add.f32 [tilespmem:s18], [sflag:$0x2], $0x80, s28, s20, $0xb8;
	[tilespmem:$0x16900] =	vst v63  }
0x53: {  	s28 =	sor.u32 $0x100, s30  }
0x54: {  	[spmem:s1] =	stream.indirect.scatter.add.f32 [tilespmem:s18], [sflag:$0x3], $0x80, s28, s20, $0xb8;
	[tilespmem:$0x16900] =	vst v63  }
0x55: {  	s28 =	sor.u32 $0x180, s30  }
0x56: {  	[spmem:s1] =	stream.indirect.scatter.add.f32 [tilespmem:s18], [sflag:$0x4], $0x80, s28, s20, $0xb8;
	[tilespmem:$0x16900] =	vst v63  }
0x57: {  	_ =	swait.ge [sflag:s21], $0x2800  }
0x58: {  	[sflag:s21] =	ssyncset.done $0x0  }
0x59: {  	s28 =	sor.u32 $0x200, s30;
	[sflag:s21] =	ssyncadd.s32 $0xFFFFD800  }
0x5a: {  	[spmem:s1] =	stream.indirect.scatter.add.f32 [tilespmem:s18], [sflag:$0x1], $0x80, s28, s20, $0xb8;
	[tilespmem:$0x16900] =	vst v63  }
0x5b: {  	_ =	swait.ge [sflag:s22], $0x2800  }
0x5c: {  	[sflag:s22] =	ssyncset.done $0x0  }
0x5d: {  	s28 =	sor.u32 $0x280, s30;
	[sflag:s22] =	ssyncadd.s32 $0xFFFFD800  }
0x5e: {  	[spmem:s1] =	stream.indirect.scatter.add.f32 [tilespmem:s18], [sflag:$0x2], $0x80, s28, s20, $0xb8;
	[tilespmem:$0x16900] =	vst v63  }
0x5f: {  	_ =	swait.ge [sflag:s23], $0x2800  }
0x60: {  	[sflag:s23] =	ssyncset.done $0x0  }
0x61: {  	s28 =	sor.u32 $0x300, s30;
	[sflag:s23] =	ssyncadd.s32 $0xFFFFD800  }
0x62: {  	[spmem:s1] =	stream.indirect.scatter.add.f32 [tilespmem:s18], [sflag:$0x3], $0x80, s28, s20, $0xb8;
	[tilespmem:$0x16900] =	vst v63  }
0x63: {  	_ =	swait.ge [sflag:s24], $0x2800  }
0x64: {  	[sflag:s24] =	ssyncset.done $0x0  }
0x65: {  	[sflag:s24] =	ssyncadd.s32 $0xFFFFD800  }
0x66: {  	_ =	swait.ge [sflag:s25], $0x400  }
0x67: {  	[sflag:s25] =	ssyncset.done $0x0  }
0x68: {  	s28 =	sor.u32 $0x380, s30;
	[sflag:s25] =	ssyncadd.s32 $0xFFFFFC00  }
0x69: {  	[spmem:s1] =	stream.indirect.scatter.add.f32 [tilespmem:s18], [sflag:$0x4], $0x80, s28, s20, $0xb8;
	[tilespmem:$0x16900] =	vst v63  }
0x6a: {  	_ =	swait.ge [sflag:s21], $0x2800  }
0x6b: {  	[sflag:s21] =	ssyncset.done $0x0  }
0x6c: {  	[sflag:s21] =	ssyncadd.s32 $0xFFFFD800  }
0x6d: {  	_ =	swait.ge [sflag:s22], $0x2800  }
0x6e: {  	[sflag:s22] =	ssyncset.done $0x0  }
0x6f: {  	[sflag:s22] =	ssyncadd.s32 $0xFFFFD800  }
0x70: {  	_ =	swait.ge [sflag:s23], $0x2800  }
.Ltmp0:
0x71: {  	[sflag:s23] =	ssyncset.done $0x0;
	(pc) =	sbr.rel @p1 .LBB2_2-.Ltmp0, $4  }
0x72: {  	[sflag:s23] =	ssyncadd.s32 $0xFFFFD800  }
0x73: {  	_ =	swait.ge [sflag:s24], $0x2800  }
0x74: {  	[sflag:s24] =	ssyncset.done $0x0  }
0x75: {  	s0 =	sadd.s32 $0x80, s0;
	[sflag:s24] =	ssyncadd.s32 $0xFFFFD800  }
0x76: {  	[tilespmem:s30], [sflag:$0x5] =	stream.linear.gather [hbm4b:s13+s2], $0x400, $0x38;
	[tilespmem:$0x16900] =	vst v63  }
0x77: {  	_ = 	snop  }
0x78: {  	[spmem:s1] =	stream.indirect.scatter.add.f32 [tilespmem:s18], [sflag:$0x1], $0x80, s2, s20, $0xb8;
	[tilespmem:$0x16900] =	vst v63  }
0x79: {  	s0 =	simm.s32 $0x80  }
0x7a: {  	[spmem:s1] =	stream.indirect.scatter.add.f32 [tilespmem:s18], [sflag:$0x2], $0x80, s0, s20, $0xb8;
	[tilespmem:$0x16900] =	vst v63  }
0x7b: {  	s31 =	simm.s32 $0x100  }
0x7c: {  	[spmem:s1] =	stream.indirect.scatter.add.f32 [tilespmem:s18], [sflag:$0x3], $0x80, s31, s20, $0xb8;
	[tilespmem:$0x16900] =	vst v63  }
0x7d: {  	s13 =	simm.s32 $0x180  }
0x7e: {  	[spmem:s1] =	stream.indirect.scatter.add.f32 [tilespmem:s18], [sflag:$0x4], $0x80, s13, s20, $0xb8;
	[tilespmem:$0x16900] =	vst v63  }
0x7f: {  	_ =	swait.ge [sflag:s21], $0x2800  }
0x80: {  	[sflag:s21] =	ssyncset.done $0x0  }
0x81: {  	s28 =	simm.s32 $0x200;
	[sflag:s21] =	ssyncadd.s32 $0xFFFFD800  }
0x82: {  	[spmem:s1] =	stream.indirect.scatter.add.f32 [tilespmem:s18], [sflag:$0x1], $0x80, s28, s20, $0xb8;
	[tilespmem:$0x16900] =	vst v63  }
0x83: {  	_ =	swait.ge [sflag:s22], $0x2800  }
0x84: {  	[sflag:s22] =	ssyncset.done $0x0  }
0x85: {  	s30 =	simm.s32 $0x280;
	[sflag:s22] =	ssyncadd.s32 $0xFFFFD800  }
0x86: {  	[spmem:s1] =	stream.indirect.scatter.add.f32 [tilespmem:s18], [sflag:$0x2], $0x80, s30, s20, $0xb8;
	[tilespmem:$0x16900] =	vst v63  }
0x87: {  	_ =	swait.ge [sflag:s23], $0x2800  }
0x88: {  	[sflag:s23] =	ssyncset.done $0x0  }
0x89: {  	s31 =	simm.s32 $0x300;
	[sflag:s23] =	ssyncadd.s32 $0xFFFFD800  }
0x8a: {  	[spmem:s1] =	stream.indirect.scatter.add.f32 [tilespmem:s18], [sflag:$0x3], $0x80, s31, s20, $0xb8;
	[tilespmem:$0x16900] =	vst v63  }
0x8b: {  	_ =	swait.ge [sflag:s24], $0x2800  }
0x8c: {  	[sflag:s24] =	ssyncset.done $0x0  }
0x8d: {  	[sflag:s24] =	ssyncadd.s32 $0xFFFFD800  }
0x8e: {  	_ =	swait.ge [sflag:s25], $0x400  }
0x8f: {  	[sflag:s25] =	ssyncset.done $0x0  }
0x90: {  	s13 =	simm.s32 $0x380;
	[sflag:s25] =	ssyncadd.s32 $0xFFFFFC00  }
0x91: {  	[spmem:s1] =	stream.indirect.scatter.add.f32 [tilespmem:s18], [sflag:$0x4], $0x80, s13, s20, $0xb8;
	[tilespmem:$0x16900] =	vst v63  }
0x92: {  	_ =	swait.ge [sflag:s21], $0x2800  }
0x93: {  	[sflag:s21] =	ssyncset.done $0x0  }
0x94: {  	[sflag:s21] =	ssyncadd.s32 $0xFFFFD800  }
0x95: {  	_ =	swait.ge [sflag:s22], $0x2800  }
0x96: {  	[sflag:s22] =	ssyncset.done $0x0  }
0x97: {  	[sflag:s22] =	ssyncadd.s32 $0xFFFFD800  }
0x98: {  	_ =	swait.ge [sflag:s23], $0x2800  }
0x99: {  	[sflag:s23] =	ssyncset.done $0x0  }
0x9a: {  	[sflag:s23] =	ssyncadd.s32 $0xFFFFD800  }
0x9b: {  	_ =	swait.ge [sflag:s24], $0x2800  }
0x9c: {  	[sflag:s24] =	ssyncset.done $0x0  }
0x9d: {  	[sflag:s24] =	ssyncadd.s32 $0xFFFFD800  }
0x9e: {  	[spmem:s1] =	stream.indirect.scatter.add.f32 [tilespmem:s18], [sflag:$0x1], $0x80, s17, s20, $0xb8;
	[tilespmem:$0x16900] =	vst v63  }
0x9f: {  	s28 =	simm.s32 $0x480  }
0xa0: {  	[spmem:s1] =	stream.indirect.scatter.add.f32 [tilespmem:s18], [sflag:$0x2], $0x80, s28, s20, $0xb8;
	[tilespmem:$0x16900] =	vst v63  }
0xa1: {  	s30 =	simm.s32 $0x500  }
0xa2: {  	[spmem:s1] =	stream.indirect.scatter.add.f32 [tilespmem:s18], [sflag:$0x3], $0x80, s30, s20, $0xb8;
	[tilespmem:$0x16900] =	vst v63  }
0xa3: {  	s31 =	simm.s32 $0x580  }
0xa4: {  	[spmem:s1] =	stream.indirect.scatter.add.f32 [tilespmem:s18], [sflag:$0x4], $0x80, s31, s20, $0xb8;
	[tilespmem:$0x16900] =	vst v63  }
0xa5: {  	_ =	swait.ge [sflag:s21], $0x2800  }
0xa6: {  	[sflag:s21] =	ssyncset.done $0x0  }
0xa7: {  	s13 =	simm.s32 $0x600;
	[sflag:s21] =	ssyncadd.s32 $0xFFFFD800  }
0xa8: {  	[spmem:s1] =	stream.indirect.scatter.add.f32 [tilespmem:s18], [sflag:$0x1], $0x80, s13, s20, $0xb8;
	[tilespmem:$0x16900] =	vst v63  }
0xa9: {  	_ =	swait.ge [sflag:s22], $0x2800  }
0xaa: {  	[sflag:s22] =	ssyncset.done $0x0  }
0xab: {  	s28 =	simm.s32 $0x680;
	[sflag:s22] =	ssyncadd.s32 $0xFFFFD800  }
0xac: {  	[spmem:s1] =	stream.indirect.scatter.add.f32 [tilespmem:s18], [sflag:$0x2], $0x80, s28, s20, $0xb8;
	[tilespmem:$0x16900] =	vst v63  }
0xad: {  	_ =	swait.ge [sflag:s23], $0x2800  }
0xae: {  	[sflag:s23] =	ssyncset.done $0x0  }
0xaf: {  	s30 =	simm.s32 $0x700;
	[sflag:s23] =	ssyncadd.s32 $0xFFFFD800  }
0xb0: {  	[spmem:s1] =	stream.indirect.scatter.add.f32 [tilespmem:s18], [sflag:$0x3], $0x80, s30, s20, $0xb8;
	[tilespmem:$0x16900] =	vst v63  }
0xb1: {  	_ =	swait.ge [sflag:s24], $0x2800  }
0xb2: {  	[sflag:s24] =	ssyncset.done $0x0  }
0xb3: {  	s31 =	simm.s32 $0x780;
	[sflag:s24] =	ssyncadd.s32 $0xFFFFD800  }
0xb4: {  	[spmem:s1] =	stream.indirect.scatter.add.f32 [tilespmem:s18], [sflag:$0x4], $0x80, s31, s20, $0xb8;
	[tilespmem:$0x16900] =	vst v63  }
0xb5: {  	_ =	swait.ge [sflag:s21], $0x2800  }
0xb6: {  	[sflag:s21] =	ssyncset.done $0x0  }
0xb7: {  	[sflag:s21] =	ssyncadd.s32 $0xFFFFD800  }
0xb8: {  	_ =	swait.ge [sflag:s22], $0x2800  }
0xb9: {  	[sflag:s22] =	ssyncset.done $0x0  }
0xba: {  	[sflag:s22] =	ssyncadd.s32 $0xFFFFD800  }
0xbb: {  	_ =	swait.ge [sflag:s23], $0x2800  }
0xbc: {  	[sflag:s23] =	ssyncset.done $0x0  }
0xbd: {  	[sflag:s23] =	ssyncadd.s32 $0xFFFFD800  }
0xbe: {  	_ =	swait.ge [sflag:s24], $0x2800  }
0xbf: {  	[sflag:s24] =	ssyncset.done $0x0  }
0xc0: {  	[sflag:s24] =	ssyncadd.s32 $0xFFFFD800  }
0xc1: {  	s0 =	sor.u32 $0x1C07, s5;
	[bflag:$0x0] =	sbarrier.arrive $0xFFFF  }
0xc2: {  	[hbm:s10], [sflag:s0] =	dma.local [spmem:s14], $0x2700  }
0xc3: {  	_ =	swait.ge [sflag:s16], $0x2700  }
0xc4: {  	s29 =	sadd.s32 $0x1, s29;
	[sflag:s16] =	ssyncset.done $0x0  }
0xc5: {  	p1 =	sne.s32 s29, s12;
	[sflag:s16] =	ssyncadd.s32 $0xFFFFD900  }
0xc6: {  	[hbm:s11], [sflag:s0] =	dma.local @!p0 [spmem:s15], $0x100  }
.Ltmp1:
0xc7: {  	_ = 	snop;
	(pc) =	sbr.rel @p1 .LBB2_1-.Ltmp1, $4  }
0xc8: {  	s0 =	simm.s32 @!p0 $0x7  }
0xc9: {  	_ =	swait.ge @!p0 [sflag:s0], $0x100  }
0xca: {  	[sflag:s0] =	ssyncset.done @!p0 $0x0  }
0xcb: {  	[sflag:s0] =	ssyncadd.s32 @!p0 $0xFFFFFF00  }
0xcc: {  	_ =	sfence.sel $0x180000  }
0xcd: {  	[bflag:$0x0] =	sbarrier.arrive $0xFFFF  }
0xce: {  	_ =	strace $0x90000047  }
0xcf: {  	[bflag:$0x2] =	sbarrier.arrive $0xFFFF  }
0xd0: {  	s0 =	rddreg [dreg:$0x3]  }
0xd1: {  	s0 =	sadd.s32 @!p0 $0x100000, s0  }
0xd2: {  	[sflag:s0] =	ssyncadd.tile.s32 @!p0 $0x1;
	_ =	shalt  }
.Lfunc_end2:
_tile_overlayer_lowered:
.L_overlay_start_2:
0xd3: {  	(tag) =	ssettag $0x2  }
0xd4: {  	s0 =	rddreg [dreg:$0x0];
	s2 =	stileid.u32  }
0xd5: {  	s1 =	rddreg [dreg:$0x1];
	p0 =	sne.s32 s2, $0x0  }
0xd6: {  	s3 =	rddreg [dreg:$0x2];
	[bflag:$0x3] =	sbarrier.arrive $0xFFFF;
	s2 =	simm.s32 @!p0 $0x1C07  }
0xd7: {  	[timem:s3], [sflag:s2] =	dma.local @!p0 [hbm:s0], s1  }
0xd8: {  	s0 =	simm.s32 @!p0 $0x7  }
0xd9: {  	_ =	swait.ge @!p0 [sflag:s0], s1  }
0xda: {  	s1 =	ssub.s32 @!p0 $0x0, s1;
	[sflag:s0] =	ssyncset.done @!p0 $0x0  }
0xdb: {  	[sflag:s0] =	ssyncadd.s32 @!p0 s1  }
0xdc: {  	[bflag:$0x3] =	sbarrier.arrive $0xFFFF  }
0xdd: {  	_ =	shalt  }

// kernel: kernel.13.cloned.1.call-start
scs
__scs_entry_jumppad:
0x0: {  	(pc) =	sbr.rel $0x88, $3  }
0x1: {  	(tag) =	ssettag $0x0;
	lr =	simm.s32 $0x1  }
0x2: {  	[smem:$0x3F99] =	sst lr;
	_ =	strace $0xD0000000  }
0x3: {  	_ = 	snop  }
0x4: {  	_ = 	snop  }
0x5: {  	_ = 	snop  }
0x6: {  	_ = 	snop  }
0x7: {  	_ = 	snop  }
__scs_overlays_trampoline_lowered:
0x8: {  	[smem:$0x3FA8] =	sst s0  }
0x9: {  	[smem:$0x3FA9] =	sst s1  }
0xa: {  	[smem:$0x3FAA] =	sst s2  }
0xb: {  	[smem:$0x3FAB] =	sst s3  }
0xc: {  	[smem:$0x3FAC] =	sst s4  }
0xd: {  	[smem:$0x3FAD] =	sst s5  }
0xe: {  	[smem:$0x3FAE] =	sst s6  }
0xf: {  	[smem:$0x3FAF] =	sst s7  }
0x10: {  	[smem:$0x3FB0] =	sst s8  }
0x11: {  	[smem:$0x3FB1] =	sst s9;
	s0 =	simm.s32 @!p0 $0x0  }
0x12: {  	s1 =	sld [smem:$0x3F97];
	s0 =	simm.s32 @p0 $0x1  }
0x13: {  	[smem:$0x3FB2] =	sst s0;
	s0 =	simm.s32 @!p1 $0x0  }
0x14: {  	s2 =	sld [smem:$0x3F96];
	s0 =	simm.s32 @p1 $0x1  }
0x15: {  	[smem:$0x3FB3] =	sst s0;
	s0 =	simm.s32 @!p2 $0x0  }
0x16: {  	s3 =	sld [smem:$0x3FDB];
	s0 =	simm.s32 @p2 $0x1  }
0x17: {  	s4 =	simm.s32 $0x1BF5;
	[smem:$0x3FB5] =	sst s0  }
0x18: {  	s0 =	sld [smem:$0x3F98];
	_ =	swait.ge [sflag:s4], $0x0  }
0x19: {  	s7 =	sld [smem:$0x3F99]  }
0x1a: {  	s8 =	sadd.s32 $0xFFFFE003, lr  }
0x1b: {  	s9 =	sadd.s32 $0xFFFFFEF7, lr;
	s5 =	simm.s32 $0xFFFFFFFF;
	p2 =	slt.u32 s8, $0xFFFFF086  }
0x1c: {  	p1 =	slt.u32 s9, $0xF7A;
	s5 =	simm.s32 @!p2 $0x0  }
0x1d: {  	s5 =	simm.s32 @p1 $0x1;
	p0 =	seq.s32 s7, s2  }
0x1e: {  	s7 =	smul.u32 @!p0 $0xF7A, s2;
	p2 =	seq.s32 @!p0 s5, $0x0  }
0x1f: {  	s9 =	smul.u32 $0xF7A, s1;
	s8 =	simm.s32 @!p0 $0x1BF5;
	p2 =	por !p2, p0  }
0x20: {  	[sflag:s8] =	ssyncset.s32 @!p0 $0xFFFFF086;
	s6 =	sadd.s32 @!p0 s3, s7;
	s7 =	simm.s32 @!p0 $0x108  }
0x21: {  	s3 =	sadd.s32 s3, s9;
	s6 =	sadd.s32 @!p0 $0x88, s6;
	s7 =	simm.s32 @p2 $0x1082  }
0x22: {  	[simem:s7], [sflag:s8] =	dma.local @!p0 [hbm:s6], $0xF7A  }
0x23: {  	s9 =	sor.u32 $0xD0000000, s2;
	s6 =	simm.s32 $0x108;
	_ =	swait.ge @!p0 [sflag:s8], $0x0  }
0x24: {  	s3 =	sadd.s32 $0x88, s3;
	s6 =	simm.s32 @!p1 $0x1082;
	[sflag:s4] =	ssyncset.s32 $0xFFFFF086  }
0x25: {  	[simem:s6], [sflag:s4] =	dma.local [hbm:s3], $0xF7A  }
0x26: {  	[smem:$0x3F99] =	sst s1;
	(tag) =	ssettag s2;
	_ =	strace s9  }
0x27: {  	s1 =	sld [smem:$0x3FA9]  }
0x28: {  	s2 =	sld [smem:$0x3FAA]  }
0x29: {  	s4 =	sld [smem:$0x3FAC]  }
0x2a: {  	p0 =	seq.s32 s5, $0x0;
	s5 =	sld [smem:$0x3FAD]  }
0x2b: {  	s6 =	sld [smem:$0x3FAE]  }
0x2c: {  	s7 =	sld [smem:$0x3FAF]  }
0x2d: {  	s3 =	simm.s32 $0x108;
	s8 =	sld [smem:$0x3FB0]  }
0x2e: {  	s3 =	simm.s32 @!p0 $0x1082;
	s9 =	sld [smem:$0x3FB1]  }
0x2f: {  	lr =	sadd.s32 s0, s3;
	s0 =	sld [smem:$0x3FA8]  }
0x30: {  	s3 =	sld [smem:$0x3FAB]  }
0x31: {  	[smem:$0x3FB4] =	sst s10  }
0x32: {  	s10 =	sld [smem:$0x3FB2];
	_ =	sdelay $0x3  }
0x33: {  	p0 =	seq.s32 s10, $0x1;
	s10 =	sld [smem:$0x3FB4];
	_ =	sdelay $0x3  }
0x34: {  	[smem:$0x3FB4] =	sst s10  }
0x35: {  	s10 =	sld [smem:$0x3FB3];
	_ =	sdelay $0x3  }
0x36: {  	p1 =	seq.s32 s10, $0x1;
	s10 =	sld [smem:$0x3FB4];
	_ =	sdelay $0x3  }
0x37: {  	[smem:$0x3FB4] =	sst s10  }
0x38: {  	s10 =	sld [smem:$0x3FB5]  }
0x39: {  	_ = 	snop;
	(pc) =	sbr.ind lr, $3  }
0x3a: {  	_ = 	snop  }
0x3b: {  	_ = 	snop  }
0x3c: {  	p2 =	seq.s32 s10, $0x1;
	s10 =	sld [smem:$0x3FB4]  }
0x3d: {  	_ =	shalt  }
0x3e: {  	_ =	shalt  }
0x3f: {  	_ =	shalt  }
0x40: {  	_ =	shalt  }
0x41: {  	_ =	shalt  }
0x42: {  	_ =	shalt  }
0x43: {  	_ =	shalt  }
0x44: {  	_ =	shalt  }
0x45: {  	_ =	shalt  }
0x46: {  	_ =	shalt  }
0x47: {  	_ =	shalt  }
0x48: {  	_ =	shalt  }
0x49: {  	_ =	shalt  }
0x4a: {  	_ =	shalt  }
0x4b: {  	_ =	shalt  }
0x4c: {  	_ =	shalt  }
0x4d: {  	_ =	shalt  }
0x4e: {  	_ =	shalt  }
0x4f: {  	_ =	shalt  }
0x50: {  	_ =	shalt  }
0x51: {  	_ =	shalt  }
0x52: {  	_ =	shalt  }
0x53: {  	_ =	shalt  }
0x54: {  	_ =	shalt  }
0x55: {  	_ =	shalt  }
0x56: {  	_ =	shalt  }
0x57: {  	_ =	shalt  }
0x58: {  	_ =	shalt  }
0x59: {  	_ =	shalt  }
0x5a: {  	_ =	shalt  }
0x5b: {  	_ =	shalt  }
0x5c: {  	_ =	shalt  }
0x5d: {  	_ =	shalt  }
0x5e: {  	_ =	shalt  }
0x5f: {  	_ =	shalt  }
0x60: {  	_ =	shalt  }
0x61: {  	_ =	shalt  }
0x62: {  	_ =	shalt  }
0x63: {  	_ =	shalt  }
0x64: {  	_ =	shalt  }
0x65: {  	_ =	shalt  }
0x66: {  	_ =	shalt  }
0x67: {  	_ =	shalt  }
0x68: {  	_ =	shalt  }
0x69: {  	_ =	shalt  }
0x6a: {  	_ =	shalt  }
0x6b: {  	_ =	shalt  }
0x6c: {  	_ =	shalt  }
0x6d: {  	_ =	shalt  }
0x6e: {  	_ =	shalt  }
0x6f: {  	_ =	shalt  }
0x70: {  	_ =	shalt  }
0x71: {  	_ =	shalt  }
0x72: {  	_ =	shalt  }
0x73: {  	_ =	shalt  }
0x74: {  	_ =	shalt  }
0x75: {  	_ =	shalt  }
0x76: {  	_ =	shalt  }
0x77: {  	_ =	shalt  }
0x78: {  	_ =	shalt  }
0x79: {  	_ =	shalt  }
0x7a: {  	_ =	shalt  }
0x7b: {  	_ =	shalt  }
0x7c: {  	_ =	shalt  }
0x7d: {  	_ =	shalt  }
0x7e: {  	_ =	shalt  }
0x7f: {  	_ =	shalt  }
0x80: {  	_ =	shalt  }
0x81: {  	_ =	shalt  }
0x82: {  	_ =	shalt  }
0x83: {  	_ =	shalt  }
0x84: {  	_ =	shalt  }
0x85: {  	_ =	shalt  }
0x86: {  	_ =	shalt  }
0x87: {  	_ =	shalt  }
.Lfunc_end0:
.L_simem_size_0:
called_computation.1_lowered:
.L_overlay_start_0:
0x88: {  	s2 =	sld [smem:$0x3FD9]  }
0x89: {  	s3 =	sld [smem:$0x3FFE];
	_ =	sdelay $0x1  }
0x8a: {  	s1 =	srdreg.scid  }
0x8b: {  	s0 =	sand.u32 $0x1, s1  }
0x8c: {  	s17 =	sshll.u32 s0, $0xA;
	s2 =	sadd.s32 s3, s2  }
0x8d: {  	s2 =	sadd.s32 s2, s17  }
0x8e: {  	[smem:$0x3FC0] =	sst s2  }
0x8f: {  	_ = 	snop  }
0x90: {  	s2 =	sld [smem:$0x3FD0];
	(tm) =	ssettm $0x1  }
0x91: {  	s18 =	sld [smem:$0x3FFB];
	_ =	sdelay $0x3  }
0x92: {  	_ =	strace s18  }
0x93: {  	s3 =	sld [smem:$0x3FFC];
	_ =	sdelay $0x3  }
0x94: {  	_ =	strace s3  }
0x95: {  	s3 =	sld [smem:$0x3FFD];
	_ =	sdelay $0x3  }
0x96: {  	_ =	strace s3  }
0x97: {  	_ =	strace $0x8FFFFFFF  }
0x98: {  	s19 =	sld [smem:$0x3FDB];
	_ =	sdelay $0x1  }
0x99: {  	s4 =	simm.s32 $_scs_section_size  }
0x9a: {  	s5 =	simm.s32 $_size__tile_overlayer_lowered;
	s6 =	simm.s32 $_tile_overlayer_lowered  }
0x9b: {  	s22 =	simm.s32 $0x1BFF;
	s21 =	sshll.u32 s6, $0x1;
	s3 =	sadd.s32 s4, s19  }
0x9c: {  	s7 =	simm.s32 $0x0;
	s20 =	sshll.u32 s5, $0x1;
	s5 =	sadd.s32 s21, s3  }
0x9d: {  	[timem:s7], [sflag:s22] =	dma.local [hbm:s5], s20  }
0x9e: {  	_ =	swait.ge [sflag:s22], s20  }
0x9f: {  	s4 =	ssub.s32 $0x0, s20;
	[sflag:s22] =	ssyncset.done $0x0  }
0xa0: {  	[sflag:s22] =	ssyncadd.s32 s4;
	_ =	sdelay $0x1  }
0xa1: {  	s23 =	simm.s32 $0x1B8B  }
0xa2: {  	_ =	swait.ge [sflag:s23], $0x1  }
0xa3: {  	[sflag:s23] =	ssyncset.done $0x0  }
0xa4: {  	s25 =	simm.s32 $0x1B8E;
	s24 =	sld [smem:$0x3FFE];
	[sflag:s23] =	ssyncadd.s32 $0xFFFFFFFF  }
0xa5: {  	s26 =	simm.s32 $execute0_lowered;
	[smem:$0x3FD2] =	sst s25  }
0xa6: {  	s5 =	sshll.u32 s26, $0x1;
	_ =	strace $0x80000049;
	[dreg:$0x1] =	wrdreg $0xFFFFFFFF  }
0xa7: {  	s28 =	simm.s32 $_size_execute0_lowered;
	s3 =	sadd.s32 s3, s5;
	[dreg:$0x0] =	wrdreg $0x0  }
0xa8: {  	s5 =	sshll.u32 s28, $0x1;
	[dreg:$0x2] =	wrdreg s3  }
0xa9: {  	[dreg:$0x3] =	wrdreg s5  }
0xaa: {  	[dreg:$0x4] =	wrdreg $0xC0  }
0xab: {  	_ =	task [dreg:s7], $0x5FFFF  }
0xac: {  	[dreg:$0x1] =	wrdreg $0xFFFFFFFF  }
0xad: {  	[dreg:$0x0] =	wrdreg $0x60  }
0xae: {  	[dreg:$0x2] =	wrdreg s24  }
0xaf: {  	[dreg:$0x3] =	wrdreg s2  }
0xb0: {  	[dreg:$0x4] =	wrdreg $0xA8000  }
0xb1: {  	[dreg:$0x5] =	wrdreg $0x9  }
0xb2: {  	_ =	task.clear_ibuf [dreg:s7], $0x6FFFF;
	_ =	strace $0x90000049  }
0xb3: {  	s29 =	simm.s32 $0x9;
	_ =	strace $0x8000004B  }
0xb4: {  	_ =	swait.ge [sflag:s29], $0x1  }
0xb5: {  	[sflag:s29] =	ssyncadd.s32 $0xFFFFFFFF  }
0xb6: {  	_ =	strace $0x9000004B  }
0xb7: {  	_ =	sfence  }
0xb8: {  	s30 =	sld [smem:$0x0];
	_ =	sdelay $0x2  }
0xb9: {  	s31 =	sshll.u32 s1, $0xD;
	s1 =	sshrl.u32 s1, $0x2  }
0xba: {  	s3 =	sand.u32 $0x4000, s31;
	s1 =	sadd.s32 s1, s30  }
0xbb: {  	s0 =	sor.u32 s3, s0;
	s1 =	sshll.u32 s1, $0x11  }
0xbc: {  	s0 =	sor.u32 s1, s0  }
0xbd: {  	s0 =	sadd.s32 $0x8F2B, s0  }
0xbe: {  	[sflag:s0] =	ssyncadd.remote.s32 $0x1  }
0xbf: {  	_ =	sfence.sel $0xFFFF  }
0xc0: {  	[dreg:$0x0] =	wrdreg $0xFFFFFFFF;
	(pc) =	sbr.abs _section_cstart, $3  }
0xc1: {  	[dreg:$0x1] =	wrdreg $0xFFFFFFFF  }
0xc2: {  	_ =	task.clear_ibuf [dreg:s7], $0x2FFFF;
	_ =	strace $0x9FFFFFFF  }
0xc3: {  	(tm) =	ssettm $0x7FFFFFFF  }
tec
execute0_lowered:
.L_overlay_start_1:
0x0: {  	(tag) =	ssettag $0x1  }
0x1: {  	s0 =	rddreg [dreg:$0x0]  }
0x2: {  	s1 =	rddreg [dreg:$0x1]  }
0x3: {  	s2 =	rddreg [dreg:$0x2]  }
0x4: {  	s3 =	simm.s32 $0x0;
	s6 =	stileid.u32;
	s5 =	srdreg.scid  }
0x5: {  	s28 =	simm.s32 $0x3000;
	s31 =	simm.s32 $0x1;
	s29 =	simm.s32 $0x8  }
0x6: {  	s30 =	simm.s32 $0x0;
	[smem:$0x7FF] =	sst s3;
	s7 =	smul.u32 $0x13800, s6  }
0x7: {  	s4 =	sadd.s32 $0x2AA00, s0;
	s9 =	sand.u32 $0x1, s5;
	s5 =	sadd.s32 $0x78C00, s0  }
0x8: {  	s11 =	sadd.s32 $0x88C00, s0;
	s13 =	smul.u32 $0x4E000, s6;
	s14 =	sshll.u32 s6, $0xB  }
0x9: {  	s17 =	sshll.u32 s6, $0x6;
	p0 =	sne.s32 s6, $0x0;
	_ =	strace $0x8000004A  }
0xa: {  	s10 =	ssub.s32 $0x2, s9;
	s16 =	sshll.u32 s9, $0xF;
	[dreg:$0x5] =	wrdreg s17  }
0xb: {  	s18 =	sor.u32 $0x1C0A, s17;
	s19 =	smul.u32 $0x138800, s9;
	s8 =	sshrl.u32 s7, $0x3  }
0xc: {  	s12 =	sshrl.u32 s10, $0x1;
	s13 =	sshrl.u32 s13, $0x2;
	[dreg:$0x7] =	wrdreg s18  }
0xd: {  	s18 =	sadd.s32 $0x138000, s2;
	s8 =	sadd.s32 s8, s0;
	s10 =	ssub.s32 s10, s12  }
0xe: {  	s12 =	sor.u32 s14, s16;
	s13 =	sadd.s32 s13, s2;
	s0 =	sadd.s32 $0x2A800, s0  }
0xf: {  	s7 =	sadd.s32 s7, s19;
	s9 =	sshrl.u32 @!p0 s18, $0x3;
	[dreg:$0x8] =	wrdreg s0  }
0x10: {  	s8 =	sadd.s32 $0x3800, s8;
	s20 =	sadd.s32 s5, s12;
	[dreg:$0x11] =	wrdreg s9  }
0x11: {  	s21 =	sadd.s32 s1, s12;
	s22 =	sor.u32 $0x40, s12;
	[dreg:$0x6] =	wrdreg s8  }
0x12: {  	s0 =	sshrl.u32 s19, $0x3;
	s7 =	sshrl.u32 s7, $0x3;
	[dreg:$0x9] =	wrdreg s20  }
0x13: {  	s25 =	sor.u32 $0x80, s12;
	s26 =	smax.u32 s10, $0x1;
	[dreg:$0xa] =	wrdreg s21  }
0x14: {  	s19 =	simm.s32 $0xB;
	s23 =	sadd.s32 s5, s22;
	[dreg:$0xf] =	wrdreg s26  }
0x15: {  	s24 =	sadd.s32 s1, s22;
	s0 =	sadd.s32 s11, s0;
	[dreg:$0x4] =	wrdreg s25  }
0x16: {  	s7 =	sadd.s32 s11, s7;
	s8 =	sshrl.u32 s13, $0x3;
	[dreg:$0xb] =	wrdreg s23  }
0x17: {  	s25 =	simm.s32 $0x800;
	s20 =	simm.s32 $0x2;
	[dreg:$0xc] =	wrdreg s24  }
0x18: {  	s21 =	simm.s32 $0x5;
	s22 =	simm.s32 $0x4;
	[dreg:$0xd] =	wrdreg s7  }
0x19: {  	s26 =	simm.s32 $0x7;
	s0 =	sadd.s32 $0x27000, s0;
	[dreg:$0x10] =	wrdreg s8  }
0x1a: {  	s24 =	simm.s32 $0x50;
	[dreg:$0xe] =	wrdreg s0;
	s0 =	simm.s32 $0x8000  }
.LBB2_1:
0x1b: {  	s6 =	rddreg [dreg:$0x6]  }
0x1c: {  	s7 =	rddreg [dreg:$0x7]  }
0x1d: {  	[spmem:s8], [sflag:s7] =	dma.local [hbm:s6], $0x2700  }
0x1e: {  	s6 =	rddreg [dreg:$0x8]  }
0x1f: {  	[spmem:s9], [sflag:s7] =	dma.local @!p0 [hbm:s6], $0x200  }
0x20: {  	s6 =	rddreg [dreg:$0x9]  }
0x21: {  	[tilespmem:s3], [sflag:$0xB] =	stream.linear.gather [hbm4b:s6+s3], $0x200, $0x38;
	[tilespmem:$0x1E100] =	vst v63  }
0x22: {  	_ =	swait.ge [sflag:s19], $0x200  }
0x23: {  	[sflag:s19] =	ssyncset.done $0x0  }
0x24: {  	s10 =	simm.s32 $0x400;
	s9 =	rddreg [dreg:$0xa];
	[sflag:s19] =	ssyncadd.s32 $0xFFFFFE00  }
0x25: {  	[tilespmem:s10], [sflag:$0xB] =	stream.linear.gather [hbm4b:s9+s3], $0x200, $0x38;
	[tilespmem:$0x1E100] =	vst v63  }
0x26: {  	_ =	swait.ge [sflag:s19], $0x200  }
0x27: {  	[sflag:s19] =	ssyncset.done $0x0  }
0x28: {  	s12 =	simm.s32 $0x200;
	s11 =	rddreg [dreg:$0xb];
	[sflag:s19] =	ssyncadd.s32 $0xFFFFFE00  }
0x29: {  	[tilespmem:s12], [sflag:$0x9] =	stream.linear.gather [hbm4b:s11+s3], $0x200, $0x38;
	[tilespmem:$0x1E100] =	vst v63  }
0x2a: {  	s14 =	simm.s32 $0x600;
	s15 =	simm.s32 $0xA;
	s13 =	rddreg [dreg:$0xc]  }
0x2b: {  	[tilespmem:s14], [sflag:$0x9] =	stream.linear.gather [hbm4b:s13+s3], $0x200, $0x38;
	[tilespmem:$0x1E100] =	vst v63  }
0x2c: {  	_ =	swait.ge [sflag:s15], $0x2700  }
0x2d: {  	[sflag:s15] =	ssyncset.done $0x0  }
0x2e: {  	s6 =	simm.s32 @!p0 $0xA;
	[sflag:s15] =	ssyncadd.s32 $0xFFFFD900  }
0x2f: {  	_ =	swait.ge @!p0 [sflag:s6], $0x200  }
0x30: {  	[sflag:s6] =	ssyncset.done @!p0 $0x0  }
0x31: {  	[sflag:s6] =	ssyncadd.s32 @!p0 $0xFFFFFE00  }
0x32: {  	[bflag:$0x0] =	sbarrier.arrive $0xFFFF  }
0x33: {  	[tilespmem:s25], [sflag:$0x1] =	stream.indirect.gather [hbm4b:s4+s24], $0x80, s3, s24, $0xb8;
	[tilespmem:$0x1E100] =	vst v63  }
0x34: {  	s16 =	simm.s32 $0x80  }
0x35: {  	[tilespmem:s28], [sflag:$0x2] =	stream.indirect.gather [hbm4b:s4+s24], $0x80, s16, s24, $0xb8;
	[tilespmem:$0x1E100] =	vst v63  }
0x36: {  	s17 =	simm.s32 $0x100;
	s18 =	simm.s32 $0x5800  }
0x37: {  	[tilespmem:s18], [sflag:$0x3] =	stream.indirect.gather [hbm4b:s4+s24], $0x80, s17, s24, $0xb8;
	[tilespmem:$0x1E100] =	vst v63  }
0x38: {  	_ =	swait.ge [sflag:s31], $0x2800  }
0x39: {  	s6 =	sand.u32 $0x200, s3;
	[sflag:s31] =	ssyncset.done $0x0  }
0x3a: {  	s7 =	sor.u32 $0x400, s6;
	[sflag:s31] =	ssyncadd.s32 $0xFFFFD800  }
0x3b: {  	[spmem:s2] =	stream.indirect.scatter.add.f32 [tilespmem:s25], [sflag:$0x5], $0x80, s7, s24, $0xb8;
	[tilespmem:$0x1E100] =	vst v63  }
0x3c: {  	s23 =	sor.u32 $0x180, s6  }
0x3d: {  	[tilespmem:s0], [sflag:$0x4] =	stream.indirect.gather [hbm4b:s4+s24], $0x80, s23, s24, $0xb8;
	[tilespmem:$0x1E100] =	vst v63  }
0x3e: {  	_ =	swait.ge [sflag:s20], $0x2800  }
0x3f: {  	[sflag:s20] =	ssyncset.done $0x0  }
0x40: {  	s10 =	sor.u32 $0x480, s6;
	[sflag:s20] =	ssyncadd.s32 $0xFFFFD800  }
0x41: {  	[spmem:s2] =	stream.indirect.scatter.add.f32 [tilespmem:s28], [sflag:$0x6], $0x80, s10, s24, $0xb8;
	[tilespmem:$0x1E100] =	vst v63  }
0x42: {  	_ =	swait.ge [sflag:s21], $0x2800  }
0x43: {  	p1 =	por $0x0, $0x0;
	[sflag:s21] =	ssyncset.done $0x0  }
0x44: {  	s10 =	simm.s32 @p1 $0x3;
	[sflag:s21] =	ssyncadd.s32 $0xFFFFD800  }
0x45: {  	_ =	swait.ge @p1 [sflag:s10], $0x2800  }
0x46: {  	s12 =	simm.s32 @p1 $0x6;
	s13 =	simm.s32 @p1 $0x5800;
	[sflag:s10] =	ssyncset.done @p1 $0x0  }
0x47: {  	s11 =	sadd.s32 @p1 $0x500, s6;
	[sflag:s10] =	ssyncadd.s32 @p1 $0xFFFFD800;
	s10 =	simm.s32 @p1 $0x50  }
0x48: {  	[spmem:s2] =	stream.indirect.scatter.add.f32 @p1 [tilespmem:s13], [sflag:$0x7], $0x80, s11, s10, $0xb8;
	[tilespmem:$0x1E100] =	vst v63  }
0x49: {  	_ =	swait.ge @p1 [sflag:s12], $0x2800  }
0x4a: {  	[sflag:s12] =	ssyncset.done @p1 $0x0  }
0x4b: {  	s10 =	simm.s32 @!p1 $0x9;
	[sflag:s12] =	ssyncadd.s32 @p1 $0xFFFFD800  }
0x4c: {  	_ =	swait.ge @!p1 [sflag:s10], $0x200  }
0x4d: {  	[sflag:s10] =	ssyncset.done @!p1 $0x0  }
0x4e: {  	[sflag:s10] =	ssyncadd.s32 @!p1 $0xFFFFFE00  }
0x4f: {  	_ =	swait.ge @!p1 [sflag:s10], $0x200  }
0x50: {  	s11 =	sxor.u32 @!p1 $0x200, s6;
	s13 =	simm.s32 @!p1 $0x800;
	[sflag:s10] =	ssyncset.done @!p1 $0x0  }
0x51: {  	s12 =	simm.s32 @!p1 $0x3;
	[sflag:s10] =	ssyncadd.s32 @!p1 $0xFFFFFE00;
	s10 =	simm.s32 @!p1 $0x50  }
0x52: {  	[tilespmem:s13], [sflag:$0x1] =	stream.indirect.gather @!p1 [hbm4b:s4+s10], $0x80, s11, s10, $0xb8;
	[tilespmem:$0x1E100] =	vst v63  }
0x53: {  	_ =	swait.ge @!p1 [sflag:s12], $0x2800  }
0x54: {  	s11 =	sadd.s32 @!p1 $0x500, s6;
	[sflag:s12] =	ssyncset.done @!p1 $0x0  }
0x55: {  	s13 =	simm.s32 @!p1 $0x6;
	[sflag:s12] =	ssyncadd.s32 @!p1 $0xFFFFD800;
	s12 =	simm.s32 @!p1 $0x5800  }
0x56: {  	[spmem:s2] =	stream.indirect.scatter.add.f32 @!p1 [tilespmem:s12], [sflag:$0x7], $0x80, s11, s10, $0xb8;
	[tilespmem:$0x1E100] =	vst v63  }
0x57: {  	_ =	swait.ge @!p1 [sflag:s13], $0x2800  }
0x58: {  	[sflag:s13] =	ssyncset.done @!p1 $0x0  }
0x59: {  	s11 =	ssub.s32 @!p1 $0x280, s6;
	[sflag:s13] =	ssyncadd.s32 @!p1 $0xFFFFD800;
	s13 =	simm.s32 @!p1 $0x3000  }
0x5a: {  	[tilespmem:s13], [sflag:$0x2] =	stream.indirect.gather @!p1 [hbm4b:s4+s10], $0x80, s11, s10, $0xb8;
	[tilespmem:$0x1E100] =	vst v63  }
0x5b: {  	_ =	swait.ge [sflag:s22], $0x2800  }
0x5c: {  	[sflag:s22] =	ssyncset.done $0x0  }
0x5d: {  	s9 =	sor.u32 $0x400, s23;
	[sflag:s22] =	ssyncadd.s32 $0xFFFFD800  }
0x5e: {  	[spmem:s2] =	stream.indirect.scatter.add.f32 [tilespmem:s0], [sflag:$0x8], $0x80, s9, s24, $0xb8;
	[tilespmem:$0x1E100] =	vst v63  }
0x5f: {  	_ =	swait.ge [sflag:s26], $0x2800  }
0x60: {  	[sflag:s26] =	ssyncset.done $0x0  }
0x61: {  	s9 =	ssub.s32 @!p1 $0x300, s6;
	[sflag:s26] =	ssyncadd.s32 $0xFFFFD800  }
0x62: {  	[tilespmem:s12], [sflag:$0x3] =	stream.indirect.gather @!p1 [hbm4b:s4+s10], $0x80, s9, s10, $0xb8;
	[tilespmem:$0x1E100] =	vst v63  }
0x63: {  	_ =	swait.ge [sflag:s29], $0x2800  }
0x64: {  	p2 =	por $0x0, $0x0;
	s9 =	rddreg [dreg:$0x4]  }
0x65: {  	s9 =	sadd.s32 @!p2 $0x0, s9  }
0x66: {  	s10 =	sand.u32 @!p2 $0x40, s3;
	s9 =	sand.u32 @!p2 $0x1FF80, s9  }
0x67: {  	s11 =	simm.s32 $0x1;
	[sflag:s29] =	ssyncset.done $0x0;
	s10 =	sor.u32 @!p2 s10, s9  }
0x68: {  	s12 =	simm.s32 @!p2 $0x0;
	[sflag:s29] =	ssyncadd.s32 $0xFFFFD800;
	s9 =	sadd.s32 @!p2 s5, s10  }
0x69: {  	[tilespmem:s6], [sflag:$0x9] =	stream.linear.gather @!p2 [hbm4b:s9+s12], $0x200, $0x38;
	[tilespmem:$0x1E100] =	vst v63  }
0x6a: {  	s9 =	simm.s32 $0x40;
	s6 =	sadd.s32 @!p2 s1, s10;
	s10 =	simm.s32 $0x200  }
.LBB2_2:
0x6b: {  	[tilespmem:s7], [sflag:$0x9] =	stream.linear.gather @!p2 [hbm4b:s6+s12], $0x200, $0x38;
	[tilespmem:$0x1E100] =	vst v63  }
0x6c: {  	_ =	swait.ge [sflag:s31], $0x2800  }
0x6d: {  	s6 =	sand.u32 $0x200, s10;
	[sflag:s31] =	ssyncset.done $0x0  }
0x6e: {  	s7 =	sor.u32 $0x400, s6;
	[sflag:s31] =	ssyncadd.s32 $0xFFFFD800  }
0x6f: {  	[spmem:s2] =	stream.indirect.scatter.add.f32 [tilespmem:s25], [sflag:$0x5], $0x80, s7, s24, $0xb8;
	[tilespmem:$0x1E100] =	vst v63  }
0x70: {  	s13 =	sor.u32 $0x180, s6  }
0x71: {  	[tilespmem:s0], [sflag:$0x4] =	stream.indirect.gather [hbm4b:s4+s24], $0x80, s13, s24, $0xb8;
	[tilespmem:$0x1E100] =	vst v63  }
0x72: {  	_ =	swait.ge [sflag:s20], $0x2800  }
0x73: {  	[sflag:s20] =	ssyncset.done $0x0  }
0x74: {  	s14 =	sor.u32 $0x480, s6;
	[sflag:s20] =	ssyncadd.s32 $0xFFFFD800  }
0x75: {  	[spmem:s2] =	stream.indirect.scatter.add.f32 [tilespmem:s28], [sflag:$0x6], $0x80, s14, s24, $0xb8;
	[tilespmem:$0x1E100] =	vst v63  }
0x76: {  	s12 =	smov.u32 s9;
	_ =	swait.ge [sflag:s21], $0x2800  }
0x77: {  	p2 =	seq.s32 s12, $0x7C0;
	[sflag:s21] =	ssyncset.done $0x0  }
0x78: {  	s14 =	simm.s32 @p2 $0x3;
	[sflag:s21] =	ssyncadd.s32 $0xFFFFD800  }
0x79: {  	_ =	swait.ge @p2 [sflag:s14], $0x2800  }
0x7a: {  	s15 =	sadd.s32 @p2 $0x500, s6;
	s8 =	simm.s32 @p2 $0x6;
	[sflag:s14] =	ssyncset.done @p2 $0x0  }
0x7b: {  	s18 =	simm.s32 @p2 $0x5800;
	[sflag:s14] =	ssyncadd.s32 @p2 $0xFFFFD800;
	s14 =	simm.s32 @p2 $0x50  }
0x7c: {  	[spmem:s2] =	stream.indirect.scatter.add.f32 @p2 [tilespmem:s18], [sflag:$0x7], $0x80, s15, s14, $0xb8;
	[tilespmem:$0x1E100] =	vst v63  }
0x7d: {  	_ =	swait.ge @p2 [sflag:s8], $0x2800  }
0x7e: {  	[sflag:s8] =	ssyncset.done @p2 $0x0  }
0x7f: {  	[sflag:s8] =	ssyncadd.s32 @p2 $0xFFFFD800;
	s8 =	simm.s32 @!p2 $0x9  }
0x80: {  	_ =	swait.ge @!p2 [sflag:s8], $0x200  }
0x81: {  	[sflag:s8] =	ssyncset.done @!p2 $0x0  }
0x82: {  	[sflag:s8] =	ssyncadd.s32 @!p2 $0xFFFFFE00  }
0x83: {  	_ =	swait.ge @!p2 [sflag:s8], $0x200  }
0x84: {  	s16 =	sxor.u32 @!p2 $0x200, s6;
	s15 =	simm.s32 @!p2 $0x3;
	[sflag:s8] =	ssyncset.done @!p2 $0x0  }
0x85: {  	s18 =	simm.s32 @!p2 $0x800;
	[sflag:s8] =	ssyncadd.s32 @!p2 $0xFFFFFE00;
	s8 =	simm.s32 @!p2 $0x50  }
0x86: {  	[tilespmem:s18], [sflag:$0x1] =	stream.indirect.gather @!p2 [hbm4b:s4+s8], $0x80, s16, s8, $0xb8;
	[tilespmem:$0x1E100] =	vst v63  }
0x87: {  	_ =	swait.ge @!p2 [sflag:s15], $0x2800  }
0x88: {  	s23 =	sadd.s32 @!p2 $0x500, s6;
	[sflag:s15] =	ssyncset.done @!p2 $0x0  }
0x89: {  	s16 =	simm.s32 @!p2 $0x6;
	[sflag:s15] =	ssyncadd.s32 @!p2 $0xFFFFD800;
	s15 =	simm.s32 @!p2 $0x5800  }
0x8a: {  	[spmem:s2] =	stream.indirect.scatter.add.f32 @!p2 [tilespmem:s15], [sflag:$0x7], $0x80, s23, s8, $0xb8;
	[tilespmem:$0x1E100] =	vst v63  }
0x8b: {  	_ =	swait.ge @!p2 [sflag:s16], $0x2800  }
0x8c: {  	[sflag:s16] =	ssyncset.done @!p2 $0x0  }
0x8d: {  	s17 =	ssub.s32 @!p2 $0x280, s6;
	[sflag:s16] =	ssyncadd.s32 @!p2 $0xFFFFD800;
	s16 =	simm.s32 @!p2 $0x3000  }
0x8e: {  	[tilespmem:s16], [sflag:$0x2] =	stream.indirect.gather @!p2 [hbm4b:s4+s8], $0x80, s17, s8, $0xb8;
	[tilespmem:$0x1E100] =	vst v63  }
0x8f: {  	_ =	swait.ge [sflag:s22], $0x2800  }
0x90: {  	[sflag:s22] =	ssyncset.done $0x0  }
0x91: {  	s13 =	sor.u32 $0x400, s13;
	[sflag:s22] =	ssyncadd.s32 $0xFFFFD800  }
0x92: {  	[spmem:s2] =	stream.indirect.scatter.add.f32 [tilespmem:s0], [sflag:$0x8], $0x80, s13, s24, $0xb8;
	[tilespmem:$0x1E100] =	vst v63  }
0x93: {  	_ =	swait.ge [sflag:s26], $0x2800  }
0x94: {  	[sflag:s26] =	ssyncset.done $0x0  }
0x95: {  	s14 =	ssub.s32 @!p2 $0x300, s6;
	[sflag:s26] =	ssyncadd.s32 $0xFFFFD800  }
0x96: {  	[tilespmem:s15], [sflag:$0x3] =	stream.indirect.gather @!p2 [hbm4b:s4+s8], $0x80, s14, s8, $0xb8;
	[tilespmem:$0x1E100] =	vst v63  }
0x97: {  	_ =	swait.ge [sflag:s29], $0x2800  }
0x98: {  	s9 =	sadd.s32 $0x40, s9;
	p2 =	sgt.u32 s11, $0x1D;
	s8 =	rddreg [dreg:$0x4]  }
0x99: {  	p1 =	sne.s32 s9, $0x800;
	s8 =	sadd.s32 @!p2 s12, s8  }
.Ltmp0:
0x9a: {  	s12 =	sand.u32 @!p2 $0x40, s12;
	s8 =	sand.u32 @!p2 $0x1FF80, s8;
	(pc) =	sbr.rel @p1 .LBB2_2-.Ltmp0, $4  }
0x9b: {  	[sflag:s29] =	ssyncset.done $0x0;
	s8 =	sor.u32 @!p2 s12, s8  }
0x9c: {  	[sflag:s29] =	ssyncadd.s32 $0xFFFFD800;
	s12 =	simm.s32 @!p2 $0x0;
	s13 =	sadd.s32 @!p2 s5, s8  }
0x9d: {  	[tilespmem:s6], [sflag:$0x9] =	stream.linear.gather @!p2 [hbm4b:s13+s12], $0x200, $0x38;
	[tilespmem:$0x1E100] =	vst v63  }
0x9e: {  	s10 =	sadd.s32 $0x200, s10;
	s11 =	sadd.s32 $0x1, s11;
	s6 =	sadd.s32 @!p2 s1, s8  }
0x9f: {  	[tilespmem:s7], [sflag:$0x9] =	stream.linear.gather @!p2 [hbm4b:s6+s12], $0x200, $0x38;
	[tilespmem:$0x1E100] =	vst v63  }
0xa0: {  	[bflag:$0x0] =	sbarrier.arrive $0xFFFF  }
0xa1: {  	s17 =	rddreg [dreg:$0x5]  }
0xa2: {  	s18 =	rddreg [dreg:$0xd]  }
0xa3: {  	s8 =	rddreg [dreg:$0x10];
	s6 =	sor.u32 $0x1C0B, s17  }
0xa4: {  	[hbm:s18], [sflag:s6] =	dma.local [spmem:s8], $0x2700  }
0xa5: {  	_ =	swait.ge [sflag:s19], $0x2700  }
0xa6: {  	[sflag:s19] =	ssyncset.done $0x0;
	s7 =	rddreg [dreg:$0xe]  }
0xa7: {  	s9 =	rddreg [dreg:$0x11];
	[sflag:s19] =	ssyncadd.s32 $0xFFFFD900  }
0xa8: {  	[hbm:s7], [sflag:s6] =	dma.local @!p0 [spmem:s9], $0x100  }
0xa9: {  	s6 =	simm.s32 @!p0 $0xB  }
0xaa: {  	_ =	swait.ge @!p0 [sflag:s6], $0x100  }
0xab: {  	s30 =	sadd.s32 $0x1, s30;
	s23 =	rddreg [dreg:$0xf]  }
0xac: {  	p1 =	sne.s32 s30, s23  }
.Ltmp1:
0xad: {  	_ = 	snop;
	(pc) =	sbr.rel @p1 .LBB2_1-.Ltmp1, $3  }
0xae: {  	_ =	sdelay $0x1  }
0xaf: {  	[sflag:s6] =	ssyncset.done @!p0 $0x0  }
0xb0: {  	[sflag:s6] =	ssyncadd.s32 @!p0 $0xFFFFFF00  }
0xb1: {  	_ =	sfence.sel $0x180000  }
0xb2: {  	[bflag:$0x0] =	sbarrier.arrive $0xFFFF  }
0xb3: {  	_ =	strace $0x9000004A  }
0xb4: {  	[bflag:$0x2] =	sbarrier.arrive $0xFFFF  }
0xb5: {  	s0 =	rddreg [dreg:$0x3]  }
0xb6: {  	s0 =	sadd.s32 @!p0 $0x100000, s0  }
0xb7: {  	[sflag:s0] =	ssyncadd.tile.s32 @!p0 $0x1;
	_ =	shalt  }
.Lfunc_end2:
_tile_overlayer_lowered:
.L_overlay_start_2:
0xb8: {  	(tag) =	ssettag $0x2  }
0xb9: {  	s0 =	rddreg [dreg:$0x0];
	s2 =	stileid.u32  }
0xba: {  	s1 =	rddreg [dreg:$0x1];
	p0 =	sne.s32 s2, $0x0  }
0xbb: {  	s3 =	rddreg [dreg:$0x2];
	[bflag:$0x3] =	sbarrier.arrive $0xFFFF;
	s2 =	simm.s32 @!p0 $0x1C0B  }
0xbc: {  	[timem:s3], [sflag:s2] =	dma.local @!p0 [hbm:s0], s1  }
0xbd: {  	s0 =	simm.s32 @!p0 $0xB  }
0xbe: {  	_ =	swait.ge @!p0 [sflag:s0], s1  }
0xbf: {  	s1 =	ssub.s32 @!p0 $0x0, s1;
	[sflag:s0] =	ssyncset.done @!p0 $0x0  }
0xc0: {  	[sflag:s0] =	ssyncadd.s32 @!p0 s1  }
0xc1: {  	[bflag:$0x3] =	sbarrier.arrive $0xFFFF  }
0xc2: {  	_ =	shalt  }

// kernel: kernel.16.cloned.1.call-start
scs
__scs_entry_jumppad:
0x0: {  	(pc) =	sbr.rel $0x88, $3  }
0x1: {  	(tag) =	ssettag $0x0;
	lr =	simm.s32 $0x1  }
0x2: {  	[smem:$0x3F99] =	sst lr;
	_ =	strace $0xD0000000  }
0x3: {  	_ = 	snop  }
0x4: {  	_ = 	snop  }
0x5: {  	_ = 	snop  }
0x6: {  	_ = 	snop  }
0x7: {  	_ = 	snop  }
__scs_overlays_trampoline_lowered:
0x8: {  	[smem:$0x3FA8] =	sst s0  }
0x9: {  	[smem:$0x3FA9] =	sst s1  }
0xa: {  	[smem:$0x3FAA] =	sst s2  }
0xb: {  	[smem:$0x3FAB] =	sst s3  }
0xc: {  	[smem:$0x3FAC] =	sst s4  }
0xd: {  	[smem:$0x3FAD] =	sst s5  }
0xe: {  	[smem:$0x3FAE] =	sst s6  }
0xf: {  	[smem:$0x3FAF] =	sst s7  }
0x10: {  	[smem:$0x3FB0] =	sst s8  }
0x11: {  	[smem:$0x3FB1] =	sst s9;
	s0 =	simm.s32 @!p0 $0x0  }
0x12: {  	s1 =	sld [smem:$0x3F97];
	s0 =	simm.s32 @p0 $0x1  }
0x13: {  	[smem:$0x3FB2] =	sst s0;
	s0 =	simm.s32 @!p1 $0x0  }
0x14: {  	s2 =	sld [smem:$0x3F96];
	s0 =	simm.s32 @p1 $0x1  }
0x15: {  	[smem:$0x3FB3] =	sst s0;
	s0 =	simm.s32 @!p2 $0x0  }
0x16: {  	s3 =	sld [smem:$0x3FDB];
	s0 =	simm.s32 @p2 $0x1  }
0x17: {  	s4 =	simm.s32 $0x1BF5;
	[smem:$0x3FB5] =	sst s0  }
0x18: {  	s0 =	sld [smem:$0x3F98];
	_ =	swait.ge [sflag:s4], $0x0  }
0x19: {  	s7 =	sld [smem:$0x3F99]  }
0x1a: {  	s8 =	sadd.s32 $0xFFFFE003, lr  }
0x1b: {  	s9 =	sadd.s32 $0xFFFFFEF7, lr;
	s5 =	simm.s32 $0xFFFFFFFF;
	p2 =	slt.u32 s8, $0xFFFFF086  }
0x1c: {  	p1 =	slt.u32 s9, $0xF7A;
	s5 =	simm.s32 @!p2 $0x0  }
0x1d: {  	s5 =	simm.s32 @p1 $0x1;
	p0 =	seq.s32 s7, s2  }
0x1e: {  	s7 =	smul.u32 @!p0 $0xF7A, s2;
	p2 =	seq.s32 @!p0 s5, $0x0  }
0x1f: {  	s9 =	smul.u32 $0xF7A, s1;
	s8 =	simm.s32 @!p0 $0x1BF5;
	p2 =	por !p2, p0  }
0x20: {  	[sflag:s8] =	ssyncset.s32 @!p0 $0xFFFFF086;
	s6 =	sadd.s32 @!p0 s3, s7;
	s7 =	simm.s32 @!p0 $0x108  }
0x21: {  	s3 =	sadd.s32 s3, s9;
	s6 =	sadd.s32 @!p0 $0x88, s6;
	s7 =	simm.s32 @p2 $0x1082  }
0x22: {  	[simem:s7], [sflag:s8] =	dma.local @!p0 [hbm:s6], $0xF7A  }
0x23: {  	s9 =	sor.u32 $0xD0000000, s2;
	s6 =	simm.s32 $0x108;
	_ =	swait.ge @!p0 [sflag:s8], $0x0  }
0x24: {  	s3 =	sadd.s32 $0x88, s3;
	s6 =	simm.s32 @!p1 $0x1082;
	[sflag:s4] =	ssyncset.s32 $0xFFFFF086  }
0x25: {  	[simem:s6], [sflag:s4] =	dma.local [hbm:s3], $0xF7A  }
0x26: {  	[smem:$0x3F99] =	sst s1;
	(tag) =	ssettag s2;
	_ =	strace s9  }
0x27: {  	s1 =	sld [smem:$0x3FA9]  }
0x28: {  	s2 =	sld [smem:$0x3FAA]  }
0x29: {  	s4 =	sld [smem:$0x3FAC]  }
0x2a: {  	p0 =	seq.s32 s5, $0x0;
	s5 =	sld [smem:$0x3FAD]  }
0x2b: {  	s6 =	sld [smem:$0x3FAE]  }
0x2c: {  	s7 =	sld [smem:$0x3FAF]  }
0x2d: {  	s3 =	simm.s32 $0x108;
	s8 =	sld [smem:$0x3FB0]  }
0x2e: {  	s3 =	simm.s32 @!p0 $0x1082;
	s9 =	sld [smem:$0x3FB1]  }
0x2f: {  	lr =	sadd.s32 s0, s3;
	s0 =	sld [smem:$0x3FA8]  }
0x30: {  	s3 =	sld [smem:$0x3FAB]  }
0x31: {  	[smem:$0x3FB4] =	sst s10  }
0x32: {  	s10 =	sld [smem:$0x3FB2];
	_ =	sdelay $0x3  }
0x33: {  	p0 =	seq.s32 s10, $0x1;
	s10 =	sld [smem:$0x3FB4];
	_ =	sdelay $0x3  }
0x34: {  	[smem:$0x3FB4] =	sst s10  }
0x35: {  	s10 =	sld [smem:$0x3FB3];
	_ =	sdelay $0x3  }
0x36: {  	p1 =	seq.s32 s10, $0x1;
	s10 =	sld [smem:$0x3FB4];
	_ =	sdelay $0x3  }
0x37: {  	[smem:$0x3FB4] =	sst s10  }
0x38: {  	s10 =	sld [smem:$0x3FB5]  }
0x39: {  	_ = 	snop;
	(pc) =	sbr.ind lr, $3  }
0x3a: {  	_ = 	snop  }
0x3b: {  	_ = 	snop  }
0x3c: {  	p2 =	seq.s32 s10, $0x1;
	s10 =	sld [smem:$0x3FB4]  }
0x3d: {  	_ =	shalt  }
0x3e: {  	_ =	shalt  }
0x3f: {  	_ =	shalt  }
0x40: {  	_ =	shalt  }
0x41: {  	_ =	shalt  }
0x42: {  	_ =	shalt  }
0x43: {  	_ =	shalt  }
0x44: {  	_ =	shalt  }
0x45: {  	_ =	shalt  }
0x46: {  	_ =	shalt  }
0x47: {  	_ =	shalt  }
0x48: {  	_ =	shalt  }
0x49: {  	_ =	shalt  }
0x4a: {  	_ =	shalt  }
0x4b: {  	_ =	shalt  }
0x4c: {  	_ =	shalt  }
0x4d: {  	_ =	shalt  }
0x4e: {  	_ =	shalt  }
0x4f: {  	_ =	shalt  }
0x50: {  	_ =	shalt  }
0x51: {  	_ =	shalt  }
0x52: {  	_ =	shalt  }
0x53: {  	_ =	shalt  }
0x54: {  	_ =	shalt  }
0x55: {  	_ =	shalt  }
0x56: {  	_ =	shalt  }
0x57: {  	_ =	shalt  }
0x58: {  	_ =	shalt  }
0x59: {  	_ =	shalt  }
0x5a: {  	_ =	shalt  }
0x5b: {  	_ =	shalt  }
0x5c: {  	_ =	shalt  }
0x5d: {  	_ =	shalt  }
0x5e: {  	_ =	shalt  }
0x5f: {  	_ =	shalt  }
0x60: {  	_ =	shalt  }
0x61: {  	_ =	shalt  }
0x62: {  	_ =	shalt  }
0x63: {  	_ =	shalt  }
0x64: {  	_ =	shalt  }
0x65: {  	_ =	shalt  }
0x66: {  	_ =	shalt  }
0x67: {  	_ =	shalt  }
0x68: {  	_ =	shalt  }
0x69: {  	_ =	shalt  }
0x6a: {  	_ =	shalt  }
0x6b: {  	_ =	shalt  }
0x6c: {  	_ =	shalt  }
0x6d: {  	_ =	shalt  }
0x6e: {  	_ =	shalt  }
0x6f: {  	_ =	shalt  }
0x70: {  	_ =	shalt  }
0x71: {  	_ =	shalt  }
0x72: {  	_ =	shalt  }
0x73: {  	_ =	shalt  }
0x74: {  	_ =	shalt  }
0x75: {  	_ =	shalt  }
0x76: {  	_ =	shalt  }
0x77: {  	_ =	shalt  }
0x78: {  	_ =	shalt  }
0x79: {  	_ =	shalt  }
0x7a: {  	_ =	shalt  }
0x7b: {  	_ =	shalt  }
0x7c: {  	_ =	shalt  }
0x7d: {  	_ =	shalt  }
0x7e: {  	_ =	shalt  }
0x7f: {  	_ =	shalt  }
0x80: {  	_ =	shalt  }
0x81: {  	_ =	shalt  }
0x82: {  	_ =	shalt  }
0x83: {  	_ =	shalt  }
0x84: {  	_ =	shalt  }
0x85: {  	_ =	shalt  }
0x86: {  	_ =	shalt  }
0x87: {  	_ =	shalt  }
.Lfunc_end0:
.L_simem_size_0:
called_computation.2_lowered:
.L_overlay_start_0:
0x88: {  	s2 =	sld [smem:$0x3FD9]  }
0x89: {  	s3 =	sld [smem:$0x3FFE];
	_ =	sdelay $0x1  }
0x8a: {  	s1 =	srdreg.scid  }
0x8b: {  	s0 =	sand.u32 $0x1, s1  }
0x8c: {  	s17 =	sshll.u32 s0, $0xA;
	s2 =	sadd.s32 s3, s2  }
0x8d: {  	s2 =	sadd.s32 s2, s17  }
0x8e: {  	[smem:$0x3FC0] =	sst s2  }
0x8f: {  	_ = 	snop  }
0x90: {  	s2 =	sld [smem:$0x3FD0];
	(tm) =	ssettm $0x1  }
0x91: {  	s18 =	sld [smem:$0x3FFB];
	_ =	sdelay $0x3  }
0x92: {  	_ =	strace s18  }
0x93: {  	s3 =	sld [smem:$0x3FFC];
	_ =	sdelay $0x3  }
0x94: {  	_ =	strace s3  }
0x95: {  	s3 =	sld [smem:$0x3FFD];
	_ =	sdelay $0x3  }
0x96: {  	_ =	strace s3  }
0x97: {  	_ =	strace $0x8FFFFFFF  }
0x98: {  	s19 =	sld [smem:$0x3FDB];
	_ =	sdelay $0x1  }
0x99: {  	s4 =	simm.s32 $_scs_section_size  }
0x9a: {  	s5 =	simm.s32 $_size__tile_overlayer_lowered;
	s6 =	simm.s32 $_tile_overlayer_lowered  }
0x9b: {  	s22 =	simm.s32 $0x1BFF;
	s21 =	sshll.u32 s6, $0x1;
	s3 =	sadd.s32 s4, s19  }
0x9c: {  	s7 =	simm.s32 $0x0;
	s20 =	sshll.u32 s5, $0x1;
	s5 =	sadd.s32 s21, s3  }
0x9d: {  	[timem:s7], [sflag:s22] =	dma.local [hbm:s5], s20  }
0x9e: {  	_ =	swait.ge [sflag:s22], s20  }
0x9f: {  	s4 =	ssub.s32 $0x0, s20;
	[sflag:s22] =	ssyncset.done $0x0  }
0xa0: {  	[sflag:s22] =	ssyncadd.s32 s4;
	_ =	sdelay $0x1  }
0xa1: {  	s23 =	simm.s32 $0x1B8B  }
0xa2: {  	_ =	swait.ge [sflag:s23], $0x1  }
0xa3: {  	[sflag:s23] =	ssyncset.done $0x0  }
0xa4: {  	s25 =	simm.s32 $0x1B8E;
	s24 =	sld [smem:$0x3FFE];
	[sflag:s23] =	ssyncadd.s32 $0xFFFFFFFF  }
0xa5: {  	s26 =	simm.s32 $execute0_lowered;
	[smem:$0x3FD2] =	sst s25  }
0xa6: {  	s5 =	sshll.u32 s26, $0x1;
	_ =	strace $0x8000004C;
	[dreg:$0x1] =	wrdreg $0xFFFFFFFF  }
0xa7: {  	s28 =	simm.s32 $_size_execute0_lowered;
	s3 =	sadd.s32 s3, s5;
	[dreg:$0x0] =	wrdreg $0x0  }
0xa8: {  	s5 =	sshll.u32 s28, $0x1;
	[dreg:$0x2] =	wrdreg s3  }
0xa9: {  	[dreg:$0x3] =	wrdreg s5  }
0xaa: {  	[dreg:$0x4] =	wrdreg $0xC0  }
0xab: {  	_ =	task [dreg:s7], $0x5FFFF  }
0xac: {  	[dreg:$0x1] =	wrdreg $0xFFFFFFFF  }
0xad: {  	[dreg:$0x0] =	wrdreg $0x60  }
0xae: {  	[dreg:$0x2] =	wrdreg s24  }
0xaf: {  	[dreg:$0x3] =	wrdreg s2  }
0xb0: {  	[dreg:$0x4] =	wrdreg $0xA8000  }
0xb1: {  	[dreg:$0x5] =	wrdreg $0x9  }
0xb2: {  	_ =	task.clear_ibuf [dreg:s7], $0x6FFFF;
	_ =	strace $0x9000004C  }
0xb3: {  	s29 =	simm.s32 $0x9;
	_ =	strace $0x8000004E  }
0xb4: {  	_ =	swait.ge [sflag:s29], $0x1  }
0xb5: {  	[sflag:s29] =	ssyncadd.s32 $0xFFFFFFFF  }
0xb6: {  	_ =	strace $0x9000004E  }
0xb7: {  	_ =	sfence  }
0xb8: {  	s30 =	sld [smem:$0x0];
	_ =	sdelay $0x2  }
0xb9: {  	s31 =	sshll.u32 s1, $0xD;
	s1 =	sshrl.u32 s1, $0x2  }
0xba: {  	s3 =	sand.u32 $0x4000, s31;
	s1 =	sadd.s32 s1, s30  }
0xbb: {  	s0 =	sor.u32 s3, s0;
	s1 =	sshll.u32 s1, $0x11  }
0xbc: {  	s0 =	sor.u32 s1, s0  }
0xbd: {  	s0 =	sadd.s32 $0x8F2B, s0  }
0xbe: {  	[sflag:s0] =	ssyncadd.remote.s32 $0x1  }
0xbf: {  	_ =	sfence.sel $0xFFFF  }
0xc0: {  	[dreg:$0x0] =	wrdreg $0xFFFFFFFF;
	(pc) =	sbr.abs _section_cstart, $3  }
0xc1: {  	[dreg:$0x1] =	wrdreg $0xFFFFFFFF  }
0xc2: {  	_ =	task.clear_ibuf [dreg:s7], $0x2FFFF;
	_ =	strace $0x9FFFFFFF  }
0xc3: {  	(tm) =	ssettm $0x7FFFFFFF  }
tec
execute0_lowered:
.L_overlay_start_1:
0x0: {  	(tag) =	ssettag $0x1  }
0x1: {  	s0 =	rddreg [dreg:$0x0];
	s2 =	srdreg.scid  }
0x2: {  	s1 =	rddreg [dreg:$0x1];
	s3 =	simm.s32 $0x0;
	s8 =	stileid.u32  }
0x3: {  	s28 =	simm.s32 $0x3000;
	s31 =	simm.s32 $0x1;
	s29 =	simm.s32 $0x8  }
0x4: {  	s30 =	simm.s32 $0x0;
	s5 =	sand.u32 $0x1, s2;
	s2 =	rddreg [dreg:$0x2]  }
0x5: {  	[smem:$0x7FF] =	sst s3;
	s10 =	smul.u32 $0x13800, s8;
	s4 =	sadd.s32 $0x78C00, s0  }
0x6: {  	s12 =	smul.u32 $0x4E000, s8;
	s14 =	sadd.s32 $0x88C00, s0;
	s18 =	sshll.u32 s8, $0x6  }
0x7: {  	s20 =	sshll.u32 s8, $0xC;
	p0 =	sne.s32 s8, $0x0;
	s6 =	smul.u32 $0x138800, s5  }
0x8: {  	_ =	strace $0x8000004D;
	s5 =	ssub.s32 $0x2, s5;
	[dreg:$0x5] =	wrdreg s18  }
0x9: {  	s19 =	sor.u32 $0x1C0A, s18;
	s18 =	sadd.s32 $0x138000, s2;
	s21 =	sadd.s32 s4, s20  }
0xa: {  	s22 =	sadd.s32 s1, s20;
	s23 =	sor.u32 $0x40, s20;
	[dreg:$0x7] =	wrdreg s19  }
0xb: {  	s7 =	sshrl.u32 s10, $0x3;
	s13 =	sshrl.u32 s5, $0x1;
	[dreg:$0x9] =	wrdreg s21  }
0xc: {  	s12 =	sshrl.u32 s12, $0x2;
	[dreg:$0xa] =	wrdreg s22;
	s24 =	sadd.s32 s4, s23  }
0xd: {  	s25 =	sadd.s32 s1, s23;
	s8 =	sshrl.u32 @!p0 s18, $0x3;
	s19 =	simm.s32 $0xB  }
0xe: {  	s21 =	simm.s32 $0x5;
	s22 =	simm.s32 $0x4;
	s9 =	sshrl.u32 s6, $0x3  }
0xf: {  	s7 =	sadd.s32 s7, s0;
	s5 =	ssub.s32 s5, s13;
	[dreg:$0xb] =	wrdreg s24  }
0x10: {  	s12 =	sadd.s32 s12, s2;
	[dreg:$0xc] =	wrdreg s25;
	s6 =	sadd.s32 s10, s6  }
0x11: {  	s24 =	simm.s32 $0x50;
	[dreg:$0x11] =	wrdreg s8;
	s7 =	sadd.s32 $0x3800, s7  }
0x12: {  	s11 =	sadd.s32 s9, s0;
	s0 =	sadd.s32 $0x2A800, s0;
	[dreg:$0x6] =	wrdreg s7  }
0x13: {  	s6 =	sshrl.u32 s6, $0x3;
	s5 =	smax.u32 s5, $0x1;
	[dreg:$0x8] =	wrdreg s0  }
0x14: {  	s9 =	sadd.s32 s14, s9;
	s6 =	sadd.s32 s14, s6;
	[dreg:$0xf] =	wrdreg s5  }
0x15: {  	s25 =	simm.s32 $0x800;
	s26 =	sadd.s32 $0x27000, s9;
	[dreg:$0xd] =	wrdreg s6  }
0x16: {  	s13 =	sadd.s32 $0x2AA00, s11;
	s0 =	sor.u32 $0x80, s20;
	[dreg:$0xe] =	wrdreg s26  }
0x17: {  	s7 =	sshrl.u32 s12, $0x3;
	s20 =	simm.s32 $0x2;
	[dreg:$0x4] =	wrdreg s0  }
0x18: {  	s0 =	simm.s32 $0x8000;
	s26 =	simm.s32 $0x7;
	[dreg:$0x10] =	wrdreg s7  }
.LBB2_1:
0x19: {  	s5 =	rddreg [dreg:$0x6]  }
0x1a: {  	s6 =	rddreg [dreg:$0x7]  }
0x1b: {  	[spmem:s7], [sflag:s6] =	dma.local [hbm:s5], $0x2700  }
0x1c: {  	s5 =	rddreg [dreg:$0x8]  }
0x1d: {  	[spmem:s8], [sflag:s6] =	dma.local @!p0 [hbm:s5], $0x200  }
0x1e: {  	s5 =	rddreg [dreg:$0x9]  }
0x1f: {  	[tilespmem:s3], [sflag:$0xB] =	stream.linear.gather [hbm4b:s5+s3], $0x200, $0x38;
	[tilespmem:$0x1E100] =	vst v63  }
0x20: {  	_ =	swait.ge [sflag:s19], $0x200  }
0x21: {  	[sflag:s19] =	ssyncset.done $0x0  }
0x22: {  	s9 =	simm.s32 $0x400;
	s8 =	rddreg [dreg:$0xa];
	[sflag:s19] =	ssyncadd.s32 $0xFFFFFE00  }
0x23: {  	[tilespmem:s9], [sflag:$0xB] =	stream.linear.gather [hbm4b:s8+s3], $0x200, $0x38;
	[tilespmem:$0x1E100] =	vst v63  }
0x24: {  	_ =	swait.ge [sflag:s19], $0x200  }
0x25: {  	[sflag:s19] =	ssyncset.done $0x0  }
0x26: {  	s11 =	simm.s32 $0x200;
	s10 =	rddreg [dreg:$0xb];
	[sflag:s19] =	ssyncadd.s32 $0xFFFFFE00  }
0x27: {  	[tilespmem:s11], [sflag:$0x9] =	stream.linear.gather [hbm4b:s10+s3], $0x200, $0x38;
	[tilespmem:$0x1E100] =	vst v63  }
0x28: {  	s14 =	simm.s32 $0x600;
	s15 =	simm.s32 $0xA;
	s12 =	rddreg [dreg:$0xc]  }
0x29: {  	[tilespmem:s14], [sflag:$0x9] =	stream.linear.gather [hbm4b:s12+s3], $0x200, $0x38;
	[tilespmem:$0x1E100] =	vst v63  }
0x2a: {  	_ =	swait.ge [sflag:s15], $0x2700  }
0x2b: {  	[sflag:s15] =	ssyncset.done $0x0  }
0x2c: {  	s5 =	simm.s32 @!p0 $0xA;
	[sflag:s15] =	ssyncadd.s32 $0xFFFFD900  }
0x2d: {  	_ =	swait.ge @!p0 [sflag:s5], $0x200  }
0x2e: {  	[sflag:s5] =	ssyncset.done @!p0 $0x0  }
0x2f: {  	[sflag:s5] =	ssyncadd.s32 @!p0 $0xFFFFFE00  }
0x30: {  	[bflag:$0x0] =	sbarrier.arrive $0xFFFF  }
0x31: {  	[tilespmem:s25], [sflag:$0x1] =	stream.indirect.gather [hbm4b:s13+s24], $0x80, s3, s24, $0xb8;
	[tilespmem:$0x1E100] =	vst v63  }
0x32: {  	s16 =	simm.s32 $0x80  }
0x33: {  	[tilespmem:s28], [sflag:$0x2] =	stream.indirect.gather [hbm4b:s13+s24], $0x80, s16, s24, $0xb8;
	[tilespmem:$0x1E100] =	vst v63  }
0x34: {  	s17 =	simm.s32 $0x100;
	s18 =	simm.s32 $0x5800  }
0x35: {  	[tilespmem:s18], [sflag:$0x3] =	stream.indirect.gather [hbm4b:s13+s24], $0x80, s17, s24, $0xb8;
	[tilespmem:$0x1E100] =	vst v63  }
0x36: {  	_ =	swait.ge [sflag:s31], $0x2800  }
0x37: {  	s5 =	sand.u32 $0x200, s3;
	[sflag:s31] =	ssyncset.done $0x0  }
0x38: {  	s6 =	sor.u32 $0x400, s5;
	[sflag:s31] =	ssyncadd.s32 $0xFFFFD800  }
0x39: {  	[spmem:s2] =	stream.indirect.scatter.add.f32 [tilespmem:s25], [sflag:$0x5], $0x80, s6, s24, $0xb8;
	[tilespmem:$0x1E100] =	vst v63  }
0x3a: {  	s23 =	sor.u32 $0x180, s5  }
0x3b: {  	[tilespmem:s0], [sflag:$0x4] =	stream.indirect.gather [hbm4b:s13+s24], $0x80, s23, s24, $0xb8;
	[tilespmem:$0x1E100] =	vst v63  }
0x3c: {  	_ =	swait.ge [sflag:s20], $0x2800  }
0x3d: {  	[sflag:s20] =	ssyncset.done $0x0  }
0x3e: {  	s9 =	sor.u32 $0x480, s5;
	[sflag:s20] =	ssyncadd.s32 $0xFFFFD800  }
0x3f: {  	[spmem:s2] =	stream.indirect.scatter.add.f32 [tilespmem:s28], [sflag:$0x6], $0x80, s9, s24, $0xb8;
	[tilespmem:$0x1E100] =	vst v63  }
0x40: {  	_ =	swait.ge [sflag:s21], $0x2800  }
0x41: {  	p1 =	por $0x0, $0x0;
	[sflag:s21] =	ssyncset.done $0x0  }
0x42: {  	s9 =	simm.s32 @p1 $0x3;
	[sflag:s21] =	ssyncadd.s32 $0xFFFFD800  }
0x43: {  	_ =	swait.ge @p1 [sflag:s9], $0x2800  }
0x44: {  	s11 =	simm.s32 @p1 $0x6;
	s12 =	simm.s32 @p1 $0x5800;
	[sflag:s9] =	ssyncset.done @p1 $0x0  }
0x45: {  	s10 =	sadd.s32 @p1 $0x500, s5;
	[sflag:s9] =	ssyncadd.s32 @p1 $0xFFFFD800;
	s9 =	simm.s32 @p1 $0x50  }
0x46: {  	[spmem:s2] =	stream.indirect.scatter.add.f32 @p1 [tilespmem:s12], [sflag:$0x7], $0x80, s10, s9, $0xb8;
	[tilespmem:$0x1E100] =	vst v63  }
0x47: {  	_ =	swait.ge @p1 [sflag:s11], $0x2800  }
0x48: {  	[sflag:s11] =	ssyncset.done @p1 $0x0  }
0x49: {  	s9 =	simm.s32 @!p1 $0x9;
	[sflag:s11] =	ssyncadd.s32 @p1 $0xFFFFD800  }
0x4a: {  	_ =	swait.ge @!p1 [sflag:s9], $0x200  }
0x4b: {  	[sflag:s9] =	ssyncset.done @!p1 $0x0  }
0x4c: {  	[sflag:s9] =	ssyncadd.s32 @!p1 $0xFFFFFE00  }
0x4d: {  	_ =	swait.ge @!p1 [sflag:s9], $0x200  }
0x4e: {  	s10 =	sxor.u32 @!p1 $0x200, s5;
	s12 =	simm.s32 @!p1 $0x800;
	[sflag:s9] =	ssyncset.done @!p1 $0x0  }
0x4f: {  	s11 =	simm.s32 @!p1 $0x3;
	[sflag:s9] =	ssyncadd.s32 @!p1 $0xFFFFFE00;
	s9 =	simm.s32 @!p1 $0x50  }
0x50: {  	[tilespmem:s12], [sflag:$0x1] =	stream.indirect.gather @!p1 [hbm4b:s13+s9], $0x80, s10, s9, $0xb8;
	[tilespmem:$0x1E100] =	vst v63  }
0x51: {  	_ =	swait.ge @!p1 [sflag:s11], $0x2800  }
0x52: {  	s10 =	sadd.s32 @!p1 $0x500, s5;
	[sflag:s11] =	ssyncset.done @!p1 $0x0  }
0x53: {  	s12 =	simm.s32 @!p1 $0x6;
	[sflag:s11] =	ssyncadd.s32 @!p1 $0xFFFFD800;
	s11 =	simm.s32 @!p1 $0x5800  }
0x54: {  	[spmem:s2] =	stream.indirect.scatter.add.f32 @!p1 [tilespmem:s11], [sflag:$0x7], $0x80, s10, s9, $0xb8;
	[tilespmem:$0x1E100] =	vst v63  }
0x55: {  	_ =	swait.ge @!p1 [sflag:s12], $0x2800  }
0x56: {  	[sflag:s12] =	ssyncset.done @!p1 $0x0  }
0x57: {  	s10 =	ssub.s32 @!p1 $0x280, s5;
	[sflag:s12] =	ssyncadd.s32 @!p1 $0xFFFFD800;
	s12 =	simm.s32 @!p1 $0x3000  }
0x58: {  	[tilespmem:s12], [sflag:$0x2] =	stream.indirect.gather @!p1 [hbm4b:s13+s9], $0x80, s10, s9, $0xb8;
	[tilespmem:$0x1E100] =	vst v63  }
0x59: {  	_ =	swait.ge [sflag:s22], $0x2800  }
0x5a: {  	[sflag:s22] =	ssyncset.done $0x0  }
0x5b: {  	s8 =	sor.u32 $0x400, s23;
	[sflag:s22] =	ssyncadd.s32 $0xFFFFD800  }
0x5c: {  	[spmem:s2] =	stream.indirect.scatter.add.f32 [tilespmem:s0], [sflag:$0x8], $0x80, s8, s24, $0xb8;
	[tilespmem:$0x1E100] =	vst v63  }
0x5d: {  	_ =	swait.ge [sflag:s26], $0x2800  }
0x5e: {  	[sflag:s26] =	ssyncset.done $0x0  }
0x5f: {  	s8 =	ssub.s32 @!p1 $0x300, s5;
	[sflag:s26] =	ssyncadd.s32 $0xFFFFD800  }
0x60: {  	[tilespmem:s11], [sflag:$0x3] =	stream.indirect.gather @!p1 [hbm4b:s13+s9], $0x80, s8, s9, $0xb8;
	[tilespmem:$0x1E100] =	vst v63  }
0x61: {  	_ =	swait.ge [sflag:s29], $0x2800  }
0x62: {  	p2 =	por $0x0, $0x0;
	s8 =	rddreg [dreg:$0x4]  }
0x63: {  	s8 =	sadd.s32 @!p2 $0x0, s8  }
0x64: {  	s9 =	sand.u32 @!p2 $0x40, s3;
	s8 =	sand.u32 @!p2 $0x1FF80, s8  }
0x65: {  	s10 =	simm.s32 $0x1;
	[sflag:s29] =	ssyncset.done $0x0;
	s9 =	sor.u32 @!p2 s9, s8  }
0x66: {  	s11 =	simm.s32 @!p2 $0x0;
	[sflag:s29] =	ssyncadd.s32 $0xFFFFD800;
	s8 =	sadd.s32 @!p2 s4, s9  }
0x67: {  	[tilespmem:s5], [sflag:$0x9] =	stream.linear.gather @!p2 [hbm4b:s8+s11], $0x200, $0x38;
	[tilespmem:$0x1E100] =	vst v63  }
0x68: {  	s8 =	simm.s32 $0x40;
	s5 =	sadd.s32 @!p2 s1, s9;
	s9 =	simm.s32 $0x200  }
.LBB2_2:
0x69: {  	[tilespmem:s6], [sflag:$0x9] =	stream.linear.gather @!p2 [hbm4b:s5+s11], $0x200, $0x38;
	[tilespmem:$0x1E100] =	vst v63  }
0x6a: {  	_ =	swait.ge [sflag:s31], $0x2800  }
0x6b: {  	s5 =	sand.u32 $0x200, s9;
	[sflag:s31] =	ssyncset.done $0x0  }
0x6c: {  	s6 =	sor.u32 $0x400, s5;
	[sflag:s31] =	ssyncadd.s32 $0xFFFFD800  }
0x6d: {  	[spmem:s2] =	stream.indirect.scatter.add.f32 [tilespmem:s25], [sflag:$0x5], $0x80, s6, s24, $0xb8;
	[tilespmem:$0x1E100] =	vst v63  }
0x6e: {  	s12 =	sor.u32 $0x180, s5  }
0x6f: {  	[tilespmem:s0], [sflag:$0x4] =	stream.indirect.gather [hbm4b:s13+s24], $0x80, s12, s24, $0xb8;
	[tilespmem:$0x1E100] =	vst v63  }
0x70: {  	_ =	swait.ge [sflag:s20], $0x2800  }
0x71: {  	[sflag:s20] =	ssyncset.done $0x0  }
0x72: {  	s14 =	sor.u32 $0x480, s5;
	[sflag:s20] =	ssyncadd.s32 $0xFFFFD800  }
0x73: {  	[spmem:s2] =	stream.indirect.scatter.add.f32 [tilespmem:s28], [sflag:$0x6], $0x80, s14, s24, $0xb8;
	[tilespmem:$0x1E100] =	vst v63  }
0x74: {  	s11 =	smov.u32 s8;
	_ =	swait.ge [sflag:s21], $0x2800  }
0x75: {  	p2 =	seq.s32 s11, $0xFC0;
	[sflag:s21] =	ssyncset.done $0x0  }
0x76: {  	s14 =	simm.s32 @p2 $0x3;
	[sflag:s21] =	ssyncadd.s32 $0xFFFFD800  }
0x77: {  	_ =	swait.ge @p2 [sflag:s14], $0x2800  }
0x78: {  	s15 =	sadd.s32 @p2 $0x500, s5;
	s7 =	simm.s32 @p2 $0x6;
	[sflag:s14] =	ssyncset.done @p2 $0x0  }
0x79: {  	s18 =	simm.s32 @p2 $0x5800;
	[sflag:s14] =	ssyncadd.s32 @p2 $0xFFFFD800;
	s14 =	simm.s32 @p2 $0x50  }
0x7a: {  	[spmem:s2] =	stream.indirect.scatter.add.f32 @p2 [tilespmem:s18], [sflag:$0x7], $0x80, s15, s14, $0xb8;
	[tilespmem:$0x1E100] =	vst v63  }
0x7b: {  	_ =	swait.ge @p2 [sflag:s7], $0x2800  }
0x7c: {  	[sflag:s7] =	ssyncset.done @p2 $0x0  }
0x7d: {  	[sflag:s7] =	ssyncadd.s32 @p2 $0xFFFFD800;
	s7 =	simm.s32 @!p2 $0x9  }
0x7e: {  	_ =	swait.ge @!p2 [sflag:s7], $0x200  }
0x7f: {  	[sflag:s7] =	ssyncset.done @!p2 $0x0  }
0x80: {  	[sflag:s7] =	ssyncadd.s32 @!p2 $0xFFFFFE00  }
0x81: {  	_ =	swait.ge @!p2 [sflag:s7], $0x200  }
0x82: {  	s16 =	sxor.u32 @!p2 $0x200, s5;
	s15 =	simm.s32 @!p2 $0x3;
	[sflag:s7] =	ssyncset.done @!p2 $0x0  }
0x83: {  	s18 =	simm.s32 @!p2 $0x800;
	[sflag:s7] =	ssyncadd.s32 @!p2 $0xFFFFFE00;
	s7 =	simm.s32 @!p2 $0x50  }
0x84: {  	[tilespmem:s18], [sflag:$0x1] =	stream.indirect.gather @!p2 [hbm4b:s13+s7], $0x80, s16, s7, $0xb8;
	[tilespmem:$0x1E100] =	vst v63  }
0x85: {  	_ =	swait.ge @!p2 [sflag:s15], $0x2800  }
0x86: {  	s23 =	sadd.s32 @!p2 $0x500, s5;
	[sflag:s15] =	ssyncset.done @!p2 $0x0  }
0x87: {  	s16 =	simm.s32 @!p2 $0x6;
	[sflag:s15] =	ssyncadd.s32 @!p2 $0xFFFFD800;
	s15 =	simm.s32 @!p2 $0x5800  }
0x88: {  	[spmem:s2] =	stream.indirect.scatter.add.f32 @!p2 [tilespmem:s15], [sflag:$0x7], $0x80, s23, s7, $0xb8;
	[tilespmem:$0x1E100] =	vst v63  }
0x89: {  	_ =	swait.ge @!p2 [sflag:s16], $0x2800  }
0x8a: {  	[sflag:s16] =	ssyncset.done @!p2 $0x0  }
0x8b: {  	s17 =	ssub.s32 @!p2 $0x280, s5;
	[sflag:s16] =	ssyncadd.s32 @!p2 $0xFFFFD800;
	s16 =	simm.s32 @!p2 $0x3000  }
0x8c: {  	[tilespmem:s16], [sflag:$0x2] =	stream.indirect.gather @!p2 [hbm4b:s13+s7], $0x80, s17, s7, $0xb8;
	[tilespmem:$0x1E100] =	vst v63  }
0x8d: {  	_ =	swait.ge [sflag:s22], $0x2800  }
0x8e: {  	[sflag:s22] =	ssyncset.done $0x0  }
0x8f: {  	s12 =	sor.u32 $0x400, s12;
	[sflag:s22] =	ssyncadd.s32 $0xFFFFD800  }
0x90: {  	[spmem:s2] =	stream.indirect.scatter.add.f32 [tilespmem:s0], [sflag:$0x8], $0x80, s12, s24, $0xb8;
	[tilespmem:$0x1E100] =	vst v63  }
0x91: {  	_ =	swait.ge [sflag:s26], $0x2800  }
0x92: {  	[sflag:s26] =	ssyncset.done $0x0  }
0x93: {  	s14 =	ssub.s32 @!p2 $0x300, s5;
	[sflag:s26] =	ssyncadd.s32 $0xFFFFD800  }
0x94: {  	[tilespmem:s15], [sflag:$0x3] =	stream.indirect.gather @!p2 [hbm4b:s13+s7], $0x80, s14, s7, $0xb8;
	[tilespmem:$0x1E100] =	vst v63  }
0x95: {  	_ =	swait.ge [sflag:s29], $0x2800  }
0x96: {  	s8 =	sadd.s32 $0x40, s8;
	p2 =	sgt.u32 s10, $0x3D;
	s7 =	rddreg [dreg:$0x4]  }
0x97: {  	p1 =	sne.s32 s8, $0x1000;
	s7 =	sadd.s32 @!p2 s11, s7  }
.Ltmp0:
0x98: {  	s11 =	sand.u32 @!p2 $0x40, s11;
	s7 =	sand.u32 @!p2 $0x1FF80, s7;
	(pc) =	sbr.rel @p1 .LBB2_2-.Ltmp0, $4  }
0x99: {  	[sflag:s29] =	ssyncset.done $0x0;
	s7 =	sor.u32 @!p2 s11, s7  }
0x9a: {  	[sflag:s29] =	ssyncadd.s32 $0xFFFFD800;
	s11 =	simm.s32 @!p2 $0x0;
	s12 =	sadd.s32 @!p2 s4, s7  }
0x9b: {  	[tilespmem:s5], [sflag:$0x9] =	stream.linear.gather @!p2 [hbm4b:s12+s11], $0x200, $0x38;
	[tilespmem:$0x1E100] =	vst v63  }
0x9c: {  	s9 =	sadd.s32 $0x200, s9;
	s10 =	sadd.s32 $0x1, s10;
	s5 =	sadd.s32 @!p2 s1, s7  }
0x9d: {  	[tilespmem:s6], [sflag:$0x9] =	stream.linear.gather @!p2 [hbm4b:s5+s11], $0x200, $0x38;
	[tilespmem:$0x1E100] =	vst v63  }
0x9e: {  	[bflag:$0x0] =	sbarrier.arrive $0xFFFF  }
0x9f: {  	s17 =	rddreg [dreg:$0x5]  }
0xa0: {  	s18 =	rddreg [dreg:$0xd]  }
0xa1: {  	s7 =	rddreg [dreg:$0x10];
	s5 =	sor.u32 $0x1C0B, s17  }
0xa2: {  	[hbm:s18], [sflag:s5] =	dma.local [spmem:s7], $0x2700  }
0xa3: {  	_ =	swait.ge [sflag:s19], $0x2700  }
0xa4: {  	[sflag:s19] =	ssyncset.done $0x0;
	s6 =	rddreg [dreg:$0xe]  }
0xa5: {  	s8 =	rddreg [dreg:$0x11];
	[sflag:s19] =	ssyncadd.s32 $0xFFFFD900  }
0xa6: {  	[hbm:s6], [sflag:s5] =	dma.local @!p0 [spmem:s8], $0x100  }
0xa7: {  	s5 =	simm.s32 @!p0 $0xB  }
0xa8: {  	_ =	swait.ge @!p0 [sflag:s5], $0x100  }
0xa9: {  	s30 =	sadd.s32 $0x1, s30;
	s23 =	rddreg [dreg:$0xf]  }
0xaa: {  	p1 =	sne.s32 s30, s23  }
.Ltmp1:
0xab: {  	_ = 	snop;
	(pc) =	sbr.rel @p1 .LBB2_1-.Ltmp1, $3  }
0xac: {  	_ =	sdelay $0x1  }
0xad: {  	[sflag:s5] =	ssyncset.done @!p0 $0x0  }
0xae: {  	[sflag:s5] =	ssyncadd.s32 @!p0 $0xFFFFFF00  }
0xaf: {  	_ =	sfence.sel $0x180000  }
0xb0: {  	[bflag:$0x0] =	sbarrier.arrive $0xFFFF  }
0xb1: {  	_ =	strace $0x9000004D  }
0xb2: {  	[bflag:$0x2] =	sbarrier.arrive $0xFFFF  }
0xb3: {  	s0 =	rddreg [dreg:$0x3]  }
0xb4: {  	s0 =	sadd.s32 @!p0 $0x100000, s0  }
0xb5: {  	[sflag:s0] =	ssyncadd.tile.s32 @!p0 $0x1;
	_ =	shalt  }
.Lfunc_end2:
_tile_overlayer_lowered:
.L_overlay_start_2:
0xb6: {  	(tag) =	ssettag $0x2  }
0xb7: {  	s0 =	rddreg [dreg:$0x0];
	s2 =	stileid.u32  }
0xb8: {  	s1 =	rddreg [dreg:$0x1];
	p0 =	sne.s32 s2, $0x0  }
0xb9: {  	s3 =	rddreg [dreg:$0x2];
	[bflag:$0x3] =	sbarrier.arrive $0xFFFF;
	s2 =	simm.s32 @!p0 $0x1C0B  }
0xba: {  	[timem:s3], [sflag:s2] =	dma.local @!p0 [hbm:s0], s1  }
0xbb: {  	s0 =	simm.s32 @!p0 $0xB  }
0xbc: {  	_ =	swait.ge @!p0 [sflag:s0], s1  }
0xbd: {  	s1 =	ssub.s32 @!p0 $0x0, s1;
	[sflag:s0] =	ssyncset.done @!p0 $0x0  }
0xbe: {  	[sflag:s0] =	ssyncadd.s32 @!p0 s1  }
0xbf: {  	[bflag:$0x3] =	sbarrier.arrive $0xFFFF  }
0xc0: {  	_ =	shalt  }

// kernel: kernel.19.cloned.1.call-start
scs
__scs_entry_jumppad:
0x0: {  	(pc) =	sbr.rel $0x88, $3  }
0x1: {  	(tag) =	ssettag $0x0;
	lr =	simm.s32 $0x1  }
0x2: {  	[smem:$0x3F99] =	sst lr;
	_ =	strace $0xD0000000  }
0x3: {  	_ = 	snop  }
0x4: {  	_ = 	snop  }
0x5: {  	_ = 	snop  }
0x6: {  	_ = 	snop  }
0x7: {  	_ = 	snop  }
__scs_overlays_trampoline_lowered:
0x8: {  	[smem:$0x3FA8] =	sst s0  }
0x9: {  	[smem:$0x3FA9] =	sst s1  }
0xa: {  	[smem:$0x3FAA] =	sst s2  }
0xb: {  	[smem:$0x3FAB] =	sst s3  }
0xc: {  	[smem:$0x3FAC] =	sst s4  }
0xd: {  	[smem:$0x3FAD] =	sst s5  }
0xe: {  	[smem:$0x3FAE] =	sst s6  }
0xf: {  	[smem:$0x3FAF] =	sst s7  }
0x10: {  	[smem:$0x3FB0] =	sst s8  }
0x11: {  	[smem:$0x3FB1] =	sst s9;
	s0 =	simm.s32 @!p0 $0x0  }
0x12: {  	s1 =	sld [smem:$0x3F97];
	s0 =	simm.s32 @p0 $0x1  }
0x13: {  	[smem:$0x3FB2] =	sst s0;
	s0 =	simm.s32 @!p1 $0x0  }
0x14: {  	s2 =	sld [smem:$0x3F96];
	s0 =	simm.s32 @p1 $0x1  }
0x15: {  	[smem:$0x3FB3] =	sst s0;
	s0 =	simm.s32 @!p2 $0x0  }
0x16: {  	s3 =	sld [smem:$0x3FDB];
	s0 =	simm.s32 @p2 $0x1  }
0x17: {  	s4 =	simm.s32 $0x1BF5;
	[smem:$0x3FB5] =	sst s0  }
0x18: {  	s0 =	sld [smem:$0x3F98];
	_ =	swait.ge [sflag:s4], $0x0  }
0x19: {  	s7 =	sld [smem:$0x3F99]  }
0x1a: {  	s8 =	sadd.s32 $0xFFFFE003, lr  }
0x1b: {  	s9 =	sadd.s32 $0xFFFFFEF7, lr;
	s5 =	simm.s32 $0xFFFFFFFF;
	p2 =	slt.u32 s8, $0xFFFFF086  }
0x1c: {  	p1 =	slt.u32 s9, $0xF7A;
	s5 =	simm.s32 @!p2 $0x0  }
0x1d: {  	s5 =	simm.s32 @p1 $0x1;
	p0 =	seq.s32 s7, s2  }
0x1e: {  	s7 =	smul.u32 @!p0 $0xF7A, s2;
	p2 =	seq.s32 @!p0 s5, $0x0  }
0x1f: {  	s9 =	smul.u32 $0xF7A, s1;
	s8 =	simm.s32 @!p0 $0x1BF5;
	p2 =	por !p2, p0  }
0x20: {  	[sflag:s8] =	ssyncset.s32 @!p0 $0xFFFFF086;
	s6 =	sadd.s32 @!p0 s3, s7;
	s7 =	simm.s32 @!p0 $0x108  }
0x21: {  	s3 =	sadd.s32 s3, s9;
	s6 =	sadd.s32 @!p0 $0x88, s6;
	s7 =	simm.s32 @p2 $0x1082  }
0x22: {  	[simem:s7], [sflag:s8] =	dma.local @!p0 [hbm:s6], $0xF7A  }
0x23: {  	s9 =	sor.u32 $0xD0000000, s2;
	s6 =	simm.s32 $0x108;
	_ =	swait.ge @!p0 [sflag:s8], $0x0  }
0x24: {  	s3 =	sadd.s32 $0x88, s3;
	s6 =	simm.s32 @!p1 $0x1082;
	[sflag:s4] =	ssyncset.s32 $0xFFFFF086  }
0x25: {  	[simem:s6], [sflag:s4] =	dma.local [hbm:s3], $0xF7A  }
0x26: {  	[smem:$0x3F99] =	sst s1;
	(tag) =	ssettag s2;
	_ =	strace s9  }
0x27: {  	s1 =	sld [smem:$0x3FA9]  }
0x28: {  	s2 =	sld [smem:$0x3FAA]  }
0x29: {  	s4 =	sld [smem:$0x3FAC]  }
0x2a: {  	p0 =	seq.s32 s5, $0x0;
	s5 =	sld [smem:$0x3FAD]  }
0x2b: {  	s6 =	sld [smem:$0x3FAE]  }
0x2c: {  	s7 =	sld [smem:$0x3FAF]  }
0x2d: {  	s3 =	simm.s32 $0x108;
	s8 =	sld [smem:$0x3FB0]  }
0x2e: {  	s3 =	simm.s32 @!p0 $0x1082;
	s9 =	sld [smem:$0x3FB1]  }
0x2f: {  	lr =	sadd.s32 s0, s3;
	s0 =	sld [smem:$0x3FA8]  }
0x30: {  	s3 =	sld [smem:$0x3FAB]  }
0x31: {  	[smem:$0x3FB4] =	sst s10  }
0x32: {  	s10 =	sld [smem:$0x3FB2];
	_ =	sdelay $0x3  }
0x33: {  	p0 =	seq.s32 s10, $0x1;
	s10 =	sld [smem:$0x3FB4];
	_ =	sdelay $0x3  }
0x34: {  	[smem:$0x3FB4] =	sst s10  }
0x35: {  	s10 =	sld [smem:$0x3FB3];
	_ =	sdelay $0x3  }
0x36: {  	p1 =	seq.s32 s10, $0x1;
	s10 =	sld [smem:$0x3FB4];
	_ =	sdelay $0x3  }
0x37: {  	[smem:$0x3FB4] =	sst s10  }
0x38: {  	s10 =	sld [smem:$0x3FB5]  }
0x39: {  	_ = 	snop;
	(pc) =	sbr.ind lr, $3  }
0x3a: {  	_ = 	snop  }
0x3b: {  	_ = 	snop  }
0x3c: {  	p2 =	seq.s32 s10, $0x1;
	s10 =	sld [smem:$0x3FB4]  }
0x3d: {  	_ =	shalt  }
0x3e: {  	_ =	shalt  }
0x3f: {  	_ =	shalt  }
0x40: {  	_ =	shalt  }
0x41: {  	_ =	shalt  }
0x42: {  	_ =	shalt  }
0x43: {  	_ =	shalt  }
0x44: {  	_ =	shalt  }
0x45: {  	_ =	shalt  }
0x46: {  	_ =	shalt  }
0x47: {  	_ =	shalt  }
0x48: {  	_ =	shalt  }
0x49: {  	_ =	shalt  }
0x4a: {  	_ =	shalt  }
0x4b: {  	_ =	shalt  }
0x4c: {  	_ =	shalt  }
0x4d: {  	_ =	shalt  }
0x4e: {  	_ =	shalt  }
0x4f: {  	_ =	shalt  }
0x50: {  	_ =	shalt  }
0x51: {  	_ =	shalt  }
0x52: {  	_ =	shalt  }
0x53: {  	_ =	shalt  }
0x54: {  	_ =	shalt  }
0x55: {  	_ =	shalt  }
0x56: {  	_ =	shalt  }
0x57: {  	_ =	shalt  }
0x58: {  	_ =	shalt  }
0x59: {  	_ =	shalt  }
0x5a: {  	_ =	shalt  }
0x5b: {  	_ =	shalt  }
0x5c: {  	_ =	shalt  }
0x5d: {  	_ =	shalt  }
0x5e: {  	_ =	shalt  }
0x5f: {  	_ =	shalt  }
0x60: {  	_ =	shalt  }
0x61: {  	_ =	shalt  }
0x62: {  	_ =	shalt  }
0x63: {  	_ =	shalt  }
0x64: {  	_ =	shalt  }
0x65: {  	_ =	shalt  }
0x66: {  	_ =	shalt  }
0x67: {  	_ =	shalt  }
0x68: {  	_ =	shalt  }
0x69: {  	_ =	shalt  }
0x6a: {  	_ =	shalt  }
0x6b: {  	_ =	shalt  }
0x6c: {  	_ =	shalt  }
0x6d: {  	_ =	shalt  }
0x6e: {  	_ =	shalt  }
0x6f: {  	_ =	shalt  }
0x70: {  	_ =	shalt  }
0x71: {  	_ =	shalt  }
0x72: {  	_ =	shalt  }
0x73: {  	_ =	shalt  }
0x74: {  	_ =	shalt  }
0x75: {  	_ =	shalt  }
0x76: {  	_ =	shalt  }
0x77: {  	_ =	shalt  }
0x78: {  	_ =	shalt  }
0x79: {  	_ =	shalt  }
0x7a: {  	_ =	shalt  }
0x7b: {  	_ =	shalt  }
0x7c: {  	_ =	shalt  }
0x7d: {  	_ =	shalt  }
0x7e: {  	_ =	shalt  }
0x7f: {  	_ =	shalt  }
0x80: {  	_ =	shalt  }
0x81: {  	_ =	shalt  }
0x82: {  	_ =	shalt  }
0x83: {  	_ =	shalt  }
0x84: {  	_ =	shalt  }
0x85: {  	_ =	shalt  }
0x86: {  	_ =	shalt  }
0x87: {  	_ =	shalt  }
.Lfunc_end0:
.L_simem_size_0:
called_computation.3_lowered:
.L_overlay_start_0:
0x88: {  	s2 =	sld [smem:$0x3FD9]  }
0x89: {  	s3 =	sld [smem:$0x3FFE];
	_ =	sdelay $0x1  }
0x8a: {  	s1 =	srdreg.scid  }
0x8b: {  	s0 =	sand.u32 $0x1, s1  }
0x8c: {  	s17 =	sshll.u32 s0, $0xA;
	s2 =	sadd.s32 s3, s2  }
0x8d: {  	s2 =	sadd.s32 s2, s17  }
0x8e: {  	[smem:$0x3FC0] =	sst s2  }
0x8f: {  	_ = 	snop  }
0x90: {  	s2 =	sld [smem:$0x3FD0];
	(tm) =	ssettm $0x1  }
0x91: {  	s18 =	sld [smem:$0x3FFB];
	_ =	sdelay $0x3  }
0x92: {  	_ =	strace s18  }
0x93: {  	s3 =	sld [smem:$0x3FFC];
	_ =	sdelay $0x3  }
0x94: {  	_ =	strace s3  }
0x95: {  	s3 =	sld [smem:$0x3FFD];
	_ =	sdelay $0x3  }
0x96: {  	_ =	strace s3  }
0x97: {  	_ =	strace $0x8FFFFFFF  }
0x98: {  	s19 =	sld [smem:$0x3FDB];
	_ =	sdelay $0x1  }
0x99: {  	s4 =	simm.s32 $_scs_section_size  }
0x9a: {  	s5 =	simm.s32 $_size__tile_overlayer_lowered;
	s6 =	simm.s32 $_tile_overlayer_lowered  }
0x9b: {  	s22 =	simm.s32 $0x1BFF;
	s21 =	sshll.u32 s6, $0x1;
	s3 =	sadd.s32 s4, s19  }
0x9c: {  	s7 =	simm.s32 $0x0;
	s20 =	sshll.u32 s5, $0x1;
	s5 =	sadd.s32 s21, s3  }
0x9d: {  	[timem:s7], [sflag:s22] =	dma.local [hbm:s5], s20  }
0x9e: {  	_ =	swait.ge [sflag:s22], s20  }
0x9f: {  	s4 =	ssub.s32 $0x0, s20;
	[sflag:s22] =	ssyncset.done $0x0  }
0xa0: {  	[sflag:s22] =	ssyncadd.s32 s4;
	_ =	sdelay $0x1  }
0xa1: {  	s23 =	simm.s32 $0x1B8B  }
0xa2: {  	_ =	swait.ge [sflag:s23], $0x1  }
0xa3: {  	[sflag:s23] =	ssyncset.done $0x0  }
0xa4: {  	s25 =	simm.s32 $0x1B8E;
	s24 =	sld [smem:$0x3FFE];
	[sflag:s23] =	ssyncadd.s32 $0xFFFFFFFF  }
0xa5: {  	s26 =	simm.s32 $execute0_lowered;
	[smem:$0x3FD2] =	sst s25  }
0xa6: {  	s5 =	sshll.u32 s26, $0x1;
	_ =	strace $0x8000004F;
	[dreg:$0x1] =	wrdreg $0xFFFFFFFF  }
0xa7: {  	s28 =	simm.s32 $_size_execute0_lowered;
	s3 =	sadd.s32 s3, s5;
	[dreg:$0x0] =	wrdreg $0x0  }
0xa8: {  	s5 =	sshll.u32 s28, $0x1;
	[dreg:$0x2] =	wrdreg s3  }
0xa9: {  	[dreg:$0x3] =	wrdreg s5  }
0xaa: {  	[dreg:$0x4] =	wrdreg $0xC0  }
0xab: {  	_ =	task [dreg:s7], $0x5FFFF  }
0xac: {  	[dreg:$0x1] =	wrdreg $0xFFFFFFFF  }
0xad: {  	[dreg:$0x0] =	wrdreg $0x60  }
0xae: {  	[dreg:$0x2] =	wrdreg s24  }
0xaf: {  	[dreg:$0x3] =	wrdreg s2  }
0xb0: {  	[dreg:$0x4] =	wrdreg $0xA8000  }
0xb1: {  	[dreg:$0x5] =	wrdreg $0x9  }
0xb2: {  	_ =	task.clear_ibuf [dreg:s7], $0x6FFFF;
	_ =	strace $0x9000004F  }
0xb3: {  	s29 =	simm.s32 $0x9;
	_ =	strace $0x80000051  }
0xb4: {  	_ =	swait.ge [sflag:s29], $0x1  }
0xb5: {  	[sflag:s29] =	ssyncadd.s32 $0xFFFFFFFF  }
0xb6: {  	_ =	strace $0x90000051  }
0xb7: {  	_ =	sfence  }
0xb8: {  	s30 =	sld [smem:$0x0];
	_ =	sdelay $0x2  }
0xb9: {  	s31 =	sshll.u32 s1, $0xD;
	s1 =	sshrl.u32 s1, $0x2  }
0xba: {  	s3 =	sand.u32 $0x4000, s31;
	s1 =	sadd.s32 s1, s30  }
0xbb: {  	s0 =	sor.u32 s3, s0;
	s1 =	sshll.u32 s1, $0x11  }
0xbc: {  	s0 =	sor.u32 s1, s0  }
0xbd: {  	s0 =	sadd.s32 $0x8F2B, s0  }
0xbe: {  	[sflag:s0] =	ssyncadd.remote.s32 $0x1  }
0xbf: {  	_ =	sfence.sel $0xFFFF  }
0xc0: {  	[dreg:$0x0] =	wrdreg $0xFFFFFFFF;
	(pc) =	sbr.abs _section_cstart, $3  }
0xc1: {  	[dreg:$0x1] =	wrdreg $0xFFFFFFFF  }
0xc2: {  	_ =	task.clear_ibuf [dreg:s7], $0x2FFFF;
	_ =	strace $0x9FFFFFFF  }
0xc3: {  	(tm) =	ssettm $0x7FFFFFFF  }
tec
execute0_lowered:
.L_overlay_start_1:
0x0: {  	(tag) =	ssettag $0x1  }
0x1: {  	s0 =	rddreg [dreg:$0x0]  }
0x2: {  	s1 =	rddreg [dreg:$0x1]  }
0x3: {  	s2 =	rddreg [dreg:$0x2]  }
0x4: {  	s3 =	simm.s32 $0x0;
	s6 =	stileid.u32;
	s5 =	srdreg.scid  }
0x5: {  	s28 =	simm.s32 $0x3000;
	s31 =	simm.s32 $0x1;
	s29 =	simm.s32 $0x8  }
0x6: {  	s30 =	simm.s32 $0x0;
	[smem:$0x7FF] =	sst s3;
	s7 =	smul.u32 $0x13800, s6  }
0x7: {  	s4 =	sadd.s32 $0x2AA00, s0;
	s9 =	sand.u32 $0x1, s5;
	s5 =	sadd.s32 $0x78C00, s0  }
0x8: {  	s11 =	sadd.s32 $0x88C00, s0;
	s13 =	smul.u32 $0x4E000, s6;
	s14 =	sshll.u32 s6, $0xB  }
0x9: {  	s17 =	sshll.u32 s6, $0x6;
	p0 =	sne.s32 s6, $0x0;
	_ =	strace $0x80000050  }
0xa: {  	s10 =	ssub.s32 $0x2, s9;
	s16 =	sshll.u32 s9, $0xF;
	[dreg:$0x5] =	wrdreg s17  }
0xb: {  	s18 =	sor.u32 $0x1C0A, s17;
	s19 =	smul.u32 $0x138800, s9;
	s8 =	sshrl.u32 s7, $0x3  }
0xc: {  	s12 =	sshrl.u32 s10, $0x1;
	s13 =	sshrl.u32 s13, $0x2;
	[dreg:$0x7] =	wrdreg s18  }
0xd: {  	s18 =	sadd.s32 $0x138000, s2;
	s8 =	sadd.s32 s8, s0;
	s10 =	ssub.s32 s10, s12  }
0xe: {  	s12 =	sor.u32 s14, s16;
	s13 =	sadd.s32 s13, s2;
	s0 =	sadd.s32 $0x2A800, s0  }
0xf: {  	s7 =	sadd.s32 s7, s19;
	s9 =	sshrl.u32 @!p0 s18, $0x3;
	[dreg:$0x8] =	wrdreg s0  }
0x10: {  	s8 =	sadd.s32 $0x3800, s8;
	s20 =	sadd.s32 s5, s12;
	[dreg:$0x11] =	wrdreg s9  }
0x11: {  	s21 =	sadd.s32 s1, s12;
	s22 =	sor.u32 $0x40, s12;
	[dreg:$0x6] =	wrdreg s8  }
0x12: {  	s0 =	sshrl.u32 s19, $0x3;
	s7 =	sshrl.u32 s7, $0x3;
	[dreg:$0x9] =	wrdreg s20  }
0x13: {  	s25 =	sor.u32 $0x80, s12;
	s26 =	smax.u32 s10, $0x1;
	[dreg:$0xa] =	wrdreg s21  }
0x14: {  	s19 =	simm.s32 $0xB;
	s23 =	sadd.s32 s5, s22;
	[dreg:$0xf] =	wrdreg s26  }
0x15: {  	s24 =	sadd.s32 s1, s22;
	s0 =	sadd.s32 s11, s0;
	[dreg:$0x4] =	wrdreg s25  }
0x16: {  	s7 =	sadd.s32 s11, s7;
	s8 =	sshrl.u32 s13, $0x3;
	[dreg:$0xb] =	wrdreg s23  }
0x17: {  	s25 =	simm.s32 $0x800;
	s20 =	simm.s32 $0x2;
	[dreg:$0xc] =	wrdreg s24  }
0x18: {  	s21 =	simm.s32 $0x5;
	s22 =	simm.s32 $0x4;
	[dreg:$0xd] =	wrdreg s7  }
0x19: {  	s26 =	simm.s32 $0x7;
	s0 =	sadd.s32 $0x27000, s0;
	[dreg:$0x10] =	wrdreg s8  }
0x1a: {  	s24 =	simm.s32 $0x50;
	[dreg:$0xe] =	wrdreg s0;
	s0 =	simm.s32 $0x8000  }
.LBB2_1:
0x1b: {  	s6 =	rddreg [dreg:$0x6]  }
0x1c: {  	s7 =	rddreg [dreg:$0x7]  }
0x1d: {  	[spmem:s8], [sflag:s7] =	dma.local [hbm:s6], $0x2700  }
0x1e: {  	s6 =	rddreg [dreg:$0x8]  }
0x1f: {  	[spmem:s9], [sflag:s7] =	dma.local @!p0 [hbm:s6], $0x200  }
0x20: {  	s6 =	rddreg [dreg:$0x9]  }
0x21: {  	[tilespmem:s3], [sflag:$0xB] =	stream.linear.gather [hbm4b:s6+s3], $0x200, $0x38;
	[tilespmem:$0x1E100] =	vst v63  }
0x22: {  	_ =	swait.ge [sflag:s19], $0x200  }
0x23: {  	[sflag:s19] =	ssyncset.done $0x0  }
0x24: {  	s10 =	simm.s32 $0x400;
	s9 =	rddreg [dreg:$0xa];
	[sflag:s19] =	ssyncadd.s32 $0xFFFFFE00  }
0x25: {  	[tilespmem:s10], [sflag:$0xB] =	stream.linear.gather [hbm4b:s9+s3], $0x200, $0x38;
	[tilespmem:$0x1E100] =	vst v63  }
0x26: {  	_ =	swait.ge [sflag:s19], $0x200  }
0x27: {  	[sflag:s19] =	ssyncset.done $0x0  }
0x28: {  	s12 =	simm.s32 $0x200;
	s11 =	rddreg [dreg:$0xb];
	[sflag:s19] =	ssyncadd.s32 $0xFFFFFE00  }
0x29: {  	[tilespmem:s12], [sflag:$0x9] =	stream.linear.gather [hbm4b:s11+s3], $0x200, $0x38;
	[tilespmem:$0x1E100] =	vst v63  }
0x2a: {  	s14 =	simm.s32 $0x600;
	s15 =	simm.s32 $0xA;
	s13 =	rddreg [dreg:$0xc]  }
0x2b: {  	[tilespmem:s14], [sflag:$0x9] =	stream.linear.gather [hbm4b:s13+s3], $0x200, $0x38;
	[tilespmem:$0x1E100] =	vst v63  }
0x2c: {  	_ =	swait.ge [sflag:s15], $0x2700  }
0x2d: {  	[sflag:s15] =	ssyncset.done $0x0  }
0x2e: {  	s6 =	simm.s32 @!p0 $0xA;
	[sflag:s15] =	ssyncadd.s32 $0xFFFFD900  }
0x2f: {  	_ =	swait.ge @!p0 [sflag:s6], $0x200  }
0x30: {  	[sflag:s6] =	ssyncset.done @!p0 $0x0  }
0x31: {  	[sflag:s6] =	ssyncadd.s32 @!p0 $0xFFFFFE00  }
0x32: {  	[bflag:$0x0] =	sbarrier.arrive $0xFFFF  }
0x33: {  	[tilespmem:s25], [sflag:$0x1] =	stream.indirect.gather [hbm4b:s4+s24], $0x80, s3, s24, $0xb8;
	[tilespmem:$0x1E100] =	vst v63  }
0x34: {  	s16 =	simm.s32 $0x80  }
0x35: {  	[tilespmem:s28], [sflag:$0x2] =	stream.indirect.gather [hbm4b:s4+s24], $0x80, s16, s24, $0xb8;
	[tilespmem:$0x1E100] =	vst v63  }
0x36: {  	s17 =	simm.s32 $0x100;
	s18 =	simm.s32 $0x5800  }
0x37: {  	[tilespmem:s18], [sflag:$0x3] =	stream.indirect.gather [hbm4b:s4+s24], $0x80, s17, s24, $0xb8;
	[tilespmem:$0x1E100] =	vst v63  }
0x38: {  	_ =	swait.ge [sflag:s31], $0x2800  }
0x39: {  	s6 =	sand.u32 $0x200, s3;
	[sflag:s31] =	ssyncset.done $0x0  }
0x3a: {  	s7 =	sor.u32 $0x400, s6;
	[sflag:s31] =	ssyncadd.s32 $0xFFFFD800  }
0x3b: {  	[spmem:s2] =	stream.indirect.scatter.add.f32 [tilespmem:s25], [sflag:$0x5], $0x80, s7, s24, $0xb8;
	[tilespmem:$0x1E100] =	vst v63  }
0x3c: {  	s23 =	sor.u32 $0x180, s6  }
0x3d: {  	[tilespmem:s0], [sflag:$0x4] =	stream.indirect.gather [hbm4b:s4+s24], $0x80, s23, s24, $0xb8;
	[tilespmem:$0x1E100] =	vst v63  }
0x3e: {  	_ =	swait.ge [sflag:s20], $0x2800  }
0x3f: {  	[sflag:s20] =	ssyncset.done $0x0  }
0x40: {  	s10 =	sor.u32 $0x480, s6;
	[sflag:s20] =	ssyncadd.s32 $0xFFFFD800  }
0x41: {  	[spmem:s2] =	stream.indirect.scatter.add.f32 [tilespmem:s28], [sflag:$0x6], $0x80, s10, s24, $0xb8;
	[tilespmem:$0x1E100] =	vst v63  }
0x42: {  	_ =	swait.ge [sflag:s21], $0x2800  }
0x43: {  	p1 =	por $0x0, $0x0;
	[sflag:s21] =	ssyncset.done $0x0  }
0x44: {  	s10 =	simm.s32 @p1 $0x3;
	[sflag:s21] =	ssyncadd.s32 $0xFFFFD800  }
0x45: {  	_ =	swait.ge @p1 [sflag:s10], $0x2800  }
0x46: {  	s12 =	simm.s32 @p1 $0x6;
	s13 =	simm.s32 @p1 $0x5800;
	[sflag:s10] =	ssyncset.done @p1 $0x0  }
0x47: {  	s11 =	sadd.s32 @p1 $0x500, s6;
	[sflag:s10] =	ssyncadd.s32 @p1 $0xFFFFD800;
	s10 =	simm.s32 @p1 $0x50  }
0x48: {  	[spmem:s2] =	stream.indirect.scatter.add.f32 @p1 [tilespmem:s13], [sflag:$0x7], $0x80, s11, s10, $0xb8;
	[tilespmem:$0x1E100] =	vst v63  }
0x49: {  	_ =	swait.ge @p1 [sflag:s12], $0x2800  }
0x4a: {  	[sflag:s12] =	ssyncset.done @p1 $0x0  }
0x4b: {  	s10 =	simm.s32 @!p1 $0x9;
	[sflag:s12] =	ssyncadd.s32 @p1 $0xFFFFD800  }
0x4c: {  	_ =	swait.ge @!p1 [sflag:s10], $0x200  }
0x4d: {  	[sflag:s10] =	ssyncset.done @!p1 $0x0  }
0x4e: {  	[sflag:s10] =	ssyncadd.s32 @!p1 $0xFFFFFE00  }
0x4f: {  	_ =	swait.ge @!p1 [sflag:s10], $0x200  }
0x50: {  	s11 =	sxor.u32 @!p1 $0x200, s6;
	s13 =	simm.s32 @!p1 $0x800;
	[sflag:s10] =	ssyncset.done @!p1 $0x0  }
0x51: {  	s12 =	simm.s32 @!p1 $0x3;
	[sflag:s10] =	ssyncadd.s32 @!p1 $0xFFFFFE00;
	s10 =	simm.s32 @!p1 $0x50  }
0x52: {  	[tilespmem:s13], [sflag:$0x1] =	stream.indirect.gather @!p1 [hbm4b:s4+s10], $0x80, s11, s10, $0xb8;
	[tilespmem:$0x1E100] =	vst v63  }
0x53: {  	_ =	swait.ge @!p1 [sflag:s12], $0x2800  }
0x54: {  	s11 =	sadd.s32 @!p1 $0x500, s6;
	[sflag:s12] =	ssyncset.done @!p1 $0x0  }
0x55: {  	s13 =	simm.s32 @!p1 $0x6;
	[sflag:s12] =	ssyncadd.s32 @!p1 $0xFFFFD800;
	s12 =	simm.s32 @!p1 $0x5800  }
0x56: {  	[spmem:s2] =	stream.indirect.scatter.add.f32 @!p1 [tilespmem:s12], [sflag:$0x7], $0x80, s11, s10, $0xb8;
	[tilespmem:$0x1E100] =	vst v63  }
0x57: {  	_ =	swait.ge @!p1 [sflag:s13], $0x2800  }
0x58: {  	[sflag:s13] =	ssyncset.done @!p1 $0x0  }
0x59: {  	s11 =	ssub.s32 @!p1 $0x280, s6;
	[sflag:s13] =	ssyncadd.s32 @!p1 $0xFFFFD800;
	s13 =	simm.s32 @!p1 $0x3000  }
0x5a: {  	[tilespmem:s13], [sflag:$0x2] =	stream.indirect.gather @!p1 [hbm4b:s4+s10], $0x80, s11, s10, $0xb8;
	[tilespmem:$0x1E100] =	vst v63  }
0x5b: {  	_ =	swait.ge [sflag:s22], $0x2800  }
0x5c: {  	[sflag:s22] =	ssyncset.done $0x0  }
0x5d: {  	s9 =	sor.u32 $0x400, s23;
	[sflag:s22] =	ssyncadd.s32 $0xFFFFD800  }
0x5e: {  	[spmem:s2] =	stream.indirect.scatter.add.f32 [tilespmem:s0], [sflag:$0x8], $0x80, s9, s24, $0xb8;
	[tilespmem:$0x1E100] =	vst v63  }
0x5f: {  	_ =	swait.ge [sflag:s26], $0x2800  }
0x60: {  	[sflag:s26] =	ssyncset.done $0x0  }
0x61: {  	s9 =	ssub.s32 @!p1 $0x300, s6;
	[sflag:s26] =	ssyncadd.s32 $0xFFFFD800  }
0x62: {  	[tilespmem:s12], [sflag:$0x3] =	stream.indirect.gather @!p1 [hbm4b:s4+s10], $0x80, s9, s10, $0xb8;
	[tilespmem:$0x1E100] =	vst v63  }
0x63: {  	_ =	swait.ge [sflag:s29], $0x2800  }
0x64: {  	p2 =	por $0x0, $0x0;
	s9 =	rddreg [dreg:$0x4]  }
0x65: {  	s9 =	sadd.s32 @!p2 $0x0, s9  }
0x66: {  	s10 =	sand.u32 @!p2 $0x40, s3;
	s9 =	sand.u32 @!p2 $0x1FF80, s9  }
0x67: {  	s11 =	simm.s32 $0x1;
	[sflag:s29] =	ssyncset.done $0x0;
	s10 =	sor.u32 @!p2 s10, s9  }
0x68: {  	s12 =	simm.s32 @!p2 $0x0;
	[sflag:s29] =	ssyncadd.s32 $0xFFFFD800;
	s9 =	sadd.s32 @!p2 s5, s10  }
0x69: {  	[tilespmem:s6], [sflag:$0x9] =	stream.linear.gather @!p2 [hbm4b:s9+s12], $0x200, $0x38;
	[tilespmem:$0x1E100] =	vst v63  }
0x6a: {  	s9 =	simm.s32 $0x40;
	s6 =	sadd.s32 @!p2 s1, s10;
	s10 =	simm.s32 $0x200  }
.LBB2_2:
0x6b: {  	[tilespmem:s7], [sflag:$0x9] =	stream.linear.gather @!p2 [hbm4b:s6+s12], $0x200, $0x38;
	[tilespmem:$0x1E100] =	vst v63  }
0x6c: {  	_ =	swait.ge [sflag:s31], $0x2800  }
0x6d: {  	s6 =	sand.u32 $0x200, s10;
	[sflag:s31] =	ssyncset.done $0x0  }
0x6e: {  	s7 =	sor.u32 $0x400, s6;
	[sflag:s31] =	ssyncadd.s32 $0xFFFFD800  }
0x6f: {  	[spmem:s2] =	stream.indirect.scatter.add.f32 [tilespmem:s25], [sflag:$0x5], $0x80, s7, s24, $0xb8;
	[tilespmem:$0x1E100] =	vst v63  }
0x70: {  	s13 =	sor.u32 $0x180, s6  }
0x71: {  	[tilespmem:s0], [sflag:$0x4] =	stream.indirect.gather [hbm4b:s4+s24], $0x80, s13, s24, $0xb8;
	[tilespmem:$0x1E100] =	vst v63  }
0x72: {  	_ =	swait.ge [sflag:s20], $0x2800  }
0x73: {  	[sflag:s20] =	ssyncset.done $0x0  }
0x74: {  	s14 =	sor.u32 $0x480, s6;
	[sflag:s20] =	ssyncadd.s32 $0xFFFFD800  }
0x75: {  	[spmem:s2] =	stream.indirect.scatter.add.f32 [tilespmem:s28], [sflag:$0x6], $0x80, s14, s24, $0xb8;
	[tilespmem:$0x1E100] =	vst v63  }
0x76: {  	s12 =	smov.u32 s9;
	_ =	swait.ge [sflag:s21], $0x2800  }
0x77: {  	p2 =	seq.s32 s12, $0x7C0;
	[sflag:s21] =	ssyncset.done $0x0  }
0x78: {  	s14 =	simm.s32 @p2 $0x3;
	[sflag:s21] =	ssyncadd.s32 $0xFFFFD800  }
0x79: {  	_ =	swait.ge @p2 [sflag:s14], $0x2800  }
0x7a: {  	s15 =	sadd.s32 @p2 $0x500, s6;
	s8 =	simm.s32 @p2 $0x6;
	[sflag:s14] =	ssyncset.done @p2 $0x0  }
0x7b: {  	s18 =	simm.s32 @p2 $0x5800;
	[sflag:s14] =	ssyncadd.s32 @p2 $0xFFFFD800;
	s14 =	simm.s32 @p2 $0x50  }
0x7c: {  	[spmem:s2] =	stream.indirect.scatter.add.f32 @p2 [tilespmem:s18], [sflag:$0x7], $0x80, s15, s14, $0xb8;
	[tilespmem:$0x1E100] =	vst v63  }
0x7d: {  	_ =	swait.ge @p2 [sflag:s8], $0x2800  }
0x7e: {  	[sflag:s8] =	ssyncset.done @p2 $0x0  }
0x7f: {  	[sflag:s8] =	ssyncadd.s32 @p2 $0xFFFFD800;
	s8 =	simm.s32 @!p2 $0x9  }
0x80: {  	_ =	swait.ge @!p2 [sflag:s8], $0x200  }
0x81: {  	[sflag:s8] =	ssyncset.done @!p2 $0x0  }
0x82: {  	[sflag:s8] =	ssyncadd.s32 @!p2 $0xFFFFFE00  }
0x83: {  	_ =	swait.ge @!p2 [sflag:s8], $0x200  }
0x84: {  	s16 =	sxor.u32 @!p2 $0x200, s6;
	s15 =	simm.s32 @!p2 $0x3;
	[sflag:s8] =	ssyncset.done @!p2 $0x0  }
0x85: {  	s18 =	simm.s32 @!p2 $0x800;
	[sflag:s8] =	ssyncadd.s32 @!p2 $0xFFFFFE00;
	s8 =	simm.s32 @!p2 $0x50  }
0x86: {  	[tilespmem:s18], [sflag:$0x1] =	stream.indirect.gather @!p2 [hbm4b:s4+s8], $0x80, s16, s8, $0xb8;
	[tilespmem:$0x1E100] =	vst v63  }
0x87: {  	_ =	swait.ge @!p2 [sflag:s15], $0x2800  }
0x88: {  	s23 =	sadd.s32 @!p2 $0x500, s6;
	[sflag:s15] =	ssyncset.done @!p2 $0x0  }
0x89: {  	s16 =	simm.s32 @!p2 $0x6;
	[sflag:s15] =	ssyncadd.s32 @!p2 $0xFFFFD800;
	s15 =	simm.s32 @!p2 $0x5800  }
0x8a: {  	[spmem:s2] =	stream.indirect.scatter.add.f32 @!p2 [tilespmem:s15], [sflag:$0x7], $0x80, s23, s8, $0xb8;
	[tilespmem:$0x1E100] =	vst v63  }
0x8b: {  	_ =	swait.ge @!p2 [sflag:s16], $0x2800  }
0x8c: {  	[sflag:s16] =	ssyncset.done @!p2 $0x0  }
0x8d: {  	s17 =	ssub.s32 @!p2 $0x280, s6;
	[sflag:s16] =	ssyncadd.s32 @!p2 $0xFFFFD800;
	s16 =	simm.s32 @!p2 $0x3000  }
0x8e: {  	[tilespmem:s16], [sflag:$0x2] =	stream.indirect.gather @!p2 [hbm4b:s4+s8], $0x80, s17, s8, $0xb8;
	[tilespmem:$0x1E100] =	vst v63  }
0x8f: {  	_ =	swait.ge [sflag:s22], $0x2800  }
0x90: {  	[sflag:s22] =	ssyncset.done $0x0  }
0x91: {  	s13 =	sor.u32 $0x400, s13;
	[sflag:s22] =	ssyncadd.s32 $0xFFFFD800  }
0x92: {  	[spmem:s2] =	stream.indirect.scatter.add.f32 [tilespmem:s0], [sflag:$0x8], $0x80, s13, s24, $0xb8;
	[tilespmem:$0x1E100] =	vst v63  }
0x93: {  	_ =	swait.ge [sflag:s26], $0x2800  }
0x94: {  	[sflag:s26] =	ssyncset.done $0x0  }
0x95: {  	s14 =	ssub.s32 @!p2 $0x300, s6;
	[sflag:s26] =	ssyncadd.s32 $0xFFFFD800  }
0x96: {  	[tilespmem:s15], [sflag:$0x3] =	stream.indirect.gather @!p2 [hbm4b:s4+s8], $0x80, s14, s8, $0xb8;
	[tilespmem:$0x1E100] =	vst v63  }
0x97: {  	_ =	swait.ge [sflag:s29], $0x2800  }
0x98: {  	s9 =	sadd.s32 $0x40, s9;
	p2 =	sgt.u32 s11, $0x1D;
	s8 =	rddreg [dreg:$0x4]  }
0x99: {  	p1 =	sne.s32 s9, $0x800;
	s8 =	sadd.s32 @!p2 s12, s8  }
.Ltmp0:
0x9a: {  	s12 =	sand.u32 @!p2 $0x40, s12;
	s8 =	sand.u32 @!p2 $0x1FF80, s8;
	(pc) =	sbr.rel @p1 .LBB2_2-.Ltmp0, $4  }
0x9b: {  	[sflag:s29] =	ssyncset.done $0x0;
	s8 =	sor.u32 @!p2 s12, s8  }
0x9c: {  	[sflag:s29] =	ssyncadd.s32 $0xFFFFD800;
	s12 =	simm.s32 @!p2 $0x0;
	s13 =	sadd.s32 @!p2 s5, s8  }
0x9d: {  	[tilespmem:s6], [sflag:$0x9] =	stream.linear.gather @!p2 [hbm4b:s13+s12], $0x200, $0x38;
	[tilespmem:$0x1E100] =	vst v63  }
0x9e: {  	s10 =	sadd.s32 $0x200, s10;
	s11 =	sadd.s32 $0x1, s11;
	s6 =	sadd.s32 @!p2 s1, s8  }
0x9f: {  	[tilespmem:s7], [sflag:$0x9] =	stream.linear.gather @!p2 [hbm4b:s6+s12], $0x200, $0x38;
	[tilespmem:$0x1E100] =	vst v63  }
0xa0: {  	[bflag:$0x0] =	sbarrier.arrive $0xFFFF  }
0xa1: {  	s17 =	rddreg [dreg:$0x5]  }
0xa2: {  	s18 =	rddreg [dreg:$0xd]  }
0xa3: {  	s8 =	rddreg [dreg:$0x10];
	s6 =	sor.u32 $0x1C0B, s17  }
0xa4: {  	[hbm:s18], [sflag:s6] =	dma.local [spmem:s8], $0x2700  }
0xa5: {  	_ =	swait.ge [sflag:s19], $0x2700  }
0xa6: {  	[sflag:s19] =	ssyncset.done $0x0;
	s7 =	rddreg [dreg:$0xe]  }
0xa7: {  	s9 =	rddreg [dreg:$0x11];
	[sflag:s19] =	ssyncadd.s32 $0xFFFFD900  }
0xa8: {  	[hbm:s7], [sflag:s6] =	dma.local @!p0 [spmem:s9], $0x100  }
0xa9: {  	s6 =	simm.s32 @!p0 $0xB  }
0xaa: {  	_ =	swait.ge @!p0 [sflag:s6], $0x100  }
0xab: {  	s30 =	sadd.s32 $0x1, s30;
	s23 =	rddreg [dreg:$0xf]  }
0xac: {  	p1 =	sne.s32 s30, s23  }
.Ltmp1:
0xad: {  	_ = 	snop;
	(pc) =	sbr.rel @p1 .LBB2_1-.Ltmp1, $3  }
0xae: {  	_ =	sdelay $0x1  }
0xaf: {  	[sflag:s6] =	ssyncset.done @!p0 $0x0  }
0xb0: {  	[sflag:s6] =	ssyncadd.s32 @!p0 $0xFFFFFF00  }
0xb1: {  	_ =	sfence.sel $0x180000  }
0xb2: {  	[bflag:$0x0] =	sbarrier.arrive $0xFFFF  }
0xb3: {  	_ =	strace $0x90000050  }
0xb4: {  	[bflag:$0x2] =	sbarrier.arrive $0xFFFF  }
0xb5: {  	s0 =	rddreg [dreg:$0x3]  }
0xb6: {  	s0 =	sadd.s32 @!p0 $0x100000, s0  }
0xb7: {  	[sflag:s0] =	ssyncadd.tile.s32 @!p0 $0x1;
	_ =	shalt  }
.Lfunc_end2:
_tile_overlayer_lowered:
.L_overlay_start_2:
0xb8: {  	(tag) =	ssettag $0x2  }
0xb9: {  	s0 =	rddreg [dreg:$0x0];
	s2 =	stileid.u32  }
0xba: {  	s1 =	rddreg [dreg:$0x1];
	p0 =	sne.s32 s2, $0x0  }
0xbb: {  	s3 =	rddreg [dreg:$0x2];
	[bflag:$0x3] =	sbarrier.arrive $0xFFFF;
	s2 =	simm.s32 @!p0 $0x1C0B  }
0xbc: {  	[timem:s3], [sflag:s2] =	dma.local @!p0 [hbm:s0], s1  }
0xbd: {  	s0 =	simm.s32 @!p0 $0xB  }
0xbe: {  	_ =	swait.ge @!p0 [sflag:s0], s1  }
0xbf: {  	s1 =	ssub.s32 @!p0 $0x0, s1;
	[sflag:s0] =	ssyncset.done @!p0 $0x0  }
0xc0: {  	[sflag:s0] =	ssyncadd.s32 @!p0 s1  }
0xc1: {  	[bflag:$0x3] =	sbarrier.arrive $0xFFFF  }
0xc2: {  	_ =	shalt  }

</sc_bundles>
